<compile_context>
chip_gen: v7x
topology: tpu7x:2x2x1
jax: 0.10.2.dev20260603
libtpu: 0.0.44.dev20260713+nightly
codegen_flags: <defaults>
</compile_context>

<pallas_src>
import functools

import jax
import jax.numpy as jnp
from jax import lax
from jax.experimental import pallas as pl
from jax.experimental.pallas import tpu as pltpu
from jax.experimental.pallas import tpu_sc as plsc

B, T, H, D = 1024, 200, 8, 32
N = B * T * H

NC, NS, L = 2, 16, 16
NW = NC * NS
PER_W = N // NW
C = 128
S = PER_W // C
K = 8
BLKS = S // K


def _sc_gather(idx_hbm, table_hbm, off_hbm):
    mesh = plsc.VectorSubcoreMesh(core_axis_name="c", subcore_axis_name="s")

    @functools.partial(
        pl.kernel,
        out_type=jax.ShapeDtypeStruct((N, 128), jnp.float32),
        mesh=mesh,
        compiler_params=pltpu.CompilerParams(use_tc_tiling_on_sc=False),
        scratch_types=[
            pltpu.VMEM((S, C), jnp.int32),
            pltpu.VMEM((16,), jnp.int32),
            pltpu.VMEM((K * C, D), jnp.float32),
            pltpu.VMEM((K * C, D), jnp.float32),
            pltpu.SemaphoreType.DMA,
            pltpu.SemaphoreType.DMA,
            pltpu.SemaphoreType.DMA,
        ],
    )
    def k(idx_ref, table_ref, off_ref, out_ref, idx_v, off_v, r0, r1,
          gsem, w0, w1):
        wid = lax.axis_index("s") * NC + lax.axis_index("c")
        base = wid * PER_W

        pltpu.sync_copy(off_ref, off_v.at[pl.ds(0, H)])
        pltpu.sync_copy(off_ref, off_v.at[pl.ds(H, H)])
        pltpu.sync_copy(idx_ref.at[pl.ds(wid * S, S)], idx_v)
        off = off_v[...]

        def add_rows(row0):
            for rr in range(K):
                for i in range(C // L):
                    sl = pl.ds(i * L, L)
                    idx_v[row0 + rr, sl] = idx_v[row0 + rr, sl] + off

        for jj in range(2):
            add_rows(jj * K)

        def outer_body(jo, carry):
            for bi, (rb, wsem) in enumerate(((r0, w0), (r1, w1))):
                j = 2 * jo + bi

                @pl.when(jo > 0)
                def _wait_prev():
                    pltpu.make_async_copy(
                        rb, out_ref.at[pl.ds(base + j * (K * C), K * C),
                                       pl.ds(0, D)], wsem).wait()

                copies = []
                for g in range(K):
                    copies.append(pltpu.async_copy(
                        table_ref.at[idx_v.at[j * K + g]],
                        rb.at[pl.ds(g * C, C)], gsem))

                @pl.when(j < BLKS - 2)
                def _shift_ahead():
                    add_rows((j + 2) * K)

                for cp in copies:
                    cp.wait()
                pltpu.async_copy(
                    rb, out_ref.at[pl.ds(base + j * (K * C), K * C),
                                   pl.ds(0, D)], wsem)
            return carry

        lax.fori_loop(0, BLKS // 2, outer_body, 0)
        for rb, wsem in ((r0, w0), (r1, w1)):
            pltpu.make_async_copy(
                rb, out_ref.at[pl.ds(base, K * C), pl.ds(0, D)], wsem).wait()

    return k(idx_hbm, table_hbm, off_hbm)


def kernel(input_ids, table, offsets):
    out = _sc_gather(input_ids.reshape(N // C, C), table, offsets)
    return out[:, :D].reshape(B, T, H, D)

# --- scband reference (transcript-rebuilt; emitter-appended) ---
"""Pipeline reference for scband-engram-13649406066738 (READ-ONLY COPY).

The authoritative reference and input builder live on the scoring server;
editing this copy changes nothing except your own understanding.
"""

import jax, jax.numpy as jnp
import numpy as np

LIST_OF_N = [100003, 100019, 100043, 100049, 100057, 100069, 100103, 100109]
D = 32
B, T = 1024, 200
H = len(LIST_OF_N)


def _make_offsets():
    offs = [0]
    for n in LIST_OF_N[:-1]:
        offs.append(offs[-1] + n)
    return jnp.asarray(np.array(offs, dtype=np.int32))


def setup_inputs(seed: int = 0) -> dict:
    key = jax.random.key(seed)
    k1, k2 = jax.random.split(key)
    total_N = int(sum(LIST_OF_N))
    table = jax.random.normal(k1, (total_N, D), dtype=jnp.float32) * 0.02
    # indices must be in-range for every per-head sub-table: use min(LIST_OF_N) as bound
    input_ids = jax.random.randint(k2, (B, T, H), 0, min(LIST_OF_N), dtype=jnp.int32)
    offsets = _make_offsets()
    return {"input_ids": input_ids, "table": table, "offsets": offsets}


def reference(input_ids, table, offsets):
    # MultiHeadEmbedding.forward: shift each head's ids into its sub-table range, then gather
    shifted = input_ids + offsets  # broadcast over last dim (heads)
    out = jnp.take(table, shifted, axis=0)  # (B, T, H, D)
    return out

if __name__ == "__main__":
    import jax
    _d = setup_inputs()
    print(jax.jit(kernel)(*tuple(_d.values())))

</pallas_src>

<mosaic_0001>
#map = affine_map<(d0, d1) -> (0, 0)>
#map1 = affine_map<(d0, d1) -> (0)>
module attributes {stable_mosaic.version = 14 : i64} {
  func.func @k(%arg0: i32, %arg1: i32, %arg2: memref<12800x128xi32, #tpu.memory_space<hbm>>, %arg3: memref<800452x32xf32, #tpu.memory_space<hbm>>, %arg4: memref<8xi32, #tpu.memory_space<hbm>>, %arg5: memref<1638400x128xf32, #tpu.memory_space<hbm>>, %arg6: memref<400x128xi32, #tpu.memory_space<vmem>>, %arg7: memref<16xi32, #tpu.memory_space<vmem>>, %arg8: memref<1024x32xf32, #tpu.memory_space<vmem>>, %arg9: memref<1024x32xf32, #tpu.memory_space<vmem>>, %arg10: memref<!tpu.dma_semaphore, #tpu.memory_space<semaphore_mem>>, %arg11: memref<!tpu.dma_semaphore, #tpu.memory_space<semaphore_mem>>, %arg12: memref<!tpu.dma_semaphore, #tpu.memory_space<semaphore_mem>>) attributes {dimension_semantics = [#tpu.dimension_semantics<core_parallel>, #tpu.dimension_semantics<subcore_parallel>], iteration_bounds = array<i64: 2, 16>, scalar_prefetch = 0 : i64, scratch_operands = 7 : i64, tpu.core_type = #tpu.core_type<sc_vector_subcore>, window_params = [{transform_indices = #map}, {transform_indices = #map}, {transform_indices = #map1}, {transform_indices = #map}]} {
    %mul3A = arith.constant 2 : i32
    %mul3A_0 = arith.muli %arg1, %mul3A : i32
    %add3A = arith.addi %mul3A_0, %arg0 : i32
    %mul3A_1 = arith.constant 51200 : i32
    %mul3A_2 = arith.muli %add3A, %mul3A_1 : i32
    "tpu.region"() ({
      %run_scoped3A = tpu.sem_alloc : memref<!tpu.dma_semaphore, #tpu.memory_space<semaphore_mem>>
      %dma_start3A = arith.constant 0 : i32
      %dma_start3A_1554 = tpu.memref_slice %arg7[%dma_start3A] : memref<16xi32, #tpu.memory_space<vmem>> -> memref<8xi32, #tpu.memory_space<vmem>>
      %dma_start3A_1555 = arith.constant 0 : i32
      %dma_start3A_1556 = tpu.memref_slice %arg7[%dma_start3A_1555] : memref<16xi32, #tpu.memory_space<vmem>> -> memref<8xi32, #tpu.memory_space<vmem>>
      tpu.enqueue_dma source(%arg4 : memref<8xi32, #tpu.memory_space<hbm>>) target(%dma_start3A_1556 : memref<8xi32, #tpu.memory_space<vmem>>) target_semaphore(%run_scoped3A : memref<!tpu.dma_semaphore, #tpu.memory_space<semaphore_mem>>)
      %dma_wait3A_1557 = arith.constant 0 : i32
      %dma_wait3A_1558 = tpu.memref_slice %arg7[%dma_wait3A_1557] : memref<16xi32, #tpu.memory_space<vmem>> -> memref<8xi32, #tpu.memory_space<vmem>>
      %dma_wait3A_1559 = arith.constant 0 : i32
      %dma_wait3A_1560 = tpu.memref_slice %arg7[%dma_wait3A_1559] : memref<16xi32, #tpu.memory_space<vmem>> -> memref<8xi32, #tpu.memory_space<vmem>>
      tpu.wait_dma2 semaphore(%run_scoped3A : memref<!tpu.dma_semaphore, #tpu.memory_space<semaphore_mem>>) src(%arg4 : memref<8xi32, #tpu.memory_space<hbm>>) dst(%dma_wait3A_1560 : memref<8xi32, #tpu.memory_space<vmem>>)
      tpu.yield
    }) : () -> ()
    "tpu.region"() ({
      %run_scoped3A = tpu.sem_alloc : memref<!tpu.dma_semaphore, #tpu.memory_space<semaphore_mem>>
      %dma_start3A = arith.constant 8 : i32
      %dma_start3A_1554 = tpu.memref_slice %arg7[%dma_start3A] : memref<16xi32, #tpu.memory_space<vmem>> -> memref<8xi32, #tpu.memory_space<vmem>>
      %dma_start3A_1555 = arith.constant 8 : i32
      %dma_start3A_1556 = tpu.memref_slice %arg7[%dma_start3A_1555] : memref<16xi32, #tpu.memory_space<vmem>> -> memref<8xi32, #tpu.memory_space<vmem>>
      tpu.enqueue_dma source(%arg4 : memref<8xi32, #tpu.memory_space<hbm>>) target(%dma_start3A_1556 : memref<8xi32, #tpu.memory_space<vmem>>) target_semaphore(%run_scoped3A : memref<!tpu.dma_semaphore, #tpu.memory_space<semaphore_mem>>)
      %dma_wait3A_1557 = arith.constant 8 : i32
      %dma_wait3A_1558 = tpu.memref_slice %arg7[%dma_wait3A_1557] : memref<16xi32, #tpu.memory_space<vmem>> -> memref<8xi32, #tpu.memory_space<vmem>>
      %dma_wait3A_1559 = arith.constant 8 : i32
      %dma_wait3A_1560 = tpu.memref_slice %arg7[%dma_wait3A_1559] : memref<16xi32, #tpu.memory_space<vmem>> -> memref<8xi32, #tpu.memory_space<vmem>>
      tpu.wait_dma2 semaphore(%run_scoped3A : memref<!tpu.dma_semaphore, #tpu.memory_space<semaphore_mem>>) src(%arg4 : memref<8xi32, #tpu.memory_space<hbm>>) dst(%dma_wait3A_1560 : memref<8xi32, #tpu.memory_space<vmem>>)
      tpu.yield
    }) : () -> ()
    %mul3A_3 = arith.constant 400 : i32
    %mul3A_4 = arith.muli %add3A, %mul3A_3 : i32
    "tpu.region"() ({
      %run_scoped3A = tpu.sem_alloc : memref<!tpu.dma_semaphore, #tpu.memory_space<semaphore_mem>>
      %dma_start3A = arith.constant 0 : i32
      %dma_start3A_1554 = tpu.memref_slice %arg2[%mul3A_4, %dma_start3A] : memref<12800x128xi32, #tpu.memory_space<hbm>> -> memref<400x128xi32, #tpu.memory_space<hbm>>
      %dma_start3A_1555 = arith.constant 0 : i32
      %dma_start3A_1556 = tpu.memref_slice %arg2[%mul3A_4, %dma_start3A_1555] : memref<12800x128xi32, #tpu.memory_space<hbm>> -> memref<400x128xi32, #tpu.memory_space<hbm>>
      tpu.enqueue_dma source(%dma_start3A_1556 : memref<400x128xi32, #tpu.memory_space<hbm>>) target(%arg6 : memref<400x128xi32, #tpu.memory_space<vmem>>) target_semaphore(%run_scoped3A : memref<!tpu.dma_semaphore, #tpu.memory_space<semaphore_mem>>)
      %dma_wait3A_1557 = arith.constant 0 : i32
      %dma_wait3A_1558 = tpu.memref_slice %arg2[%mul3A_4, %dma_wait3A_1557] : memref<12800x128xi32, #tpu.memory_space<hbm>> -> memref<400x128xi32, #tpu.memory_space<hbm>>
      %dma_wait3A_1559 = arith.constant 0 : i32
      %dma_wait3A_1560 = tpu.memref_slice %arg2[%mul3A_4, %dma_wait3A_1559] : memref<12800x128xi32, #tpu.memory_space<hbm>> -> memref<400x128xi32, #tpu.memory_space<hbm>>
      tpu.wait_dma2 semaphore(%run_scoped3A : memref<!tpu.dma_semaphore, #tpu.memory_space<semaphore_mem>>) src(%dma_wait3A_1560 : memref<400x128xi32, #tpu.memory_space<hbm>>) dst(%arg6 : memref<400x128xi32, #tpu.memory_space<vmem>>)
      tpu.yield
    }) : () -> ()
    %get3A = arith.constant 0 : index
    %get3A_5 = tpu.vector_load %arg7[%get3A] {strides = array<i32>} : memref<16xi32, #tpu.memory_space<vmem>>, vector<16xi32>,
    %get3A_6 = vector.shape_cast %get3A_5 : vector<16xi32> to vector<16xi32>
    %get3A_7 = arith.constant 0 : i32
    %get3A_8 = arith.index_cast %get3A_7 : i32 to index
    %get3A_9 = arith.constant 0 : index
    %get3A_10 = tpu.vector_load %arg6[%get3A_8, %get3A_9] {strides = array<i32>} : memref<400x128xi32, #tpu.memory_space<vmem>>, vector<1x16xi32>,
    %get3A_11 = vector.shape_cast %get3A_10 : vector<1x16xi32> to vector<16xi32>
    %add3A_12 = arith.addi %get3A_11, %get3A_6 : vector<16xi32>
    %swap3A = arith.constant 0 : i32
    %swap3A_13 = arith.index_cast %swap3A : i32 to index
    %swap3A_14 = arith.constant 0 : index
    %swap3A_15 = tpu.vector_load %arg6[%swap3A_13, %swap3A_14] {strides = array<i32>} : memref<400x128xi32, #tpu.memory_space<vmem>>, vector<1x16xi32>,
    %swap3A_16 = vector.shape_cast %swap3A_15 : vector<1x16xi32> to vector<16xi32>
    %swap3A_17 = vector.shape_cast %add3A_12 : vector<16xi32> to vector<1x16xi32>
    tpu.vector_store %arg6[%swap3A_13, %swap3A_14], %swap3A_17 {strides = array<i32>} : memref<400x128xi32, #tpu.memory_space<vmem>>, vector<1x16xi32>,
    %get3A_18 = arith.constant 0 : i32
    %get3A_19 = arith.index_cast %get3A_18 : i32 to index
    %get3A_20 = arith.constant 16 : index
    %get3A_21 = tpu.vector_load %arg6[%get3A_19, %get3A_20] {strides = array<i32>} : memref<400x128xi32, #tpu.memory_space<vmem>>, vector<1x16xi32>,
    %get3A_22 = vector.shape_cast %get3A_21 : vector<1x16xi32> to vector<16xi32>
    %add3A_23 = arith.addi %get3A_22, %get3A_6 : vector<16xi32>
    %swap3A_24 = arith.constant 0 : i32
    %swap3A_25 = arith.index_cast %swap3A_24 : i32 to index
    %swap3A_26 = arith.constant 16 : index
    %swap3A_27 = tpu.vector_load %arg6[%swap3A_25, %swap3A_26] {strides = array<i32>} : memref<400x128xi32, #tpu.memory_space<vmem>>, vector<1x16xi32>,
    %swap3A_28 = vector.shape_cast %swap3A_27 : vector<1x16xi32> to vector<16xi32>
    %swap3A_29 = vector.shape_cast %add3A_23 : vector<16xi32> to vector<1x16xi32>
    tpu.vector_store %arg6[%swap3A_25, %swap3A_26], %swap3A_29 {strides = array<i32>} : memref<400x128xi32, #tpu.memory_space<vmem>>, vector<1x16xi32>,
    %get3A_30 = arith.constant 0 : i32
    %get3A_31 = arith.index_cast %get3A_30 : i32 to index
    %get3A_32 = arith.constant 32 : index
    %get3A_33 = tpu.vector_load %arg6[%get3A_31, %get3A_32] {strides = array<i32>} : memref<400x128xi32, #tpu.memory_space<vmem>>, vector<1x16xi32>,
    %get3A_34 = vector.shape_cast %get3A_33 : vector<1x16xi32> to vector<16xi32>
    %add3A_35 = arith.addi %get3A_34, %get3A_6 : vector<16xi32>
    %swap3A_36 = arith.constant 0 : i32
    %swap3A_37 = arith.index_cast %swap3A_36 : i32 to index
    %swap3A_38 = arith.constant 32 : index
    %swap3A_39 = tpu.vector_load %arg6[%swap3A_37, %swap3A_38] {strides = array<i32>} : memref<400x128xi32, #tpu.memory_space<vmem>>, vector<1x16xi32>,
    %swap3A_40 = vector.shape_cast %swap3A_39 : vector<1x16xi32> to vector<16xi32>
    %swap3A_41 = vector.shape_cast %add3A_35 : vector<16xi32> to vector<1x16xi32>
    tpu.vector_store %arg6[%swap3A_37, %swap3A_38], %swap3A_41 {strides = array<i32>} : memref<400x128xi32, #tpu.memory_space<vmem>>, vector<1x16xi32>,
    %get3A_42 = arith.constant 0 : i32
    %get3A_43 = arith.index_cast %get3A_42 : i32 to index
    %get3A_44 = arith.constant 48 : index
    %get3A_45 = tpu.vector_load %arg6[%get3A_43, %get3A_44] {strides = array<i32>} : memref<400x128xi32, #tpu.memory_space<vmem>>, vector<1x16xi32>,
    %get3A_46 = vector.shape_cast %get3A_45 : vector<1x16xi32> to vector<16xi32>
    %add3A_47 = arith.addi %get3A_46, %get3A_6 : vector<16xi32>
    %swap3A_48 = arith.constant 0 : i32
    %swap3A_49 = arith.index_cast %swap3A_48 : i32 to index
    %swap3A_50 = arith.constant 48 : index
    %swap3A_51 = tpu.vector_load %arg6[%swap3A_49, %swap3A_50] {strides = array<i32>} : memref<400x128xi32, #tpu.memory_space<vmem>>, vector<1x16xi32>,
    %swap3A_52 = vector.shape_cast %swap3A_51 : vector<1x16xi32> to vector<16xi32>
    %swap3A_53 = vector.shape_cast %add3A_47 : vector<16xi32> to vector<1x16xi32>
    tpu.vector_store %arg6[%swap3A_49, %swap3A_50], %swap3A_53 {strides = array<i32>} : memref<400x128xi32, #tpu.memory_space<vmem>>, vector<1x16xi32>,
    %get3A_54 = arith.constant 0 : i32
    %get3A_55 = arith.index_cast %get3A_54 : i32 to index
    %get3A_56 = arith.constant 64 : index
    %get3A_57 = tpu.vector_load %arg6[%get3A_55, %get3A_56] {strides = array<i32>} : memref<400x128xi32, #tpu.memory_space<vmem>>, vector<1x16xi32>,
    %get3A_58 = vector.shape_cast %get3A_57 : vector<1x16xi32> to vector<16xi32>
    %add3A_59 = arith.addi %get3A_58, %get3A_6 : vector<16xi32>
    %swap3A_60 = arith.constant 0 : i32
    %swap3A_61 = arith.index_cast %swap3A_60 : i32 to index
    %swap3A_62 = arith.constant 64 : index
    %swap3A_63 = tpu.vector_load %arg6[%swap3A_61, %swap3A_62] {strides = array<i32>} : memref<400x128xi32, #tpu.memory_space<vmem>>, vector<1x16xi32>,
    %swap3A_64 = vector.shape_cast %swap3A_63 : vector<1x16xi32> to vector<16xi32>
    %swap3A_65 = vector.shape_cast %add3A_59 : vector<16xi32> to vector<1x16xi32>
    tpu.vector_store %arg6[%swap3A_61, %swap3A_62], %swap3A_65 {strides = array<i32>} : memref<400x128xi32, #tpu.memory_space<vmem>>, vector<1x16xi32>,
    %get3A_66 = arith.constant 0 : i32
    %get3A_67 = arith.index_cast %get3A_66 : i32 to index
    %get3A_68 = arith.constant 80 : index
    %get3A_69 = tpu.vector_load %arg6[%get3A_67, %get3A_68] {strides = array<i32>} : memref<400x128xi32, #tpu.memory_space<vmem>>, vector<1x16xi32>,
    %get3A_70 = vector.shape_cast %get3A_69 : vector<1x16xi32> to vector<16xi32>
    %add3A_71 = arith.addi %get3A_70, %get3A_6 : vector<16xi32>
    %swap3A_72 = arith.constant 0 : i32
    %swap3A_73 = arith.index_cast %swap3A_72 : i32 to index
    %swap3A_74 = arith.constant 80 : index
    %swap3A_75 = tpu.vector_load %arg6[%swap3A_73, %swap3A_74] {strides = array<i32>} : memref<400x128xi32, #tpu.memory_space<vmem>>, vector<1x16xi32>,
    %swap3A_76 = vector.shape_cast %swap3A_75 : vector<1x16xi32> to vector<16xi32>
    %swap3A_77 = vector.shape_cast %add3A_71 : vector<16xi32> to vector<1x16xi32>
    tpu.vector_store %arg6[%swap3A_73, %swap3A_74], %swap3A_77 {strides = array<i32>} : memref<400x128xi32, #tpu.memory_space<vmem>>, vector<1x16xi32>,
    %get3A_78 = arith.constant 0 : i32
    %get3A_79 = arith.index_cast %get3A_78 : i32 to index
    %get3A_80 = arith.constant 96 : index
    %get3A_81 = tpu.vector_load %arg6[%get3A_79, %get3A_80] {strides = array<i32>} : memref<400x128xi32, #tpu.memory_space<vmem>>, vector<1x16xi32>,
    %get3A_82 = vector.shape_cast %get3A_81 : vector<1x16xi32> to vector<16xi32>
    %add3A_83 = arith.addi %get3A_82, %get3A_6 : vector<16xi32>
    %swap3A_84 = arith.constant 0 : i32
    %swap3A_85 = arith.index_cast %swap3A_84 : i32 to index
    %swap3A_86 = arith.constant 96 : index
    %swap3A_87 = tpu.vector_load %arg6[%swap3A_85, %swap3A_86] {strides = array<i32>} : memref<400x128xi32, #tpu.memory_space<vmem>>, vector<1x16xi32>,
    %swap3A_88 = vector.shape_cast %swap3A_87 : vector<1x16xi32> to vector<16xi32>
    %swap3A_89 = vector.shape_cast %add3A_83 : vector<16xi32> to vector<1x16xi32>
    tpu.vector_store %arg6[%swap3A_85, %swap3A_86], %swap3A_89 {strides = array<i32>} : memref<400x128xi32, #tpu.memory_space<vmem>>, vector<1x16xi32>,
    %get3A_90 = arith.constant 0 : i32
    %get3A_91 = arith.index_cast %get3A_90 : i32 to index
    %get3A_92 = arith.constant 112 : index
    %get3A_93 = tpu.vector_load %arg6[%get3A_91, %get3A_92] {strides = array<i32>} : memref<400x128xi32, #tpu.memory_space<vmem>>, vector<1x16xi32>,
    %get3A_94 = vector.shape_cast %get3A_93 : vector<1x16xi32> to vector<16xi32>
    %add3A_95 = arith.addi %get3A_94, %get3A_6 : vector<16xi32>
    %swap3A_96 = arith.constant 0 : i32
    %swap3A_97 = arith.index_cast %swap3A_96 : i32 to index
    %swap3A_98 = arith.constant 112 : index
    %swap3A_99 = tpu.vector_load %arg6[%swap3A_97, %swap3A_98] {strides = array<i32>} : memref<400x128xi32, #tpu.memory_space<vmem>>, vector<1x16xi32>,
    %swap3A_100 = vector.shape_cast %swap3A_99 : vector<1x16xi32> to vector<16xi32>
    %swap3A_101 = vector.shape_cast %add3A_95 : vector<16xi32> to vector<1x16xi32>
    tpu.vector_store %arg6[%swap3A_97, %swap3A_98], %swap3A_101 {strides = array<i32>} : memref<400x128xi32, #tpu.memory_space<vmem>>, vector<1x16xi32>,
    %get3A_102 = arith.constant 1 : i32
    %get3A_103 = arith.index_cast %get3A_102 : i32 to index
    %get3A_104 = arith.constant 0 : index
    %get3A_105 = tpu.vector_load %arg6[%get3A_103, %get3A_104] {strides = array<i32>} : memref<400x128xi32, #tpu.memory_space<vmem>>, vector<1x16xi32>,
    %get3A_106 = vector.shape_cast %get3A_105 : vector<1x16xi32> to vector<16xi32>
    %add3A_107 = arith.addi %get3A_106, %get3A_6 : vector<16xi32>
    %swap3A_108 = arith.constant 1 : i32
    %swap3A_109 = arith.index_cast %swap3A_108 : i32 to index
    %swap3A_110 = arith.constant 0 : index
    %swap3A_111 = tpu.vector_load %arg6[%swap3A_109, %swap3A_110] {strides = array<i32>} : memref<400x128xi32, #tpu.memory_space<vmem>>, vector<1x16xi32>,
    %swap3A_112 = vector.shape_cast %swap3A_111 : vector<1x16xi32> to vector<16xi32>
    %swap3A_113 = vector.shape_cast %add3A_107 : vector<16xi32> to vector<1x16xi32>
    tpu.vector_store %arg6[%swap3A_109, %swap3A_110], %swap3A_113 {strides = array<i32>} : memref<400x128xi32, #tpu.memory_space<vmem>>, vector<1x16xi32>,
    %get3A_114 = arith.constant 1 : i32
    %get3A_115 = arith.index_cast %get3A_114 : i32 to index
    %get3A_116 = arith.constant 16 : index
    %get3A_117 = tpu.vector_load %arg6[%get3A_115, %get3A_116] {strides = array<i32>} : memref<400x128xi32, #tpu.memory_space<vmem>>, vector<1x16xi32>,
    %get3A_118 = vector.shape_cast %get3A_117 : vector<1x16xi32> to vector<16xi32>
    %add3A_119 = arith.addi %get3A_118, %get3A_6 : vector<16xi32>
    %swap3A_120 = arith.constant 1 : i32
    %swap3A_121 = arith.index_cast %swap3A_120 : i32 to index
    %swap3A_122 = arith.constant 16 : index
    %swap3A_123 = tpu.vector_load %arg6[%swap3A_121, %swap3A_122] {strides = array<i32>} : memref<400x128xi32, #tpu.memory_space<vmem>>, vector<1x16xi32>,
    %swap3A_124 = vector.shape_cast %swap3A_123 : vector<1x16xi32> to vector<16xi32>
    %swap3A_125 = vector.shape_cast %add3A_119 : vector<16xi32> to vector<1x16xi32>
    tpu.vector_store %arg6[%swap3A_121, %swap3A_122], %swap3A_125 {strides = array<i32>} : memref<400x128xi32, #tpu.memory_space<vmem>>, vector<1x16xi32>,
    %get3A_126 = arith.constant 1 : i32
    %get3A_127 = arith.index_cast %get3A_126 : i32 to index
    %get3A_128 = arith.constant 32 : index
    %get3A_129 = tpu.vector_load %arg6[%get3A_127, %get3A_128] {strides = array<i32>} : memref<400x128xi32, #tpu.memory_space<vmem>>, vector<1x16xi32>,
    %get3A_130 = vector.shape_cast %get3A_129 : vector<1x16xi32> to vector<16xi32>
    %add3A_131 = arith.addi %get3A_130, %get3A_6 : vector<16xi32>
    %swap3A_132 = arith.constant 1 : i32
    %swap3A_133 = arith.index_cast %swap3A_132 : i32 to index
    %swap3A_134 = arith.constant 32 : index
    %swap3A_135 = tpu.vector_load %arg6[%swap3A_133, %swap3A_134] {strides = array<i32>} : memref<400x128xi32, #tpu.memory_space<vmem>>, vector<1x16xi32>,
    %swap3A_136 = vector.shape_cast %swap3A_135 : vector<1x16xi32> to vector<16xi32>
    %swap3A_137 = vector.shape_cast %add3A_131 : vector<16xi32> to vector<1x16xi32>
    tpu.vector_store %arg6[%swap3A_133, %swap3A_134], %swap3A_137 {strides = array<i32>} : memref<400x128xi32, #tpu.memory_space<vmem>>, vector<1x16xi32>,
    %get3A_138 = arith.constant 1 : i32
    %get3A_139 = arith.index_cast %get3A_138 : i32 to index
    %get3A_140 = arith.constant 48 : index
    %get3A_141 = tpu.vector_load %arg6[%get3A_139, %get3A_140] {strides = array<i32>} : memref<400x128xi32, #tpu.memory_space<vmem>>, vector<1x16xi32>,
    %get3A_142 = vector.shape_cast %get3A_141 : vector<1x16xi32> to vector<16xi32>
    %add3A_143 = arith.addi %get3A_142, %get3A_6 : vector<16xi32>
    %swap3A_144 = arith.constant 1 : i32
    %swap3A_145 = arith.index_cast %swap3A_144 : i32 to index
    %swap3A_146 = arith.constant 48 : index
    %swap3A_147 = tpu.vector_load %arg6[%swap3A_145, %swap3A_146] {strides = array<i32>} : memref<400x128xi32, #tpu.memory_space<vmem>>, vector<1x16xi32>,
    %swap3A_148 = vector.shape_cast %swap3A_147 : vector<1x16xi32> to vector<16xi32>
    %swap3A_149 = vector.shape_cast %add3A_143 : vector<16xi32> to vector<1x16xi32>
    tpu.vector_store %arg6[%swap3A_145, %swap3A_146], %swap3A_149 {strides = array<i32>} : memref<400x128xi32, #tpu.memory_space<vmem>>, vector<1x16xi32>,
    %get3A_150 = arith.constant 1 : i32
    %get3A_151 = arith.index_cast %get3A_150 : i32 to index
    %get3A_152 = arith.constant 64 : index
    %get3A_153 = tpu.vector_load %arg6[%get3A_151, %get3A_152] {strides = array<i32>} : memref<400x128xi32, #tpu.memory_space<vmem>>, vector<1x16xi32>,
    %get3A_154 = vector.shape_cast %get3A_153 : vector<1x16xi32> to vector<16xi32>
    %add3A_155 = arith.addi %get3A_154, %get3A_6 : vector<16xi32>
    %swap3A_156 = arith.constant 1 : i32
    %swap3A_157 = arith.index_cast %swap3A_156 : i32 to index
    %swap3A_158 = arith.constant 64 : index
    %swap3A_159 = tpu.vector_load %arg6[%swap3A_157, %swap3A_158] {strides = array<i32>} : memref<400x128xi32, #tpu.memory_space<vmem>>, vector<1x16xi32>,
    %swap3A_160 = vector.shape_cast %swap3A_159 : vector<1x16xi32> to vector<16xi32>
    %swap3A_161 = vector.shape_cast %add3A_155 : vector<16xi32> to vector<1x16xi32>
    tpu.vector_store %arg6[%swap3A_157, %swap3A_158], %swap3A_161 {strides = array<i32>} : memref<400x128xi32, #tpu.memory_space<vmem>>, vector<1x16xi32>,
    %get3A_162 = arith.constant 1 : i32
    %get3A_163 = arith.index_cast %get3A_162 : i32 to index
    %get3A_164 = arith.constant 80 : index
    %get3A_165 = tpu.vector_load %arg6[%get3A_163, %get3A_164] {strides = array<i32>} : memref<400x128xi32, #tpu.memory_space<vmem>>, vector<1x16xi32>,
    %get3A_166 = vector.shape_cast %get3A_165 : vector<1x16xi32> to vector<16xi32>
    %add3A_167 = arith.addi %get3A_166, %get3A_6 : vector<16xi32>
    %swap3A_168 = arith.constant 1 : i32
    %swap3A_169 = arith.index_cast %swap3A_168 : i32 to index
    %swap3A_170 = arith.constant 80 : index
    %swap3A_171 = tpu.vector_load %arg6[%swap3A_169, %swap3A_170] {strides = array<i32>} : memref<400x128xi32, #tpu.memory_space<vmem>>, vector<1x16xi32>,
    %swap3A_172 = vector.shape_cast %swap3A_171 : vector<1x16xi32> to vector<16xi32>
    %swap3A_173 = vector.shape_cast %add3A_167 : vector<16xi32> to vector<1x16xi32>
    tpu.vector_store %arg6[%swap3A_169, %swap3A_170], %swap3A_173 {strides = array<i32>} : memref<400x128xi32, #tpu.memory_space<vmem>>, vector<1x16xi32>,
    %get3A_174 = arith.constant 1 : i32
    %get3A_175 = arith.index_cast %get3A_174 : i32 to index
    %get3A_176 = arith.constant 96 : index
    %get3A_177 = tpu.vector_load %arg6[%get3A_175, %get3A_176] {strides = array<i32>} : memref<400x128xi32, #tpu.memory_space<vmem>>, vector<1x16xi32>,
    %get3A_178 = vector.shape_cast %get3A_177 : vector<1x16xi32> to vector<16xi32>
    %add3A_179 = arith.addi %get3A_178, %get3A_6 : vector<16xi32>
    %swap3A_180 = arith.constant 1 : i32
    %swap3A_181 = arith.index_cast %swap3A_180 : i32 to index
    %swap3A_182 = arith.constant 96 : index
    %swap3A_183 = tpu.vector_load %arg6[%swap3A_181, %swap3A_182] {strides = array<i32>} : memref<400x128xi32, #tpu.memory_space<vmem>>, vector<1x16xi32>,
    %swap3A_184 = vector.shape_cast %swap3A_183 : vector<1x16xi32> to vector<16xi32>
    %swap3A_185 = vector.shape_cast %add3A_179 : vector<16xi32> to vector<1x16xi32>
    tpu.vector_store %arg6[%swap3A_181, %swap3A_182], %swap3A_185 {strides = array<i32>} : memref<400x128xi32, #tpu.memory_space<vmem>>, vector<1x16xi32>,
    %get3A_186 = arith.constant 1 : i32
    %get3A_187 = arith.index_cast %get3A_186 : i32 to index
    %get3A_188 = arith.constant 112 : index
    %get3A_189 = tpu.vector_load %arg6[%get3A_187, %get3A_188] {strides = array<i32>} : memref<400x128xi32, #tpu.memory_space<vmem>>, vector<1x16xi32>,
    %get3A_190 = vector.shape_cast %get3A_189 : vector<1x16xi32> to vector<16xi32>
    %add3A_191 = arith.addi %get3A_190, %get3A_6 : vector<16xi32>
    %swap3A_192 = arith.constant 1 : i32
    %swap3A_193 = arith.index_cast %swap3A_192 : i32 to index
    %swap3A_194 = arith.constant 112 : index
    %swap3A_195 = tpu.vector_load %arg6[%swap3A_193, %swap3A_194] {strides = array<i32>} : memref<400x128xi32, #tpu.memory_space<vmem>>, vector<1x16xi32>,
    %swap3A_196 = vector.shape_cast %swap3A_195 : vector<1x16xi32> to vector<16xi32>
    %swap3A_197 = vector.shape_cast %add3A_191 : vector<16xi32> to vector<1x16xi32>
    tpu.vector_store %arg6[%swap3A_193, %swap3A_194], %swap3A_197 {strides = array<i32>} : memref<400x128xi32, #tpu.memory_space<vmem>>, vector<1x16xi32>,
    %get3A_198 = arith.constant 2 : i32
    %get3A_199 = arith.index_cast %get3A_198 : i32 to index
    %get3A_200 = arith.constant 0 : index
    %get3A_201 = tpu.vector_load %arg6[%get3A_199, %get3A_200] {strides = array<i32>} : memref<400x128xi32, #tpu.memory_space<vmem>>, vector<1x16xi32>,
    %get3A_202 = vector.shape_cast %get3A_201 : vector<1x16xi32> to vector<16xi32>
    %add3A_203 = arith.addi %get3A_202, %get3A_6 : vector<16xi32>
    %swap3A_204 = arith.constant 2 : i32
    %swap3A_205 = arith.index_cast %swap3A_204 : i32 to index
    %swap3A_206 = arith.constant 0 : index
    %swap3A_207 = tpu.vector_load %arg6[%swap3A_205, %swap3A_206] {strides = array<i32>} : memref<400x128xi32, #tpu.memory_space<vmem>>, vector<1x16xi32>,
    %swap3A_208 = vector.shape_cast %swap3A_207 : vector<1x16xi32> to vector<16xi32>
    %swap3A_209 = vector.shape_cast %add3A_203 : vector<16xi32> to vector<1x16xi32>
    tpu.vector_store %arg6[%swap3A_205, %swap3A_206], %swap3A_209 {strides = array<i32>} : memref<400x128xi32, #tpu.memory_space<vmem>>, vector<1x16xi32>,
    %get3A_210 = arith.constant 2 : i32
    %get3A_211 = arith.index_cast %get3A_210 : i32 to index
    %get3A_212 = arith.constant 16 : index
    %get3A_213 = tpu.vector_load %arg6[%get3A_211, %get3A_212] {strides = array<i32>} : memref<400x128xi32, #tpu.memory_space<vmem>>, vector<1x16xi32>,
    %get3A_214 = vector.shape_cast %get3A_213 : vector<1x16xi32> to vector<16xi32>
    %add3A_215 = arith.addi %get3A_214, %get3A_6 : vector<16xi32>
    %swap3A_216 = arith.constant 2 : i32
    %swap3A_217 = arith.index_cast %swap3A_216 : i32 to index
    %swap3A_218 = arith.constant 16 : index
    %swap3A_219 = tpu.vector_load %arg6[%swap3A_217, %swap3A_218] {strides = array<i32>} : memref<400x128xi32, #tpu.memory_space<vmem>>, vector<1x16xi32>,
    %swap3A_220 = vector.shape_cast %swap3A_219 : vector<1x16xi32> to vector<16xi32>
    %swap3A_221 = vector.shape_cast %add3A_215 : vector<16xi32> to vector<1x16xi32>
    tpu.vector_store %arg6[%swap3A_217, %swap3A_218], %swap3A_221 {strides = array<i32>} : memref<400x128xi32, #tpu.memory_space<vmem>>, vector<1x16xi32>,
    %get3A_222 = arith.constant 2 : i32
    %get3A_223 = arith.index_cast %get3A_222 : i32 to index
    %get3A_224 = arith.constant 32 : index
    %get3A_225 = tpu.vector_load %arg6[%get3A_223, %get3A_224] {strides = array<i32>} : memref<400x128xi32, #tpu.memory_space<vmem>>, vector<1x16xi32>,
    %get3A_226 = vector.shape_cast %get3A_225 : vector<1x16xi32> to vector<16xi32>
    %add3A_227 = arith.addi %get3A_226, %get3A_6 : vector<16xi32>
    %swap3A_228 = arith.constant 2 : i32
    %swap3A_229 = arith.index_cast %swap3A_228 : i32 to index
    %swap3A_230 = arith.constant 32 : index
    %swap3A_231 = tpu.vector_load %arg6[%swap3A_229, %swap3A_230] {strides = array<i32>} : memref<400x128xi32, #tpu.memory_space<vmem>>, vector<1x16xi32>,
    %swap3A_232 = vector.shape_cast %swap3A_231 : vector<1x16xi32> to vector<16xi32>
    %swap3A_233 = vector.shape_cast %add3A_227 : vector<16xi32> to vector<1x16xi32>
    tpu.vector_store %arg6[%swap3A_229, %swap3A_230], %swap3A_233 {strides = array<i32>} : memref<400x128xi32, #tpu.memory_space<vmem>>, vector<1x16xi32>,
    %get3A_234 = arith.constant 2 : i32
    %get3A_235 = arith.index_cast %get3A_234 : i32 to index
    %get3A_236 = arith.constant 48 : index
    %get3A_237 = tpu.vector_load %arg6[%get3A_235, %get3A_236] {strides = array<i32>} : memref<400x128xi32, #tpu.memory_space<vmem>>, vector<1x16xi32>,
    %get3A_238 = vector.shape_cast %get3A_237 : vector<1x16xi32> to vector<16xi32>
    %add3A_239 = arith.addi %get3A_238, %get3A_6 : vector<16xi32>
    %swap3A_240 = arith.constant 2 : i32
    %swap3A_241 = arith.index_cast %swap3A_240 : i32 to index
    %swap3A_242 = arith.constant 48 : index
    %swap3A_243 = tpu.vector_load %arg6[%swap3A_241, %swap3A_242] {strides = array<i32>} : memref<400x128xi32, #tpu.memory_space<vmem>>, vector<1x16xi32>,
    %swap3A_244 = vector.shape_cast %swap3A_243 : vector<1x16xi32> to vector<16xi32>
    %swap3A_245 = vector.shape_cast %add3A_239 : vector<16xi32> to vector<1x16xi32>
    tpu.vector_store %arg6[%swap3A_241, %swap3A_242], %swap3A_245 {strides = array<i32>} : memref<400x128xi32, #tpu.memory_space<vmem>>, vector<1x16xi32>,
    %get3A_246 = arith.constant 2 : i32
    %get3A_247 = arith.index_cast %get3A_246 : i32 to index
    %get3A_248 = arith.constant 64 : index
    %get3A_249 = tpu.vector_load %arg6[%get3A_247, %get3A_248] {strides = array<i32>} : memref<400x128xi32, #tpu.memory_space<vmem>>, vector<1x16xi32>,
    %get3A_250 = vector.shape_cast %get3A_249 : vector<1x16xi32> to vector<16xi32>
    %add3A_251 = arith.addi %get3A_250, %get3A_6 : vector<16xi32>
    %swap3A_252 = arith.constant 2 : i32
    %swap3A_253 = arith.index_cast %swap3A_252 : i32 to index
    %swap3A_254 = arith.constant 64 : index
    %swap3A_255 = tpu.vector_load %arg6[%swap3A_253, %swap3A_254] {strides = array<i32>} : memref<400x128xi32, #tpu.memory_space<vmem>>, vector<1x16xi32>,
    %swap3A_256 = vector.shape_cast %swap3A_255 : vector<1x16xi32> to vector<16xi32>
    %swap3A_257 = vector.shape_cast %add3A_251 : vector<16xi32> to vector<1x16xi32>
    tpu.vector_store %arg6[%swap3A_253, %swap3A_254], %swap3A_257 {strides = array<i32>} : memref<400x128xi32, #tpu.memory_space<vmem>>, vector<1x16xi32>,
    %get3A_258 = arith.constant 2 : i32
    %get3A_259 = arith.index_cast %get3A_258 : i32 to index
    %get3A_260 = arith.constant 80 : index
    %get3A_261 = tpu.vector_load %arg6[%get3A_259, %get3A_260] {strides = array<i32>} : memref<400x128xi32, #tpu.memory_space<vmem>>, vector<1x16xi32>,
    %get3A_262 = vector.shape_cast %get3A_261 : vector<1x16xi32> to vector<16xi32>
    %add3A_263 = arith.addi %get3A_262, %get3A_6 : vector<16xi32>
    %swap3A_264 = arith.constant 2 : i32
    %swap3A_265 = arith.index_cast %swap3A_264 : i32 to index
    %swap3A_266 = arith.constant 80 : index
    %swap3A_267 = tpu.vector_load %arg6[%swap3A_265, %swap3A_266] {strides = array<i32>} : memref<400x128xi32, #tpu.memory_space<vmem>>, vector<1x16xi32>,
    %swap3A_268 = vector.shape_cast %swap3A_267 : vector<1x16xi32> to vector<16xi32>
    %swap3A_269 = vector.shape_cast %add3A_263 : vector<16xi32> to vector<1x16xi32>
    tpu.vector_store %arg6[%swap3A_265, %swap3A_266], %swap3A_269 {strides = array<i32>} : memref<400x128xi32, #tpu.memory_space<vmem>>, vector<1x16xi32>,
    %get3A_270 = arith.constant 2 : i32
    %get3A_271 = arith.index_cast %get3A_270 : i32 to index
    %get3A_272 = arith.constant 96 : index
    %get3A_273 = tpu.vector_load %arg6[%get3A_271, %get3A_272] {strides = array<i32>} : memref<400x128xi32, #tpu.memory_space<vmem>>, vector<1x16xi32>,
    %get3A_274 = vector.shape_cast %get3A_273 : vector<1x16xi32> to vector<16xi32>
    %add3A_275 = arith.addi %get3A_274, %get3A_6 : vector<16xi32>
    %swap3A_276 = arith.constant 2 : i32
    %swap3A_277 = arith.index_cast %swap3A_276 : i32 to index
    %swap3A_278 = arith.constant 96 : index
    %swap3A_279 = tpu.vector_load %arg6[%swap3A_277, %swap3A_278] {strides = array<i32>} : memref<400x128xi32, #tpu.memory_space<vmem>>, vector<1x16xi32>,
    %swap3A_280 = vector.shape_cast %swap3A_279 : vector<1x16xi32> to vector<16xi32>
    %swap3A_281 = vector.shape_cast %add3A_275 : vector<16xi32> to vector<1x16xi32>
    tpu.vector_store %arg6[%swap3A_277, %swap3A_278], %swap3A_281 {strides = array<i32>} : memref<400x128xi32, #tpu.memory_space<vmem>>, vector<1x16xi32>,
    %get3A_282 = arith.constant 2 : i32
    %get3A_283 = arith.index_cast %get3A_282 : i32 to index
    %get3A_284 = arith.constant 112 : index
    %get3A_285 = tpu.vector_load %arg6[%get3A_283, %get3A_284] {strides = array<i32>} : memref<400x128xi32, #tpu.memory_space<vmem>>, vector<1x16xi32>,
    %get3A_286 = vector.shape_cast %get3A_285 : vector<1x16xi32> to vector<16xi32>
    %add3A_287 = arith.addi %get3A_286, %get3A_6 : vector<16xi32>
    %swap3A_288 = arith.constant 2 : i32
    %swap3A_289 = arith.index_cast %swap3A_288 : i32 to index
    %swap3A_290 = arith.constant 112 : index
    %swap3A_291 = tpu.vector_load %arg6[%swap3A_289, %swap3A_290] {strides = array<i32>} : memref<400x128xi32, #tpu.memory_space<vmem>>, vector<1x16xi32>,
    %swap3A_292 = vector.shape_cast %swap3A_291 : vector<1x16xi32> to vector<16xi32>
    %swap3A_293 = vector.shape_cast %add3A_287 : vector<16xi32> to vector<1x16xi32>
    tpu.vector_store %arg6[%swap3A_289, %swap3A_290], %swap3A_293 {strides = array<i32>} : memref<400x128xi32, #tpu.memory_space<vmem>>, vector<1x16xi32>,
    %get3A_294 = arith.constant 3 : i32
    %get3A_295 = arith.index_cast %get3A_294 : i32 to index
    %get3A_296 = arith.constant 0 : index
    %get3A_297 = tpu.vector_load %arg6[%get3A_295, %get3A_296] {strides = array<i32>} : memref<400x128xi32, #tpu.memory_space<vmem>>, vector<1x16xi32>,
    %get3A_298 = vector.shape_cast %get3A_297 : vector<1x16xi32> to vector<16xi32>
    %add3A_299 = arith.addi %get3A_298, %get3A_6 : vector<16xi32>
    %swap3A_300 = arith.constant 3 : i32
    %swap3A_301 = arith.index_cast %swap3A_300 : i32 to index
    %swap3A_302 = arith.constant 0 : index
    %swap3A_303 = tpu.vector_load %arg6[%swap3A_301, %swap3A_302] {strides = array<i32>} : memref<400x128xi32, #tpu.memory_space<vmem>>, vector<1x16xi32>,
    %swap3A_304 = vector.shape_cast %swap3A_303 : vector<1x16xi32> to vector<16xi32>
    %swap3A_305 = vector.shape_cast %add3A_299 : vector<16xi32> to vector<1x16xi32>
    tpu.vector_store %arg6[%swap3A_301, %swap3A_302], %swap3A_305 {strides = array<i32>} : memref<400x128xi32, #tpu.memory_space<vmem>>, vector<1x16xi32>,
    %get3A_306 = arith.constant 3 : i32
    %get3A_307 = arith.index_cast %get3A_306 : i32 to index
    %get3A_308 = arith.constant 16 : index
    %get3A_309 = tpu.vector_load %arg6[%get3A_307, %get3A_308] {strides = array<i32>} : memref<400x128xi32, #tpu.memory_space<vmem>>, vector<1x16xi32>,
    %get3A_310 = vector.shape_cast %get3A_309 : vector<1x16xi32> to vector<16xi32>
    %add3A_311 = arith.addi %get3A_310, %get3A_6 : vector<16xi32>
    %swap3A_312 = arith.constant 3 : i32
    %swap3A_313 = arith.index_cast %swap3A_312 : i32 to index
    %swap3A_314 = arith.constant 16 : index
    %swap3A_315 = tpu.vector_load %arg6[%swap3A_313, %swap3A_314] {strides = array<i32>} : memref<400x128xi32, #tpu.memory_space<vmem>>, vector<1x16xi32>,
    %swap3A_316 = vector.shape_cast %swap3A_315 : vector<1x16xi32> to vector<16xi32>
    %swap3A_317 = vector.shape_cast %add3A_311 : vector<16xi32> to vector<1x16xi32>
    tpu.vector_store %arg6[%swap3A_313, %swap3A_314], %swap3A_317 {strides = array<i32>} : memref<400x128xi32, #tpu.memory_space<vmem>>, vector<1x16xi32>,
    %get3A_318 = arith.constant 3 : i32
    %get3A_319 = arith.index_cast %get3A_318 : i32 to index
    %get3A_320 = arith.constant 32 : index
    %get3A_321 = tpu.vector_load %arg6[%get3A_319, %get3A_320] {strides = array<i32>} : memref<400x128xi32, #tpu.memory_space<vmem>>, vector<1x16xi32>,
    %get3A_322 = vector.shape_cast %get3A_321 : vector<1x16xi32> to vector<16xi32>
    %add3A_323 = arith.addi %get3A_322, %get3A_6 : vector<16xi32>
    %swap3A_324 = arith.constant 3 : i32
    %swap3A_325 = arith.index_cast %swap3A_324 : i32 to index
    %swap3A_326 = arith.constant 32 : index
    %swap3A_327 = tpu.vector_load %arg6[%swap3A_325, %swap3A_326] {strides = array<i32>} : memref<400x128xi32, #tpu.memory_space<vmem>>, vector<1x16xi32>,
    %swap3A_328 = vector.shape_cast %swap3A_327 : vector<1x16xi32> to vector<16xi32>
    %swap3A_329 = vector.shape_cast %add3A_323 : vector<16xi32> to vector<1x16xi32>
    tpu.vector_store %arg6[%swap3A_325, %swap3A_326], %swap3A_329 {strides = array<i32>} : memref<400x128xi32, #tpu.memory_space<vmem>>, vector<1x16xi32>,
    %get3A_330 = arith.constant 3 : i32
    %get3A_331 = arith.index_cast %get3A_330 : i32 to index
    %get3A_332 = arith.constant 48 : index
    %get3A_333 = tpu.vector_load %arg6[%get3A_331, %get3A_332] {strides = array<i32>} : memref<400x128xi32, #tpu.memory_space<vmem>>, vector<1x16xi32>,
    %get3A_334 = vector.shape_cast %get3A_333 : vector<1x16xi32> to vector<16xi32>
    %add3A_335 = arith.addi %get3A_334, %get3A_6 : vector<16xi32>
    %swap3A_336 = arith.constant 3 : i32
    %swap3A_337 = arith.index_cast %swap3A_336 : i32 to index
    %swap3A_338 = arith.constant 48 : index
    %swap3A_339 = tpu.vector_load %arg6[%swap3A_337, %swap3A_338] {strides = array<i32>} : memref<400x128xi32, #tpu.memory_space<vmem>>, vector<1x16xi32>,
    %swap3A_340 = vector.shape_cast %swap3A_339 : vector<1x16xi32> to vector<16xi32>
    %swap3A_341 = vector.shape_cast %add3A_335 : vector<16xi32> to vector<1x16xi32>
    tpu.vector_store %arg6[%swap3A_337, %swap3A_338], %swap3A_341 {strides = array<i32>} : memref<400x128xi32, #tpu.memory_space<vmem>>, vector<1x16xi32>,
    %get3A_342 = arith.constant 3 : i32
    %get3A_343 = arith.index_cast %get3A_342 : i32 to index
    %get3A_344 = arith.constant 64 : index
    %get3A_345 = tpu.vector_load %arg6[%get3A_343, %get3A_344] {strides = array<i32>} : memref<400x128xi32, #tpu.memory_space<vmem>>, vector<1x16xi32>,
    %get3A_346 = vector.shape_cast %get3A_345 : vector<1x16xi32> to vector<16xi32>
    %add3A_347 = arith.addi %get3A_346, %get3A_6 : vector<16xi32>
    %swap3A_348 = arith.constant 3 : i32
    %swap3A_349 = arith.index_cast %swap3A_348 : i32 to index
    %swap3A_350 = arith.constant 64 : index
    %swap3A_351 = tpu.vector_load %arg6[%swap3A_349, %swap3A_350] {strides = array<i32>} : memref<400x128xi32, #tpu.memory_space<vmem>>, vector<1x16xi32>,
    %swap3A_352 = vector.shape_cast %swap3A_351 : vector<1x16xi32> to vector<16xi32>
    %swap3A_353 = vector.shape_cast %add3A_347 : vector<16xi32> to vector<1x16xi32>
    tpu.vector_store %arg6[%swap3A_349, %swap3A_350], %swap3A_353 {strides = array<i32>} : memref<400x128xi32, #tpu.memory_space<vmem>>, vector<1x16xi32>,
    %get3A_354 = arith.constant 3 : i32
    %get3A_355 = arith.index_cast %get3A_354 : i32 to index
    %get3A_356 = arith.constant 80 : index
    %get3A_357 = tpu.vector_load %arg6[%get3A_355, %get3A_356] {strides = array<i32>} : memref<400x128xi32, #tpu.memory_space<vmem>>, vector<1x16xi32>,
    %get3A_358 = vector.shape_cast %get3A_357 : vector<1x16xi32> to vector<16xi32>
    %add3A_359 = arith.addi %get3A_358, %get3A_6 : vector<16xi32>
    %swap3A_360 = arith.constant 3 : i32
    %swap3A_361 = arith.index_cast %swap3A_360 : i32 to index
    %swap3A_362 = arith.constant 80 : index
    %swap3A_363 = tpu.vector_load %arg6[%swap3A_361, %swap3A_362] {strides = array<i32>} : memref<400x128xi32, #tpu.memory_space<vmem>>, vector<1x16xi32>,
    %swap3A_364 = vector.shape_cast %swap3A_363 : vector<1x16xi32> to vector<16xi32>
    %swap3A_365 = vector.shape_cast %add3A_359 : vector<16xi32> to vector<1x16xi32>
    tpu.vector_store %arg6[%swap3A_361, %swap3A_362], %swap3A_365 {strides = array<i32>} : memref<400x128xi32, #tpu.memory_space<vmem>>, vector<1x16xi32>,
    %get3A_366 = arith.constant 3 : i32
    %get3A_367 = arith.index_cast %get3A_366 : i32 to index
    %get3A_368 = arith.constant 96 : index
    %get3A_369 = tpu.vector_load %arg6[%get3A_367, %get3A_368] {strides = array<i32>} : memref<400x128xi32, #tpu.memory_space<vmem>>, vector<1x16xi32>,
    %get3A_370 = vector.shape_cast %get3A_369 : vector<1x16xi32> to vector<16xi32>
    %add3A_371 = arith.addi %get3A_370, %get3A_6 : vector<16xi32>
    %swap3A_372 = arith.constant 3 : i32
    %swap3A_373 = arith.index_cast %swap3A_372 : i32 to index
    %swap3A_374 = arith.constant 96 : index
    %swap3A_375 = tpu.vector_load %arg6[%swap3A_373, %swap3A_374] {strides = array<i32>} : memref<400x128xi32, #tpu.memory_space<vmem>>, vector<1x16xi32>,
    %swap3A_376 = vector.shape_cast %swap3A_375 : vector<1x16xi32> to vector<16xi32>
    %swap3A_377 = vector.shape_cast %add3A_371 : vector<16xi32> to vector<1x16xi32>
    tpu.vector_store %arg6[%swap3A_373, %swap3A_374], %swap3A_377 {strides = array<i32>} : memref<400x128xi32, #tpu.memory_space<vmem>>, vector<1x16xi32>,
    %get3A_378 = arith.constant 3 : i32
    %get3A_379 = arith.index_cast %get3A_378 : i32 to index
    %get3A_380 = arith.constant 112 : index
    %get3A_381 = tpu.vector_load %arg6[%get3A_379, %get3A_380] {strides = array<i32>} : memref<400x128xi32, #tpu.memory_space<vmem>>, vector<1x16xi32>,
    %get3A_382 = vector.shape_cast %get3A_381 : vector<1x16xi32> to vector<16xi32>
    %add3A_383 = arith.addi %get3A_382, %get3A_6 : vector<16xi32>
    %swap3A_384 = arith.constant 3 : i32
    %swap3A_385 = arith.index_cast %swap3A_384 : i32 to index
    %swap3A_386 = arith.constant 112 : index
    %swap3A_387 = tpu.vector_load %arg6[%swap3A_385, %swap3A_386] {strides = array<i32>} : memref<400x128xi32, #tpu.memory_space<vmem>>, vector<1x16xi32>,
    %swap3A_388 = vector.shape_cast %swap3A_387 : vector<1x16xi32> to vector<16xi32>
    %swap3A_389 = vector.shape_cast %add3A_383 : vector<16xi32> to vector<1x16xi32>
    tpu.vector_store %arg6[%swap3A_385, %swap3A_386], %swap3A_389 {strides = array<i32>} : memref<400x128xi32, #tpu.memory_space<vmem>>, vector<1x16xi32>,
    %get3A_390 = arith.constant 4 : i32
    %get3A_391 = arith.index_cast %get3A_390 : i32 to index
    %get3A_392 = arith.constant 0 : index
    %get3A_393 = tpu.vector_load %arg6[%get3A_391, %get3A_392] {strides = array<i32>} : memref<400x128xi32, #tpu.memory_space<vmem>>, vector<1x16xi32>,
    %get3A_394 = vector.shape_cast %get3A_393 : vector<1x16xi32> to vector<16xi32>
    %add3A_395 = arith.addi %get3A_394, %get3A_6 : vector<16xi32>
    %swap3A_396 = arith.constant 4 : i32
    %swap3A_397 = arith.index_cast %swap3A_396 : i32 to index
    %swap3A_398 = arith.constant 0 : index
    %swap3A_399 = tpu.vector_load %arg6[%swap3A_397, %swap3A_398] {strides = array<i32>} : memref<400x128xi32, #tpu.memory_space<vmem>>, vector<1x16xi32>,
    %swap3A_400 = vector.shape_cast %swap3A_399 : vector<1x16xi32> to vector<16xi32>
    %swap3A_401 = vector.shape_cast %add3A_395 : vector<16xi32> to vector<1x16xi32>
    tpu.vector_store %arg6[%swap3A_397, %swap3A_398], %swap3A_401 {strides = array<i32>} : memref<400x128xi32, #tpu.memory_space<vmem>>, vector<1x16xi32>,
    %get3A_402 = arith.constant 4 : i32
    %get3A_403 = arith.index_cast %get3A_402 : i32 to index
    %get3A_404 = arith.constant 16 : index
    %get3A_405 = tpu.vector_load %arg6[%get3A_403, %get3A_404] {strides = array<i32>} : memref<400x128xi32, #tpu.memory_space<vmem>>, vector<1x16xi32>,
    %get3A_406 = vector.shape_cast %get3A_405 : vector<1x16xi32> to vector<16xi32>
    %add3A_407 = arith.addi %get3A_406, %get3A_6 : vector<16xi32>
    %swap3A_408 = arith.constant 4 : i32
    %swap3A_409 = arith.index_cast %swap3A_408 : i32 to index
    %swap3A_410 = arith.constant 16 : index
    %swap3A_411 = tpu.vector_load %arg6[%swap3A_409, %swap3A_410] {strides = array<i32>} : memref<400x128xi32, #tpu.memory_space<vmem>>, vector<1x16xi32>,
    %swap3A_412 = vector.shape_cast %swap3A_411 : vector<1x16xi32> to vector<16xi32>
    %swap3A_413 = vector.shape_cast %add3A_407 : vector<16xi32> to vector<1x16xi32>
    tpu.vector_store %arg6[%swap3A_409, %swap3A_410], %swap3A_413 {strides = array<i32>} : memref<400x128xi32, #tpu.memory_space<vmem>>, vector<1x16xi32>,
    %get3A_414 = arith.constant 4 : i32
    %get3A_415 = arith.index_cast %get3A_414 : i32 to index
    %get3A_416 = arith.constant 32 : index
    %get3A_417 = tpu.vector_load %arg6[%get3A_415, %get3A_416] {strides = array<i32>} : memref<400x128xi32, #tpu.memory_space<vmem>>, vector<1x16xi32>,
    %get3A_418 = vector.shape_cast %get3A_417 : vector<1x16xi32> to vector<16xi32>
    %add3A_419 = arith.addi %get3A_418, %get3A_6 : vector<16xi32>
    %swap3A_420 = arith.constant 4 : i32
    %swap3A_421 = arith.index_cast %swap3A_420 : i32 to index
    %swap3A_422 = arith.constant 32 : index
    %swap3A_423 = tpu.vector_load %arg6[%swap3A_421, %swap3A_422] {strides = array<i32>} : memref<400x128xi32, #tpu.memory_space<vmem>>, vector<1x16xi32>,
    %swap3A_424 = vector.shape_cast %swap3A_423 : vector<1x16xi32> to vector<16xi32>
    %swap3A_425 = vector.shape_cast %add3A_419 : vector<16xi32> to vector<1x16xi32>
    tpu.vector_store %arg6[%swap3A_421, %swap3A_422], %swap3A_425 {strides = array<i32>} : memref<400x128xi32, #tpu.memory_space<vmem>>, vector<1x16xi32>,
    %get3A_426 = arith.constant 4 : i32
    %get3A_427 = arith.index_cast %get3A_426 : i32 to index
    %get3A_428 = arith.constant 48 : index
    %get3A_429 = tpu.vector_load %arg6[%get3A_427, %get3A_428] {strides = array<i32>} : memref<400x128xi32, #tpu.memory_space<vmem>>, vector<1x16xi32>,
    %get3A_430 = vector.shape_cast %get3A_429 : vector<1x16xi32> to vector<16xi32>
    %add3A_431 = arith.addi %get3A_430, %get3A_6 : vector<16xi32>
    %swap3A_432 = arith.constant 4 : i32
    %swap3A_433 = arith.index_cast %swap3A_432 : i32 to index
    %swap3A_434 = arith.constant 48 : index
    %swap3A_435 = tpu.vector_load %arg6[%swap3A_433, %swap3A_434] {strides = array<i32>} : memref<400x128xi32, #tpu.memory_space<vmem>>, vector<1x16xi32>,
    %swap3A_436 = vector.shape_cast %swap3A_435 : vector<1x16xi32> to vector<16xi32>
    %swap3A_437 = vector.shape_cast %add3A_431 : vector<16xi32> to vector<1x16xi32>
    tpu.vector_store %arg6[%swap3A_433, %swap3A_434], %swap3A_437 {strides = array<i32>} : memref<400x128xi32, #tpu.memory_space<vmem>>, vector<1x16xi32>,
    %get3A_438 = arith.constant 4 : i32
    %get3A_439 = arith.index_cast %get3A_438 : i32 to index
    %get3A_440 = arith.constant 64 : index
    %get3A_441 = tpu.vector_load %arg6[%get3A_439, %get3A_440] {strides = array<i32>} : memref<400x128xi32, #tpu.memory_space<vmem>>, vector<1x16xi32>,
    %get3A_442 = vector.shape_cast %get3A_441 : vector<1x16xi32> to vector<16xi32>
    %add3A_443 = arith.addi %get3A_442, %get3A_6 : vector<16xi32>
    %swap3A_444 = arith.constant 4 : i32
    %swap3A_445 = arith.index_cast %swap3A_444 : i32 to index
    %swap3A_446 = arith.constant 64 : index
    %swap3A_447 = tpu.vector_load %arg6[%swap3A_445, %swap3A_446] {strides = array<i32>} : memref<400x128xi32, #tpu.memory_space<vmem>>, vector<1x16xi32>,
    %swap3A_448 = vector.shape_cast %swap3A_447 : vector<1x16xi32> to vector<16xi32>
    %swap3A_449 = vector.shape_cast %add3A_443 : vector<16xi32> to vector<1x16xi32>
    tpu.vector_store %arg6[%swap3A_445, %swap3A_446], %swap3A_449 {strides = array<i32>} : memref<400x128xi32, #tpu.memory_space<vmem>>, vector<1x16xi32>,
    %get3A_450 = arith.constant 4 : i32
    %get3A_451 = arith.index_cast %get3A_450 : i32 to index
    %get3A_452 = arith.constant 80 : index
    %get3A_453 = tpu.vector_load %arg6[%get3A_451, %get3A_452] {strides = array<i32>} : memref<400x128xi32, #tpu.memory_space<vmem>>, vector<1x16xi32>,
    %get3A_454 = vector.shape_cast %get3A_453 : vector<1x16xi32> to vector<16xi32>
    %add3A_455 = arith.addi %get3A_454, %get3A_6 : vector<16xi32>
    %swap3A_456 = arith.constant 4 : i32
    %swap3A_457 = arith.index_cast %swap3A_456 : i32 to index
    %swap3A_458 = arith.constant 80 : index
    %swap3A_459 = tpu.vector_load %arg6[%swap3A_457, %swap3A_458] {strides = array<i32>} : memref<400x128xi32, #tpu.memory_space<vmem>>, vector<1x16xi32>,
    %swap3A_460 = vector.shape_cast %swap3A_459 : vector<1x16xi32> to vector<16xi32>
    %swap3A_461 = vector.shape_cast %add3A_455 : vector<16xi32> to vector<1x16xi32>
    tpu.vector_store %arg6[%swap3A_457, %swap3A_458], %swap3A_461 {strides = array<i32>} : memref<400x128xi32, #tpu.memory_space<vmem>>, vector<1x16xi32>,
    %get3A_462 = arith.constant 4 : i32
    %get3A_463 = arith.index_cast %get3A_462 : i32 to index
    %get3A_464 = arith.constant 96 : index
    %get3A_465 = tpu.vector_load %arg6[%get3A_463, %get3A_464] {strides = array<i32>} : memref<400x128xi32, #tpu.memory_space<vmem>>, vector<1x16xi32>,
    %get3A_466 = vector.shape_cast %get3A_465 : vector<1x16xi32> to vector<16xi32>
    %add3A_467 = arith.addi %get3A_466, %get3A_6 : vector<16xi32>
    %swap3A_468 = arith.constant 4 : i32
    %swap3A_469 = arith.index_cast %swap3A_468 : i32 to index
    %swap3A_470 = arith.constant 96 : index
    %swap3A_471 = tpu.vector_load %arg6[%swap3A_469, %swap3A_470] {strides = array<i32>} : memref<400x128xi32, #tpu.memory_space<vmem>>, vector<1x16xi32>,
    %swap3A_472 = vector.shape_cast %swap3A_471 : vector<1x16xi32> to vector<16xi32>
    %swap3A_473 = vector.shape_cast %add3A_467 : vector<16xi32> to vector<1x16xi32>
    tpu.vector_store %arg6[%swap3A_469, %swap3A_470], %swap3A_473 {strides = array<i32>} : memref<400x128xi32, #tpu.memory_space<vmem>>, vector<1x16xi32>,
    %get3A_474 = arith.constant 4 : i32
    %get3A_475 = arith.index_cast %get3A_474 : i32 to index
    %get3A_476 = arith.constant 112 : index
    %get3A_477 = tpu.vector_load %arg6[%get3A_475, %get3A_476] {strides = array<i32>} : memref<400x128xi32, #tpu.memory_space<vmem>>, vector<1x16xi32>,
    %get3A_478 = vector.shape_cast %get3A_477 : vector<1x16xi32> to vector<16xi32>
    %add3A_479 = arith.addi %get3A_478, %get3A_6 : vector<16xi32>
    %swap3A_480 = arith.constant 4 : i32
    %swap3A_481 = arith.index_cast %swap3A_480 : i32 to index
    %swap3A_482 = arith.constant 112 : index
    %swap3A_483 = tpu.vector_load %arg6[%swap3A_481, %swap3A_482] {strides = array<i32>} : memref<400x128xi32, #tpu.memory_space<vmem>>, vector<1x16xi32>,
    %swap3A_484 = vector.shape_cast %swap3A_483 : vector<1x16xi32> to vector<16xi32>
    %swap3A_485 = vector.shape_cast %add3A_479 : vector<16xi32> to vector<1x16xi32>
    tpu.vector_store %arg6[%swap3A_481, %swap3A_482], %swap3A_485 {strides = array<i32>} : memref<400x128xi32, #tpu.memory_space<vmem>>, vector<1x16xi32>,
    %get3A_486 = arith.constant 5 : i32
    %get3A_487 = arith.index_cast %get3A_486 : i32 to index
    %get3A_488 = arith.constant 0 : index
    %get3A_489 = tpu.vector_load %arg6[%get3A_487, %get3A_488] {strides = array<i32>} : memref<400x128xi32, #tpu.memory_space<vmem>>, vector<1x16xi32>,
    %get3A_490 = vector.shape_cast %get3A_489 : vector<1x16xi32> to vector<16xi32>
    %add3A_491 = arith.addi %get3A_490, %get3A_6 : vector<16xi32>
    %swap3A_492 = arith.constant 5 : i32
    %swap3A_493 = arith.index_cast %swap3A_492 : i32 to index
    %swap3A_494 = arith.constant 0 : index
    %swap3A_495 = tpu.vector_load %arg6[%swap3A_493, %swap3A_494] {strides = array<i32>} : memref<400x128xi32, #tpu.memory_space<vmem>>, vector<1x16xi32>,
    %swap3A_496 = vector.shape_cast %swap3A_495 : vector<1x16xi32> to vector<16xi32>
    %swap3A_497 = vector.shape_cast %add3A_491 : vector<16xi32> to vector<1x16xi32>
    tpu.vector_store %arg6[%swap3A_493, %swap3A_494], %swap3A_497 {strides = array<i32>} : memref<400x128xi32, #tpu.memory_space<vmem>>, vector<1x16xi32>,
    %get3A_498 = arith.constant 5 : i32
    %get3A_499 = arith.index_cast %get3A_498 : i32 to index
    %get3A_500 = arith.constant 16 : index
    %get3A_501 = tpu.vector_load %arg6[%get3A_499, %get3A_500] {strides = array<i32>} : memref<400x128xi32, #tpu.memory_space<vmem>>, vector<1x16xi32>,
    %get3A_502 = vector.shape_cast %get3A_501 : vector<1x16xi32> to vector<16xi32>
    %add3A_503 = arith.addi %get3A_502, %get3A_6 : vector<16xi32>
    %swap3A_504 = arith.constant 5 : i32
    %swap3A_505 = arith.index_cast %swap3A_504 : i32 to index
    %swap3A_506 = arith.constant 16 : index
    %swap3A_507 = tpu.vector_load %arg6[%swap3A_505, %swap3A_506] {strides = array<i32>} : memref<400x128xi32, #tpu.memory_space<vmem>>, vector<1x16xi32>,
    %swap3A_508 = vector.shape_cast %swap3A_507 : vector<1x16xi32> to vector<16xi32>
    %swap3A_509 = vector.shape_cast %add3A_503 : vector<16xi32> to vector<1x16xi32>
    tpu.vector_store %arg6[%swap3A_505, %swap3A_506], %swap3A_509 {strides = array<i32>} : memref<400x128xi32, #tpu.memory_space<vmem>>, vector<1x16xi32>,
    %get3A_510 = arith.constant 5 : i32
    %get3A_511 = arith.index_cast %get3A_510 : i32 to index
    %get3A_512 = arith.constant 32 : index
    %get3A_513 = tpu.vector_load %arg6[%get3A_511, %get3A_512] {strides = array<i32>} : memref<400x128xi32, #tpu.memory_space<vmem>>, vector<1x16xi32>,
    %get3A_514 = vector.shape_cast %get3A_513 : vector<1x16xi32> to vector<16xi32>
    %add3A_515 = arith.addi %get3A_514, %get3A_6 : vector<16xi32>
    %swap3A_516 = arith.constant 5 : i32
    %swap3A_517 = arith.index_cast %swap3A_516 : i32 to index
    %swap3A_518 = arith.constant 32 : index
    %swap3A_519 = tpu.vector_load %arg6[%swap3A_517, %swap3A_518] {strides = array<i32>} : memref<400x128xi32, #tpu.memory_space<vmem>>, vector<1x16xi32>,
    %swap3A_520 = vector.shape_cast %swap3A_519 : vector<1x16xi32> to vector<16xi32>
    %swap3A_521 = vector.shape_cast %add3A_515 : vector<16xi32> to vector<1x16xi32>
    tpu.vector_store %arg6[%swap3A_517, %swap3A_518], %swap3A_521 {strides = array<i32>} : memref<400x128xi32, #tpu.memory_space<vmem>>, vector<1x16xi32>,
    %get3A_522 = arith.constant 5 : i32
    %get3A_523 = arith.index_cast %get3A_522 : i32 to index
    %get3A_524 = arith.constant 48 : index
    %get3A_525 = tpu.vector_load %arg6[%get3A_523, %get3A_524] {strides = array<i32>} : memref<400x128xi32, #tpu.memory_space<vmem>>, vector<1x16xi32>,
    %get3A_526 = vector.shape_cast %get3A_525 : vector<1x16xi32> to vector<16xi32>
    %add3A_527 = arith.addi %get3A_526, %get3A_6 : vector<16xi32>
    %swap3A_528 = arith.constant 5 : i32
    %swap3A_529 = arith.index_cast %swap3A_528 : i32 to index
    %swap3A_530 = arith.constant 48 : index
    %swap3A_531 = tpu.vector_load %arg6[%swap3A_529, %swap3A_530] {strides = array<i32>} : memref<400x128xi32, #tpu.memory_space<vmem>>, vector<1x16xi32>,
    %swap3A_532 = vector.shape_cast %swap3A_531 : vector<1x16xi32> to vector<16xi32>
    %swap3A_533 = vector.shape_cast %add3A_527 : vector<16xi32> to vector<1x16xi32>
    tpu.vector_store %arg6[%swap3A_529, %swap3A_530], %swap3A_533 {strides = array<i32>} : memref<400x128xi32, #tpu.memory_space<vmem>>, vector<1x16xi32>,
    %get3A_534 = arith.constant 5 : i32
    %get3A_535 = arith.index_cast %get3A_534 : i32 to index
    %get3A_536 = arith.constant 64 : index
    %get3A_537 = tpu.vector_load %arg6[%get3A_535, %get3A_536] {strides = array<i32>} : memref<400x128xi32, #tpu.memory_space<vmem>>, vector<1x16xi32>,
    %get3A_538 = vector.shape_cast %get3A_537 : vector<1x16xi32> to vector<16xi32>
    %add3A_539 = arith.addi %get3A_538, %get3A_6 : vector<16xi32>
    %swap3A_540 = arith.constant 5 : i32
    %swap3A_541 = arith.index_cast %swap3A_540 : i32 to index
    %swap3A_542 = arith.constant 64 : index
    %swap3A_543 = tpu.vector_load %arg6[%swap3A_541, %swap3A_542] {strides = array<i32>} : memref<400x128xi32, #tpu.memory_space<vmem>>, vector<1x16xi32>,
    %swap3A_544 = vector.shape_cast %swap3A_543 : vector<1x16xi32> to vector<16xi32>
    %swap3A_545 = vector.shape_cast %add3A_539 : vector<16xi32> to vector<1x16xi32>
    tpu.vector_store %arg6[%swap3A_541, %swap3A_542], %swap3A_545 {strides = array<i32>} : memref<400x128xi32, #tpu.memory_space<vmem>>, vector<1x16xi32>,
    %get3A_546 = arith.constant 5 : i32
    %get3A_547 = arith.index_cast %get3A_546 : i32 to index
    %get3A_548 = arith.constant 80 : index
    %get3A_549 = tpu.vector_load %arg6[%get3A_547, %get3A_548] {strides = array<i32>} : memref<400x128xi32, #tpu.memory_space<vmem>>, vector<1x16xi32>,
    %get3A_550 = vector.shape_cast %get3A_549 : vector<1x16xi32> to vector<16xi32>
    %add3A_551 = arith.addi %get3A_550, %get3A_6 : vector<16xi32>
    %swap3A_552 = arith.constant 5 : i32
    %swap3A_553 = arith.index_cast %swap3A_552 : i32 to index
    %swap3A_554 = arith.constant 80 : index
    %swap3A_555 = tpu.vector_load %arg6[%swap3A_553, %swap3A_554] {strides = array<i32>} : memref<400x128xi32, #tpu.memory_space<vmem>>, vector<1x16xi32>,
    %swap3A_556 = vector.shape_cast %swap3A_555 : vector<1x16xi32> to vector<16xi32>
    %swap3A_557 = vector.shape_cast %add3A_551 : vector<16xi32> to vector<1x16xi32>
    tpu.vector_store %arg6[%swap3A_553, %swap3A_554], %swap3A_557 {strides = array<i32>} : memref<400x128xi32, #tpu.memory_space<vmem>>, vector<1x16xi32>,
    %get3A_558 = arith.constant 5 : i32
    %get3A_559 = arith.index_cast %get3A_558 : i32 to index
    %get3A_560 = arith.constant 96 : index
    %get3A_561 = tpu.vector_load %arg6[%get3A_559, %get3A_560] {strides = array<i32>} : memref<400x128xi32, #tpu.memory_space<vmem>>, vector<1x16xi32>,
    %get3A_562 = vector.shape_cast %get3A_561 : vector<1x16xi32> to vector<16xi32>
    %add3A_563 = arith.addi %get3A_562, %get3A_6 : vector<16xi32>
    %swap3A_564 = arith.constant 5 : i32
    %swap3A_565 = arith.index_cast %swap3A_564 : i32 to index
    %swap3A_566 = arith.constant 96 : index
    %swap3A_567 = tpu.vector_load %arg6[%swap3A_565, %swap3A_566] {strides = array<i32>} : memref<400x128xi32, #tpu.memory_space<vmem>>, vector<1x16xi32>,
    %swap3A_568 = vector.shape_cast %swap3A_567 : vector<1x16xi32> to vector<16xi32>
    %swap3A_569 = vector.shape_cast %add3A_563 : vector<16xi32> to vector<1x16xi32>
    tpu.vector_store %arg6[%swap3A_565, %swap3A_566], %swap3A_569 {strides = array<i32>} : memref<400x128xi32, #tpu.memory_space<vmem>>, vector<1x16xi32>,
    %get3A_570 = arith.constant 5 : i32
    %get3A_571 = arith.index_cast %get3A_570 : i32 to index
    %get3A_572 = arith.constant 112 : index
    %get3A_573 = tpu.vector_load %arg6[%get3A_571, %get3A_572] {strides = array<i32>} : memref<400x128xi32, #tpu.memory_space<vmem>>, vector<1x16xi32>,
    %get3A_574 = vector.shape_cast %get3A_573 : vector<1x16xi32> to vector<16xi32>
    %add3A_575 = arith.addi %get3A_574, %get3A_6 : vector<16xi32>
    %swap3A_576 = arith.constant 5 : i32
    %swap3A_577 = arith.index_cast %swap3A_576 : i32 to index
    %swap3A_578 = arith.constant 112 : index
    %swap3A_579 = tpu.vector_load %arg6[%swap3A_577, %swap3A_578] {strides = array<i32>} : memref<400x128xi32, #tpu.memory_space<vmem>>, vector<1x16xi32>,
    %swap3A_580 = vector.shape_cast %swap3A_579 : vector<1x16xi32> to vector<16xi32>
    %swap3A_581 = vector.shape_cast %add3A_575 : vector<16xi32> to vector<1x16xi32>
    tpu.vector_store %arg6[%swap3A_577, %swap3A_578], %swap3A_581 {strides = array<i32>} : memref<400x128xi32, #tpu.memory_space<vmem>>, vector<1x16xi32>,
    %get3A_582 = arith.constant 6 : i32
    %get3A_583 = arith.index_cast %get3A_582 : i32 to index
    %get3A_584 = arith.constant 0 : index
    %get3A_585 = tpu.vector_load %arg6[%get3A_583, %get3A_584] {strides = array<i32>} : memref<400x128xi32, #tpu.memory_space<vmem>>, vector<1x16xi32>,
    %get3A_586 = vector.shape_cast %get3A_585 : vector<1x16xi32> to vector<16xi32>
    %add3A_587 = arith.addi %get3A_586, %get3A_6 : vector<16xi32>
    %swap3A_588 = arith.constant 6 : i32
    %swap3A_589 = arith.index_cast %swap3A_588 : i32 to index
    %swap3A_590 = arith.constant 0 : index
    %swap3A_591 = tpu.vector_load %arg6[%swap3A_589, %swap3A_590] {strides = array<i32>} : memref<400x128xi32, #tpu.memory_space<vmem>>, vector<1x16xi32>,
    %swap3A_592 = vector.shape_cast %swap3A_591 : vector<1x16xi32> to vector<16xi32>
    %swap3A_593 = vector.shape_cast %add3A_587 : vector<16xi32> to vector<1x16xi32>
    tpu.vector_store %arg6[%swap3A_589, %swap3A_590], %swap3A_593 {strides = array<i32>} : memref<400x128xi32, #tpu.memory_space<vmem>>, vector<1x16xi32>,
    %get3A_594 = arith.constant 6 : i32
    %get3A_595 = arith.index_cast %get3A_594 : i32 to index
    %get3A_596 = arith.constant 16 : index
    %get3A_597 = tpu.vector_load %arg6[%get3A_595, %get3A_596] {strides = array<i32>} : memref<400x128xi32, #tpu.memory_space<vmem>>, vector<1x16xi32>,
    %get3A_598 = vector.shape_cast %get3A_597 : vector<1x16xi32> to vector<16xi32>
    %add3A_599 = arith.addi %get3A_598, %get3A_6 : vector<16xi32>
    %swap3A_600 = arith.constant 6 : i32
    %swap3A_601 = arith.index_cast %swap3A_600 : i32 to index
    %swap3A_602 = arith.constant 16 : index
    %swap3A_603 = tpu.vector_load %arg6[%swap3A_601, %swap3A_602] {strides = array<i32>} : memref<400x128xi32, #tpu.memory_space<vmem>>, vector<1x16xi32>,
    %swap3A_604 = vector.shape_cast %swap3A_603 : vector<1x16xi32> to vector<16xi32>
    %swap3A_605 = vector.shape_cast %add3A_599 : vector<16xi32> to vector<1x16xi32>
    tpu.vector_store %arg6[%swap3A_601, %swap3A_602], %swap3A_605 {strides = array<i32>} : memref<400x128xi32, #tpu.memory_space<vmem>>, vector<1x16xi32>,
    %get3A_606 = arith.constant 6 : i32
    %get3A_607 = arith.index_cast %get3A_606 : i32 to index
    %get3A_608 = arith.constant 32 : index
    %get3A_609 = tpu.vector_load %arg6[%get3A_607, %get3A_608] {strides = array<i32>} : memref<400x128xi32, #tpu.memory_space<vmem>>, vector<1x16xi32>,
    %get3A_610 = vector.shape_cast %get3A_609 : vector<1x16xi32> to vector<16xi32>
    %add3A_611 = arith.addi %get3A_610, %get3A_6 : vector<16xi32>
    %swap3A_612 = arith.constant 6 : i32
    %swap3A_613 = arith.index_cast %swap3A_612 : i32 to index
    %swap3A_614 = arith.constant 32 : index
    %swap3A_615 = tpu.vector_load %arg6[%swap3A_613, %swap3A_614] {strides = array<i32>} : memref<400x128xi32, #tpu.memory_space<vmem>>, vector<1x16xi32>,
    %swap3A_616 = vector.shape_cast %swap3A_615 : vector<1x16xi32> to vector<16xi32>
    %swap3A_617 = vector.shape_cast %add3A_611 : vector<16xi32> to vector<1x16xi32>
    tpu.vector_store %arg6[%swap3A_613, %swap3A_614], %swap3A_617 {strides = array<i32>} : memref<400x128xi32, #tpu.memory_space<vmem>>, vector<1x16xi32>,
    %get3A_618 = arith.constant 6 : i32
    %get3A_619 = arith.index_cast %get3A_618 : i32 to index
    %get3A_620 = arith.constant 48 : index
    %get3A_621 = tpu.vector_load %arg6[%get3A_619, %get3A_620] {strides = array<i32>} : memref<400x128xi32, #tpu.memory_space<vmem>>, vector<1x16xi32>,
    %get3A_622 = vector.shape_cast %get3A_621 : vector<1x16xi32> to vector<16xi32>
    %add3A_623 = arith.addi %get3A_622, %get3A_6 : vector<16xi32>
    %swap3A_624 = arith.constant 6 : i32
    %swap3A_625 = arith.index_cast %swap3A_624 : i32 to index
    %swap3A_626 = arith.constant 48 : index
    %swap3A_627 = tpu.vector_load %arg6[%swap3A_625, %swap3A_626] {strides = array<i32>} : memref<400x128xi32, #tpu.memory_space<vmem>>, vector<1x16xi32>,
    %swap3A_628 = vector.shape_cast %swap3A_627 : vector<1x16xi32> to vector<16xi32>
    %swap3A_629 = vector.shape_cast %add3A_623 : vector<16xi32> to vector<1x16xi32>
    tpu.vector_store %arg6[%swap3A_625, %swap3A_626], %swap3A_629 {strides = array<i32>} : memref<400x128xi32, #tpu.memory_space<vmem>>, vector<1x16xi32>,
    %get3A_630 = arith.constant 6 : i32
    %get3A_631 = arith.index_cast %get3A_630 : i32 to index
    %get3A_632 = arith.constant 64 : index
    %get3A_633 = tpu.vector_load %arg6[%get3A_631, %get3A_632] {strides = array<i32>} : memref<400x128xi32, #tpu.memory_space<vmem>>, vector<1x16xi32>,
    %get3A_634 = vector.shape_cast %get3A_633 : vector<1x16xi32> to vector<16xi32>
    %add3A_635 = arith.addi %get3A_634, %get3A_6 : vector<16xi32>
    %swap3A_636 = arith.constant 6 : i32
    %swap3A_637 = arith.index_cast %swap3A_636 : i32 to index
    %swap3A_638 = arith.constant 64 : index
    %swap3A_639 = tpu.vector_load %arg6[%swap3A_637, %swap3A_638] {strides = array<i32>} : memref<400x128xi32, #tpu.memory_space<vmem>>, vector<1x16xi32>,
    %swap3A_640 = vector.shape_cast %swap3A_639 : vector<1x16xi32> to vector<16xi32>
    %swap3A_641 = vector.shape_cast %add3A_635 : vector<16xi32> to vector<1x16xi32>
    tpu.vector_store %arg6[%swap3A_637, %swap3A_638], %swap3A_641 {strides = array<i32>} : memref<400x128xi32, #tpu.memory_space<vmem>>, vector<1x16xi32>,
    %get3A_642 = arith.constant 6 : i32
    %get3A_643 = arith.index_cast %get3A_642 : i32 to index
    %get3A_644 = arith.constant 80 : index
    %get3A_645 = tpu.vector_load %arg6[%get3A_643, %get3A_644] {strides = array<i32>} : memref<400x128xi32, #tpu.memory_space<vmem>>, vector<1x16xi32>,
    %get3A_646 = vector.shape_cast %get3A_645 : vector<1x16xi32> to vector<16xi32>
    %add3A_647 = arith.addi %get3A_646, %get3A_6 : vector<16xi32>
    %swap3A_648 = arith.constant 6 : i32
    %swap3A_649 = arith.index_cast %swap3A_648 : i32 to index
    %swap3A_650 = arith.constant 80 : index
    %swap3A_651 = tpu.vector_load %arg6[%swap3A_649, %swap3A_650] {strides = array<i32>} : memref<400x128xi32, #tpu.memory_space<vmem>>, vector<1x16xi32>,
    %swap3A_652 = vector.shape_cast %swap3A_651 : vector<1x16xi32> to vector<16xi32>
    %swap3A_653 = vector.shape_cast %add3A_647 : vector<16xi32> to vector<1x16xi32>
    tpu.vector_store %arg6[%swap3A_649, %swap3A_650], %swap3A_653 {strides = array<i32>} : memref<400x128xi32, #tpu.memory_space<vmem>>, vector<1x16xi32>,
    %get3A_654 = arith.constant 6 : i32
    %get3A_655 = arith.index_cast %get3A_654 : i32 to index
    %get3A_656 = arith.constant 96 : index
    %get3A_657 = tpu.vector_load %arg6[%get3A_655, %get3A_656] {strides = array<i32>} : memref<400x128xi32, #tpu.memory_space<vmem>>, vector<1x16xi32>,
    %get3A_658 = vector.shape_cast %get3A_657 : vector<1x16xi32> to vector<16xi32>
    %add3A_659 = arith.addi %get3A_658, %get3A_6 : vector<16xi32>
    %swap3A_660 = arith.constant 6 : i32
    %swap3A_661 = arith.index_cast %swap3A_660 : i32 to index
    %swap3A_662 = arith.constant 96 : index
    %swap3A_663 = tpu.vector_load %arg6[%swap3A_661, %swap3A_662] {strides = array<i32>} : memref<400x128xi32, #tpu.memory_space<vmem>>, vector<1x16xi32>,
    %swap3A_664 = vector.shape_cast %swap3A_663 : vector<1x16xi32> to vector<16xi32>
    %swap3A_665 = vector.shape_cast %add3A_659 : vector<16xi32> to vector<1x16xi32>
    tpu.vector_store %arg6[%swap3A_661, %swap3A_662], %swap3A_665 {strides = array<i32>} : memref<400x128xi32, #tpu.memory_space<vmem>>, vector<1x16xi32>,
    %get3A_666 = arith.constant 6 : i32
    %get3A_667 = arith.index_cast %get3A_666 : i32 to index
    %get3A_668 = arith.constant 112 : index
    %get3A_669 = tpu.vector_load %arg6[%get3A_667, %get3A_668] {strides = array<i32>} : memref<400x128xi32, #tpu.memory_space<vmem>>, vector<1x16xi32>,
    %get3A_670 = vector.shape_cast %get3A_669 : vector<1x16xi32> to vector<16xi32>
    %add3A_671 = arith.addi %get3A_670, %get3A_6 : vector<16xi32>
    %swap3A_672 = arith.constant 6 : i32
    %swap3A_673 = arith.index_cast %swap3A_672 : i32 to index
    %swap3A_674 = arith.constant 112 : index
    %swap3A_675 = tpu.vector_load %arg6[%swap3A_673, %swap3A_674] {strides = array<i32>} : memref<400x128xi32, #tpu.memory_space<vmem>>, vector<1x16xi32>,
    %swap3A_676 = vector.shape_cast %swap3A_675 : vector<1x16xi32> to vector<16xi32>
    %swap3A_677 = vector.shape_cast %add3A_671 : vector<16xi32> to vector<1x16xi32>
    tpu.vector_store %arg6[%swap3A_673, %swap3A_674], %swap3A_677 {strides = array<i32>} : memref<400x128xi32, #tpu.memory_space<vmem>>, vector<1x16xi32>,
    %get3A_678 = arith.constant 7 : i32
    %get3A_679 = arith.index_cast %get3A_678 : i32 to index
    %get3A_680 = arith.constant 0 : index
    %get3A_681 = tpu.vector_load %arg6[%get3A_679, %get3A_680] {strides = array<i32>} : memref<400x128xi32, #tpu.memory_space<vmem>>, vector<1x16xi32>,
    %get3A_682 = vector.shape_cast %get3A_681 : vector<1x16xi32> to vector<16xi32>
    %add3A_683 = arith.addi %get3A_682, %get3A_6 : vector<16xi32>
    %swap3A_684 = arith.constant 7 : i32
    %swap3A_685 = arith.index_cast %swap3A_684 : i32 to index
    %swap3A_686 = arith.constant 0 : index
    %swap3A_687 = tpu.vector_load %arg6[%swap3A_685, %swap3A_686] {strides = array<i32>} : memref<400x128xi32, #tpu.memory_space<vmem>>, vector<1x16xi32>,
    %swap3A_688 = vector.shape_cast %swap3A_687 : vector<1x16xi32> to vector<16xi32>
    %swap3A_689 = vector.shape_cast %add3A_683 : vector<16xi32> to vector<1x16xi32>
    tpu.vector_store %arg6[%swap3A_685, %swap3A_686], %swap3A_689 {strides = array<i32>} : memref<400x128xi32, #tpu.memory_space<vmem>>, vector<1x16xi32>,
    %get3A_690 = arith.constant 7 : i32
    %get3A_691 = arith.index_cast %get3A_690 : i32 to index
    %get3A_692 = arith.constant 16 : index
    %get3A_693 = tpu.vector_load %arg6[%get3A_691, %get3A_692] {strides = array<i32>} : memref<400x128xi32, #tpu.memory_space<vmem>>, vector<1x16xi32>,
    %get3A_694 = vector.shape_cast %get3A_693 : vector<1x16xi32> to vector<16xi32>
    %add3A_695 = arith.addi %get3A_694, %get3A_6 : vector<16xi32>
    %swap3A_696 = arith.constant 7 : i32
    %swap3A_697 = arith.index_cast %swap3A_696 : i32 to index
    %swap3A_698 = arith.constant 16 : index
    %swap3A_699 = tpu.vector_load %arg6[%swap3A_697, %swap3A_698] {strides = array<i32>} : memref<400x128xi32, #tpu.memory_space<vmem>>, vector<1x16xi32>,
    %swap3A_700 = vector.shape_cast %swap3A_699 : vector<1x16xi32> to vector<16xi32>
    %swap3A_701 = vector.shape_cast %add3A_695 : vector<16xi32> to vector<1x16xi32>
    tpu.vector_store %arg6[%swap3A_697, %swap3A_698], %swap3A_701 {strides = array<i32>} : memref<400x128xi32, #tpu.memory_space<vmem>>, vector<1x16xi32>,
    %get3A_702 = arith.constant 7 : i32
    %get3A_703 = arith.index_cast %get3A_702 : i32 to index
    %get3A_704 = arith.constant 32 : index
    %get3A_705 = tpu.vector_load %arg6[%get3A_703, %get3A_704] {strides = array<i32>} : memref<400x128xi32, #tpu.memory_space<vmem>>, vector<1x16xi32>,
    %get3A_706 = vector.shape_cast %get3A_705 : vector<1x16xi32> to vector<16xi32>
    %add3A_707 = arith.addi %get3A_706, %get3A_6 : vector<16xi32>
    %swap3A_708 = arith.constant 7 : i32
    %swap3A_709 = arith.index_cast %swap3A_708 : i32 to index
    %swap3A_710 = arith.constant 32 : index
    %swap3A_711 = tpu.vector_load %arg6[%swap3A_709, %swap3A_710] {strides = array<i32>} : memref<400x128xi32, #tpu.memory_space<vmem>>, vector<1x16xi32>,
    %swap3A_712 = vector.shape_cast %swap3A_711 : vector<1x16xi32> to vector<16xi32>
    %swap3A_713 = vector.shape_cast %add3A_707 : vector<16xi32> to vector<1x16xi32>
    tpu.vector_store %arg6[%swap3A_709, %swap3A_710], %swap3A_713 {strides = array<i32>} : memref<400x128xi32, #tpu.memory_space<vmem>>, vector<1x16xi32>,
    %get3A_714 = arith.constant 7 : i32
    %get3A_715 = arith.index_cast %get3A_714 : i32 to index
    %get3A_716 = arith.constant 48 : index
    %get3A_717 = tpu.vector_load %arg6[%get3A_715, %get3A_716] {strides = array<i32>} : memref<400x128xi32, #tpu.memory_space<vmem>>, vector<1x16xi32>,
    %get3A_718 = vector.shape_cast %get3A_717 : vector<1x16xi32> to vector<16xi32>
    %add3A_719 = arith.addi %get3A_718, %get3A_6 : vector<16xi32>
    %swap3A_720 = arith.constant 7 : i32
    %swap3A_721 = arith.index_cast %swap3A_720 : i32 to index
    %swap3A_722 = arith.constant 48 : index
    %swap3A_723 = tpu.vector_load %arg6[%swap3A_721, %swap3A_722] {strides = array<i32>} : memref<400x128xi32, #tpu.memory_space<vmem>>, vector<1x16xi32>,
    %swap3A_724 = vector.shape_cast %swap3A_723 : vector<1x16xi32> to vector<16xi32>
    %swap3A_725 = vector.shape_cast %add3A_719 : vector<16xi32> to vector<1x16xi32>
    tpu.vector_store %arg6[%swap3A_721, %swap3A_722], %swap3A_725 {strides = array<i32>} : memref<400x128xi32, #tpu.memory_space<vmem>>, vector<1x16xi32>,
    %get3A_726 = arith.constant 7 : i32
    %get3A_727 = arith.index_cast %get3A_726 : i32 to index
    %get3A_728 = arith.constant 64 : index
    %get3A_729 = tpu.vector_load %arg6[%get3A_727, %get3A_728] {strides = array<i32>} : memref<400x128xi32, #tpu.memory_space<vmem>>, vector<1x16xi32>,
    %get3A_730 = vector.shape_cast %get3A_729 : vector<1x16xi32> to vector<16xi32>
    %add3A_731 = arith.addi %get3A_730, %get3A_6 : vector<16xi32>
    %swap3A_732 = arith.constant 7 : i32
    %swap3A_733 = arith.index_cast %swap3A_732 : i32 to index
    %swap3A_734 = arith.constant 64 : index
    %swap3A_735 = tpu.vector_load %arg6[%swap3A_733, %swap3A_734] {strides = array<i32>} : memref<400x128xi32, #tpu.memory_space<vmem>>, vector<1x16xi32>,
    %swap3A_736 = vector.shape_cast %swap3A_735 : vector<1x16xi32> to vector<16xi32>
    %swap3A_737 = vector.shape_cast %add3A_731 : vector<16xi32> to vector<1x16xi32>
    tpu.vector_store %arg6[%swap3A_733, %swap3A_734], %swap3A_737 {strides = array<i32>} : memref<400x128xi32, #tpu.memory_space<vmem>>, vector<1x16xi32>,
    %get3A_738 = arith.constant 7 : i32
    %get3A_739 = arith.index_cast %get3A_738 : i32 to index
    %get3A_740 = arith.constant 80 : index
    %get3A_741 = tpu.vector_load %arg6[%get3A_739, %get3A_740] {strides = array<i32>} : memref<400x128xi32, #tpu.memory_space<vmem>>, vector<1x16xi32>,
    %get3A_742 = vector.shape_cast %get3A_741 : vector<1x16xi32> to vector<16xi32>
    %add3A_743 = arith.addi %get3A_742, %get3A_6 : vector<16xi32>
    %swap3A_744 = arith.constant 7 : i32
    %swap3A_745 = arith.index_cast %swap3A_744 : i32 to index
    %swap3A_746 = arith.constant 80 : index
    %swap3A_747 = tpu.vector_load %arg6[%swap3A_745, %swap3A_746] {strides = array<i32>} : memref<400x128xi32, #tpu.memory_space<vmem>>, vector<1x16xi32>,
    %swap3A_748 = vector.shape_cast %swap3A_747 : vector<1x16xi32> to vector<16xi32>
    %swap3A_749 = vector.shape_cast %add3A_743 : vector<16xi32> to vector<1x16xi32>
    tpu.vector_store %arg6[%swap3A_745, %swap3A_746], %swap3A_749 {strides = array<i32>} : memref<400x128xi32, #tpu.memory_space<vmem>>, vector<1x16xi32>,
    %get3A_750 = arith.constant 7 : i32
    %get3A_751 = arith.index_cast %get3A_750 : i32 to index
    %get3A_752 = arith.constant 96 : index
    %get3A_753 = tpu.vector_load %arg6[%get3A_751, %get3A_752] {strides = array<i32>} : memref<400x128xi32, #tpu.memory_space<vmem>>, vector<1x16xi32>,
    %get3A_754 = vector.shape_cast %get3A_753 : vector<1x16xi32> to vector<16xi32>
    %add3A_755 = arith.addi %get3A_754, %get3A_6 : vector<16xi32>
    %swap3A_756 = arith.constant 7 : i32
    %swap3A_757 = arith.index_cast %swap3A_756 : i32 to index
    %swap3A_758 = arith.constant 96 : index
    %swap3A_759 = tpu.vector_load %arg6[%swap3A_757, %swap3A_758] {strides = array<i32>} : memref<400x128xi32, #tpu.memory_space<vmem>>, vector<1x16xi32>,
    %swap3A_760 = vector.shape_cast %swap3A_759 : vector<1x16xi32> to vector<16xi32>
    %swap3A_761 = vector.shape_cast %add3A_755 : vector<16xi32> to vector<1x16xi32>
    tpu.vector_store %arg6[%swap3A_757, %swap3A_758], %swap3A_761 {strides = array<i32>} : memref<400x128xi32, #tpu.memory_space<vmem>>, vector<1x16xi32>,
    %get3A_762 = arith.constant 7 : i32
    %get3A_763 = arith.index_cast %get3A_762 : i32 to index
    %get3A_764 = arith.constant 112 : index
    %get3A_765 = tpu.vector_load %arg6[%get3A_763, %get3A_764] {strides = array<i32>} : memref<400x128xi32, #tpu.memory_space<vmem>>, vector<1x16xi32>,
    %get3A_766 = vector.shape_cast %get3A_765 : vector<1x16xi32> to vector<16xi32>
    %add3A_767 = arith.addi %get3A_766, %get3A_6 : vector<16xi32>
    %swap3A_768 = arith.constant 7 : i32
    %swap3A_769 = arith.index_cast %swap3A_768 : i32 to index
    %swap3A_770 = arith.constant 112 : index
    %swap3A_771 = tpu.vector_load %arg6[%swap3A_769, %swap3A_770] {strides = array<i32>} : memref<400x128xi32, #tpu.memory_space<vmem>>, vector<1x16xi32>,
    %swap3A_772 = vector.shape_cast %swap3A_771 : vector<1x16xi32> to vector<16xi32>
    %swap3A_773 = vector.shape_cast %add3A_767 : vector<16xi32> to vector<1x16xi32>
    tpu.vector_store %arg6[%swap3A_769, %swap3A_770], %swap3A_773 {strides = array<i32>} : memref<400x128xi32, #tpu.memory_space<vmem>>, vector<1x16xi32>,
    %get3A_774 = arith.constant 8 : i32
    %get3A_775 = arith.index_cast %get3A_774 : i32 to index
    %get3A_776 = arith.constant 0 : index
    %get3A_777 = tpu.vector_load %arg6[%get3A_775, %get3A_776] {strides = array<i32>} : memref<400x128xi32, #tpu.memory_space<vmem>>, vector<1x16xi32>,
    %get3A_778 = vector.shape_cast %get3A_777 : vector<1x16xi32> to vector<16xi32>
    %add3A_779 = arith.addi %get3A_778, %get3A_6 : vector<16xi32>
    %swap3A_780 = arith.constant 8 : i32
    %swap3A_781 = arith.index_cast %swap3A_780 : i32 to index
    %swap3A_782 = arith.constant 0 : index
    %swap3A_783 = tpu.vector_load %arg6[%swap3A_781, %swap3A_782] {strides = array<i32>} : memref<400x128xi32, #tpu.memory_space<vmem>>, vector<1x16xi32>,
    %swap3A_784 = vector.shape_cast %swap3A_783 : vector<1x16xi32> to vector<16xi32>
    %swap3A_785 = vector.shape_cast %add3A_779 : vector<16xi32> to vector<1x16xi32>
    tpu.vector_store %arg6[%swap3A_781, %swap3A_782], %swap3A_785 {strides = array<i32>} : memref<400x128xi32, #tpu.memory_space<vmem>>, vector<1x16xi32>,
    %get3A_786 = arith.constant 8 : i32
    %get3A_787 = arith.index_cast %get3A_786 : i32 to index
    %get3A_788 = arith.constant 16 : index
    %get3A_789 = tpu.vector_load %arg6[%get3A_787, %get3A_788] {strides = array<i32>} : memref<400x128xi32, #tpu.memory_space<vmem>>, vector<1x16xi32>,
    %get3A_790 = vector.shape_cast %get3A_789 : vector<1x16xi32> to vector<16xi32>
    %add3A_791 = arith.addi %get3A_790, %get3A_6 : vector<16xi32>
    %swap3A_792 = arith.constant 8 : i32
    %swap3A_793 = arith.index_cast %swap3A_792 : i32 to index
    %swap3A_794 = arith.constant 16 : index
    %swap3A_795 = tpu.vector_load %arg6[%swap3A_793, %swap3A_794] {strides = array<i32>} : memref<400x128xi32, #tpu.memory_space<vmem>>, vector<1x16xi32>,
    %swap3A_796 = vector.shape_cast %swap3A_795 : vector<1x16xi32> to vector<16xi32>
    %swap3A_797 = vector.shape_cast %add3A_791 : vector<16xi32> to vector<1x16xi32>
    tpu.vector_store %arg6[%swap3A_793, %swap3A_794], %swap3A_797 {strides = array<i32>} : memref<400x128xi32, #tpu.memory_space<vmem>>, vector<1x16xi32>,
    %get3A_798 = arith.constant 8 : i32
    %get3A_799 = arith.index_cast %get3A_798 : i32 to index
    %get3A_800 = arith.constant 32 : index
    %get3A_801 = tpu.vector_load %arg6[%get3A_799, %get3A_800] {strides = array<i32>} : memref<400x128xi32, #tpu.memory_space<vmem>>, vector<1x16xi32>,
    %get3A_802 = vector.shape_cast %get3A_801 : vector<1x16xi32> to vector<16xi32>
    %add3A_803 = arith.addi %get3A_802, %get3A_6 : vector<16xi32>
    %swap3A_804 = arith.constant 8 : i32
    %swap3A_805 = arith.index_cast %swap3A_804 : i32 to index
    %swap3A_806 = arith.constant 32 : index
    %swap3A_807 = tpu.vector_load %arg6[%swap3A_805, %swap3A_806] {strides = array<i32>} : memref<400x128xi32, #tpu.memory_space<vmem>>, vector<1x16xi32>,
    %swap3A_808 = vector.shape_cast %swap3A_807 : vector<1x16xi32> to vector<16xi32>
    %swap3A_809 = vector.shape_cast %add3A_803 : vector<16xi32> to vector<1x16xi32>
    tpu.vector_store %arg6[%swap3A_805, %swap3A_806], %swap3A_809 {strides = array<i32>} : memref<400x128xi32, #tpu.memory_space<vmem>>, vector<1x16xi32>,
    %get3A_810 = arith.constant 8 : i32
    %get3A_811 = arith.index_cast %get3A_810 : i32 to index
    %get3A_812 = arith.constant 48 : index
    %get3A_813 = tpu.vector_load %arg6[%get3A_811, %get3A_812] {strides = array<i32>} : memref<400x128xi32, #tpu.memory_space<vmem>>, vector<1x16xi32>,
    %get3A_814 = vector.shape_cast %get3A_813 : vector<1x16xi32> to vector<16xi32>
    %add3A_815 = arith.addi %get3A_814, %get3A_6 : vector<16xi32>
    %swap3A_816 = arith.constant 8 : i32
    %swap3A_817 = arith.index_cast %swap3A_816 : i32 to index
    %swap3A_818 = arith.constant 48 : index
    %swap3A_819 = tpu.vector_load %arg6[%swap3A_817, %swap3A_818] {strides = array<i32>} : memref<400x128xi32, #tpu.memory_space<vmem>>, vector<1x16xi32>,
    %swap3A_820 = vector.shape_cast %swap3A_819 : vector<1x16xi32> to vector<16xi32>
    %swap3A_821 = vector.shape_cast %add3A_815 : vector<16xi32> to vector<1x16xi32>
    tpu.vector_store %arg6[%swap3A_817, %swap3A_818], %swap3A_821 {strides = array<i32>} : memref<400x128xi32, #tpu.memory_space<vmem>>, vector<1x16xi32>,
    %get3A_822 = arith.constant 8 : i32
    %get3A_823 = arith.index_cast %get3A_822 : i32 to index
    %get3A_824 = arith.constant 64 : index
    %get3A_825 = tpu.vector_load %arg6[%get3A_823, %get3A_824] {strides = array<i32>} : memref<400x128xi32, #tpu.memory_space<vmem>>, vector<1x16xi32>,
    %get3A_826 = vector.shape_cast %get3A_825 : vector<1x16xi32> to vector<16xi32>
    %add3A_827 = arith.addi %get3A_826, %get3A_6 : vector<16xi32>
    %swap3A_828 = arith.constant 8 : i32
    %swap3A_829 = arith.index_cast %swap3A_828 : i32 to index
    %swap3A_830 = arith.constant 64 : index
    %swap3A_831 = tpu.vector_load %arg6[%swap3A_829, %swap3A_830] {strides = array<i32>} : memref<400x128xi32, #tpu.memory_space<vmem>>, vector<1x16xi32>,
    %swap3A_832 = vector.shape_cast %swap3A_831 : vector<1x16xi32> to vector<16xi32>
    %swap3A_833 = vector.shape_cast %add3A_827 : vector<16xi32> to vector<1x16xi32>
    tpu.vector_store %arg6[%swap3A_829, %swap3A_830], %swap3A_833 {strides = array<i32>} : memref<400x128xi32, #tpu.memory_space<vmem>>, vector<1x16xi32>,
    %get3A_834 = arith.constant 8 : i32
    %get3A_835 = arith.index_cast %get3A_834 : i32 to index
    %get3A_836 = arith.constant 80 : index
    %get3A_837 = tpu.vector_load %arg6[%get3A_835, %get3A_836] {strides = array<i32>} : memref<400x128xi32, #tpu.memory_space<vmem>>, vector<1x16xi32>,
    %get3A_838 = vector.shape_cast %get3A_837 : vector<1x16xi32> to vector<16xi32>
    %add3A_839 = arith.addi %get3A_838, %get3A_6 : vector<16xi32>
    %swap3A_840 = arith.constant 8 : i32
    %swap3A_841 = arith.index_cast %swap3A_840 : i32 to index
    %swap3A_842 = arith.constant 80 : index
    %swap3A_843 = tpu.vector_load %arg6[%swap3A_841, %swap3A_842] {strides = array<i32>} : memref<400x128xi32, #tpu.memory_space<vmem>>, vector<1x16xi32>,
    %swap3A_844 = vector.shape_cast %swap3A_843 : vector<1x16xi32> to vector<16xi32>
    %swap3A_845 = vector.shape_cast %add3A_839 : vector<16xi32> to vector<1x16xi32>
    tpu.vector_store %arg6[%swap3A_841, %swap3A_842], %swap3A_845 {strides = array<i32>} : memref<400x128xi32, #tpu.memory_space<vmem>>, vector<1x16xi32>,
    %get3A_846 = arith.constant 8 : i32
    %get3A_847 = arith.index_cast %get3A_846 : i32 to index
    %get3A_848 = arith.constant 96 : index
    %get3A_849 = tpu.vector_load %arg6[%get3A_847, %get3A_848] {strides = array<i32>} : memref<400x128xi32, #tpu.memory_space<vmem>>, vector<1x16xi32>,
    %get3A_850 = vector.shape_cast %get3A_849 : vector<1x16xi32> to vector<16xi32>
    %add3A_851 = arith.addi %get3A_850, %get3A_6 : vector<16xi32>
    %swap3A_852 = arith.constant 8 : i32
    %swap3A_853 = arith.index_cast %swap3A_852 : i32 to index
    %swap3A_854 = arith.constant 96 : index
    %swap3A_855 = tpu.vector_load %arg6[%swap3A_853, %swap3A_854] {strides = array<i32>} : memref<400x128xi32, #tpu.memory_space<vmem>>, vector<1x16xi32>,
    %swap3A_856 = vector.shape_cast %swap3A_855 : vector<1x16xi32> to vector<16xi32>
    %swap3A_857 = vector.shape_cast %add3A_851 : vector<16xi32> to vector<1x16xi32>
    tpu.vector_store %arg6[%swap3A_853, %swap3A_854], %swap3A_857 {strides = array<i32>} : memref<400x128xi32, #tpu.memory_space<vmem>>, vector<1x16xi32>,
    %get3A_858 = arith.constant 8 : i32
    %get3A_859 = arith.index_cast %get3A_858 : i32 to index
    %get3A_860 = arith.constant 112 : index
    %get3A_861 = tpu.vector_load %arg6[%get3A_859, %get3A_860] {strides = array<i32>} : memref<400x128xi32, #tpu.memory_space<vmem>>, vector<1x16xi32>,
    %get3A_862 = vector.shape_cast %get3A_861 : vector<1x16xi32> to vector<16xi32>
    %add3A_863 = arith.addi %get3A_862, %get3A_6 : vector<16xi32>
    %swap3A_864 = arith.constant 8 : i32
    %swap3A_865 = arith.index_cast %swap3A_864 : i32 to index
    %swap3A_866 = arith.constant 112 : index
    %swap3A_867 = tpu.vector_load %arg6[%swap3A_865, %swap3A_866] {strides = array<i32>} : memref<400x128xi32, #tpu.memory_space<vmem>>, vector<1x16xi32>,
    %swap3A_868 = vector.shape_cast %swap3A_867 : vector<1x16xi32> to vector<16xi32>
    %swap3A_869 = vector.shape_cast %add3A_863 : vector<16xi32> to vector<1x16xi32>
    tpu.vector_store %arg6[%swap3A_865, %swap3A_866], %swap3A_869 {strides = array<i32>} : memref<400x128xi32, #tpu.memory_space<vmem>>, vector<1x16xi32>,
    %get3A_870 = arith.constant 9 : i32
    %get3A_871 = arith.index_cast %get3A_870 : i32 to index
    %get3A_872 = arith.constant 0 : index
    %get3A_873 = tpu.vector_load %arg6[%get3A_871, %get3A_872] {strides = array<i32>} : memref<400x128xi32, #tpu.memory_space<vmem>>, vector<1x16xi32>,
    %get3A_874 = vector.shape_cast %get3A_873 : vector<1x16xi32> to vector<16xi32>
    %add3A_875 = arith.addi %get3A_874, %get3A_6 : vector<16xi32>
    %swap3A_876 = arith.constant 9 : i32
    %swap3A_877 = arith.index_cast %swap3A_876 : i32 to index
    %swap3A_878 = arith.constant 0 : index
    %swap3A_879 = tpu.vector_load %arg6[%swap3A_877, %swap3A_878] {strides = array<i32>} : memref<400x128xi32, #tpu.memory_space<vmem>>, vector<1x16xi32>,
    %swap3A_880 = vector.shape_cast %swap3A_879 : vector<1x16xi32> to vector<16xi32>
    %swap3A_881 = vector.shape_cast %add3A_875 : vector<16xi32> to vector<1x16xi32>
    tpu.vector_store %arg6[%swap3A_877, %swap3A_878], %swap3A_881 {strides = array<i32>} : memref<400x128xi32, #tpu.memory_space<vmem>>, vector<1x16xi32>,
    %get3A_882 = arith.constant 9 : i32
    %get3A_883 = arith.index_cast %get3A_882 : i32 to index
    %get3A_884 = arith.constant 16 : index
    %get3A_885 = tpu.vector_load %arg6[%get3A_883, %get3A_884] {strides = array<i32>} : memref<400x128xi32, #tpu.memory_space<vmem>>, vector<1x16xi32>,
    %get3A_886 = vector.shape_cast %get3A_885 : vector<1x16xi32> to vector<16xi32>
    %add3A_887 = arith.addi %get3A_886, %get3A_6 : vector<16xi32>
    %swap3A_888 = arith.constant 9 : i32
    %swap3A_889 = arith.index_cast %swap3A_888 : i32 to index
    %swap3A_890 = arith.constant 16 : index
    %swap3A_891 = tpu.vector_load %arg6[%swap3A_889, %swap3A_890] {strides = array<i32>} : memref<400x128xi32, #tpu.memory_space<vmem>>, vector<1x16xi32>,
    %swap3A_892 = vector.shape_cast %swap3A_891 : vector<1x16xi32> to vector<16xi32>
    %swap3A_893 = vector.shape_cast %add3A_887 : vector<16xi32> to vector<1x16xi32>
    tpu.vector_store %arg6[%swap3A_889, %swap3A_890], %swap3A_893 {strides = array<i32>} : memref<400x128xi32, #tpu.memory_space<vmem>>, vector<1x16xi32>,
    %get3A_894 = arith.constant 9 : i32
    %get3A_895 = arith.index_cast %get3A_894 : i32 to index
    %get3A_896 = arith.constant 32 : index
    %get3A_897 = tpu.vector_load %arg6[%get3A_895, %get3A_896] {strides = array<i32>} : memref<400x128xi32, #tpu.memory_space<vmem>>, vector<1x16xi32>,
    %get3A_898 = vector.shape_cast %get3A_897 : vector<1x16xi32> to vector<16xi32>
    %add3A_899 = arith.addi %get3A_898, %get3A_6 : vector<16xi32>
    %swap3A_900 = arith.constant 9 : i32
    %swap3A_901 = arith.index_cast %swap3A_900 : i32 to index
    %swap3A_902 = arith.constant 32 : index
    %swap3A_903 = tpu.vector_load %arg6[%swap3A_901, %swap3A_902] {strides = array<i32>} : memref<400x128xi32, #tpu.memory_space<vmem>>, vector<1x16xi32>,
    %swap3A_904 = vector.shape_cast %swap3A_903 : vector<1x16xi32> to vector<16xi32>
    %swap3A_905 = vector.shape_cast %add3A_899 : vector<16xi32> to vector<1x16xi32>
    tpu.vector_store %arg6[%swap3A_901, %swap3A_902], %swap3A_905 {strides = array<i32>} : memref<400x128xi32, #tpu.memory_space<vmem>>, vector<1x16xi32>,
    %get3A_906 = arith.constant 9 : i32
    %get3A_907 = arith.index_cast %get3A_906 : i32 to index
    %get3A_908 = arith.constant 48 : index
    %get3A_909 = tpu.vector_load %arg6[%get3A_907, %get3A_908] {strides = array<i32>} : memref<400x128xi32, #tpu.memory_space<vmem>>, vector<1x16xi32>,
    %get3A_910 = vector.shape_cast %get3A_909 : vector<1x16xi32> to vector<16xi32>
    %add3A_911 = arith.addi %get3A_910, %get3A_6 : vector<16xi32>
    %swap3A_912 = arith.constant 9 : i32
    %swap3A_913 = arith.index_cast %swap3A_912 : i32 to index
    %swap3A_914 = arith.constant 48 : index
    %swap3A_915 = tpu.vector_load %arg6[%swap3A_913, %swap3A_914] {strides = array<i32>} : memref<400x128xi32, #tpu.memory_space<vmem>>, vector<1x16xi32>,
    %swap3A_916 = vector.shape_cast %swap3A_915 : vector<1x16xi32> to vector<16xi32>
    %swap3A_917 = vector.shape_cast %add3A_911 : vector<16xi32> to vector<1x16xi32>
    tpu.vector_store %arg6[%swap3A_913, %swap3A_914], %swap3A_917 {strides = array<i32>} : memref<400x128xi32, #tpu.memory_space<vmem>>, vector<1x16xi32>,
    %get3A_918 = arith.constant 9 : i32
    %get3A_919 = arith.index_cast %get3A_918 : i32 to index
    %get3A_920 = arith.constant 64 : index
    %get3A_921 = tpu.vector_load %arg6[%get3A_919, %get3A_920] {strides = array<i32>} : memref<400x128xi32, #tpu.memory_space<vmem>>, vector<1x16xi32>,
    %get3A_922 = vector.shape_cast %get3A_921 : vector<1x16xi32> to vector<16xi32>
    %add3A_923 = arith.addi %get3A_922, %get3A_6 : vector<16xi32>
    %swap3A_924 = arith.constant 9 : i32
    %swap3A_925 = arith.index_cast %swap3A_924 : i32 to index
    %swap3A_926 = arith.constant 64 : index
    %swap3A_927 = tpu.vector_load %arg6[%swap3A_925, %swap3A_926] {strides = array<i32>} : memref<400x128xi32, #tpu.memory_space<vmem>>, vector<1x16xi32>,
    %swap3A_928 = vector.shape_cast %swap3A_927 : vector<1x16xi32> to vector<16xi32>
    %swap3A_929 = vector.shape_cast %add3A_923 : vector<16xi32> to vector<1x16xi32>
    tpu.vector_store %arg6[%swap3A_925, %swap3A_926], %swap3A_929 {strides = array<i32>} : memref<400x128xi32, #tpu.memory_space<vmem>>, vector<1x16xi32>,
    %get3A_930 = arith.constant 9 : i32
    %get3A_931 = arith.index_cast %get3A_930 : i32 to index
    %get3A_932 = arith.constant 80 : index
    %get3A_933 = tpu.vector_load %arg6[%get3A_931, %get3A_932] {strides = array<i32>} : memref<400x128xi32, #tpu.memory_space<vmem>>, vector<1x16xi32>,
    %get3A_934 = vector.shape_cast %get3A_933 : vector<1x16xi32> to vector<16xi32>
    %add3A_935 = arith.addi %get3A_934, %get3A_6 : vector<16xi32>
    %swap3A_936 = arith.constant 9 : i32
    %swap3A_937 = arith.index_cast %swap3A_936 : i32 to index
    %swap3A_938 = arith.constant 80 : index
    %swap3A_939 = tpu.vector_load %arg6[%swap3A_937, %swap3A_938] {strides = array<i32>} : memref<400x128xi32, #tpu.memory_space<vmem>>, vector<1x16xi32>,
    %swap3A_940 = vector.shape_cast %swap3A_939 : vector<1x16xi32> to vector<16xi32>
    %swap3A_941 = vector.shape_cast %add3A_935 : vector<16xi32> to vector<1x16xi32>
    tpu.vector_store %arg6[%swap3A_937, %swap3A_938], %swap3A_941 {strides = array<i32>} : memref<400x128xi32, #tpu.memory_space<vmem>>, vector<1x16xi32>,
    %get3A_942 = arith.constant 9 : i32
    %get3A_943 = arith.index_cast %get3A_942 : i32 to index
    %get3A_944 = arith.constant 96 : index
    %get3A_945 = tpu.vector_load %arg6[%get3A_943, %get3A_944] {strides = array<i32>} : memref<400x128xi32, #tpu.memory_space<vmem>>, vector<1x16xi32>,
    %get3A_946 = vector.shape_cast %get3A_945 : vector<1x16xi32> to vector<16xi32>
    %add3A_947 = arith.addi %get3A_946, %get3A_6 : vector<16xi32>
    %swap3A_948 = arith.constant 9 : i32
    %swap3A_949 = arith.index_cast %swap3A_948 : i32 to index
    %swap3A_950 = arith.constant 96 : index
    %swap3A_951 = tpu.vector_load %arg6[%swap3A_949, %swap3A_950] {strides = array<i32>} : memref<400x128xi32, #tpu.memory_space<vmem>>, vector<1x16xi32>,
    %swap3A_952 = vector.shape_cast %swap3A_951 : vector<1x16xi32> to vector<16xi32>
    %swap3A_953 = vector.shape_cast %add3A_947 : vector<16xi32> to vector<1x16xi32>
    tpu.vector_store %arg6[%swap3A_949, %swap3A_950], %swap3A_953 {strides = array<i32>} : memref<400x128xi32, #tpu.memory_space<vmem>>, vector<1x16xi32>,
    %get3A_954 = arith.constant 9 : i32
    %get3A_955 = arith.index_cast %get3A_954 : i32 to index
    %get3A_956 = arith.constant 112 : index
    %get3A_957 = tpu.vector_load %arg6[%get3A_955, %get3A_956] {strides = array<i32>} : memref<400x128xi32, #tpu.memory_space<vmem>>, vector<1x16xi32>,
    %get3A_958 = vector.shape_cast %get3A_957 : vector<1x16xi32> to vector<16xi32>
    %add3A_959 = arith.addi %get3A_958, %get3A_6 : vector<16xi32>
    %swap3A_960 = arith.constant 9 : i32
    %swap3A_961 = arith.index_cast %swap3A_960 : i32 to index
    %swap3A_962 = arith.constant 112 : index
    %swap3A_963 = tpu.vector_load %arg6[%swap3A_961, %swap3A_962] {strides = array<i32>} : memref<400x128xi32, #tpu.memory_space<vmem>>, vector<1x16xi32>,
    %swap3A_964 = vector.shape_cast %swap3A_963 : vector<1x16xi32> to vector<16xi32>
    %swap3A_965 = vector.shape_cast %add3A_959 : vector<16xi32> to vector<1x16xi32>
    tpu.vector_store %arg6[%swap3A_961, %swap3A_962], %swap3A_965 {strides = array<i32>} : memref<400x128xi32, #tpu.memory_space<vmem>>, vector<1x16xi32>,
    %get3A_966 = arith.constant 10 : i32
    %get3A_967 = arith.index_cast %get3A_966 : i32 to index
    %get3A_968 = arith.constant 0 : index
    %get3A_969 = tpu.vector_load %arg6[%get3A_967, %get3A_968] {strides = array<i32>} : memref<400x128xi32, #tpu.memory_space<vmem>>, vector<1x16xi32>,
    %get3A_970 = vector.shape_cast %get3A_969 : vector<1x16xi32> to vector<16xi32>
    %add3A_971 = arith.addi %get3A_970, %get3A_6 : vector<16xi32>
    %swap3A_972 = arith.constant 10 : i32
    %swap3A_973 = arith.index_cast %swap3A_972 : i32 to index
    %swap3A_974 = arith.constant 0 : index
    %swap3A_975 = tpu.vector_load %arg6[%swap3A_973, %swap3A_974] {strides = array<i32>} : memref<400x128xi32, #tpu.memory_space<vmem>>, vector<1x16xi32>,
    %swap3A_976 = vector.shape_cast %swap3A_975 : vector<1x16xi32> to vector<16xi32>
    %swap3A_977 = vector.shape_cast %add3A_971 : vector<16xi32> to vector<1x16xi32>
    tpu.vector_store %arg6[%swap3A_973, %swap3A_974], %swap3A_977 {strides = array<i32>} : memref<400x128xi32, #tpu.memory_space<vmem>>, vector<1x16xi32>,
    %get3A_978 = arith.constant 10 : i32
    %get3A_979 = arith.index_cast %get3A_978 : i32 to index
    %get3A_980 = arith.constant 16 : index
    %get3A_981 = tpu.vector_load %arg6[%get3A_979, %get3A_980] {strides = array<i32>} : memref<400x128xi32, #tpu.memory_space<vmem>>, vector<1x16xi32>,
    %get3A_982 = vector.shape_cast %get3A_981 : vector<1x16xi32> to vector<16xi32>
    %add3A_983 = arith.addi %get3A_982, %get3A_6 : vector<16xi32>
    %swap3A_984 = arith.constant 10 : i32
    %swap3A_985 = arith.index_cast %swap3A_984 : i32 to index
    %swap3A_986 = arith.constant 16 : index
    %swap3A_987 = tpu.vector_load %arg6[%swap3A_985, %swap3A_986] {strides = array<i32>} : memref<400x128xi32, #tpu.memory_space<vmem>>, vector<1x16xi32>,
    %swap3A_988 = vector.shape_cast %swap3A_987 : vector<1x16xi32> to vector<16xi32>
    %swap3A_989 = vector.shape_cast %add3A_983 : vector<16xi32> to vector<1x16xi32>
    tpu.vector_store %arg6[%swap3A_985, %swap3A_986], %swap3A_989 {strides = array<i32>} : memref<400x128xi32, #tpu.memory_space<vmem>>, vector<1x16xi32>,
    %get3A_990 = arith.constant 10 : i32
    %get3A_991 = arith.index_cast %get3A_990 : i32 to index
    %get3A_992 = arith.constant 32 : index
    %get3A_993 = tpu.vector_load %arg6[%get3A_991, %get3A_992] {strides = array<i32>} : memref<400x128xi32, #tpu.memory_space<vmem>>, vector<1x16xi32>,
    %get3A_994 = vector.shape_cast %get3A_993 : vector<1x16xi32> to vector<16xi32>
    %add3A_995 = arith.addi %get3A_994, %get3A_6 : vector<16xi32>
    %swap3A_996 = arith.constant 10 : i32
    %swap3A_997 = arith.index_cast %swap3A_996 : i32 to index
    %swap3A_998 = arith.constant 32 : index
    %swap3A_999 = tpu.vector_load %arg6[%swap3A_997, %swap3A_998] {strides = array<i32>} : memref<400x128xi32, #tpu.memory_space<vmem>>, vector<1x16xi32>,
    %swap3A_1000 = vector.shape_cast %swap3A_999 : vector<1x16xi32> to vector<16xi32>
    %swap3A_1001 = vector.shape_cast %add3A_995 : vector<16xi32> to vector<1x16xi32>
    tpu.vector_store %arg6[%swap3A_997, %swap3A_998], %swap3A_1001 {strides = array<i32>} : memref<400x128xi32, #tpu.memory_space<vmem>>, vector<1x16xi32>,
    %get3A_1002 = arith.constant 10 : i32
    %get3A_1003 = arith.index_cast %get3A_1002 : i32 to index
    %get3A_1004 = arith.constant 48 : index
    %get3A_1005 = tpu.vector_load %arg6[%get3A_1003, %get3A_1004] {strides = array<i32>} : memref<400x128xi32, #tpu.memory_space<vmem>>, vector<1x16xi32>,
    %get3A_1006 = vector.shape_cast %get3A_1005 : vector<1x16xi32> to vector<16xi32>
    %add3A_1007 = arith.addi %get3A_1006, %get3A_6 : vector<16xi32>
    %swap3A_1008 = arith.constant 10 : i32
    %swap3A_1009 = arith.index_cast %swap3A_1008 : i32 to index
    %swap3A_1010 = arith.constant 48 : index
    %swap3A_1011 = tpu.vector_load %arg6[%swap3A_1009, %swap3A_1010] {strides = array<i32>} : memref<400x128xi32, #tpu.memory_space<vmem>>, vector<1x16xi32>,
    %swap3A_1012 = vector.shape_cast %swap3A_1011 : vector<1x16xi32> to vector<16xi32>
    %swap3A_1013 = vector.shape_cast %add3A_1007 : vector<16xi32> to vector<1x16xi32>
    tpu.vector_store %arg6[%swap3A_1009, %swap3A_1010], %swap3A_1013 {strides = array<i32>} : memref<400x128xi32, #tpu.memory_space<vmem>>, vector<1x16xi32>,
    %get3A_1014 = arith.constant 10 : i32
    %get3A_1015 = arith.index_cast %get3A_1014 : i32 to index
    %get3A_1016 = arith.constant 64 : index
    %get3A_1017 = tpu.vector_load %arg6[%get3A_1015, %get3A_1016] {strides = array<i32>} : memref<400x128xi32, #tpu.memory_space<vmem>>, vector<1x16xi32>,
    %get3A_1018 = vector.shape_cast %get3A_1017 : vector<1x16xi32> to vector<16xi32>
    %add3A_1019 = arith.addi %get3A_1018, %get3A_6 : vector<16xi32>
    %swap3A_1020 = arith.constant 10 : i32
    %swap3A_1021 = arith.index_cast %swap3A_1020 : i32 to index
    %swap3A_1022 = arith.constant 64 : index
    %swap3A_1023 = tpu.vector_load %arg6[%swap3A_1021, %swap3A_1022] {strides = array<i32>} : memref<400x128xi32, #tpu.memory_space<vmem>>, vector<1x16xi32>,
    %swap3A_1024 = vector.shape_cast %swap3A_1023 : vector<1x16xi32> to vector<16xi32>
    %swap3A_1025 = vector.shape_cast %add3A_1019 : vector<16xi32> to vector<1x16xi32>
    tpu.vector_store %arg6[%swap3A_1021, %swap3A_1022], %swap3A_1025 {strides = array<i32>} : memref<400x128xi32, #tpu.memory_space<vmem>>, vector<1x16xi32>,
    %get3A_1026 = arith.constant 10 : i32
    %get3A_1027 = arith.index_cast %get3A_1026 : i32 to index
    %get3A_1028 = arith.constant 80 : index
    %get3A_1029 = tpu.vector_load %arg6[%get3A_1027, %get3A_1028] {strides = array<i32>} : memref<400x128xi32, #tpu.memory_space<vmem>>, vector<1x16xi32>,
    %get3A_1030 = vector.shape_cast %get3A_1029 : vector<1x16xi32> to vector<16xi32>
    %add3A_1031 = arith.addi %get3A_1030, %get3A_6 : vector<16xi32>
    %swap3A_1032 = arith.constant 10 : i32
    %swap3A_1033 = arith.index_cast %swap3A_1032 : i32 to index
    %swap3A_1034 = arith.constant 80 : index
    %swap3A_1035 = tpu.vector_load %arg6[%swap3A_1033, %swap3A_1034] {strides = array<i32>} : memref<400x128xi32, #tpu.memory_space<vmem>>, vector<1x16xi32>,
    %swap3A_1036 = vector.shape_cast %swap3A_1035 : vector<1x16xi32> to vector<16xi32>
    %swap3A_1037 = vector.shape_cast %add3A_1031 : vector<16xi32> to vector<1x16xi32>
    tpu.vector_store %arg6[%swap3A_1033, %swap3A_1034], %swap3A_1037 {strides = array<i32>} : memref<400x128xi32, #tpu.memory_space<vmem>>, vector<1x16xi32>,
    %get3A_1038 = arith.constant 10 : i32
    %get3A_1039 = arith.index_cast %get3A_1038 : i32 to index
    %get3A_1040 = arith.constant 96 : index
    %get3A_1041 = tpu.vector_load %arg6[%get3A_1039, %get3A_1040] {strides = array<i32>} : memref<400x128xi32, #tpu.memory_space<vmem>>, vector<1x16xi32>,
    %get3A_1042 = vector.shape_cast %get3A_1041 : vector<1x16xi32> to vector<16xi32>
    %add3A_1043 = arith.addi %get3A_1042, %get3A_6 : vector<16xi32>
    %swap3A_1044 = arith.constant 10 : i32
    %swap3A_1045 = arith.index_cast %swap3A_1044 : i32 to index
    %swap3A_1046 = arith.constant 96 : index
    %swap3A_1047 = tpu.vector_load %arg6[%swap3A_1045, %swap3A_1046] {strides = array<i32>} : memref<400x128xi32, #tpu.memory_space<vmem>>, vector<1x16xi32>,
    %swap3A_1048 = vector.shape_cast %swap3A_1047 : vector<1x16xi32> to vector<16xi32>
    %swap3A_1049 = vector.shape_cast %add3A_1043 : vector<16xi32> to vector<1x16xi32>
    tpu.vector_store %arg6[%swap3A_1045, %swap3A_1046], %swap3A_1049 {strides = array<i32>} : memref<400x128xi32, #tpu.memory_space<vmem>>, vector<1x16xi32>,
    %get3A_1050 = arith.constant 10 : i32
    %get3A_1051 = arith.index_cast %get3A_1050 : i32 to index
    %get3A_1052 = arith.constant 112 : index
    %get3A_1053 = tpu.vector_load %arg6[%get3A_1051, %get3A_1052] {strides = array<i32>} : memref<400x128xi32, #tpu.memory_space<vmem>>, vector<1x16xi32>,
    %get3A_1054 = vector.shape_cast %get3A_1053 : vector<1x16xi32> to vector<16xi32>
    %add3A_1055 = arith.addi %get3A_1054, %get3A_6 : vector<16xi32>
    %swap3A_1056 = arith.constant 10 : i32
    %swap3A_1057 = arith.index_cast %swap3A_1056 : i32 to index
    %swap3A_1058 = arith.constant 112 : index
    %swap3A_1059 = tpu.vector_load %arg6[%swap3A_1057, %swap3A_1058] {strides = array<i32>} : memref<400x128xi32, #tpu.memory_space<vmem>>, vector<1x16xi32>,
    %swap3A_1060 = vector.shape_cast %swap3A_1059 : vector<1x16xi32> to vector<16xi32>
    %swap3A_1061 = vector.shape_cast %add3A_1055 : vector<16xi32> to vector<1x16xi32>
    tpu.vector_store %arg6[%swap3A_1057, %swap3A_1058], %swap3A_1061 {strides = array<i32>} : memref<400x128xi32, #tpu.memory_space<vmem>>, vector<1x16xi32>,
    %get3A_1062 = arith.constant 11 : i32
    %get3A_1063 = arith.index_cast %get3A_1062 : i32 to index
    %get3A_1064 = arith.constant 0 : index
    %get3A_1065 = tpu.vector_load %arg6[%get3A_1063, %get3A_1064] {strides = array<i32>} : memref<400x128xi32, #tpu.memory_space<vmem>>, vector<1x16xi32>,
    %get3A_1066 = vector.shape_cast %get3A_1065 : vector<1x16xi32> to vector<16xi32>
    %add3A_1067 = arith.addi %get3A_1066, %get3A_6 : vector<16xi32>
    %swap3A_1068 = arith.constant 11 : i32
    %swap3A_1069 = arith.index_cast %swap3A_1068 : i32 to index
    %swap3A_1070 = arith.constant 0 : index
    %swap3A_1071 = tpu.vector_load %arg6[%swap3A_1069, %swap3A_1070] {strides = array<i32>} : memref<400x128xi32, #tpu.memory_space<vmem>>, vector<1x16xi32>,
    %swap3A_1072 = vector.shape_cast %swap3A_1071 : vector<1x16xi32> to vector<16xi32>
    %swap3A_1073 = vector.shape_cast %add3A_1067 : vector<16xi32> to vector<1x16xi32>
    tpu.vector_store %arg6[%swap3A_1069, %swap3A_1070], %swap3A_1073 {strides = array<i32>} : memref<400x128xi32, #tpu.memory_space<vmem>>, vector<1x16xi32>,
    %get3A_1074 = arith.constant 11 : i32
    %get3A_1075 = arith.index_cast %get3A_1074 : i32 to index
    %get3A_1076 = arith.constant 16 : index
    %get3A_1077 = tpu.vector_load %arg6[%get3A_1075, %get3A_1076] {strides = array<i32>} : memref<400x128xi32, #tpu.memory_space<vmem>>, vector<1x16xi32>,
    %get3A_1078 = vector.shape_cast %get3A_1077 : vector<1x16xi32> to vector<16xi32>
    %add3A_1079 = arith.addi %get3A_1078, %get3A_6 : vector<16xi32>
    %swap3A_1080 = arith.constant 11 : i32
    %swap3A_1081 = arith.index_cast %swap3A_1080 : i32 to index
    %swap3A_1082 = arith.constant 16 : index
    %swap3A_1083 = tpu.vector_load %arg6[%swap3A_1081, %swap3A_1082] {strides = array<i32>} : memref<400x128xi32, #tpu.memory_space<vmem>>, vector<1x16xi32>,
    %swap3A_1084 = vector.shape_cast %swap3A_1083 : vector<1x16xi32> to vector<16xi32>
    %swap3A_1085 = vector.shape_cast %add3A_1079 : vector<16xi32> to vector<1x16xi32>
    tpu.vector_store %arg6[%swap3A_1081, %swap3A_1082], %swap3A_1085 {strides = array<i32>} : memref<400x128xi32, #tpu.memory_space<vmem>>, vector<1x16xi32>,
    %get3A_1086 = arith.constant 11 : i32
    %get3A_1087 = arith.index_cast %get3A_1086 : i32 to index
    %get3A_1088 = arith.constant 32 : index
    %get3A_1089 = tpu.vector_load %arg6[%get3A_1087, %get3A_1088] {strides = array<i32>} : memref<400x128xi32, #tpu.memory_space<vmem>>, vector<1x16xi32>,
    %get3A_1090 = vector.shape_cast %get3A_1089 : vector<1x16xi32> to vector<16xi32>
    %add3A_1091 = arith.addi %get3A_1090, %get3A_6 : vector<16xi32>
    %swap3A_1092 = arith.constant 11 : i32
    %swap3A_1093 = arith.index_cast %swap3A_1092 : i32 to index
    %swap3A_1094 = arith.constant 32 : index
    %swap3A_1095 = tpu.vector_load %arg6[%swap3A_1093, %swap3A_1094] {strides = array<i32>} : memref<400x128xi32, #tpu.memory_space<vmem>>, vector<1x16xi32>,
    %swap3A_1096 = vector.shape_cast %swap3A_1095 : vector<1x16xi32> to vector<16xi32>
    %swap3A_1097 = vector.shape_cast %add3A_1091 : vector<16xi32> to vector<1x16xi32>
    tpu.vector_store %arg6[%swap3A_1093, %swap3A_1094], %swap3A_1097 {strides = array<i32>} : memref<400x128xi32, #tpu.memory_space<vmem>>, vector<1x16xi32>,
    %get3A_1098 = arith.constant 11 : i32
    %get3A_1099 = arith.index_cast %get3A_1098 : i32 to index
    %get3A_1100 = arith.constant 48 : index
    %get3A_1101 = tpu.vector_load %arg6[%get3A_1099, %get3A_1100] {strides = array<i32>} : memref<400x128xi32, #tpu.memory_space<vmem>>, vector<1x16xi32>,
    %get3A_1102 = vector.shape_cast %get3A_1101 : vector<1x16xi32> to vector<16xi32>
    %add3A_1103 = arith.addi %get3A_1102, %get3A_6 : vector<16xi32>
    %swap3A_1104 = arith.constant 11 : i32
    %swap3A_1105 = arith.index_cast %swap3A_1104 : i32 to index
    %swap3A_1106 = arith.constant 48 : index
    %swap3A_1107 = tpu.vector_load %arg6[%swap3A_1105, %swap3A_1106] {strides = array<i32>} : memref<400x128xi32, #tpu.memory_space<vmem>>, vector<1x16xi32>,
    %swap3A_1108 = vector.shape_cast %swap3A_1107 : vector<1x16xi32> to vector<16xi32>
    %swap3A_1109 = vector.shape_cast %add3A_1103 : vector<16xi32> to vector<1x16xi32>
    tpu.vector_store %arg6[%swap3A_1105, %swap3A_1106], %swap3A_1109 {strides = array<i32>} : memref<400x128xi32, #tpu.memory_space<vmem>>, vector<1x16xi32>,
    %get3A_1110 = arith.constant 11 : i32
    %get3A_1111 = arith.index_cast %get3A_1110 : i32 to index
    %get3A_1112 = arith.constant 64 : index
    %get3A_1113 = tpu.vector_load %arg6[%get3A_1111, %get3A_1112] {strides = array<i32>} : memref<400x128xi32, #tpu.memory_space<vmem>>, vector<1x16xi32>,
    %get3A_1114 = vector.shape_cast %get3A_1113 : vector<1x16xi32> to vector<16xi32>
    %add3A_1115 = arith.addi %get3A_1114, %get3A_6 : vector<16xi32>
    %swap3A_1116 = arith.constant 11 : i32
    %swap3A_1117 = arith.index_cast %swap3A_1116 : i32 to index
    %swap3A_1118 = arith.constant 64 : index
    %swap3A_1119 = tpu.vector_load %arg6[%swap3A_1117, %swap3A_1118] {strides = array<i32>} : memref<400x128xi32, #tpu.memory_space<vmem>>, vector<1x16xi32>,
    %swap3A_1120 = vector.shape_cast %swap3A_1119 : vector<1x16xi32> to vector<16xi32>
    %swap3A_1121 = vector.shape_cast %add3A_1115 : vector<16xi32> to vector<1x16xi32>
    tpu.vector_store %arg6[%swap3A_1117, %swap3A_1118], %swap3A_1121 {strides = array<i32>} : memref<400x128xi32, #tpu.memory_space<vmem>>, vector<1x16xi32>,
    %get3A_1122 = arith.constant 11 : i32
    %get3A_1123 = arith.index_cast %get3A_1122 : i32 to index
    %get3A_1124 = arith.constant 80 : index
    %get3A_1125 = tpu.vector_load %arg6[%get3A_1123, %get3A_1124] {strides = array<i32>} : memref<400x128xi32, #tpu.memory_space<vmem>>, vector<1x16xi32>,
    %get3A_1126 = vector.shape_cast %get3A_1125 : vector<1x16xi32> to vector<16xi32>
    %add3A_1127 = arith.addi %get3A_1126, %get3A_6 : vector<16xi32>
    %swap3A_1128 = arith.constant 11 : i32
    %swap3A_1129 = arith.index_cast %swap3A_1128 : i32 to index
    %swap3A_1130 = arith.constant 80 : index
    %swap3A_1131 = tpu.vector_load %arg6[%swap3A_1129, %swap3A_1130] {strides = array<i32>} : memref<400x128xi32, #tpu.memory_space<vmem>>, vector<1x16xi32>,
    %swap3A_1132 = vector.shape_cast %swap3A_1131 : vector<1x16xi32> to vector<16xi32>
    %swap3A_1133 = vector.shape_cast %add3A_1127 : vector<16xi32> to vector<1x16xi32>
    tpu.vector_store %arg6[%swap3A_1129, %swap3A_1130], %swap3A_1133 {strides = array<i32>} : memref<400x128xi32, #tpu.memory_space<vmem>>, vector<1x16xi32>,
    %get3A_1134 = arith.constant 11 : i32
    %get3A_1135 = arith.index_cast %get3A_1134 : i32 to index
    %get3A_1136 = arith.constant 96 : index
    %get3A_1137 = tpu.vector_load %arg6[%get3A_1135, %get3A_1136] {strides = array<i32>} : memref<400x128xi32, #tpu.memory_space<vmem>>, vector<1x16xi32>,
    %get3A_1138 = vector.shape_cast %get3A_1137 : vector<1x16xi32> to vector<16xi32>
    %add3A_1139 = arith.addi %get3A_1138, %get3A_6 : vector<16xi32>
    %swap3A_1140 = arith.constant 11 : i32
    %swap3A_1141 = arith.index_cast %swap3A_1140 : i32 to index
    %swap3A_1142 = arith.constant 96 : index
    %swap3A_1143 = tpu.vector_load %arg6[%swap3A_1141, %swap3A_1142] {strides = array<i32>} : memref<400x128xi32, #tpu.memory_space<vmem>>, vector<1x16xi32>,
    %swap3A_1144 = vector.shape_cast %swap3A_1143 : vector<1x16xi32> to vector<16xi32>
    %swap3A_1145 = vector.shape_cast %add3A_1139 : vector<16xi32> to vector<1x16xi32>
    tpu.vector_store %arg6[%swap3A_1141, %swap3A_1142], %swap3A_1145 {strides = array<i32>} : memref<400x128xi32, #tpu.memory_space<vmem>>, vector<1x16xi32>,
    %get3A_1146 = arith.constant 11 : i32
    %get3A_1147 = arith.index_cast %get3A_1146 : i32 to index
    %get3A_1148 = arith.constant 112 : index
    %get3A_1149 = tpu.vector_load %arg6[%get3A_1147, %get3A_1148] {strides = array<i32>} : memref<400x128xi32, #tpu.memory_space<vmem>>, vector<1x16xi32>,
    %get3A_1150 = vector.shape_cast %get3A_1149 : vector<1x16xi32> to vector<16xi32>
    %add3A_1151 = arith.addi %get3A_1150, %get3A_6 : vector<16xi32>
    %swap3A_1152 = arith.constant 11 : i32
    %swap3A_1153 = arith.index_cast %swap3A_1152 : i32 to index
    %swap3A_1154 = arith.constant 112 : index
    %swap3A_1155 = tpu.vector_load %arg6[%swap3A_1153, %swap3A_1154] {strides = array<i32>} : memref<400x128xi32, #tpu.memory_space<vmem>>, vector<1x16xi32>,
    %swap3A_1156 = vector.shape_cast %swap3A_1155 : vector<1x16xi32> to vector<16xi32>
    %swap3A_1157 = vector.shape_cast %add3A_1151 : vector<16xi32> to vector<1x16xi32>
    tpu.vector_store %arg6[%swap3A_1153, %swap3A_1154], %swap3A_1157 {strides = array<i32>} : memref<400x128xi32, #tpu.memory_space<vmem>>, vector<1x16xi32>,
    %get3A_1158 = arith.constant 12 : i32
    %get3A_1159 = arith.index_cast %get3A_1158 : i32 to index
    %get3A_1160 = arith.constant 0 : index
    %get3A_1161 = tpu.vector_load %arg6[%get3A_1159, %get3A_1160] {strides = array<i32>} : memref<400x128xi32, #tpu.memory_space<vmem>>, vector<1x16xi32>,
    %get3A_1162 = vector.shape_cast %get3A_1161 : vector<1x16xi32> to vector<16xi32>
    %add3A_1163 = arith.addi %get3A_1162, %get3A_6 : vector<16xi32>
    %swap3A_1164 = arith.constant 12 : i32
    %swap3A_1165 = arith.index_cast %swap3A_1164 : i32 to index
    %swap3A_1166 = arith.constant 0 : index
    %swap3A_1167 = tpu.vector_load %arg6[%swap3A_1165, %swap3A_1166] {strides = array<i32>} : memref<400x128xi32, #tpu.memory_space<vmem>>, vector<1x16xi32>,
    %swap3A_1168 = vector.shape_cast %swap3A_1167 : vector<1x16xi32> to vector<16xi32>
    %swap3A_1169 = vector.shape_cast %add3A_1163 : vector<16xi32> to vector<1x16xi32>
    tpu.vector_store %arg6[%swap3A_1165, %swap3A_1166], %swap3A_1169 {strides = array<i32>} : memref<400x128xi32, #tpu.memory_space<vmem>>, vector<1x16xi32>,
    %get3A_1170 = arith.constant 12 : i32
    %get3A_1171 = arith.index_cast %get3A_1170 : i32 to index
    %get3A_1172 = arith.constant 16 : index
    %get3A_1173 = tpu.vector_load %arg6[%get3A_1171, %get3A_1172] {strides = array<i32>} : memref<400x128xi32, #tpu.memory_space<vmem>>, vector<1x16xi32>,
    %get3A_1174 = vector.shape_cast %get3A_1173 : vector<1x16xi32> to vector<16xi32>
    %add3A_1175 = arith.addi %get3A_1174, %get3A_6 : vector<16xi32>
    %swap3A_1176 = arith.constant 12 : i32
    %swap3A_1177 = arith.index_cast %swap3A_1176 : i32 to index
    %swap3A_1178 = arith.constant 16 : index
    %swap3A_1179 = tpu.vector_load %arg6[%swap3A_1177, %swap3A_1178] {strides = array<i32>} : memref<400x128xi32, #tpu.memory_space<vmem>>, vector<1x16xi32>,
    %swap3A_1180 = vector.shape_cast %swap3A_1179 : vector<1x16xi32> to vector<16xi32>
    %swap3A_1181 = vector.shape_cast %add3A_1175 : vector<16xi32> to vector<1x16xi32>
    tpu.vector_store %arg6[%swap3A_1177, %swap3A_1178], %swap3A_1181 {strides = array<i32>} : memref<400x128xi32, #tpu.memory_space<vmem>>, vector<1x16xi32>,
    %get3A_1182 = arith.constant 12 : i32
    %get3A_1183 = arith.index_cast %get3A_1182 : i32 to index
    %get3A_1184 = arith.constant 32 : index
    %get3A_1185 = tpu.vector_load %arg6[%get3A_1183, %get3A_1184] {strides = array<i32>} : memref<400x128xi32, #tpu.memory_space<vmem>>, vector<1x16xi32>,
    %get3A_1186 = vector.shape_cast %get3A_1185 : vector<1x16xi32> to vector<16xi32>
    %add3A_1187 = arith.addi %get3A_1186, %get3A_6 : vector<16xi32>
    %swap3A_1188 = arith.constant 12 : i32
    %swap3A_1189 = arith.index_cast %swap3A_1188 : i32 to index
    %swap3A_1190 = arith.constant 32 : index
    %swap3A_1191 = tpu.vector_load %arg6[%swap3A_1189, %swap3A_1190] {strides = array<i32>} : memref<400x128xi32, #tpu.memory_space<vmem>>, vector<1x16xi32>,
    %swap3A_1192 = vector.shape_cast %swap3A_1191 : vector<1x16xi32> to vector<16xi32>
    %swap3A_1193 = vector.shape_cast %add3A_1187 : vector<16xi32> to vector<1x16xi32>
    tpu.vector_store %arg6[%swap3A_1189, %swap3A_1190], %swap3A_1193 {strides = array<i32>} : memref<400x128xi32, #tpu.memory_space<vmem>>, vector<1x16xi32>,
    %get3A_1194 = arith.constant 12 : i32
    %get3A_1195 = arith.index_cast %get3A_1194 : i32 to index
    %get3A_1196 = arith.constant 48 : index
    %get3A_1197 = tpu.vector_load %arg6[%get3A_1195, %get3A_1196] {strides = array<i32>} : memref<400x128xi32, #tpu.memory_space<vmem>>, vector<1x16xi32>,
    %get3A_1198 = vector.shape_cast %get3A_1197 : vector<1x16xi32> to vector<16xi32>
    %add3A_1199 = arith.addi %get3A_1198, %get3A_6 : vector<16xi32>
    %swap3A_1200 = arith.constant 12 : i32
    %swap3A_1201 = arith.index_cast %swap3A_1200 : i32 to index
    %swap3A_1202 = arith.constant 48 : index
    %swap3A_1203 = tpu.vector_load %arg6[%swap3A_1201, %swap3A_1202] {strides = array<i32>} : memref<400x128xi32, #tpu.memory_space<vmem>>, vector<1x16xi32>,
    %swap3A_1204 = vector.shape_cast %swap3A_1203 : vector<1x16xi32> to vector<16xi32>
    %swap3A_1205 = vector.shape_cast %add3A_1199 : vector<16xi32> to vector<1x16xi32>
    tpu.vector_store %arg6[%swap3A_1201, %swap3A_1202], %swap3A_1205 {strides = array<i32>} : memref<400x128xi32, #tpu.memory_space<vmem>>, vector<1x16xi32>,
    %get3A_1206 = arith.constant 12 : i32
    %get3A_1207 = arith.index_cast %get3A_1206 : i32 to index
    %get3A_1208 = arith.constant 64 : index
    %get3A_1209 = tpu.vector_load %arg6[%get3A_1207, %get3A_1208] {strides = array<i32>} : memref<400x128xi32, #tpu.memory_space<vmem>>, vector<1x16xi32>,
    %get3A_1210 = vector.shape_cast %get3A_1209 : vector<1x16xi32> to vector<16xi32>
    %add3A_1211 = arith.addi %get3A_1210, %get3A_6 : vector<16xi32>
    %swap3A_1212 = arith.constant 12 : i32
    %swap3A_1213 = arith.index_cast %swap3A_1212 : i32 to index
    %swap3A_1214 = arith.constant 64 : index
    %swap3A_1215 = tpu.vector_load %arg6[%swap3A_1213, %swap3A_1214] {strides = array<i32>} : memref<400x128xi32, #tpu.memory_space<vmem>>, vector<1x16xi32>,
    %swap3A_1216 = vector.shape_cast %swap3A_1215 : vector<1x16xi32> to vector<16xi32>
    %swap3A_1217 = vector.shape_cast %add3A_1211 : vector<16xi32> to vector<1x16xi32>
    tpu.vector_store %arg6[%swap3A_1213, %swap3A_1214], %swap3A_1217 {strides = array<i32>} : memref<400x128xi32, #tpu.memory_space<vmem>>, vector<1x16xi32>,
    %get3A_1218 = arith.constant 12 : i32
    %get3A_1219 = arith.index_cast %get3A_1218 : i32 to index
    %get3A_1220 = arith.constant 80 : index
    %get3A_1221 = tpu.vector_load %arg6[%get3A_1219, %get3A_1220] {strides = array<i32>} : memref<400x128xi32, #tpu.memory_space<vmem>>, vector<1x16xi32>,
    %get3A_1222 = vector.shape_cast %get3A_1221 : vector<1x16xi32> to vector<16xi32>
    %add3A_1223 = arith.addi %get3A_1222, %get3A_6 : vector<16xi32>
    %swap3A_1224 = arith.constant 12 : i32
    %swap3A_1225 = arith.index_cast %swap3A_1224 : i32 to index
    %swap3A_1226 = arith.constant 80 : index
    %swap3A_1227 = tpu.vector_load %arg6[%swap3A_1225, %swap3A_1226] {strides = array<i32>} : memref<400x128xi32, #tpu.memory_space<vmem>>, vector<1x16xi32>,
    %swap3A_1228 = vector.shape_cast %swap3A_1227 : vector<1x16xi32> to vector<16xi32>
    %swap3A_1229 = vector.shape_cast %add3A_1223 : vector<16xi32> to vector<1x16xi32>
    tpu.vector_store %arg6[%swap3A_1225, %swap3A_1226], %swap3A_1229 {strides = array<i32>} : memref<400x128xi32, #tpu.memory_space<vmem>>, vector<1x16xi32>,
    %get3A_1230 = arith.constant 12 : i32
    %get3A_1231 = arith.index_cast %get3A_1230 : i32 to index
    %get3A_1232 = arith.constant 96 : index
    %get3A_1233 = tpu.vector_load %arg6[%get3A_1231, %get3A_1232] {strides = array<i32>} : memref<400x128xi32, #tpu.memory_space<vmem>>, vector<1x16xi32>,
    %get3A_1234 = vector.shape_cast %get3A_1233 : vector<1x16xi32> to vector<16xi32>
    %add3A_1235 = arith.addi %get3A_1234, %get3A_6 : vector<16xi32>
    %swap3A_1236 = arith.constant 12 : i32
    %swap3A_1237 = arith.index_cast %swap3A_1236 : i32 to index
    %swap3A_1238 = arith.constant 96 : index
    %swap3A_1239 = tpu.vector_load %arg6[%swap3A_1237, %swap3A_1238] {strides = array<i32>} : memref<400x128xi32, #tpu.memory_space<vmem>>, vector<1x16xi32>,
    %swap3A_1240 = vector.shape_cast %swap3A_1239 : vector<1x16xi32> to vector<16xi32>
    %swap3A_1241 = vector.shape_cast %add3A_1235 : vector<16xi32> to vector<1x16xi32>
    tpu.vector_store %arg6[%swap3A_1237, %swap3A_1238], %swap3A_1241 {strides = array<i32>} : memref<400x128xi32, #tpu.memory_space<vmem>>, vector<1x16xi32>,
    %get3A_1242 = arith.constant 12 : i32
    %get3A_1243 = arith.index_cast %get3A_1242 : i32 to index
    %get3A_1244 = arith.constant 112 : index
    %get3A_1245 = tpu.vector_load %arg6[%get3A_1243, %get3A_1244] {strides = array<i32>} : memref<400x128xi32, #tpu.memory_space<vmem>>, vector<1x16xi32>,
    %get3A_1246 = vector.shape_cast %get3A_1245 : vector<1x16xi32> to vector<16xi32>
    %add3A_1247 = arith.addi %get3A_1246, %get3A_6 : vector<16xi32>
    %swap3A_1248 = arith.constant 12 : i32
    %swap3A_1249 = arith.index_cast %swap3A_1248 : i32 to index
    %swap3A_1250 = arith.constant 112 : index
    %swap3A_1251 = tpu.vector_load %arg6[%swap3A_1249, %swap3A_1250] {strides = array<i32>} : memref<400x128xi32, #tpu.memory_space<vmem>>, vector<1x16xi32>,
    %swap3A_1252 = vector.shape_cast %swap3A_1251 : vector<1x16xi32> to vector<16xi32>
    %swap3A_1253 = vector.shape_cast %add3A_1247 : vector<16xi32> to vector<1x16xi32>
    tpu.vector_store %arg6[%swap3A_1249, %swap3A_1250], %swap3A_1253 {strides = array<i32>} : memref<400x128xi32, #tpu.memory_space<vmem>>, vector<1x16xi32>,
    %get3A_1254 = arith.constant 13 : i32
    %get3A_1255 = arith.index_cast %get3A_1254 : i32 to index
    %get3A_1256 = arith.constant 0 : index
    %get3A_1257 = tpu.vector_load %arg6[%get3A_1255, %get3A_1256] {strides = array<i32>} : memref<400x128xi32, #tpu.memory_space<vmem>>, vector<1x16xi32>,
    %get3A_1258 = vector.shape_cast %get3A_1257 : vector<1x16xi32> to vector<16xi32>
    %add3A_1259 = arith.addi %get3A_1258, %get3A_6 : vector<16xi32>
    %swap3A_1260 = arith.constant 13 : i32
    %swap3A_1261 = arith.index_cast %swap3A_1260 : i32 to index
    %swap3A_1262 = arith.constant 0 : index
    %swap3A_1263 = tpu.vector_load %arg6[%swap3A_1261, %swap3A_1262] {strides = array<i32>} : memref<400x128xi32, #tpu.memory_space<vmem>>, vector<1x16xi32>,
    %swap3A_1264 = vector.shape_cast %swap3A_1263 : vector<1x16xi32> to vector<16xi32>
    %swap3A_1265 = vector.shape_cast %add3A_1259 : vector<16xi32> to vector<1x16xi32>
    tpu.vector_store %arg6[%swap3A_1261, %swap3A_1262], %swap3A_1265 {strides = array<i32>} : memref<400x128xi32, #tpu.memory_space<vmem>>, vector<1x16xi32>,
    %get3A_1266 = arith.constant 13 : i32
    %get3A_1267 = arith.index_cast %get3A_1266 : i32 to index
    %get3A_1268 = arith.constant 16 : index
    %get3A_1269 = tpu.vector_load %arg6[%get3A_1267, %get3A_1268] {strides = array<i32>} : memref<400x128xi32, #tpu.memory_space<vmem>>, vector<1x16xi32>,
    %get3A_1270 = vector.shape_cast %get3A_1269 : vector<1x16xi32> to vector<16xi32>
    %add3A_1271 = arith.addi %get3A_1270, %get3A_6 : vector<16xi32>
    %swap3A_1272 = arith.constant 13 : i32
    %swap3A_1273 = arith.index_cast %swap3A_1272 : i32 to index
    %swap3A_1274 = arith.constant 16 : index
    %swap3A_1275 = tpu.vector_load %arg6[%swap3A_1273, %swap3A_1274] {strides = array<i32>} : memref<400x128xi32, #tpu.memory_space<vmem>>, vector<1x16xi32>,
    %swap3A_1276 = vector.shape_cast %swap3A_1275 : vector<1x16xi32> to vector<16xi32>
    %swap3A_1277 = vector.shape_cast %add3A_1271 : vector<16xi32> to vector<1x16xi32>
    tpu.vector_store %arg6[%swap3A_1273, %swap3A_1274], %swap3A_1277 {strides = array<i32>} : memref<400x128xi32, #tpu.memory_space<vmem>>, vector<1x16xi32>,
    %get3A_1278 = arith.constant 13 : i32
    %get3A_1279 = arith.index_cast %get3A_1278 : i32 to index
    %get3A_1280 = arith.constant 32 : index
    %get3A_1281 = tpu.vector_load %arg6[%get3A_1279, %get3A_1280] {strides = array<i32>} : memref<400x128xi32, #tpu.memory_space<vmem>>, vector<1x16xi32>,
    %get3A_1282 = vector.shape_cast %get3A_1281 : vector<1x16xi32> to vector<16xi32>
    %add3A_1283 = arith.addi %get3A_1282, %get3A_6 : vector<16xi32>
    %swap3A_1284 = arith.constant 13 : i32
    %swap3A_1285 = arith.index_cast %swap3A_1284 : i32 to index
    %swap3A_1286 = arith.constant 32 : index
    %swap3A_1287 = tpu.vector_load %arg6[%swap3A_1285, %swap3A_1286] {strides = array<i32>} : memref<400x128xi32, #tpu.memory_space<vmem>>, vector<1x16xi32>,
    %swap3A_1288 = vector.shape_cast %swap3A_1287 : vector<1x16xi32> to vector<16xi32>
    %swap3A_1289 = vector.shape_cast %add3A_1283 : vector<16xi32> to vector<1x16xi32>
    tpu.vector_store %arg6[%swap3A_1285, %swap3A_1286], %swap3A_1289 {strides = array<i32>} : memref<400x128xi32, #tpu.memory_space<vmem>>, vector<1x16xi32>,
    %get3A_1290 = arith.constant 13 : i32
    %get3A_1291 = arith.index_cast %get3A_1290 : i32 to index
    %get3A_1292 = arith.constant 48 : index
    %get3A_1293 = tpu.vector_load %arg6[%get3A_1291, %get3A_1292] {strides = array<i32>} : memref<400x128xi32, #tpu.memory_space<vmem>>, vector<1x16xi32>,
    %get3A_1294 = vector.shape_cast %get3A_1293 : vector<1x16xi32> to vector<16xi32>
    %add3A_1295 = arith.addi %get3A_1294, %get3A_6 : vector<16xi32>
    %swap3A_1296 = arith.constant 13 : i32
    %swap3A_1297 = arith.index_cast %swap3A_1296 : i32 to index
    %swap3A_1298 = arith.constant 48 : index
    %swap3A_1299 = tpu.vector_load %arg6[%swap3A_1297, %swap3A_1298] {strides = array<i32>} : memref<400x128xi32, #tpu.memory_space<vmem>>, vector<1x16xi32>,
    %swap3A_1300 = vector.shape_cast %swap3A_1299 : vector<1x16xi32> to vector<16xi32>
    %swap3A_1301 = vector.shape_cast %add3A_1295 : vector<16xi32> to vector<1x16xi32>
    tpu.vector_store %arg6[%swap3A_1297, %swap3A_1298], %swap3A_1301 {strides = array<i32>} : memref<400x128xi32, #tpu.memory_space<vmem>>, vector<1x16xi32>,
    %get3A_1302 = arith.constant 13 : i32
    %get3A_1303 = arith.index_cast %get3A_1302 : i32 to index
    %get3A_1304 = arith.constant 64 : index
    %get3A_1305 = tpu.vector_load %arg6[%get3A_1303, %get3A_1304] {strides = array<i32>} : memref<400x128xi32, #tpu.memory_space<vmem>>, vector<1x16xi32>,
    %get3A_1306 = vector.shape_cast %get3A_1305 : vector<1x16xi32> to vector<16xi32>
    %add3A_1307 = arith.addi %get3A_1306, %get3A_6 : vector<16xi32>
    %swap3A_1308 = arith.constant 13 : i32
    %swap3A_1309 = arith.index_cast %swap3A_1308 : i32 to index
    %swap3A_1310 = arith.constant 64 : index
    %swap3A_1311 = tpu.vector_load %arg6[%swap3A_1309, %swap3A_1310] {strides = array<i32>} : memref<400x128xi32, #tpu.memory_space<vmem>>, vector<1x16xi32>,
    %swap3A_1312 = vector.shape_cast %swap3A_1311 : vector<1x16xi32> to vector<16xi32>
    %swap3A_1313 = vector.shape_cast %add3A_1307 : vector<16xi32> to vector<1x16xi32>
    tpu.vector_store %arg6[%swap3A_1309, %swap3A_1310], %swap3A_1313 {strides = array<i32>} : memref<400x128xi32, #tpu.memory_space<vmem>>, vector<1x16xi32>,
    %get3A_1314 = arith.constant 13 : i32
    %get3A_1315 = arith.index_cast %get3A_1314 : i32 to index
    %get3A_1316 = arith.constant 80 : index
    %get3A_1317 = tpu.vector_load %arg6[%get3A_1315, %get3A_1316] {strides = array<i32>} : memref<400x128xi32, #tpu.memory_space<vmem>>, vector<1x16xi32>,
    %get3A_1318 = vector.shape_cast %get3A_1317 : vector<1x16xi32> to vector<16xi32>
    %add3A_1319 = arith.addi %get3A_1318, %get3A_6 : vector<16xi32>
    %swap3A_1320 = arith.constant 13 : i32
    %swap3A_1321 = arith.index_cast %swap3A_1320 : i32 to index
    %swap3A_1322 = arith.constant 80 : index
    %swap3A_1323 = tpu.vector_load %arg6[%swap3A_1321, %swap3A_1322] {strides = array<i32>} : memref<400x128xi32, #tpu.memory_space<vmem>>, vector<1x16xi32>,
    %swap3A_1324 = vector.shape_cast %swap3A_1323 : vector<1x16xi32> to vector<16xi32>
    %swap3A_1325 = vector.shape_cast %add3A_1319 : vector<16xi32> to vector<1x16xi32>
    tpu.vector_store %arg6[%swap3A_1321, %swap3A_1322], %swap3A_1325 {strides = array<i32>} : memref<400x128xi32, #tpu.memory_space<vmem>>, vector<1x16xi32>,
    %get3A_1326 = arith.constant 13 : i32
    %get3A_1327 = arith.index_cast %get3A_1326 : i32 to index
    %get3A_1328 = arith.constant 96 : index
    %get3A_1329 = tpu.vector_load %arg6[%get3A_1327, %get3A_1328] {strides = array<i32>} : memref<400x128xi32, #tpu.memory_space<vmem>>, vector<1x16xi32>,
    %get3A_1330 = vector.shape_cast %get3A_1329 : vector<1x16xi32> to vector<16xi32>
    %add3A_1331 = arith.addi %get3A_1330, %get3A_6 : vector<16xi32>
    %swap3A_1332 = arith.constant 13 : i32
    %swap3A_1333 = arith.index_cast %swap3A_1332 : i32 to index
    %swap3A_1334 = arith.constant 96 : index
    %swap3A_1335 = tpu.vector_load %arg6[%swap3A_1333, %swap3A_1334] {strides = array<i32>} : memref<400x128xi32, #tpu.memory_space<vmem>>, vector<1x16xi32>,
    %swap3A_1336 = vector.shape_cast %swap3A_1335 : vector<1x16xi32> to vector<16xi32>
    %swap3A_1337 = vector.shape_cast %add3A_1331 : vector<16xi32> to vector<1x16xi32>
    tpu.vector_store %arg6[%swap3A_1333, %swap3A_1334], %swap3A_1337 {strides = array<i32>} : memref<400x128xi32, #tpu.memory_space<vmem>>, vector<1x16xi32>,
    %get3A_1338 = arith.constant 13 : i32
    %get3A_1339 = arith.index_cast %get3A_1338 : i32 to index
    %get3A_1340 = arith.constant 112 : index
    %get3A_1341 = tpu.vector_load %arg6[%get3A_1339, %get3A_1340] {strides = array<i32>} : memref<400x128xi32, #tpu.memory_space<vmem>>, vector<1x16xi32>,
    %get3A_1342 = vector.shape_cast %get3A_1341 : vector<1x16xi32> to vector<16xi32>
    %add3A_1343 = arith.addi %get3A_1342, %get3A_6 : vector<16xi32>
    %swap3A_1344 = arith.constant 13 : i32
    %swap3A_1345 = arith.index_cast %swap3A_1344 : i32 to index
    %swap3A_1346 = arith.constant 112 : index
    %swap3A_1347 = tpu.vector_load %arg6[%swap3A_1345, %swap3A_1346] {strides = array<i32>} : memref<400x128xi32, #tpu.memory_space<vmem>>, vector<1x16xi32>,
    %swap3A_1348 = vector.shape_cast %swap3A_1347 : vector<1x16xi32> to vector<16xi32>
    %swap3A_1349 = vector.shape_cast %add3A_1343 : vector<16xi32> to vector<1x16xi32>
    tpu.vector_store %arg6[%swap3A_1345, %swap3A_1346], %swap3A_1349 {strides = array<i32>} : memref<400x128xi32, #tpu.memory_space<vmem>>, vector<1x16xi32>,
    %get3A_1350 = arith.constant 14 : i32
    %get3A_1351 = arith.index_cast %get3A_1350 : i32 to index
    %get3A_1352 = arith.constant 0 : index
    %get3A_1353 = tpu.vector_load %arg6[%get3A_1351, %get3A_1352] {strides = array<i32>} : memref<400x128xi32, #tpu.memory_space<vmem>>, vector<1x16xi32>,
    %get3A_1354 = vector.shape_cast %get3A_1353 : vector<1x16xi32> to vector<16xi32>
    %add3A_1355 = arith.addi %get3A_1354, %get3A_6 : vector<16xi32>
    %swap3A_1356 = arith.constant 14 : i32
    %swap3A_1357 = arith.index_cast %swap3A_1356 : i32 to index
    %swap3A_1358 = arith.constant 0 : index
    %swap3A_1359 = tpu.vector_load %arg6[%swap3A_1357, %swap3A_1358] {strides = array<i32>} : memref<400x128xi32, #tpu.memory_space<vmem>>, vector<1x16xi32>,
    %swap3A_1360 = vector.shape_cast %swap3A_1359 : vector<1x16xi32> to vector<16xi32>
    %swap3A_1361 = vector.shape_cast %add3A_1355 : vector<16xi32> to vector<1x16xi32>
    tpu.vector_store %arg6[%swap3A_1357, %swap3A_1358], %swap3A_1361 {strides = array<i32>} : memref<400x128xi32, #tpu.memory_space<vmem>>, vector<1x16xi32>,
    %get3A_1362 = arith.constant 14 : i32
    %get3A_1363 = arith.index_cast %get3A_1362 : i32 to index
    %get3A_1364 = arith.constant 16 : index
    %get3A_1365 = tpu.vector_load %arg6[%get3A_1363, %get3A_1364] {strides = array<i32>} : memref<400x128xi32, #tpu.memory_space<vmem>>, vector<1x16xi32>,
    %get3A_1366 = vector.shape_cast %get3A_1365 : vector<1x16xi32> to vector<16xi32>
    %add3A_1367 = arith.addi %get3A_1366, %get3A_6 : vector<16xi32>
    %swap3A_1368 = arith.constant 14 : i32
    %swap3A_1369 = arith.index_cast %swap3A_1368 : i32 to index
    %swap3A_1370 = arith.constant 16 : index
    %swap3A_1371 = tpu.vector_load %arg6[%swap3A_1369, %swap3A_1370] {strides = array<i32>} : memref<400x128xi32, #tpu.memory_space<vmem>>, vector<1x16xi32>,
    %swap3A_1372 = vector.shape_cast %swap3A_1371 : vector<1x16xi32> to vector<16xi32>
    %swap3A_1373 = vector.shape_cast %add3A_1367 : vector<16xi32> to vector<1x16xi32>
    tpu.vector_store %arg6[%swap3A_1369, %swap3A_1370], %swap3A_1373 {strides = array<i32>} : memref<400x128xi32, #tpu.memory_space<vmem>>, vector<1x16xi32>,
    %get3A_1374 = arith.constant 14 : i32
    %get3A_1375 = arith.index_cast %get3A_1374 : i32 to index
    %get3A_1376 = arith.constant 32 : index
    %get3A_1377 = tpu.vector_load %arg6[%get3A_1375, %get3A_1376] {strides = array<i32>} : memref<400x128xi32, #tpu.memory_space<vmem>>, vector<1x16xi32>,
    %get3A_1378 = vector.shape_cast %get3A_1377 : vector<1x16xi32> to vector<16xi32>
    %add3A_1379 = arith.addi %get3A_1378, %get3A_6 : vector<16xi32>
    %swap3A_1380 = arith.constant 14 : i32
    %swap3A_1381 = arith.index_cast %swap3A_1380 : i32 to index
    %swap3A_1382 = arith.constant 32 : index
    %swap3A_1383 = tpu.vector_load %arg6[%swap3A_1381, %swap3A_1382] {strides = array<i32>} : memref<400x128xi32, #tpu.memory_space<vmem>>, vector<1x16xi32>,
    %swap3A_1384 = vector.shape_cast %swap3A_1383 : vector<1x16xi32> to vector<16xi32>
    %swap3A_1385 = vector.shape_cast %add3A_1379 : vector<16xi32> to vector<1x16xi32>
    tpu.vector_store %arg6[%swap3A_1381, %swap3A_1382], %swap3A_1385 {strides = array<i32>} : memref<400x128xi32, #tpu.memory_space<vmem>>, vector<1x16xi32>,
    %get3A_1386 = arith.constant 14 : i32
    %get3A_1387 = arith.index_cast %get3A_1386 : i32 to index
    %get3A_1388 = arith.constant 48 : index
    %get3A_1389 = tpu.vector_load %arg6[%get3A_1387, %get3A_1388] {strides = array<i32>} : memref<400x128xi32, #tpu.memory_space<vmem>>, vector<1x16xi32>,
    %get3A_1390 = vector.shape_cast %get3A_1389 : vector<1x16xi32> to vector<16xi32>
    %add3A_1391 = arith.addi %get3A_1390, %get3A_6 : vector<16xi32>
    %swap3A_1392 = arith.constant 14 : i32
    %swap3A_1393 = arith.index_cast %swap3A_1392 : i32 to index
    %swap3A_1394 = arith.constant 48 : index
    %swap3A_1395 = tpu.vector_load %arg6[%swap3A_1393, %swap3A_1394] {strides = array<i32>} : memref<400x128xi32, #tpu.memory_space<vmem>>, vector<1x16xi32>,
    %swap3A_1396 = vector.shape_cast %swap3A_1395 : vector<1x16xi32> to vector<16xi32>
    %swap3A_1397 = vector.shape_cast %add3A_1391 : vector<16xi32> to vector<1x16xi32>
    tpu.vector_store %arg6[%swap3A_1393, %swap3A_1394], %swap3A_1397 {strides = array<i32>} : memref<400x128xi32, #tpu.memory_space<vmem>>, vector<1x16xi32>,
    %get3A_1398 = arith.constant 14 : i32
    %get3A_1399 = arith.index_cast %get3A_1398 : i32 to index
    %get3A_1400 = arith.constant 64 : index
    %get3A_1401 = tpu.vector_load %arg6[%get3A_1399, %get3A_1400] {strides = array<i32>} : memref<400x128xi32, #tpu.memory_space<vmem>>, vector<1x16xi32>,
    %get3A_1402 = vector.shape_cast %get3A_1401 : vector<1x16xi32> to vector<16xi32>
    %add3A_1403 = arith.addi %get3A_1402, %get3A_6 : vector<16xi32>
    %swap3A_1404 = arith.constant 14 : i32
    %swap3A_1405 = arith.index_cast %swap3A_1404 : i32 to index
    %swap3A_1406 = arith.constant 64 : index
    %swap3A_1407 = tpu.vector_load %arg6[%swap3A_1405, %swap3A_1406] {strides = array<i32>} : memref<400x128xi32, #tpu.memory_space<vmem>>, vector<1x16xi32>,
    %swap3A_1408 = vector.shape_cast %swap3A_1407 : vector<1x16xi32> to vector<16xi32>
    %swap3A_1409 = vector.shape_cast %add3A_1403 : vector<16xi32> to vector<1x16xi32>
    tpu.vector_store %arg6[%swap3A_1405, %swap3A_1406], %swap3A_1409 {strides = array<i32>} : memref<400x128xi32, #tpu.memory_space<vmem>>, vector<1x16xi32>,
    %get3A_1410 = arith.constant 14 : i32
    %get3A_1411 = arith.index_cast %get3A_1410 : i32 to index
    %get3A_1412 = arith.constant 80 : index
    %get3A_1413 = tpu.vector_load %arg6[%get3A_1411, %get3A_1412] {strides = array<i32>} : memref<400x128xi32, #tpu.memory_space<vmem>>, vector<1x16xi32>,
    %get3A_1414 = vector.shape_cast %get3A_1413 : vector<1x16xi32> to vector<16xi32>
    %add3A_1415 = arith.addi %get3A_1414, %get3A_6 : vector<16xi32>
    %swap3A_1416 = arith.constant 14 : i32
    %swap3A_1417 = arith.index_cast %swap3A_1416 : i32 to index
    %swap3A_1418 = arith.constant 80 : index
    %swap3A_1419 = tpu.vector_load %arg6[%swap3A_1417, %swap3A_1418] {strides = array<i32>} : memref<400x128xi32, #tpu.memory_space<vmem>>, vector<1x16xi32>,
    %swap3A_1420 = vector.shape_cast %swap3A_1419 : vector<1x16xi32> to vector<16xi32>
    %swap3A_1421 = vector.shape_cast %add3A_1415 : vector<16xi32> to vector<1x16xi32>
    tpu.vector_store %arg6[%swap3A_1417, %swap3A_1418], %swap3A_1421 {strides = array<i32>} : memref<400x128xi32, #tpu.memory_space<vmem>>, vector<1x16xi32>,
    %get3A_1422 = arith.constant 14 : i32
    %get3A_1423 = arith.index_cast %get3A_1422 : i32 to index
    %get3A_1424 = arith.constant 96 : index
    %get3A_1425 = tpu.vector_load %arg6[%get3A_1423, %get3A_1424] {strides = array<i32>} : memref<400x128xi32, #tpu.memory_space<vmem>>, vector<1x16xi32>,
    %get3A_1426 = vector.shape_cast %get3A_1425 : vector<1x16xi32> to vector<16xi32>
    %add3A_1427 = arith.addi %get3A_1426, %get3A_6 : vector<16xi32>
    %swap3A_1428 = arith.constant 14 : i32
    %swap3A_1429 = arith.index_cast %swap3A_1428 : i32 to index
    %swap3A_1430 = arith.constant 96 : index
    %swap3A_1431 = tpu.vector_load %arg6[%swap3A_1429, %swap3A_1430] {strides = array<i32>} : memref<400x128xi32, #tpu.memory_space<vmem>>, vector<1x16xi32>,
    %swap3A_1432 = vector.shape_cast %swap3A_1431 : vector<1x16xi32> to vector<16xi32>
    %swap3A_1433 = vector.shape_cast %add3A_1427 : vector<16xi32> to vector<1x16xi32>
    tpu.vector_store %arg6[%swap3A_1429, %swap3A_1430], %swap3A_1433 {strides = array<i32>} : memref<400x128xi32, #tpu.memory_space<vmem>>, vector<1x16xi32>,
    %get3A_1434 = arith.constant 14 : i32
    %get3A_1435 = arith.index_cast %get3A_1434 : i32 to index
    %get3A_1436 = arith.constant 112 : index
    %get3A_1437 = tpu.vector_load %arg6[%get3A_1435, %get3A_1436] {strides = array<i32>} : memref<400x128xi32, #tpu.memory_space<vmem>>, vector<1x16xi32>,
    %get3A_1438 = vector.shape_cast %get3A_1437 : vector<1x16xi32> to vector<16xi32>
    %add3A_1439 = arith.addi %get3A_1438, %get3A_6 : vector<16xi32>
    %swap3A_1440 = arith.constant 14 : i32
    %swap3A_1441 = arith.index_cast %swap3A_1440 : i32 to index
    %swap3A_1442 = arith.constant 112 : index
    %swap3A_1443 = tpu.vector_load %arg6[%swap3A_1441, %swap3A_1442] {strides = array<i32>} : memref<400x128xi32, #tpu.memory_space<vmem>>, vector<1x16xi32>,
    %swap3A_1444 = vector.shape_cast %swap3A_1443 : vector<1x16xi32> to vector<16xi32>
    %swap3A_1445 = vector.shape_cast %add3A_1439 : vector<16xi32> to vector<1x16xi32>
    tpu.vector_store %arg6[%swap3A_1441, %swap3A_1442], %swap3A_1445 {strides = array<i32>} : memref<400x128xi32, #tpu.memory_space<vmem>>, vector<1x16xi32>,
    %get3A_1446 = arith.constant 15 : i32
    %get3A_1447 = arith.index_cast %get3A_1446 : i32 to index
    %get3A_1448 = arith.constant 0 : index
    %get3A_1449 = tpu.vector_load %arg6[%get3A_1447, %get3A_1448] {strides = array<i32>} : memref<400x128xi32, #tpu.memory_space<vmem>>, vector<1x16xi32>,
    %get3A_1450 = vector.shape_cast %get3A_1449 : vector<1x16xi32> to vector<16xi32>
    %add3A_1451 = arith.addi %get3A_1450, %get3A_6 : vector<16xi32>
    %swap3A_1452 = arith.constant 15 : i32
    %swap3A_1453 = arith.index_cast %swap3A_1452 : i32 to index
    %swap3A_1454 = arith.constant 0 : index
    %swap3A_1455 = tpu.vector_load %arg6[%swap3A_1453, %swap3A_1454] {strides = array<i32>} : memref<400x128xi32, #tpu.memory_space<vmem>>, vector<1x16xi32>,
    %swap3A_1456 = vector.shape_cast %swap3A_1455 : vector<1x16xi32> to vector<16xi32>
    %swap3A_1457 = vector.shape_cast %add3A_1451 : vector<16xi32> to vector<1x16xi32>
    tpu.vector_store %arg6[%swap3A_1453, %swap3A_1454], %swap3A_1457 {strides = array<i32>} : memref<400x128xi32, #tpu.memory_space<vmem>>, vector<1x16xi32>,
    %get3A_1458 = arith.constant 15 : i32
    %get3A_1459 = arith.index_cast %get3A_1458 : i32 to index
    %get3A_1460 = arith.constant 16 : index
    %get3A_1461 = tpu.vector_load %arg6[%get3A_1459, %get3A_1460] {strides = array<i32>} : memref<400x128xi32, #tpu.memory_space<vmem>>, vector<1x16xi32>,
    %get3A_1462 = vector.shape_cast %get3A_1461 : vector<1x16xi32> to vector<16xi32>
    %add3A_1463 = arith.addi %get3A_1462, %get3A_6 : vector<16xi32>
    %swap3A_1464 = arith.constant 15 : i32
    %swap3A_1465 = arith.index_cast %swap3A_1464 : i32 to index
    %swap3A_1466 = arith.constant 16 : index
    %swap3A_1467 = tpu.vector_load %arg6[%swap3A_1465, %swap3A_1466] {strides = array<i32>} : memref<400x128xi32, #tpu.memory_space<vmem>>, vector<1x16xi32>,
    %swap3A_1468 = vector.shape_cast %swap3A_1467 : vector<1x16xi32> to vector<16xi32>
    %swap3A_1469 = vector.shape_cast %add3A_1463 : vector<16xi32> to vector<1x16xi32>
    tpu.vector_store %arg6[%swap3A_1465, %swap3A_1466], %swap3A_1469 {strides = array<i32>} : memref<400x128xi32, #tpu.memory_space<vmem>>, vector<1x16xi32>,
    %get3A_1470 = arith.constant 15 : i32
    %get3A_1471 = arith.index_cast %get3A_1470 : i32 to index
    %get3A_1472 = arith.constant 32 : index
    %get3A_1473 = tpu.vector_load %arg6[%get3A_1471, %get3A_1472] {strides = array<i32>} : memref<400x128xi32, #tpu.memory_space<vmem>>, vector<1x16xi32>,
    %get3A_1474 = vector.shape_cast %get3A_1473 : vector<1x16xi32> to vector<16xi32>
    %add3A_1475 = arith.addi %get3A_1474, %get3A_6 : vector<16xi32>
    %swap3A_1476 = arith.constant 15 : i32
    %swap3A_1477 = arith.index_cast %swap3A_1476 : i32 to index
    %swap3A_1478 = arith.constant 32 : index
    %swap3A_1479 = tpu.vector_load %arg6[%swap3A_1477, %swap3A_1478] {strides = array<i32>} : memref<400x128xi32, #tpu.memory_space<vmem>>, vector<1x16xi32>,
    %swap3A_1480 = vector.shape_cast %swap3A_1479 : vector<1x16xi32> to vector<16xi32>
    %swap3A_1481 = vector.shape_cast %add3A_1475 : vector<16xi32> to vector<1x16xi32>
    tpu.vector_store %arg6[%swap3A_1477, %swap3A_1478], %swap3A_1481 {strides = array<i32>} : memref<400x128xi32, #tpu.memory_space<vmem>>, vector<1x16xi32>,
    %get3A_1482 = arith.constant 15 : i32
    %get3A_1483 = arith.index_cast %get3A_1482 : i32 to index
    %get3A_1484 = arith.constant 48 : index
    %get3A_1485 = tpu.vector_load %arg6[%get3A_1483, %get3A_1484] {strides = array<i32>} : memref<400x128xi32, #tpu.memory_space<vmem>>, vector<1x16xi32>,
    %get3A_1486 = vector.shape_cast %get3A_1485 : vector<1x16xi32> to vector<16xi32>
    %add3A_1487 = arith.addi %get3A_1486, %get3A_6 : vector<16xi32>
    %swap3A_1488 = arith.constant 15 : i32
    %swap3A_1489 = arith.index_cast %swap3A_1488 : i32 to index
    %swap3A_1490 = arith.constant 48 : index
    %swap3A_1491 = tpu.vector_load %arg6[%swap3A_1489, %swap3A_1490] {strides = array<i32>} : memref<400x128xi32, #tpu.memory_space<vmem>>, vector<1x16xi32>,
    %swap3A_1492 = vector.shape_cast %swap3A_1491 : vector<1x16xi32> to vector<16xi32>
    %swap3A_1493 = vector.shape_cast %add3A_1487 : vector<16xi32> to vector<1x16xi32>
    tpu.vector_store %arg6[%swap3A_1489, %swap3A_1490], %swap3A_1493 {strides = array<i32>} : memref<400x128xi32, #tpu.memory_space<vmem>>, vector<1x16xi32>,
    %get3A_1494 = arith.constant 15 : i32
    %get3A_1495 = arith.index_cast %get3A_1494 : i32 to index
    %get3A_1496 = arith.constant 64 : index
    %get3A_1497 = tpu.vector_load %arg6[%get3A_1495, %get3A_1496] {strides = array<i32>} : memref<400x128xi32, #tpu.memory_space<vmem>>, vector<1x16xi32>,
    %get3A_1498 = vector.shape_cast %get3A_1497 : vector<1x16xi32> to vector<16xi32>
    %add3A_1499 = arith.addi %get3A_1498, %get3A_6 : vector<16xi32>
    %swap3A_1500 = arith.constant 15 : i32
    %swap3A_1501 = arith.index_cast %swap3A_1500 : i32 to index
    %swap3A_1502 = arith.constant 64 : index
    %swap3A_1503 = tpu.vector_load %arg6[%swap3A_1501, %swap3A_1502] {strides = array<i32>} : memref<400x128xi32, #tpu.memory_space<vmem>>, vector<1x16xi32>,
    %swap3A_1504 = vector.shape_cast %swap3A_1503 : vector<1x16xi32> to vector<16xi32>
    %swap3A_1505 = vector.shape_cast %add3A_1499 : vector<16xi32> to vector<1x16xi32>
    tpu.vector_store %arg6[%swap3A_1501, %swap3A_1502], %swap3A_1505 {strides = array<i32>} : memref<400x128xi32, #tpu.memory_space<vmem>>, vector<1x16xi32>,
    %get3A_1506 = arith.constant 15 : i32
    %get3A_1507 = arith.index_cast %get3A_1506 : i32 to index
    %get3A_1508 = arith.constant 80 : index
    %get3A_1509 = tpu.vector_load %arg6[%get3A_1507, %get3A_1508] {strides = array<i32>} : memref<400x128xi32, #tpu.memory_space<vmem>>, vector<1x16xi32>,
    %get3A_1510 = vector.shape_cast %get3A_1509 : vector<1x16xi32> to vector<16xi32>
    %add3A_1511 = arith.addi %get3A_1510, %get3A_6 : vector<16xi32>
    %swap3A_1512 = arith.constant 15 : i32
    %swap3A_1513 = arith.index_cast %swap3A_1512 : i32 to index
    %swap3A_1514 = arith.constant 80 : index
    %swap3A_1515 = tpu.vector_load %arg6[%swap3A_1513, %swap3A_1514] {strides = array<i32>} : memref<400x128xi32, #tpu.memory_space<vmem>>, vector<1x16xi32>,
    %swap3A_1516 = vector.shape_cast %swap3A_1515 : vector<1x16xi32> to vector<16xi32>
    %swap3A_1517 = vector.shape_cast %add3A_1511 : vector<16xi32> to vector<1x16xi32>
    tpu.vector_store %arg6[%swap3A_1513, %swap3A_1514], %swap3A_1517 {strides = array<i32>} : memref<400x128xi32, #tpu.memory_space<vmem>>, vector<1x16xi32>,
    %get3A_1518 = arith.constant 15 : i32
    %get3A_1519 = arith.index_cast %get3A_1518 : i32 to index
    %get3A_1520 = arith.constant 96 : index
    %get3A_1521 = tpu.vector_load %arg6[%get3A_1519, %get3A_1520] {strides = array<i32>} : memref<400x128xi32, #tpu.memory_space<vmem>>, vector<1x16xi32>,
    %get3A_1522 = vector.shape_cast %get3A_1521 : vector<1x16xi32> to vector<16xi32>
    %add3A_1523 = arith.addi %get3A_1522, %get3A_6 : vector<16xi32>
    %swap3A_1524 = arith.constant 15 : i32
    %swap3A_1525 = arith.index_cast %swap3A_1524 : i32 to index
    %swap3A_1526 = arith.constant 96 : index
    %swap3A_1527 = tpu.vector_load %arg6[%swap3A_1525, %swap3A_1526] {strides = array<i32>} : memref<400x128xi32, #tpu.memory_space<vmem>>, vector<1x16xi32>,
    %swap3A_1528 = vector.shape_cast %swap3A_1527 : vector<1x16xi32> to vector<16xi32>
    %swap3A_1529 = vector.shape_cast %add3A_1523 : vector<16xi32> to vector<1x16xi32>
    tpu.vector_store %arg6[%swap3A_1525, %swap3A_1526], %swap3A_1529 {strides = array<i32>} : memref<400x128xi32, #tpu.memory_space<vmem>>, vector<1x16xi32>,
    %get3A_1530 = arith.constant 15 : i32
    %get3A_1531 = arith.index_cast %get3A_1530 : i32 to index
    %get3A_1532 = arith.constant 112 : index
    %get3A_1533 = tpu.vector_load %arg6[%get3A_1531, %get3A_1532] {strides = array<i32>} : memref<400x128xi32, #tpu.memory_space<vmem>>, vector<1x16xi32>,
    %get3A_1534 = vector.shape_cast %get3A_1533 : vector<1x16xi32> to vector<16xi32>
    %add3A_1535 = arith.addi %get3A_1534, %get3A_6 : vector<16xi32>
    %swap3A_1536 = arith.constant 15 : i32
    %swap3A_1537 = arith.index_cast %swap3A_1536 : i32 to index
    %swap3A_1538 = arith.constant 112 : index
    %swap3A_1539 = tpu.vector_load %arg6[%swap3A_1537, %swap3A_1538] {strides = array<i32>} : memref<400x128xi32, #tpu.memory_space<vmem>>, vector<1x16xi32>,
    %swap3A_1540 = vector.shape_cast %swap3A_1539 : vector<1x16xi32> to vector<16xi32>
    %swap3A_1541 = vector.shape_cast %add3A_1535 : vector<16xi32> to vector<1x16xi32>
    tpu.vector_store %arg6[%swap3A_1537, %swap3A_1538], %swap3A_1541 {strides = array<i32>} : memref<400x128xi32, #tpu.memory_space<vmem>>, vector<1x16xi32>,
    %scan3A = arith.constant 0 : i32
    %scan3A_1542 = arith.constant 0 : i32
    %scan3A_1543 = arith.constant 25 : i32
    %scan3A_1544 = arith.addi %scan3A_1542, %scan3A_1543 : i32
    %scan3A_1545 = arith.constant 1 : i32
    scf.for %scan3A_1554 = %scan3A_1542 to %scan3A_1544 step %scan3A_1545  : i32 {
      %mul3A_1555 = arith.constant 2 : i32
      %mul3A_1556 = arith.muli %mul3A_1555, %scan3A_1554 : i32
      %add3A_1557 = arith.constant 0 : i32
      %add3A_1558 = arith.addi %mul3A_1556, %add3A_1557 : i32
      %gt3A = arith.constant 0 : i32
      %gt3A_1559 = arith.cmpi sgt, %scan3A_1554, %gt3A : i32
      %convert_element_type3A = arith.extui %gt3A_1559 : i1 to i32
      %cond3A = arith.constant 0 : i32
      %cond3A_1560 = arith.cmpi ne, %convert_element_type3A, %cond3A : i32
      scf.if %cond3A_1560 {
        %mul3A_1944 = arith.constant 1024 : i32
        %mul3A_1945 = arith.muli %add3A_1558, %mul3A_1944 : i32
        %add3A_1946 = arith.addi %mul3A_2, %mul3A_1945 : i32
        %dma_wait3A_1947 = arith.constant 0 : i32
        %dma_wait3A_1948 = tpu.memref_slice %arg5[%add3A_1946, %dma_wait3A_1947] : memref<1638400x128xf32, #tpu.memory_space<hbm>> -> memref<1024x32xf32, #tpu.memory_space<hbm>>
        %dma_wait3A_1949 = arith.constant 0 : i32
        %dma_wait3A_1950 = tpu.memref_slice %arg5[%add3A_1946, %dma_wait3A_1949] : memref<1638400x128xf32, #tpu.memory_space<hbm>> -> memref<1024x32xf32, #tpu.memory_space<hbm>>
        tpu.wait_dma2 semaphore(%arg11 : memref<!tpu.dma_semaphore, #tpu.memory_space<semaphore_mem>>) src(%arg8 : memref<1024x32xf32, #tpu.memory_space<vmem>>) dst(%dma_wait3A_1950 : memref<1024x32xf32, #tpu.memory_space<hbm>>)
      } else {
      }
      %mul3A_1561 = arith.constant 8 : i32
      %mul3A_1562 = arith.muli %add3A_1558, %mul3A_1561 : i32
      %add3A_1563 = arith.constant 0 : i32
      %add3A_1564 = arith.addi %mul3A_1562, %add3A_1563 : i32
      %dma_start3A = arith.constant 0 : i32
      %dma_start3A_1565 = arith.constant 0 : i32
      %dma_start3A_1566 = tpu.memref_slice %arg8[%dma_start3A, %dma_start3A_1565] : memref<1024x32xf32, #tpu.memory_space<vmem>> -> memref<128x32xf32, #tpu.memory_space<vmem>>
      %dma_start3A_1567 = arith.constant 0 : i32
      %dma_start3A_1568 = tpu.memref_slice %arg6[%add3A_1564, %dma_start3A_1567] : memref<400x128xi32, #tpu.memory_space<vmem>> -> memref<1x128xi32, #tpu.memory_space<vmem>>
      %dma_start3A_1569 = tpu.memref_squeeze %dma_start3A_1568 : memref<1x128xi32, #tpu.memory_space<vmem>> -> memref<128xi32, #tpu.memory_space<vmem>>
      %dma_start3A_1570 = arith.constant 0 : i32
      %dma_start3A_1571 = arith.constant 0 : i32
      %dma_start3A_1572 = tpu.memref_slice %arg3[%dma_start3A_1570, %dma_start3A_1571] : memref<800452x32xf32, #tpu.memory_space<hbm>> -> memref<800452x32xf32, #tpu.memory_space<hbm>>
      tpu.enqueue_indirect_dma source(%dma_start3A_1572 : memref<800452x32xf32, #tpu.memory_space<hbm>>) target(%dma_start3A_1566 : memref<128x32xf32, #tpu.memory_space<vmem>>) offsets(%dma_start3A_1569 : memref<128xi32, #tpu.memory_space<vmem>>) semaphore(%arg10 : memref<!tpu.dma_semaphore, #tpu.memory_space<semaphore_mem>>)
      %mul3A_1573 = arith.constant 8 : i32
      %mul3A_1574 = arith.muli %add3A_1558, %mul3A_1573 : i32
      %add3A_1575 = arith.constant 1 : i32
      %add3A_1576 = arith.addi %mul3A_1574, %add3A_1575 : i32
      %dma_start3A_1577 = arith.constant 128 : i32
      %dma_start3A_1578 = arith.constant 0 : i32
      %dma_start3A_1579 = tpu.memref_slice %arg8[%dma_start3A_1577, %dma_start3A_1578] : memref<1024x32xf32, #tpu.memory_space<vmem>> -> memref<128x32xf32, #tpu.memory_space<vmem>>
      %dma_start3A_1580 = arith.constant 0 : i32
      %dma_start3A_1581 = tpu.memref_slice %arg6[%add3A_1576, %dma_start3A_1580] : memref<400x128xi32, #tpu.memory_space<vmem>> -> memref<1x128xi32, #tpu.memory_space<vmem>>
      %dma_start3A_1582 = tpu.memref_squeeze %dma_start3A_1581 : memref<1x128xi32, #tpu.memory_space<vmem>> -> memref<128xi32, #tpu.memory_space<vmem>>
      %dma_start3A_1583 = arith.constant 0 : i32
      %dma_start3A_1584 = arith.constant 0 : i32
      %dma_start3A_1585 = tpu.memref_slice %arg3[%dma_start3A_1583, %dma_start3A_1584] : memref<800452x32xf32, #tpu.memory_space<hbm>> -> memref<800452x32xf32, #tpu.memory_space<hbm>>
      tpu.enqueue_indirect_dma source(%dma_start3A_1585 : memref<800452x32xf32, #tpu.memory_space<hbm>>) target(%dma_start3A_1579 : memref<128x32xf32, #tpu.memory_space<vmem>>) offsets(%dma_start3A_1582 : memref<128xi32, #tpu.memory_space<vmem>>) semaphore(%arg10 : memref<!tpu.dma_semaphore, #tpu.memory_space<semaphore_mem>>)
      %mul3A_1586 = arith.constant 8 : i32
      %mul3A_1587 = arith.muli %add3A_1558, %mul3A_1586 : i32
      %add3A_1588 = arith.constant 2 : i32
      %add3A_1589 = arith.addi %mul3A_1587, %add3A_1588 : i32
      %dma_start3A_1590 = arith.constant 256 : i32
      %dma_start3A_1591 = arith.constant 0 : i32
      %dma_start3A_1592 = tpu.memref_slice %arg8[%dma_start3A_1590, %dma_start3A_1591] : memref<1024x32xf32, #tpu.memory_space<vmem>> -> memref<128x32xf32, #tpu.memory_space<vmem>>
      %dma_start3A_1593 = arith.constant 0 : i32
      %dma_start3A_1594 = tpu.memref_slice %arg6[%add3A_1589, %dma_start3A_1593] : memref<400x128xi32, #tpu.memory_space<vmem>> -> memref<1x128xi32, #tpu.memory_space<vmem>>
      %dma_start3A_1595 = tpu.memref_squeeze %dma_start3A_1594 : memref<1x128xi32, #tpu.memory_space<vmem>> -> memref<128xi32, #tpu.memory_space<vmem>>
      %dma_start3A_1596 = arith.constant 0 : i32
      %dma_start3A_1597 = arith.constant 0 : i32
      %dma_start3A_1598 = tpu.memref_slice %arg3[%dma_start3A_1596, %dma_start3A_1597] : memref<800452x32xf32, #tpu.memory_space<hbm>> -> memref<800452x32xf32, #tpu.memory_space<hbm>>
      tpu.enqueue_indirect_dma source(%dma_start3A_1598 : memref<800452x32xf32, #tpu.memory_space<hbm>>) target(%dma_start3A_1592 : memref<128x32xf32, #tpu.memory_space<vmem>>) offsets(%dma_start3A_1595 : memref<128xi32, #tpu.memory_space<vmem>>) semaphore(%arg10 : memref<!tpu.dma_semaphore, #tpu.memory_space<semaphore_mem>>)
      %mul3A_1599 = arith.constant 8 : i32
      %mul3A_1600 = arith.muli %add3A_1558, %mul3A_1599 : i32
      %add3A_1601 = arith.constant 3 : i32
      %add3A_1602 = arith.addi %mul3A_1600, %add3A_1601 : i32
      %dma_start3A_1603 = arith.constant 384 : i32
      %dma_start3A_1604 = arith.constant 0 : i32
      %dma_start3A_1605 = tpu.memref_slice %arg8[%dma_start3A_1603, %dma_start3A_1604] : memref<1024x32xf32, #tpu.memory_space<vmem>> -> memref<128x32xf32, #tpu.memory_space<vmem>>
      %dma_start3A_1606 = arith.constant 0 : i32
      %dma_start3A_1607 = tpu.memref_slice %arg6[%add3A_1602, %dma_start3A_1606] : memref<400x128xi32, #tpu.memory_space<vmem>> -> memref<1x128xi32, #tpu.memory_space<vmem>>
      %dma_start3A_1608 = tpu.memref_squeeze %dma_start3A_1607 : memref<1x128xi32, #tpu.memory_space<vmem>> -> memref<128xi32, #tpu.memory_space<vmem>>
      %dma_start3A_1609 = arith.constant 0 : i32
      %dma_start3A_1610 = arith.constant 0 : i32
      %dma_start3A_1611 = tpu.memref_slice %arg3[%dma_start3A_1609, %dma_start3A_1610] : memref<800452x32xf32, #tpu.memory_space<hbm>> -> memref<800452x32xf32, #tpu.memory_space<hbm>>
      tpu.enqueue_indirect_dma source(%dma_start3A_1611 : memref<800452x32xf32, #tpu.memory_space<hbm>>) target(%dma_start3A_1605 : memref<128x32xf32, #tpu.memory_space<vmem>>) offsets(%dma_start3A_1608 : memref<128xi32, #tpu.memory_space<vmem>>) semaphore(%arg10 : memref<!tpu.dma_semaphore, #tpu.memory_space<semaphore_mem>>)
      %mul3A_1612 = arith.constant 8 : i32
      %mul3A_1613 = arith.muli %add3A_1558, %mul3A_1612 : i32
      %add3A_1614 = arith.constant 4 : i32
      %add3A_1615 = arith.addi %mul3A_1613, %add3A_1614 : i32
      %dma_start3A_1616 = arith.constant 512 : i32
      %dma_start3A_1617 = arith.constant 0 : i32
      %dma_start3A_1618 = tpu.memref_slice %arg8[%dma_start3A_1616, %dma_start3A_1617] : memref<1024x32xf32, #tpu.memory_space<vmem>> -> memref<128x32xf32, #tpu.memory_space<vmem>>
      %dma_start3A_1619 = arith.constant 0 : i32
      %dma_start3A_1620 = tpu.memref_slice %arg6[%add3A_1615, %dma_start3A_1619] : memref<400x128xi32, #tpu.memory_space<vmem>> -> memref<1x128xi32, #tpu.memory_space<vmem>>
      %dma_start3A_1621 = tpu.memref_squeeze %dma_start3A_1620 : memref<1x128xi32, #tpu.memory_space<vmem>> -> memref<128xi32, #tpu.memory_space<vmem>>
      %dma_start3A_1622 = arith.constant 0 : i32
      %dma_start3A_1623 = arith.constant 0 : i32
      %dma_start3A_1624 = tpu.memref_slice %arg3[%dma_start3A_1622, %dma_start3A_1623] : memref<800452x32xf32, #tpu.memory_space<hbm>> -> memref<800452x32xf32, #tpu.memory_space<hbm>>
      tpu.enqueue_indirect_dma source(%dma_start3A_1624 : memref<800452x32xf32, #tpu.memory_space<hbm>>) target(%dma_start3A_1618 : memref<128x32xf32, #tpu.memory_space<vmem>>) offsets(%dma_start3A_1621 : memref<128xi32, #tpu.memory_space<vmem>>) semaphore(%arg10 : memref<!tpu.dma_semaphore, #tpu.memory_space<semaphore_mem>>)
      %mul3A_1625 = arith.constant 8 : i32
      %mul3A_1626 = arith.muli %add3A_1558, %mul3A_1625 : i32
      %add3A_1627 = arith.constant 5 : i32
      %add3A_1628 = arith.addi %mul3A_1626, %add3A_1627 : i32
      %dma_start3A_1629 = arith.constant 640 : i32
      %dma_start3A_1630 = arith.constant 0 : i32
      %dma_start3A_1631 = tpu.memref_slice %arg8[%dma_start3A_1629, %dma_start3A_1630] : memref<1024x32xf32, #tpu.memory_space<vmem>> -> memref<128x32xf32, #tpu.memory_space<vmem>>
      %dma_start3A_1632 = arith.constant 0 : i32
      %dma_start3A_1633 = tpu.memref_slice %arg6[%add3A_1628, %dma_start3A_1632] : memref<400x128xi32, #tpu.memory_space<vmem>> -> memref<1x128xi32, #tpu.memory_space<vmem>>
      %dma_start3A_1634 = tpu.memref_squeeze %dma_start3A_1633 : memref<1x128xi32, #tpu.memory_space<vmem>> -> memref<128xi32, #tpu.memory_space<vmem>>
      %dma_start3A_1635 = arith.constant 0 : i32
      %dma_start3A_1636 = arith.constant 0 : i32
      %dma_start3A_1637 = tpu.memref_slice %arg3[%dma_start3A_1635, %dma_start3A_1636] : memref<800452x32xf32, #tpu.memory_space<hbm>> -> memref<800452x32xf32, #tpu.memory_space<hbm>>
      tpu.enqueue_indirect_dma source(%dma_start3A_1637 : memref<800452x32xf32, #tpu.memory_space<hbm>>) target(%dma_start3A_1631 : memref<128x32xf32, #tpu.memory_space<vmem>>) offsets(%dma_start3A_1634 : memref<128xi32, #tpu.memory_space<vmem>>) semaphore(%arg10 : memref<!tpu.dma_semaphore, #tpu.memory_space<semaphore_mem>>)
      %mul3A_1638 = arith.constant 8 : i32
      %mul3A_1639 = arith.muli %add3A_1558, %mul3A_1638 : i32
      %add3A_1640 = arith.constant 6 : i32
      %add3A_1641 = arith.addi %mul3A_1639, %add3A_1640 : i32
      %dma_start3A_1642 = arith.constant 768 : i32
      %dma_start3A_1643 = arith.constant 0 : i32
      %dma_start3A_1644 = tpu.memref_slice %arg8[%dma_start3A_1642, %dma_start3A_1643] : memref<1024x32xf32, #tpu.memory_space<vmem>> -> memref<128x32xf32, #tpu.memory_space<vmem>>
      %dma_start3A_1645 = arith.constant 0 : i32
      %dma_start3A_1646 = tpu.memref_slice %arg6[%add3A_1641, %dma_start3A_1645] : memref<400x128xi32, #tpu.memory_space<vmem>> -> memref<1x128xi32, #tpu.memory_space<vmem>>
      %dma_start3A_1647 = tpu.memref_squeeze %dma_start3A_1646 : memref<1x128xi32, #tpu.memory_space<vmem>> -> memref<128xi32, #tpu.memory_space<vmem>>
      %dma_start3A_1648 = arith.constant 0 : i32
      %dma_start3A_1649 = arith.constant 0 : i32
      %dma_start3A_1650 = tpu.memref_slice %arg3[%dma_start3A_1648, %dma_start3A_1649] : memref<800452x32xf32, #tpu.memory_space<hbm>> -> memref<800452x32xf32, #tpu.memory_space<hbm>>
      tpu.enqueue_indirect_dma source(%dma_start3A_1650 : memref<800452x32xf32, #tpu.memory_space<hbm>>) target(%dma_start3A_1644 : memref<128x32xf32, #tpu.memory_space<vmem>>) offsets(%dma_start3A_1647 : memref<128xi32, #tpu.memory_space<vmem>>) semaphore(%arg10 : memref<!tpu.dma_semaphore, #tpu.memory_space<semaphore_mem>>)
      %mul3A_1651 = arith.constant 8 : i32
      %mul3A_1652 = arith.muli %add3A_1558, %mul3A_1651 : i32
      %add3A_1653 = arith.constant 7 : i32
      %add3A_1654 = arith.addi %mul3A_1652, %add3A_1653 : i32
      %dma_start3A_1655 = arith.constant 896 : i32
      %dma_start3A_1656 = arith.constant 0 : i32
      %dma_start3A_1657 = tpu.memref_slice %arg8[%dma_start3A_1655, %dma_start3A_1656] : memref<1024x32xf32, #tpu.memory_space<vmem>> -> memref<128x32xf32, #tpu.memory_space<vmem>>
      %dma_start3A_1658 = arith.constant 0 : i32
      %dma_start3A_1659 = tpu.memref_slice %arg6[%add3A_1654, %dma_start3A_1658] : memref<400x128xi32, #tpu.memory_space<vmem>> -> memref<1x128xi32, #tpu.memory_space<vmem>>
      %dma_start3A_1660 = tpu.memref_squeeze %dma_start3A_1659 : memref<1x128xi32, #tpu.memory_space<vmem>> -> memref<128xi32, #tpu.memory_space<vmem>>
      %dma_start3A_1661 = arith.constant 0 : i32
      %dma_start3A_1662 = arith.constant 0 : i32
      %dma_start3A_1663 = tpu.memref_slice %arg3[%dma_start3A_1661, %dma_start3A_1662] : memref<800452x32xf32, #tpu.memory_space<hbm>> -> memref<800452x32xf32, #tpu.memory_space<hbm>>
      tpu.enqueue_indirect_dma source(%dma_start3A_1663 : memref<800452x32xf32, #tpu.memory_space<hbm>>) target(%dma_start3A_1657 : memref<128x32xf32, #tpu.memory_space<vmem>>) offsets(%dma_start3A_1660 : memref<128xi32, #tpu.memory_space<vmem>>) semaphore(%arg10 : memref<!tpu.dma_semaphore, #tpu.memory_space<semaphore_mem>>)
      %lt3A = arith.constant 48 : i32
      %lt3A_1664 = arith.cmpi slt, %add3A_1558, %lt3A : i32
      %convert_element_type3A_1665 = arith.extui %lt3A_1664 : i1 to i32
      %cond3A_1666 = arith.constant 0 : i32
      %cond3A_1667 = arith.cmpi ne, %convert_element_type3A_1665, %cond3A_1666 : i32
      scf.if %cond3A_1667 {
        %add3A_1944 = arith.constant 2 : i32
        %add3A_1945 = arith.addi %add3A_1558, %add3A_1944 : i32
        %mul3A_1946 = arith.constant 8 : i32
        %mul3A_1947 = arith.muli %add3A_1945, %mul3A_1946 : i32
        %add3A_1948 = arith.constant 0 : i32
        %add3A_1949 = arith.addi %mul3A_1947, %add3A_1948 : i32
        %get3A_1950 = arith.index_cast %add3A_1949 : i32 to index
        %get3A_1951 = arith.constant 0 : index
        %get3A_1952 = tpu.vector_load %arg6[%get3A_1950, %get3A_1951] {strides = array<i32>} : memref<400x128xi32, #tpu.memory_space<vmem>>, vector<1x16xi32>,
        %get3A_1953 = vector.shape_cast %get3A_1952 : vector<1x16xi32> to vector<16xi32>
        %add3A_1954 = arith.addi %get3A_1953, %get3A_6 : vector<16xi32>
        %add3A_1955 = arith.constant 0 : i32
        %add3A_1956 = arith.addi %mul3A_1947, %add3A_1955 : i32
        %swap3A_1957 = arith.index_cast %add3A_1956 : i32 to index
        %swap3A_1958 = arith.constant 0 : index
        %swap3A_1959 = tpu.vector_load %arg6[%swap3A_1957, %swap3A_1958] {strides = array<i32>} : memref<400x128xi32, #tpu.memory_space<vmem>>, vector<1x16xi32>,
        %swap3A_1960 = vector.shape_cast %swap3A_1959 : vector<1x16xi32> to vector<16xi32>
        %swap3A_1961 = vector.shape_cast %add3A_1954 : vector<16xi32> to vector<1x16xi32>
        tpu.vector_store %arg6[%swap3A_1957, %swap3A_1958], %swap3A_1961 {strides = array<i32>} : memref<400x128xi32, #tpu.memory_space<vmem>>, vector<1x16xi32>,
        %add3A_1962 = arith.constant 0 : i32
        %add3A_1963 = arith.addi %mul3A_1947, %add3A_1962 : i32
        %get3A_1964 = arith.index_cast %add3A_1963 : i32 to index
        %get3A_1965 = arith.constant 16 : index
        %get3A_1966 = tpu.vector_load %arg6[%get3A_1964, %get3A_1965] {strides = array<i32>} : memref<400x128xi32, #tpu.memory_space<vmem>>, vector<1x16xi32>,
        %get3A_1967 = vector.shape_cast %get3A_1966 : vector<1x16xi32> to vector<16xi32>
        %add3A_1968 = arith.addi %get3A_1967, %get3A_6 : vector<16xi32>
        %add3A_1969 = arith.constant 0 : i32
        %add3A_1970 = arith.addi %mul3A_1947, %add3A_1969 : i32
        %swap3A_1971 = arith.index_cast %add3A_1970 : i32 to index
        %swap3A_1972 = arith.constant 16 : index
        %swap3A_1973 = tpu.vector_load %arg6[%swap3A_1971, %swap3A_1972] {strides = array<i32>} : memref<400x128xi32, #tpu.memory_space<vmem>>, vector<1x16xi32>,
        %swap3A_1974 = vector.shape_cast %swap3A_1973 : vector<1x16xi32> to vector<16xi32>
        %swap3A_1975 = vector.shape_cast %add3A_1968 : vector<16xi32> to vector<1x16xi32>
        tpu.vector_store %arg6[%swap3A_1971, %swap3A_1972], %swap3A_1975 {strides = array<i32>} : memref<400x128xi32, #tpu.memory_space<vmem>>, vector<1x16xi32>,
        %add3A_1976 = arith.constant 0 : i32
        %add3A_1977 = arith.addi %mul3A_1947, %add3A_1976 : i32
        %get3A_1978 = arith.index_cast %add3A_1977 : i32 to index
        %get3A_1979 = arith.constant 32 : index
        %get3A_1980 = tpu.vector_load %arg6[%get3A_1978, %get3A_1979] {strides = array<i32>} : memref<400x128xi32, #tpu.memory_space<vmem>>, vector<1x16xi32>,
        %get3A_1981 = vector.shape_cast %get3A_1980 : vector<1x16xi32> to vector<16xi32>
        %add3A_1982 = arith.addi %get3A_1981, %get3A_6 : vector<16xi32>
        %add3A_1983 = arith.constant 0 : i32
        %add3A_1984 = arith.addi %mul3A_1947, %add3A_1983 : i32
        %swap3A_1985 = arith.index_cast %add3A_1984 : i32 to index
        %swap3A_1986 = arith.constant 32 : index
        %swap3A_1987 = tpu.vector_load %arg6[%swap3A_1985, %swap3A_1986] {strides = array<i32>} : memref<400x128xi32, #tpu.memory_space<vmem>>, vector<1x16xi32>,
        %swap3A_1988 = vector.shape_cast %swap3A_1987 : vector<1x16xi32> to vector<16xi32>
        %swap3A_1989 = vector.shape_cast %add3A_1982 : vector<16xi32> to vector<1x16xi32>
        tpu.vector_store %arg6[%swap3A_1985, %swap3A_1986], %swap3A_1989 {strides = array<i32>} : memref<400x128xi32, #tpu.memory_space<vmem>>, vector<1x16xi32>,
        %add3A_1990 = arith.constant 0 : i32
        %add3A_1991 = arith.addi %mul3A_1947, %add3A_1990 : i32
        %get3A_1992 = arith.index_cast %add3A_1991 : i32 to index
        %get3A_1993 = arith.constant 48 : index
        %get3A_1994 = tpu.vector_load %arg6[%get3A_1992, %get3A_1993] {strides = array<i32>} : memref<400x128xi32, #tpu.memory_space<vmem>>, vector<1x16xi32>,
        %get3A_1995 = vector.shape_cast %get3A_1994 : vector<1x16xi32> to vector<16xi32>
        %add3A_1996 = arith.addi %get3A_1995, %get3A_6 : vector<16xi32>
        %add3A_1997 = arith.constant 0 : i32
        %add3A_1998 = arith.addi %mul3A_1947, %add3A_1997 : i32
        %swap3A_1999 = arith.index_cast %add3A_1998 : i32 to index
        %swap3A_2000 = arith.constant 48 : index
        %swap3A_2001 = tpu.vector_load %arg6[%swap3A_1999, %swap3A_2000] {strides = array<i32>} : memref<400x128xi32, #tpu.memory_space<vmem>>, vector<1x16xi32>,
        %swap3A_2002 = vector.shape_cast %swap3A_2001 : vector<1x16xi32> to vector<16xi32>
        %swap3A_2003 = vector.shape_cast %add3A_1996 : vector<16xi32> to vector<1x16xi32>
        tpu.vector_store %arg6[%swap3A_1999, %swap3A_2000], %swap3A_2003 {strides = array<i32>} : memref<400x128xi32, #tpu.memory_space<vmem>>, vector<1x16xi32>,
        %add3A_2004 = arith.constant 0 : i32
        %add3A_2005 = arith.addi %mul3A_1947, %add3A_2004 : i32
        %get3A_2006 = arith.index_cast %add3A_2005 : i32 to index
        %get3A_2007 = arith.constant 64 : index
        %get3A_2008 = tpu.vector_load %arg6[%get3A_2006, %get3A_2007] {strides = array<i32>} : memref<400x128xi32, #tpu.memory_space<vmem>>, vector<1x16xi32>,
        %get3A_2009 = vector.shape_cast %get3A_2008 : vector<1x16xi32> to vector<16xi32>
        %add3A_2010 = arith.addi %get3A_2009, %get3A_6 : vector<16xi32>
        %add3A_2011 = arith.constant 0 : i32
        %add3A_2012 = arith.addi %mul3A_1947, %add3A_2011 : i32
        %swap3A_2013 = arith.index_cast %add3A_2012 : i32 to index
        %swap3A_2014 = arith.constant 64 : index
        %swap3A_2015 = tpu.vector_load %arg6[%swap3A_2013, %swap3A_2014] {strides = array<i32>} : memref<400x128xi32, #tpu.memory_space<vmem>>, vector<1x16xi32>,
        %swap3A_2016 = vector.shape_cast %swap3A_2015 : vector<1x16xi32> to vector<16xi32>
        %swap3A_2017 = vector.shape_cast %add3A_2010 : vector<16xi32> to vector<1x16xi32>
        tpu.vector_store %arg6[%swap3A_2013, %swap3A_2014], %swap3A_2017 {strides = array<i32>} : memref<400x128xi32, #tpu.memory_space<vmem>>, vector<1x16xi32>,
        %add3A_2018 = arith.constant 0 : i32
        %add3A_2019 = arith.addi %mul3A_1947, %add3A_2018 : i32
        %get3A_2020 = arith.index_cast %add3A_2019 : i32 to index
        %get3A_2021 = arith.constant 80 : index
        %get3A_2022 = tpu.vector_load %arg6[%get3A_2020, %get3A_2021] {strides = array<i32>} : memref<400x128xi32, #tpu.memory_space<vmem>>, vector<1x16xi32>,
        %get3A_2023 = vector.shape_cast %get3A_2022 : vector<1x16xi32> to vector<16xi32>
        %add3A_2024 = arith.addi %get3A_2023, %get3A_6 : vector<16xi32>
        %add3A_2025 = arith.constant 0 : i32
        %add3A_2026 = arith.addi %mul3A_1947, %add3A_2025 : i32
        %swap3A_2027 = arith.index_cast %add3A_2026 : i32 to index
        %swap3A_2028 = arith.constant 80 : index
        %swap3A_2029 = tpu.vector_load %arg6[%swap3A_2027, %swap3A_2028] {strides = array<i32>} : memref<400x128xi32, #tpu.memory_space<vmem>>, vector<1x16xi32>,
        %swap3A_2030 = vector.shape_cast %swap3A_2029 : vector<1x16xi32> to vector<16xi32>
        %swap3A_2031 = vector.shape_cast %add3A_2024 : vector<16xi32> to vector<1x16xi32>
        tpu.vector_store %arg6[%swap3A_2027, %swap3A_2028], %swap3A_2031 {strides = array<i32>} : memref<400x128xi32, #tpu.memory_space<vmem>>, vector<1x16xi32>,
        %add3A_2032 = arith.constant 0 : i32
        %add3A_2033 = arith.addi %mul3A_1947, %add3A_2032 : i32
        %get3A_2034 = arith.index_cast %add3A_2033 : i32 to index
        %get3A_2035 = arith.constant 96 : index
        %get3A_2036 = tpu.vector_load %arg6[%get3A_2034, %get3A_2035] {strides = array<i32>} : memref<400x128xi32, #tpu.memory_space<vmem>>, vector<1x16xi32>,
        %get3A_2037 = vector.shape_cast %get3A_2036 : vector<1x16xi32> to vector<16xi32>
        %add3A_2038 = arith.addi %get3A_2037, %get3A_6 : vector<16xi32>
        %add3A_2039 = arith.constant 0 : i32
        %add3A_2040 = arith.addi %mul3A_1947, %add3A_2039 : i32
        %swap3A_2041 = arith.index_cast %add3A_2040 : i32 to index
        %swap3A_2042 = arith.constant 96 : index
        %swap3A_2043 = tpu.vector_load %arg6[%swap3A_2041, %swap3A_2042] {strides = array<i32>} : memref<400x128xi32, #tpu.memory_space<vmem>>, vector<1x16xi32>,
        %swap3A_2044 = vector.shape_cast %swap3A_2043 : vector<1x16xi32> to vector<16xi32>
        %swap3A_2045 = vector.shape_cast %add3A_2038 : vector<16xi32> to vector<1x16xi32>
        tpu.vector_store %arg6[%swap3A_2041, %swap3A_2042], %swap3A_2045 {strides = array<i32>} : memref<400x128xi32, #tpu.memory_space<vmem>>, vector<1x16xi32>,
        %add3A_2046 = arith.constant 0 : i32
        %add3A_2047 = arith.addi %mul3A_1947, %add3A_2046 : i32
        %get3A_2048 = arith.index_cast %add3A_2047 : i32 to index
        %get3A_2049 = arith.constant 112 : index
        %get3A_2050 = tpu.vector_load %arg6[%get3A_2048, %get3A_2049] {strides = array<i32>} : memref<400x128xi32, #tpu.memory_space<vmem>>, vector<1x16xi32>,
        %get3A_2051 = vector.shape_cast %get3A_2050 : vector<1x16xi32> to vector<16xi32>
        %add3A_2052 = arith.addi %get3A_2051, %get3A_6 : vector<16xi32>
        %add3A_2053 = arith.constant 0 : i32
        %add3A_2054 = arith.addi %mul3A_1947, %add3A_2053 : i32
        %swap3A_2055 = arith.index_cast %add3A_2054 : i32 to index
        %swap3A_2056 = arith.constant 112 : index
        %swap3A_2057 = tpu.vector_load %arg6[%swap3A_2055, %swap3A_2056] {strides = array<i32>} : memref<400x128xi32, #tpu.memory_space<vmem>>, vector<1x16xi32>,
        %swap3A_2058 = vector.shape_cast %swap3A_2057 : vector<1x16xi32> to vector<16xi32>
        %swap3A_2059 = vector.shape_cast %add3A_2052 : vector<16xi32> to vector<1x16xi32>
        tpu.vector_store %arg6[%swap3A_2055, %swap3A_2056], %swap3A_2059 {strides = array<i32>} : memref<400x128xi32, #tpu.memory_space<vmem>>, vector<1x16xi32>,
        %add3A_2060 = arith.constant 1 : i32
        %add3A_2061 = arith.addi %mul3A_1947, %add3A_2060 : i32
        %get3A_2062 = arith.index_cast %add3A_2061 : i32 to index
        %get3A_2063 = arith.constant 0 : index
        %get3A_2064 = tpu.vector_load %arg6[%get3A_2062, %get3A_2063] {strides = array<i32>} : memref<400x128xi32, #tpu.memory_space<vmem>>, vector<1x16xi32>,
        %get3A_2065 = vector.shape_cast %get3A_2064 : vector<1x16xi32> to vector<16xi32>
        %add3A_2066 = arith.addi %get3A_2065, %get3A_6 : vector<16xi32>
        %add3A_2067 = arith.constant 1 : i32
        %add3A_2068 = arith.addi %mul3A_1947, %add3A_2067 : i32
        %swap3A_2069 = arith.index_cast %add3A_2068 : i32 to index
        %swap3A_2070 = arith.constant 0 : index
        %swap3A_2071 = tpu.vector_load %arg6[%swap3A_2069, %swap3A_2070] {strides = array<i32>} : memref<400x128xi32, #tpu.memory_space<vmem>>, vector<1x16xi32>,
        %swap3A_2072 = vector.shape_cast %swap3A_2071 : vector<1x16xi32> to vector<16xi32>
        %swap3A_2073 = vector.shape_cast %add3A_2066 : vector<16xi32> to vector<1x16xi32>
        tpu.vector_store %arg6[%swap3A_2069, %swap3A_2070], %swap3A_2073 {strides = array<i32>} : memref<400x128xi32, #tpu.memory_space<vmem>>, vector<1x16xi32>,
        %add3A_2074 = arith.constant 1 : i32
        %add3A_2075 = arith.addi %mul3A_1947, %add3A_2074 : i32
        %get3A_2076 = arith.index_cast %add3A_2075 : i32 to index
        %get3A_2077 = arith.constant 16 : index
        %get3A_2078 = tpu.vector_load %arg6[%get3A_2076, %get3A_2077] {strides = array<i32>} : memref<400x128xi32, #tpu.memory_space<vmem>>, vector<1x16xi32>,
        %get3A_2079 = vector.shape_cast %get3A_2078 : vector<1x16xi32> to vector<16xi32>
        %add3A_2080 = arith.addi %get3A_2079, %get3A_6 : vector<16xi32>
        %add3A_2081 = arith.constant 1 : i32
        %add3A_2082 = arith.addi %mul3A_1947, %add3A_2081 : i32
        %swap3A_2083 = arith.index_cast %add3A_2082 : i32 to index
        %swap3A_2084 = arith.constant 16 : index
        %swap3A_2085 = tpu.vector_load %arg6[%swap3A_2083, %swap3A_2084] {strides = array<i32>} : memref<400x128xi32, #tpu.memory_space<vmem>>, vector<1x16xi32>,
        %swap3A_2086 = vector.shape_cast %swap3A_2085 : vector<1x16xi32> to vector<16xi32>
        %swap3A_2087 = vector.shape_cast %add3A_2080 : vector<16xi32> to vector<1x16xi32>
        tpu.vector_store %arg6[%swap3A_2083, %swap3A_2084], %swap3A_2087 {strides = array<i32>} : memref<400x128xi32, #tpu.memory_space<vmem>>, vector<1x16xi32>,
        %add3A_2088 = arith.constant 1 : i32
        %add3A_2089 = arith.addi %mul3A_1947, %add3A_2088 : i32
        %get3A_2090 = arith.index_cast %add3A_2089 : i32 to index
        %get3A_2091 = arith.constant 32 : index
        %get3A_2092 = tpu.vector_load %arg6[%get3A_2090, %get3A_2091] {strides = array<i32>} : memref<400x128xi32, #tpu.memory_space<vmem>>, vector<1x16xi32>,
        %get3A_2093 = vector.shape_cast %get3A_2092 : vector<1x16xi32> to vector<16xi32>
        %add3A_2094 = arith.addi %get3A_2093, %get3A_6 : vector<16xi32>
        %add3A_2095 = arith.constant 1 : i32
        %add3A_2096 = arith.addi %mul3A_1947, %add3A_2095 : i32
        %swap3A_2097 = arith.index_cast %add3A_2096 : i32 to index
        %swap3A_2098 = arith.constant 32 : index
        %swap3A_2099 = tpu.vector_load %arg6[%swap3A_2097, %swap3A_2098] {strides = array<i32>} : memref<400x128xi32, #tpu.memory_space<vmem>>, vector<1x16xi32>,
        %swap3A_2100 = vector.shape_cast %swap3A_2099 : vector<1x16xi32> to vector<16xi32>
        %swap3A_2101 = vector.shape_cast %add3A_2094 : vector<16xi32> to vector<1x16xi32>
        tpu.vector_store %arg6[%swap3A_2097, %swap3A_2098], %swap3A_2101 {strides = array<i32>} : memref<400x128xi32, #tpu.memory_space<vmem>>, vector<1x16xi32>,
        %add3A_2102 = arith.constant 1 : i32
        %add3A_2103 = arith.addi %mul3A_1947, %add3A_2102 : i32
        %get3A_2104 = arith.index_cast %add3A_2103 : i32 to index
        %get3A_2105 = arith.constant 48 : index
        %get3A_2106 = tpu.vector_load %arg6[%get3A_2104, %get3A_2105] {strides = array<i32>} : memref<400x128xi32, #tpu.memory_space<vmem>>, vector<1x16xi32>,
        %get3A_2107 = vector.shape_cast %get3A_2106 : vector<1x16xi32> to vector<16xi32>
        %add3A_2108 = arith.addi %get3A_2107, %get3A_6 : vector<16xi32>
        %add3A_2109 = arith.constant 1 : i32
        %add3A_2110 = arith.addi %mul3A_1947, %add3A_2109 : i32
        %swap3A_2111 = arith.index_cast %add3A_2110 : i32 to index
        %swap3A_2112 = arith.constant 48 : index
        %swap3A_2113 = tpu.vector_load %arg6[%swap3A_2111, %swap3A_2112] {strides = array<i32>} : memref<400x128xi32, #tpu.memory_space<vmem>>, vector<1x16xi32>,
        %swap3A_2114 = vector.shape_cast %swap3A_2113 : vector<1x16xi32> to vector<16xi32>
        %swap3A_2115 = vector.shape_cast %add3A_2108 : vector<16xi32> to vector<1x16xi32>
        tpu.vector_store %arg6[%swap3A_2111, %swap3A_2112], %swap3A_2115 {strides = array<i32>} : memref<400x128xi32, #tpu.memory_space<vmem>>, vector<1x16xi32>,
        %add3A_2116 = arith.constant 1 : i32
        %add3A_2117 = arith.addi %mul3A_1947, %add3A_2116 : i32
        %get3A_2118 = arith.index_cast %add3A_2117 : i32 to index
        %get3A_2119 = arith.constant 64 : index
        %get3A_2120 = tpu.vector_load %arg6[%get3A_2118, %get3A_2119] {strides = array<i32>} : memref<400x128xi32, #tpu.memory_space<vmem>>, vector<1x16xi32>,
        %get3A_2121 = vector.shape_cast %get3A_2120 : vector<1x16xi32> to vector<16xi32>
        %add3A_2122 = arith.addi %get3A_2121, %get3A_6 : vector<16xi32>
        %add3A_2123 = arith.constant 1 : i32
        %add3A_2124 = arith.addi %mul3A_1947, %add3A_2123 : i32
        %swap3A_2125 = arith.index_cast %add3A_2124 : i32 to index
        %swap3A_2126 = arith.constant 64 : index
        %swap3A_2127 = tpu.vector_load %arg6[%swap3A_2125, %swap3A_2126] {strides = array<i32>} : memref<400x128xi32, #tpu.memory_space<vmem>>, vector<1x16xi32>,
        %swap3A_2128 = vector.shape_cast %swap3A_2127 : vector<1x16xi32> to vector<16xi32>
        %swap3A_2129 = vector.shape_cast %add3A_2122 : vector<16xi32> to vector<1x16xi32>
        tpu.vector_store %arg6[%swap3A_2125, %swap3A_2126], %swap3A_2129 {strides = array<i32>} : memref<400x128xi32, #tpu.memory_space<vmem>>, vector<1x16xi32>,
        %add3A_2130 = arith.constant 1 : i32
        %add3A_2131 = arith.addi %mul3A_1947, %add3A_2130 : i32
        %get3A_2132 = arith.index_cast %add3A_2131 : i32 to index
        %get3A_2133 = arith.constant 80 : index
        %get3A_2134 = tpu.vector_load %arg6[%get3A_2132, %get3A_2133] {strides = array<i32>} : memref<400x128xi32, #tpu.memory_space<vmem>>, vector<1x16xi32>,
        %get3A_2135 = vector.shape_cast %get3A_2134 : vector<1x16xi32> to vector<16xi32>
        %add3A_2136 = arith.addi %get3A_2135, %get3A_6 : vector<16xi32>
        %add3A_2137 = arith.constant 1 : i32
        %add3A_2138 = arith.addi %mul3A_1947, %add3A_2137 : i32
        %swap3A_2139 = arith.index_cast %add3A_2138 : i32 to index
        %swap3A_2140 = arith.constant 80 : index
        %swap3A_2141 = tpu.vector_load %arg6[%swap3A_2139, %swap3A_2140] {strides = array<i32>} : memref<400x128xi32, #tpu.memory_space<vmem>>, vector<1x16xi32>,
        %swap3A_2142 = vector.shape_cast %swap3A_2141 : vector<1x16xi32> to vector<16xi32>
        %swap3A_2143 = vector.shape_cast %add3A_2136 : vector<16xi32> to vector<1x16xi32>
        tpu.vector_store %arg6[%swap3A_2139, %swap3A_2140], %swap3A_2143 {strides = array<i32>} : memref<400x128xi32, #tpu.memory_space<vmem>>, vector<1x16xi32>,
        %add3A_2144 = arith.constant 1 : i32
        %add3A_2145 = arith.addi %mul3A_1947, %add3A_2144 : i32
        %get3A_2146 = arith.index_cast %add3A_2145 : i32 to index
        %get3A_2147 = arith.constant 96 : index
        %get3A_2148 = tpu.vector_load %arg6[%get3A_2146, %get3A_2147] {strides = array<i32>} : memref<400x128xi32, #tpu.memory_space<vmem>>, vector<1x16xi32>,
        %get3A_2149 = vector.shape_cast %get3A_2148 : vector<1x16xi32> to vector<16xi32>
        %add3A_2150 = arith.addi %get3A_2149, %get3A_6 : vector<16xi32>
        %add3A_2151 = arith.constant 1 : i32
        %add3A_2152 = arith.addi %mul3A_1947, %add3A_2151 : i32
        %swap3A_2153 = arith.index_cast %add3A_2152 : i32 to index
        %swap3A_2154 = arith.constant 96 : index
        %swap3A_2155 = tpu.vector_load %arg6[%swap3A_2153, %swap3A_2154] {strides = array<i32>} : memref<400x128xi32, #tpu.memory_space<vmem>>, vector<1x16xi32>,
        %swap3A_2156 = vector.shape_cast %swap3A_2155 : vector<1x16xi32> to vector<16xi32>
        %swap3A_2157 = vector.shape_cast %add3A_2150 : vector<16xi32> to vector<1x16xi32>
        tpu.vector_store %arg6[%swap3A_2153, %swap3A_2154], %swap3A_2157 {strides = array<i32>} : memref<400x128xi32, #tpu.memory_space<vmem>>, vector<1x16xi32>,
        %add3A_2158 = arith.constant 1 : i32
        %add3A_2159 = arith.addi %mul3A_1947, %add3A_2158 : i32
        %get3A_2160 = arith.index_cast %add3A_2159 : i32 to index
        %get3A_2161 = arith.constant 112 : index
        %get3A_2162 = tpu.vector_load %arg6[%get3A_2160, %get3A_2161] {strides = array<i32>} : memref<400x128xi32, #tpu.memory_space<vmem>>, vector<1x16xi32>,
        %get3A_2163 = vector.shape_cast %get3A_2162 : vector<1x16xi32> to vector<16xi32>
        %add3A_2164 = arith.addi %get3A_2163, %get3A_6 : vector<16xi32>
        %add3A_2165 = arith.constant 1 : i32
        %add3A_2166 = arith.addi %mul3A_1947, %add3A_2165 : i32
        %swap3A_2167 = arith.index_cast %add3A_2166 : i32 to index
        %swap3A_2168 = arith.constant 112 : index
        %swap3A_2169 = tpu.vector_load %arg6[%swap3A_2167, %swap3A_2168] {strides = array<i32>} : memref<400x128xi32, #tpu.memory_space<vmem>>, vector<1x16xi32>,
        %swap3A_2170 = vector.shape_cast %swap3A_2169 : vector<1x16xi32> to vector<16xi32>
        %swap3A_2171 = vector.shape_cast %add3A_2164 : vector<16xi32> to vector<1x16xi32>
        tpu.vector_store %arg6[%swap3A_2167, %swap3A_2168], %swap3A_2171 {strides = array<i32>} : memref<400x128xi32, #tpu.memory_space<vmem>>, vector<1x16xi32>,
        %add3A_2172 = arith.constant 2 : i32
        %add3A_2173 = arith.addi %mul3A_1947, %add3A_2172 : i32
        %get3A_2174 = arith.index_cast %add3A_2173 : i32 to index
        %get3A_2175 = arith.constant 0 : index
        %get3A_2176 = tpu.vector_load %arg6[%get3A_2174, %get3A_2175] {strides = array<i32>} : memref<400x128xi32, #tpu.memory_space<vmem>>, vector<1x16xi32>,
        %get3A_2177 = vector.shape_cast %get3A_2176 : vector<1x16xi32> to vector<16xi32>
        %add3A_2178 = arith.addi %get3A_2177, %get3A_6 : vector<16xi32>
        %add3A_2179 = arith.constant 2 : i32
        %add3A_2180 = arith.addi %mul3A_1947, %add3A_2179 : i32
        %swap3A_2181 = arith.index_cast %add3A_2180 : i32 to index
        %swap3A_2182 = arith.constant 0 : index
        %swap3A_2183 = tpu.vector_load %arg6[%swap3A_2181, %swap3A_2182] {strides = array<i32>} : memref<400x128xi32, #tpu.memory_space<vmem>>, vector<1x16xi32>,
        %swap3A_2184 = vector.shape_cast %swap3A_2183 : vector<1x16xi32> to vector<16xi32>
        %swap3A_2185 = vector.shape_cast %add3A_2178 : vector<16xi32> to vector<1x16xi32>
        tpu.vector_store %arg6[%swap3A_2181, %swap3A_2182], %swap3A_2185 {strides = array<i32>} : memref<400x128xi32, #tpu.memory_space<vmem>>, vector<1x16xi32>,
        %add3A_2186 = arith.constant 2 : i32
        %add3A_2187 = arith.addi %mul3A_1947, %add3A_2186 : i32
        %get3A_2188 = arith.index_cast %add3A_2187 : i32 to index
        %get3A_2189 = arith.constant 16 : index
        %get3A_2190 = tpu.vector_load %arg6[%get3A_2188, %get3A_2189] {strides = array<i32>} : memref<400x128xi32, #tpu.memory_space<vmem>>, vector<1x16xi32>,
        %get3A_2191 = vector.shape_cast %get3A_2190 : vector<1x16xi32> to vector<16xi32>
        %add3A_2192 = arith.addi %get3A_2191, %get3A_6 : vector<16xi32>
        %add3A_2193 = arith.constant 2 : i32
        %add3A_2194 = arith.addi %mul3A_1947, %add3A_2193 : i32
        %swap3A_2195 = arith.index_cast %add3A_2194 : i32 to index
        %swap3A_2196 = arith.constant 16 : index
        %swap3A_2197 = tpu.vector_load %arg6[%swap3A_2195, %swap3A_2196] {strides = array<i32>} : memref<400x128xi32, #tpu.memory_space<vmem>>, vector<1x16xi32>,
        %swap3A_2198 = vector.shape_cast %swap3A_2197 : vector<1x16xi32> to vector<16xi32>
        %swap3A_2199 = vector.shape_cast %add3A_2192 : vector<16xi32> to vector<1x16xi32>
        tpu.vector_store %arg6[%swap3A_2195, %swap3A_2196], %swap3A_2199 {strides = array<i32>} : memref<400x128xi32, #tpu.memory_space<vmem>>, vector<1x16xi32>,
        %add3A_2200 = arith.constant 2 : i32
        %add3A_2201 = arith.addi %mul3A_1947, %add3A_2200 : i32
        %get3A_2202 = arith.index_cast %add3A_2201 : i32 to index
        %get3A_2203 = arith.constant 32 : index
        %get3A_2204 = tpu.vector_load %arg6[%get3A_2202, %get3A_2203] {strides = array<i32>} : memref<400x128xi32, #tpu.memory_space<vmem>>, vector<1x16xi32>,
        %get3A_2205 = vector.shape_cast %get3A_2204 : vector<1x16xi32> to vector<16xi32>
        %add3A_2206 = arith.addi %get3A_2205, %get3A_6 : vector<16xi32>
        %add3A_2207 = arith.constant 2 : i32
        %add3A_2208 = arith.addi %mul3A_1947, %add3A_2207 : i32
        %swap3A_2209 = arith.index_cast %add3A_2208 : i32 to index
        %swap3A_2210 = arith.constant 32 : index
        %swap3A_2211 = tpu.vector_load %arg6[%swap3A_2209, %swap3A_2210] {strides = array<i32>} : memref<400x128xi32, #tpu.memory_space<vmem>>, vector<1x16xi32>,
        %swap3A_2212 = vector.shape_cast %swap3A_2211 : vector<1x16xi32> to vector<16xi32>
        %swap3A_2213 = vector.shape_cast %add3A_2206 : vector<16xi32> to vector<1x16xi32>
        tpu.vector_store %arg6[%swap3A_2209, %swap3A_2210], %swap3A_2213 {strides = array<i32>} : memref<400x128xi32, #tpu.memory_space<vmem>>, vector<1x16xi32>,
        %add3A_2214 = arith.constant 2 : i32
        %add3A_2215 = arith.addi %mul3A_1947, %add3A_2214 : i32
        %get3A_2216 = arith.index_cast %add3A_2215 : i32 to index
        %get3A_2217 = arith.constant 48 : index
        %get3A_2218 = tpu.vector_load %arg6[%get3A_2216, %get3A_2217] {strides = array<i32>} : memref<400x128xi32, #tpu.memory_space<vmem>>, vector<1x16xi32>,
        %get3A_2219 = vector.shape_cast %get3A_2218 : vector<1x16xi32> to vector<16xi32>
        %add3A_2220 = arith.addi %get3A_2219, %get3A_6 : vector<16xi32>
        %add3A_2221 = arith.constant 2 : i32
        %add3A_2222 = arith.addi %mul3A_1947, %add3A_2221 : i32
        %swap3A_2223 = arith.index_cast %add3A_2222 : i32 to index
        %swap3A_2224 = arith.constant 48 : index
        %swap3A_2225 = tpu.vector_load %arg6[%swap3A_2223, %swap3A_2224] {strides = array<i32>} : memref<400x128xi32, #tpu.memory_space<vmem>>, vector<1x16xi32>,
        %swap3A_2226 = vector.shape_cast %swap3A_2225 : vector<1x16xi32> to vector<16xi32>
        %swap3A_2227 = vector.shape_cast %add3A_2220 : vector<16xi32> to vector<1x16xi32>
        tpu.vector_store %arg6[%swap3A_2223, %swap3A_2224], %swap3A_2227 {strides = array<i32>} : memref<400x128xi32, #tpu.memory_space<vmem>>, vector<1x16xi32>,
        %add3A_2228 = arith.constant 2 : i32
        %add3A_2229 = arith.addi %mul3A_1947, %add3A_2228 : i32
        %get3A_2230 = arith.index_cast %add3A_2229 : i32 to index
        %get3A_2231 = arith.constant 64 : index
        %get3A_2232 = tpu.vector_load %arg6[%get3A_2230, %get3A_2231] {strides = array<i32>} : memref<400x128xi32, #tpu.memory_space<vmem>>, vector<1x16xi32>,
        %get3A_2233 = vector.shape_cast %get3A_2232 : vector<1x16xi32> to vector<16xi32>
        %add3A_2234 = arith.addi %get3A_2233, %get3A_6 : vector<16xi32>
        %add3A_2235 = arith.constant 2 : i32
        %add3A_2236 = arith.addi %mul3A_1947, %add3A_2235 : i32
        %swap3A_2237 = arith.index_cast %add3A_2236 : i32 to index
        %swap3A_2238 = arith.constant 64 : index
        %swap3A_2239 = tpu.vector_load %arg6[%swap3A_2237, %swap3A_2238] {strides = array<i32>} : memref<400x128xi32, #tpu.memory_space<vmem>>, vector<1x16xi32>,
        %swap3A_2240 = vector.shape_cast %swap3A_2239 : vector<1x16xi32> to vector<16xi32>
        %swap3A_2241 = vector.shape_cast %add3A_2234 : vector<16xi32> to vector<1x16xi32>
        tpu.vector_store %arg6[%swap3A_2237, %swap3A_2238], %swap3A_2241 {strides = array<i32>} : memref<400x128xi32, #tpu.memory_space<vmem>>, vector<1x16xi32>,
        %add3A_2242 = arith.constant 2 : i32
        %add3A_2243 = arith.addi %mul3A_1947, %add3A_2242 : i32
        %get3A_2244 = arith.index_cast %add3A_2243 : i32 to index
        %get3A_2245 = arith.constant 80 : index
        %get3A_2246 = tpu.vector_load %arg6[%get3A_2244, %get3A_2245] {strides = array<i32>} : memref<400x128xi32, #tpu.memory_space<vmem>>, vector<1x16xi32>,
        %get3A_2247 = vector.shape_cast %get3A_2246 : vector<1x16xi32> to vector<16xi32>
        %add3A_2248 = arith.addi %get3A_2247, %get3A_6 : vector<16xi32>
        %add3A_2249 = arith.constant 2 : i32
        %add3A_2250 = arith.addi %mul3A_1947, %add3A_2249 : i32
        %swap3A_2251 = arith.index_cast %add3A_2250 : i32 to index
        %swap3A_2252 = arith.constant 80 : index
        %swap3A_2253 = tpu.vector_load %arg6[%swap3A_2251, %swap3A_2252] {strides = array<i32>} : memref<400x128xi32, #tpu.memory_space<vmem>>, vector<1x16xi32>,
        %swap3A_2254 = vector.shape_cast %swap3A_2253 : vector<1x16xi32> to vector<16xi32>
        %swap3A_2255 = vector.shape_cast %add3A_2248 : vector<16xi32> to vector<1x16xi32>
        tpu.vector_store %arg6[%swap3A_2251, %swap3A_2252], %swap3A_2255 {strides = array<i32>} : memref<400x128xi32, #tpu.memory_space<vmem>>, vector<1x16xi32>,
        %add3A_2256 = arith.constant 2 : i32
        %add3A_2257 = arith.addi %mul3A_1947, %add3A_2256 : i32
        %get3A_2258 = arith.index_cast %add3A_2257 : i32 to index
        %get3A_2259 = arith.constant 96 : index
        %get3A_2260 = tpu.vector_load %arg6[%get3A_2258, %get3A_2259] {strides = array<i32>} : memref<400x128xi32, #tpu.memory_space<vmem>>, vector<1x16xi32>,
        %get3A_2261 = vector.shape_cast %get3A_2260 : vector<1x16xi32> to vector<16xi32>
        %add3A_2262 = arith.addi %get3A_2261, %get3A_6 : vector<16xi32>
        %add3A_2263 = arith.constant 2 : i32
        %add3A_2264 = arith.addi %mul3A_1947, %add3A_2263 : i32
        %swap3A_2265 = arith.index_cast %add3A_2264 : i32 to index
        %swap3A_2266 = arith.constant 96 : index
        %swap3A_2267 = tpu.vector_load %arg6[%swap3A_2265, %swap3A_2266] {strides = array<i32>} : memref<400x128xi32, #tpu.memory_space<vmem>>, vector<1x16xi32>,
        %swap3A_2268 = vector.shape_cast %swap3A_2267 : vector<1x16xi32> to vector<16xi32>
        %swap3A_2269 = vector.shape_cast %add3A_2262 : vector<16xi32> to vector<1x16xi32>
        tpu.vector_store %arg6[%swap3A_2265, %swap3A_2266], %swap3A_2269 {strides = array<i32>} : memref<400x128xi32, #tpu.memory_space<vmem>>, vector<1x16xi32>,
        %add3A_2270 = arith.constant 2 : i32
        %add3A_2271 = arith.addi %mul3A_1947, %add3A_2270 : i32
        %get3A_2272 = arith.index_cast %add3A_2271 : i32 to index
        %get3A_2273 = arith.constant 112 : index
        %get3A_2274 = tpu.vector_load %arg6[%get3A_2272, %get3A_2273] {strides = array<i32>} : memref<400x128xi32, #tpu.memory_space<vmem>>, vector<1x16xi32>,
        %get3A_2275 = vector.shape_cast %get3A_2274 : vector<1x16xi32> to vector<16xi32>
        %add3A_2276 = arith.addi %get3A_2275, %get3A_6 : vector<16xi32>
        %add3A_2277 = arith.constant 2 : i32
        %add3A_2278 = arith.addi %mul3A_1947, %add3A_2277 : i32
        %swap3A_2279 = arith.index_cast %add3A_2278 : i32 to index
        %swap3A_2280 = arith.constant 112 : index
        %swap3A_2281 = tpu.vector_load %arg6[%swap3A_2279, %swap3A_2280] {strides = array<i32>} : memref<400x128xi32, #tpu.memory_space<vmem>>, vector<1x16xi32>,
        %swap3A_2282 = vector.shape_cast %swap3A_2281 : vector<1x16xi32> to vector<16xi32>
        %swap3A_2283 = vector.shape_cast %add3A_2276 : vector<16xi32> to vector<1x16xi32>
        tpu.vector_store %arg6[%swap3A_2279, %swap3A_2280], %swap3A_2283 {strides = array<i32>} : memref<400x128xi32, #tpu.memory_space<vmem>>, vector<1x16xi32>,
        %add3A_2284 = arith.constant 3 : i32
        %add3A_2285 = arith.addi %mul3A_1947, %add3A_2284 : i32
        %get3A_2286 = arith.index_cast %add3A_2285 : i32 to index
        %get3A_2287 = arith.constant 0 : index
        %get3A_2288 = tpu.vector_load %arg6[%get3A_2286, %get3A_2287] {strides = array<i32>} : memref<400x128xi32, #tpu.memory_space<vmem>>, vector<1x16xi32>,
        %get3A_2289 = vector.shape_cast %get3A_2288 : vector<1x16xi32> to vector<16xi32>
        %add3A_2290 = arith.addi %get3A_2289, %get3A_6 : vector<16xi32>
        %add3A_2291 = arith.constant 3 : i32
        %add3A_2292 = arith.addi %mul3A_1947, %add3A_2291 : i32
        %swap3A_2293 = arith.index_cast %add3A_2292 : i32 to index
        %swap3A_2294 = arith.constant 0 : index
        %swap3A_2295 = tpu.vector_load %arg6[%swap3A_2293, %swap3A_2294] {strides = array<i32>} : memref<400x128xi32, #tpu.memory_space<vmem>>, vector<1x16xi32>,
        %swap3A_2296 = vector.shape_cast %swap3A_2295 : vector<1x16xi32> to vector<16xi32>
        %swap3A_2297 = vector.shape_cast %add3A_2290 : vector<16xi32> to vector<1x16xi32>
        tpu.vector_store %arg6[%swap3A_2293, %swap3A_2294], %swap3A_2297 {strides = array<i32>} : memref<400x128xi32, #tpu.memory_space<vmem>>, vector<1x16xi32>,
        %add3A_2298 = arith.constant 3 : i32
        %add3A_2299 = arith.addi %mul3A_1947, %add3A_2298 : i32
        %get3A_2300 = arith.index_cast %add3A_2299 : i32 to index
        %get3A_2301 = arith.constant 16 : index
        %get3A_2302 = tpu.vector_load %arg6[%get3A_2300, %get3A_2301] {strides = array<i32>} : memref<400x128xi32, #tpu.memory_space<vmem>>, vector<1x16xi32>,
        %get3A_2303 = vector.shape_cast %get3A_2302 : vector<1x16xi32> to vector<16xi32>
        %add3A_2304 = arith.addi %get3A_2303, %get3A_6 : vector<16xi32>
        %add3A_2305 = arith.constant 3 : i32
        %add3A_2306 = arith.addi %mul3A_1947, %add3A_2305 : i32
        %swap3A_2307 = arith.index_cast %add3A_2306 : i32 to index
        %swap3A_2308 = arith.constant 16 : index
        %swap3A_2309 = tpu.vector_load %arg6[%swap3A_2307, %swap3A_2308] {strides = array<i32>} : memref<400x128xi32, #tpu.memory_space<vmem>>, vector<1x16xi32>,
        %swap3A_2310 = vector.shape_cast %swap3A_2309 : vector<1x16xi32> to vector<16xi32>
        %swap3A_2311 = vector.shape_cast %add3A_2304 : vector<16xi32> to vector<1x16xi32>
        tpu.vector_store %arg6[%swap3A_2307, %swap3A_2308], %swap3A_2311 {strides = array<i32>} : memref<400x128xi32, #tpu.memory_space<vmem>>, vector<1x16xi32>,
        %add3A_2312 = arith.constant 3 : i32
        %add3A_2313 = arith.addi %mul3A_1947, %add3A_2312 : i32
        %get3A_2314 = arith.index_cast %add3A_2313 : i32 to index
        %get3A_2315 = arith.constant 32 : index
        %get3A_2316 = tpu.vector_load %arg6[%get3A_2314, %get3A_2315] {strides = array<i32>} : memref<400x128xi32, #tpu.memory_space<vmem>>, vector<1x16xi32>,
        %get3A_2317 = vector.shape_cast %get3A_2316 : vector<1x16xi32> to vector<16xi32>
        %add3A_2318 = arith.addi %get3A_2317, %get3A_6 : vector<16xi32>
        %add3A_2319 = arith.constant 3 : i32
        %add3A_2320 = arith.addi %mul3A_1947, %add3A_2319 : i32
        %swap3A_2321 = arith.index_cast %add3A_2320 : i32 to index
        %swap3A_2322 = arith.constant 32 : index
        %swap3A_2323 = tpu.vector_load %arg6[%swap3A_2321, %swap3A_2322] {strides = array<i32>} : memref<400x128xi32, #tpu.memory_space<vmem>>, vector<1x16xi32>,
        %swap3A_2324 = vector.shape_cast %swap3A_2323 : vector<1x16xi32> to vector<16xi32>
        %swap3A_2325 = vector.shape_cast %add3A_2318 : vector<16xi32> to vector<1x16xi32>
        tpu.vector_store %arg6[%swap3A_2321, %swap3A_2322], %swap3A_2325 {strides = array<i32>} : memref<400x128xi32, #tpu.memory_space<vmem>>, vector<1x16xi32>,
        %add3A_2326 = arith.constant 3 : i32
        %add3A_2327 = arith.addi %mul3A_1947, %add3A_2326 : i32
        %get3A_2328 = arith.index_cast %add3A_2327 : i32 to index
        %get3A_2329 = arith.constant 48 : index
        %get3A_2330 = tpu.vector_load %arg6[%get3A_2328, %get3A_2329] {strides = array<i32>} : memref<400x128xi32, #tpu.memory_space<vmem>>, vector<1x16xi32>,
        %get3A_2331 = vector.shape_cast %get3A_2330 : vector<1x16xi32> to vector<16xi32>
        %add3A_2332 = arith.addi %get3A_2331, %get3A_6 : vector<16xi32>
        %add3A_2333 = arith.constant 3 : i32
        %add3A_2334 = arith.addi %mul3A_1947, %add3A_2333 : i32
        %swap3A_2335 = arith.index_cast %add3A_2334 : i32 to index
        %swap3A_2336 = arith.constant 48 : index
        %swap3A_2337 = tpu.vector_load %arg6[%swap3A_2335, %swap3A_2336] {strides = array<i32>} : memref<400x128xi32, #tpu.memory_space<vmem>>, vector<1x16xi32>,
        %swap3A_2338 = vector.shape_cast %swap3A_2337 : vector<1x16xi32> to vector<16xi32>
        %swap3A_2339 = vector.shape_cast %add3A_2332 : vector<16xi32> to vector<1x16xi32>
        tpu.vector_store %arg6[%swap3A_2335, %swap3A_2336], %swap3A_2339 {strides = array<i32>} : memref<400x128xi32, #tpu.memory_space<vmem>>, vector<1x16xi32>,
        %add3A_2340 = arith.constant 3 : i32
        %add3A_2341 = arith.addi %mul3A_1947, %add3A_2340 : i32
        %get3A_2342 = arith.index_cast %add3A_2341 : i32 to index
        %get3A_2343 = arith.constant 64 : index
        %get3A_2344 = tpu.vector_load %arg6[%get3A_2342, %get3A_2343] {strides = array<i32>} : memref<400x128xi32, #tpu.memory_space<vmem>>, vector<1x16xi32>,
        %get3A_2345 = vector.shape_cast %get3A_2344 : vector<1x16xi32> to vector<16xi32>
        %add3A_2346 = arith.addi %get3A_2345, %get3A_6 : vector<16xi32>
        %add3A_2347 = arith.constant 3 : i32
        %add3A_2348 = arith.addi %mul3A_1947, %add3A_2347 : i32
        %swap3A_2349 = arith.index_cast %add3A_2348 : i32 to index
        %swap3A_2350 = arith.constant 64 : index
        %swap3A_2351 = tpu.vector_load %arg6[%swap3A_2349, %swap3A_2350] {strides = array<i32>} : memref<400x128xi32, #tpu.memory_space<vmem>>, vector<1x16xi32>,
        %swap3A_2352 = vector.shape_cast %swap3A_2351 : vector<1x16xi32> to vector<16xi32>
        %swap3A_2353 = vector.shape_cast %add3A_2346 : vector<16xi32> to vector<1x16xi32>
        tpu.vector_store %arg6[%swap3A_2349, %swap3A_2350], %swap3A_2353 {strides = array<i32>} : memref<400x128xi32, #tpu.memory_space<vmem>>, vector<1x16xi32>,
        %add3A_2354 = arith.constant 3 : i32
        %add3A_2355 = arith.addi %mul3A_1947, %add3A_2354 : i32
        %get3A_2356 = arith.index_cast %add3A_2355 : i32 to index
        %get3A_2357 = arith.constant 80 : index
        %get3A_2358 = tpu.vector_load %arg6[%get3A_2356, %get3A_2357] {strides = array<i32>} : memref<400x128xi32, #tpu.memory_space<vmem>>, vector<1x16xi32>,
        %get3A_2359 = vector.shape_cast %get3A_2358 : vector<1x16xi32> to vector<16xi32>
        %add3A_2360 = arith.addi %get3A_2359, %get3A_6 : vector<16xi32>
        %add3A_2361 = arith.constant 3 : i32
        %add3A_2362 = arith.addi %mul3A_1947, %add3A_2361 : i32
        %swap3A_2363 = arith.index_cast %add3A_2362 : i32 to index
        %swap3A_2364 = arith.constant 80 : index
        %swap3A_2365 = tpu.vector_load %arg6[%swap3A_2363, %swap3A_2364] {strides = array<i32>} : memref<400x128xi32, #tpu.memory_space<vmem>>, vector<1x16xi32>,
        %swap3A_2366 = vector.shape_cast %swap3A_2365 : vector<1x16xi32> to vector<16xi32>
        %swap3A_2367 = vector.shape_cast %add3A_2360 : vector<16xi32> to vector<1x16xi32>
        tpu.vector_store %arg6[%swap3A_2363, %swap3A_2364], %swap3A_2367 {strides = array<i32>} : memref<400x128xi32, #tpu.memory_space<vmem>>, vector<1x16xi32>,
        %add3A_2368 = arith.constant 3 : i32
        %add3A_2369 = arith.addi %mul3A_1947, %add3A_2368 : i32
        %get3A_2370 = arith.index_cast %add3A_2369 : i32 to index
        %get3A_2371 = arith.constant 96 : index
        %get3A_2372 = tpu.vector_load %arg6[%get3A_2370, %get3A_2371] {strides = array<i32>} : memref<400x128xi32, #tpu.memory_space<vmem>>, vector<1x16xi32>,
        %get3A_2373 = vector.shape_cast %get3A_2372 : vector<1x16xi32> to vector<16xi32>
        %add3A_2374 = arith.addi %get3A_2373, %get3A_6 : vector<16xi32>
        %add3A_2375 = arith.constant 3 : i32
        %add3A_2376 = arith.addi %mul3A_1947, %add3A_2375 : i32
        %swap3A_2377 = arith.index_cast %add3A_2376 : i32 to index
        %swap3A_2378 = arith.constant 96 : index
        %swap3A_2379 = tpu.vector_load %arg6[%swap3A_2377, %swap3A_2378] {strides = array<i32>} : memref<400x128xi32, #tpu.memory_space<vmem>>, vector<1x16xi32>,
        %swap3A_2380 = vector.shape_cast %swap3A_2379 : vector<1x16xi32> to vector<16xi32>
        %swap3A_2381 = vector.shape_cast %add3A_2374 : vector<16xi32> to vector<1x16xi32>
        tpu.vector_store %arg6[%swap3A_2377, %swap3A_2378], %swap3A_2381 {strides = array<i32>} : memref<400x128xi32, #tpu.memory_space<vmem>>, vector<1x16xi32>,
        %add3A_2382 = arith.constant 3 : i32
        %add3A_2383 = arith.addi %mul3A_1947, %add3A_2382 : i32
        %get3A_2384 = arith.index_cast %add3A_2383 : i32 to index
        %get3A_2385 = arith.constant 112 : index
        %get3A_2386 = tpu.vector_load %arg6[%get3A_2384, %get3A_2385] {strides = array<i32>} : memref<400x128xi32, #tpu.memory_space<vmem>>, vector<1x16xi32>,
        %get3A_2387 = vector.shape_cast %get3A_2386 : vector<1x16xi32> to vector<16xi32>
        %add3A_2388 = arith.addi %get3A_2387, %get3A_6 : vector<16xi32>
        %add3A_2389 = arith.constant 3 : i32
        %add3A_2390 = arith.addi %mul3A_1947, %add3A_2389 : i32
        %swap3A_2391 = arith.index_cast %add3A_2390 : i32 to index
        %swap3A_2392 = arith.constant 112 : index
        %swap3A_2393 = tpu.vector_load %arg6[%swap3A_2391, %swap3A_2392] {strides = array<i32>} : memref<400x128xi32, #tpu.memory_space<vmem>>, vector<1x16xi32>,
        %swap3A_2394 = vector.shape_cast %swap3A_2393 : vector<1x16xi32> to vector<16xi32>
        %swap3A_2395 = vector.shape_cast %add3A_2388 : vector<16xi32> to vector<1x16xi32>
        tpu.vector_store %arg6[%swap3A_2391, %swap3A_2392], %swap3A_2395 {strides = array<i32>} : memref<400x128xi32, #tpu.memory_space<vmem>>, vector<1x16xi32>,
        %add3A_2396 = arith.constant 4 : i32
        %add3A_2397 = arith.addi %mul3A_1947, %add3A_2396 : i32
        %get3A_2398 = arith.index_cast %add3A_2397 : i32 to index
        %get3A_2399 = arith.constant 0 : index
        %get3A_2400 = tpu.vector_load %arg6[%get3A_2398, %get3A_2399] {strides = array<i32>} : memref<400x128xi32, #tpu.memory_space<vmem>>, vector<1x16xi32>,
        %get3A_2401 = vector.shape_cast %get3A_2400 : vector<1x16xi32> to vector<16xi32>
        %add3A_2402 = arith.addi %get3A_2401, %get3A_6 : vector<16xi32>
        %add3A_2403 = arith.constant 4 : i32
        %add3A_2404 = arith.addi %mul3A_1947, %add3A_2403 : i32
        %swap3A_2405 = arith.index_cast %add3A_2404 : i32 to index
        %swap3A_2406 = arith.constant 0 : index
        %swap3A_2407 = tpu.vector_load %arg6[%swap3A_2405, %swap3A_2406] {strides = array<i32>} : memref<400x128xi32, #tpu.memory_space<vmem>>, vector<1x16xi32>,
        %swap3A_2408 = vector.shape_cast %swap3A_2407 : vector<1x16xi32> to vector<16xi32>
        %swap3A_2409 = vector.shape_cast %add3A_2402 : vector<16xi32> to vector<1x16xi32>
        tpu.vector_store %arg6[%swap3A_2405, %swap3A_2406], %swap3A_2409 {strides = array<i32>} : memref<400x128xi32, #tpu.memory_space<vmem>>, vector<1x16xi32>,
        %add3A_2410 = arith.constant 4 : i32
        %add3A_2411 = arith.addi %mul3A_1947, %add3A_2410 : i32
        %get3A_2412 = arith.index_cast %add3A_2411 : i32 to index
        %get3A_2413 = arith.constant 16 : index
        %get3A_2414 = tpu.vector_load %arg6[%get3A_2412, %get3A_2413] {strides = array<i32>} : memref<400x128xi32, #tpu.memory_space<vmem>>, vector<1x16xi32>,
        %get3A_2415 = vector.shape_cast %get3A_2414 : vector<1x16xi32> to vector<16xi32>
        %add3A_2416 = arith.addi %get3A_2415, %get3A_6 : vector<16xi32>
        %add3A_2417 = arith.constant 4 : i32
        %add3A_2418 = arith.addi %mul3A_1947, %add3A_2417 : i32
        %swap3A_2419 = arith.index_cast %add3A_2418 : i32 to index
        %swap3A_2420 = arith.constant 16 : index
        %swap3A_2421 = tpu.vector_load %arg6[%swap3A_2419, %swap3A_2420] {strides = array<i32>} : memref<400x128xi32, #tpu.memory_space<vmem>>, vector<1x16xi32>,
        %swap3A_2422 = vector.shape_cast %swap3A_2421 : vector<1x16xi32> to vector<16xi32>
        %swap3A_2423 = vector.shape_cast %add3A_2416 : vector<16xi32> to vector<1x16xi32>
        tpu.vector_store %arg6[%swap3A_2419, %swap3A_2420], %swap3A_2423 {strides = array<i32>} : memref<400x128xi32, #tpu.memory_space<vmem>>, vector<1x16xi32>,
        %add3A_2424 = arith.constant 4 : i32
        %add3A_2425 = arith.addi %mul3A_1947, %add3A_2424 : i32
        %get3A_2426 = arith.index_cast %add3A_2425 : i32 to index
        %get3A_2427 = arith.constant 32 : index
        %get3A_2428 = tpu.vector_load %arg6[%get3A_2426, %get3A_2427] {strides = array<i32>} : memref<400x128xi32, #tpu.memory_space<vmem>>, vector<1x16xi32>,
        %get3A_2429 = vector.shape_cast %get3A_2428 : vector<1x16xi32> to vector<16xi32>
        %add3A_2430 = arith.addi %get3A_2429, %get3A_6 : vector<16xi32>
        %add3A_2431 = arith.constant 4 : i32
        %add3A_2432 = arith.addi %mul3A_1947, %add3A_2431 : i32
        %swap3A_2433 = arith.index_cast %add3A_2432 : i32 to index
        %swap3A_2434 = arith.constant 32 : index
        %swap3A_2435 = tpu.vector_load %arg6[%swap3A_2433, %swap3A_2434] {strides = array<i32>} : memref<400x128xi32, #tpu.memory_space<vmem>>, vector<1x16xi32>,
        %swap3A_2436 = vector.shape_cast %swap3A_2435 : vector<1x16xi32> to vector<16xi32>
        %swap3A_2437 = vector.shape_cast %add3A_2430 : vector<16xi32> to vector<1x16xi32>
        tpu.vector_store %arg6[%swap3A_2433, %swap3A_2434], %swap3A_2437 {strides = array<i32>} : memref<400x128xi32, #tpu.memory_space<vmem>>, vector<1x16xi32>,
        %add3A_2438 = arith.constant 4 : i32
        %add3A_2439 = arith.addi %mul3A_1947, %add3A_2438 : i32
        %get3A_2440 = arith.index_cast %add3A_2439 : i32 to index
        %get3A_2441 = arith.constant 48 : index
        %get3A_2442 = tpu.vector_load %arg6[%get3A_2440, %get3A_2441] {strides = array<i32>} : memref<400x128xi32, #tpu.memory_space<vmem>>, vector<1x16xi32>,
        %get3A_2443 = vector.shape_cast %get3A_2442 : vector<1x16xi32> to vector<16xi32>
        %add3A_2444 = arith.addi %get3A_2443, %get3A_6 : vector<16xi32>
        %add3A_2445 = arith.constant 4 : i32
        %add3A_2446 = arith.addi %mul3A_1947, %add3A_2445 : i32
        %swap3A_2447 = arith.index_cast %add3A_2446 : i32 to index
        %swap3A_2448 = arith.constant 48 : index
        %swap3A_2449 = tpu.vector_load %arg6[%swap3A_2447, %swap3A_2448] {strides = array<i32>} : memref<400x128xi32, #tpu.memory_space<vmem>>, vector<1x16xi32>,
        %swap3A_2450 = vector.shape_cast %swap3A_2449 : vector<1x16xi32> to vector<16xi32>
        %swap3A_2451 = vector.shape_cast %add3A_2444 : vector<16xi32> to vector<1x16xi32>
        tpu.vector_store %arg6[%swap3A_2447, %swap3A_2448], %swap3A_2451 {strides = array<i32>} : memref<400x128xi32, #tpu.memory_space<vmem>>, vector<1x16xi32>,
        %add3A_2452 = arith.constant 4 : i32
        %add3A_2453 = arith.addi %mul3A_1947, %add3A_2452 : i32
        %get3A_2454 = arith.index_cast %add3A_2453 : i32 to index
        %get3A_2455 = arith.constant 64 : index
        %get3A_2456 = tpu.vector_load %arg6[%get3A_2454, %get3A_2455] {strides = array<i32>} : memref<400x128xi32, #tpu.memory_space<vmem>>, vector<1x16xi32>,
        %get3A_2457 = vector.shape_cast %get3A_2456 : vector<1x16xi32> to vector<16xi32>
        %add3A_2458 = arith.addi %get3A_2457, %get3A_6 : vector<16xi32>
        %add3A_2459 = arith.constant 4 : i32
        %add3A_2460 = arith.addi %mul3A_1947, %add3A_2459 : i32
        %swap3A_2461 = arith.index_cast %add3A_2460 : i32 to index
        %swap3A_2462 = arith.constant 64 : index
        %swap3A_2463 = tpu.vector_load %arg6[%swap3A_2461, %swap3A_2462] {strides = array<i32>} : memref<400x128xi32, #tpu.memory_space<vmem>>, vector<1x16xi32>,
        %swap3A_2464 = vector.shape_cast %swap3A_2463 : vector<1x16xi32> to vector<16xi32>
        %swap3A_2465 = vector.shape_cast %add3A_2458 : vector<16xi32> to vector<1x16xi32>
        tpu.vector_store %arg6[%swap3A_2461, %swap3A_2462], %swap3A_2465 {strides = array<i32>} : memref<400x128xi32, #tpu.memory_space<vmem>>, vector<1x16xi32>,
        %add3A_2466 = arith.constant 4 : i32
        %add3A_2467 = arith.addi %mul3A_1947, %add3A_2466 : i32
        %get3A_2468 = arith.index_cast %add3A_2467 : i32 to index
        %get3A_2469 = arith.constant 80 : index
        %get3A_2470 = tpu.vector_load %arg6[%get3A_2468, %get3A_2469] {strides = array<i32>} : memref<400x128xi32, #tpu.memory_space<vmem>>, vector<1x16xi32>,
        %get3A_2471 = vector.shape_cast %get3A_2470 : vector<1x16xi32> to vector<16xi32>
        %add3A_2472 = arith.addi %get3A_2471, %get3A_6 : vector<16xi32>
        %add3A_2473 = arith.constant 4 : i32
        %add3A_2474 = arith.addi %mul3A_1947, %add3A_2473 : i32
        %swap3A_2475 = arith.index_cast %add3A_2474 : i32 to index
        %swap3A_2476 = arith.constant 80 : index
        %swap3A_2477 = tpu.vector_load %arg6[%swap3A_2475, %swap3A_2476] {strides = array<i32>} : memref<400x128xi32, #tpu.memory_space<vmem>>, vector<1x16xi32>,
        %swap3A_2478 = vector.shape_cast %swap3A_2477 : vector<1x16xi32> to vector<16xi32>
        %swap3A_2479 = vector.shape_cast %add3A_2472 : vector<16xi32> to vector<1x16xi32>
        tpu.vector_store %arg6[%swap3A_2475, %swap3A_2476], %swap3A_2479 {strides = array<i32>} : memref<400x128xi32, #tpu.memory_space<vmem>>, vector<1x16xi32>,
        %add3A_2480 = arith.constant 4 : i32
        %add3A_2481 = arith.addi %mul3A_1947, %add3A_2480 : i32
        %get3A_2482 = arith.index_cast %add3A_2481 : i32 to index
        %get3A_2483 = arith.constant 96 : index
        %get3A_2484 = tpu.vector_load %arg6[%get3A_2482, %get3A_2483] {strides = array<i32>} : memref<400x128xi32, #tpu.memory_space<vmem>>, vector<1x16xi32>,
        %get3A_2485 = vector.shape_cast %get3A_2484 : vector<1x16xi32> to vector<16xi32>
        %add3A_2486 = arith.addi %get3A_2485, %get3A_6 : vector<16xi32>
        %add3A_2487 = arith.constant 4 : i32
        %add3A_2488 = arith.addi %mul3A_1947, %add3A_2487 : i32
        %swap3A_2489 = arith.index_cast %add3A_2488 : i32 to index
        %swap3A_2490 = arith.constant 96 : index
        %swap3A_2491 = tpu.vector_load %arg6[%swap3A_2489, %swap3A_2490] {strides = array<i32>} : memref<400x128xi32, #tpu.memory_space<vmem>>, vector<1x16xi32>,
        %swap3A_2492 = vector.shape_cast %swap3A_2491 : vector<1x16xi32> to vector<16xi32>
        %swap3A_2493 = vector.shape_cast %add3A_2486 : vector<16xi32> to vector<1x16xi32>
        tpu.vector_store %arg6[%swap3A_2489, %swap3A_2490], %swap3A_2493 {strides = array<i32>} : memref<400x128xi32, #tpu.memory_space<vmem>>, vector<1x16xi32>,
        %add3A_2494 = arith.constant 4 : i32
        %add3A_2495 = arith.addi %mul3A_1947, %add3A_2494 : i32
        %get3A_2496 = arith.index_cast %add3A_2495 : i32 to index
        %get3A_2497 = arith.constant 112 : index
        %get3A_2498 = tpu.vector_load %arg6[%get3A_2496, %get3A_2497] {strides = array<i32>} : memref<400x128xi32, #tpu.memory_space<vmem>>, vector<1x16xi32>,
        %get3A_2499 = vector.shape_cast %get3A_2498 : vector<1x16xi32> to vector<16xi32>
        %add3A_2500 = arith.addi %get3A_2499, %get3A_6 : vector<16xi32>
        %add3A_2501 = arith.constant 4 : i32
        %add3A_2502 = arith.addi %mul3A_1947, %add3A_2501 : i32
        %swap3A_2503 = arith.index_cast %add3A_2502 : i32 to index
        %swap3A_2504 = arith.constant 112 : index
        %swap3A_2505 = tpu.vector_load %arg6[%swap3A_2503, %swap3A_2504] {strides = array<i32>} : memref<400x128xi32, #tpu.memory_space<vmem>>, vector<1x16xi32>,
        %swap3A_2506 = vector.shape_cast %swap3A_2505 : vector<1x16xi32> to vector<16xi32>
        %swap3A_2507 = vector.shape_cast %add3A_2500 : vector<16xi32> to vector<1x16xi32>
        tpu.vector_store %arg6[%swap3A_2503, %swap3A_2504], %swap3A_2507 {strides = array<i32>} : memref<400x128xi32, #tpu.memory_space<vmem>>, vector<1x16xi32>,
        %add3A_2508 = arith.constant 5 : i32
        %add3A_2509 = arith.addi %mul3A_1947, %add3A_2508 : i32
        %get3A_2510 = arith.index_cast %add3A_2509 : i32 to index
        %get3A_2511 = arith.constant 0 : index
        %get3A_2512 = tpu.vector_load %arg6[%get3A_2510, %get3A_2511] {strides = array<i32>} : memref<400x128xi32, #tpu.memory_space<vmem>>, vector<1x16xi32>,
        %get3A_2513 = vector.shape_cast %get3A_2512 : vector<1x16xi32> to vector<16xi32>
        %add3A_2514 = arith.addi %get3A_2513, %get3A_6 : vector<16xi32>
        %add3A_2515 = arith.constant 5 : i32
        %add3A_2516 = arith.addi %mul3A_1947, %add3A_2515 : i32
        %swap3A_2517 = arith.index_cast %add3A_2516 : i32 to index
        %swap3A_2518 = arith.constant 0 : index
        %swap3A_2519 = tpu.vector_load %arg6[%swap3A_2517, %swap3A_2518] {strides = array<i32>} : memref<400x128xi32, #tpu.memory_space<vmem>>, vector<1x16xi32>,
        %swap3A_2520 = vector.shape_cast %swap3A_2519 : vector<1x16xi32> to vector<16xi32>
        %swap3A_2521 = vector.shape_cast %add3A_2514 : vector<16xi32> to vector<1x16xi32>
        tpu.vector_store %arg6[%swap3A_2517, %swap3A_2518], %swap3A_2521 {strides = array<i32>} : memref<400x128xi32, #tpu.memory_space<vmem>>, vector<1x16xi32>,
        %add3A_2522 = arith.constant 5 : i32
        %add3A_2523 = arith.addi %mul3A_1947, %add3A_2522 : i32
        %get3A_2524 = arith.index_cast %add3A_2523 : i32 to index
        %get3A_2525 = arith.constant 16 : index
        %get3A_2526 = tpu.vector_load %arg6[%get3A_2524, %get3A_2525] {strides = array<i32>} : memref<400x128xi32, #tpu.memory_space<vmem>>, vector<1x16xi32>,
        %get3A_2527 = vector.shape_cast %get3A_2526 : vector<1x16xi32> to vector<16xi32>
        %add3A_2528 = arith.addi %get3A_2527, %get3A_6 : vector<16xi32>
        %add3A_2529 = arith.constant 5 : i32
        %add3A_2530 = arith.addi %mul3A_1947, %add3A_2529 : i32
        %swap3A_2531 = arith.index_cast %add3A_2530 : i32 to index
        %swap3A_2532 = arith.constant 16 : index
        %swap3A_2533 = tpu.vector_load %arg6[%swap3A_2531, %swap3A_2532] {strides = array<i32>} : memref<400x128xi32, #tpu.memory_space<vmem>>, vector<1x16xi32>,
        %swap3A_2534 = vector.shape_cast %swap3A_2533 : vector<1x16xi32> to vector<16xi32>
        %swap3A_2535 = vector.shape_cast %add3A_2528 : vector<16xi32> to vector<1x16xi32>
        tpu.vector_store %arg6[%swap3A_2531, %swap3A_2532], %swap3A_2535 {strides = array<i32>} : memref<400x128xi32, #tpu.memory_space<vmem>>, vector<1x16xi32>,
        %add3A_2536 = arith.constant 5 : i32
        %add3A_2537 = arith.addi %mul3A_1947, %add3A_2536 : i32
        %get3A_2538 = arith.index_cast %add3A_2537 : i32 to index
        %get3A_2539 = arith.constant 32 : index
        %get3A_2540 = tpu.vector_load %arg6[%get3A_2538, %get3A_2539] {strides = array<i32>} : memref<400x128xi32, #tpu.memory_space<vmem>>, vector<1x16xi32>,
        %get3A_2541 = vector.shape_cast %get3A_2540 : vector<1x16xi32> to vector<16xi32>
        %add3A_2542 = arith.addi %get3A_2541, %get3A_6 : vector<16xi32>
        %add3A_2543 = arith.constant 5 : i32
        %add3A_2544 = arith.addi %mul3A_1947, %add3A_2543 : i32
        %swap3A_2545 = arith.index_cast %add3A_2544 : i32 to index
        %swap3A_2546 = arith.constant 32 : index
        %swap3A_2547 = tpu.vector_load %arg6[%swap3A_2545, %swap3A_2546] {strides = array<i32>} : memref<400x128xi32, #tpu.memory_space<vmem>>, vector<1x16xi32>,
        %swap3A_2548 = vector.shape_cast %swap3A_2547 : vector<1x16xi32> to vector<16xi32>
        %swap3A_2549 = vector.shape_cast %add3A_2542 : vector<16xi32> to vector<1x16xi32>
        tpu.vector_store %arg6[%swap3A_2545, %swap3A_2546], %swap3A_2549 {strides = array<i32>} : memref<400x128xi32, #tpu.memory_space<vmem>>, vector<1x16xi32>,
        %add3A_2550 = arith.constant 5 : i32
        %add3A_2551 = arith.addi %mul3A_1947, %add3A_2550 : i32
        %get3A_2552 = arith.index_cast %add3A_2551 : i32 to index
        %get3A_2553 = arith.constant 48 : index
        %get3A_2554 = tpu.vector_load %arg6[%get3A_2552, %get3A_2553] {strides = array<i32>} : memref<400x128xi32, #tpu.memory_space<vmem>>, vector<1x16xi32>,
        %get3A_2555 = vector.shape_cast %get3A_2554 : vector<1x16xi32> to vector<16xi32>
        %add3A_2556 = arith.addi %get3A_2555, %get3A_6 : vector<16xi32>
        %add3A_2557 = arith.constant 5 : i32
        %add3A_2558 = arith.addi %mul3A_1947, %add3A_2557 : i32
        %swap3A_2559 = arith.index_cast %add3A_2558 : i32 to index
        %swap3A_2560 = arith.constant 48 : index
        %swap3A_2561 = tpu.vector_load %arg6[%swap3A_2559, %swap3A_2560] {strides = array<i32>} : memref<400x128xi32, #tpu.memory_space<vmem>>, vector<1x16xi32>,
        %swap3A_2562 = vector.shape_cast %swap3A_2561 : vector<1x16xi32> to vector<16xi32>
        %swap3A_2563 = vector.shape_cast %add3A_2556 : vector<16xi32> to vector<1x16xi32>
        tpu.vector_store %arg6[%swap3A_2559, %swap3A_2560], %swap3A_2563 {strides = array<i32>} : memref<400x128xi32, #tpu.memory_space<vmem>>, vector<1x16xi32>,
        %add3A_2564 = arith.constant 5 : i32
        %add3A_2565 = arith.addi %mul3A_1947, %add3A_2564 : i32
        %get3A_2566 = arith.index_cast %add3A_2565 : i32 to index
        %get3A_2567 = arith.constant 64 : index
        %get3A_2568 = tpu.vector_load %arg6[%get3A_2566, %get3A_2567] {strides = array<i32>} : memref<400x128xi32, #tpu.memory_space<vmem>>, vector<1x16xi32>,
        %get3A_2569 = vector.shape_cast %get3A_2568 : vector<1x16xi32> to vector<16xi32>
        %add3A_2570 = arith.addi %get3A_2569, %get3A_6 : vector<16xi32>
        %add3A_2571 = arith.constant 5 : i32
        %add3A_2572 = arith.addi %mul3A_1947, %add3A_2571 : i32
        %swap3A_2573 = arith.index_cast %add3A_2572 : i32 to index
        %swap3A_2574 = arith.constant 64 : index
        %swap3A_2575 = tpu.vector_load %arg6[%swap3A_2573, %swap3A_2574] {strides = array<i32>} : memref<400x128xi32, #tpu.memory_space<vmem>>, vector<1x16xi32>,
        %swap3A_2576 = vector.shape_cast %swap3A_2575 : vector<1x16xi32> to vector<16xi32>
        %swap3A_2577 = vector.shape_cast %add3A_2570 : vector<16xi32> to vector<1x16xi32>
        tpu.vector_store %arg6[%swap3A_2573, %swap3A_2574], %swap3A_2577 {strides = array<i32>} : memref<400x128xi32, #tpu.memory_space<vmem>>, vector<1x16xi32>,
        %add3A_2578 = arith.constant 5 : i32
        %add3A_2579 = arith.addi %mul3A_1947, %add3A_2578 : i32
        %get3A_2580 = arith.index_cast %add3A_2579 : i32 to index
        %get3A_2581 = arith.constant 80 : index
        %get3A_2582 = tpu.vector_load %arg6[%get3A_2580, %get3A_2581] {strides = array<i32>} : memref<400x128xi32, #tpu.memory_space<vmem>>, vector<1x16xi32>,
        %get3A_2583 = vector.shape_cast %get3A_2582 : vector<1x16xi32> to vector<16xi32>
        %add3A_2584 = arith.addi %get3A_2583, %get3A_6 : vector<16xi32>
        %add3A_2585 = arith.constant 5 : i32
        %add3A_2586 = arith.addi %mul3A_1947, %add3A_2585 : i32
        %swap3A_2587 = arith.index_cast %add3A_2586 : i32 to index
        %swap3A_2588 = arith.constant 80 : index
        %swap3A_2589 = tpu.vector_load %arg6[%swap3A_2587, %swap3A_2588] {strides = array<i32>} : memref<400x128xi32, #tpu.memory_space<vmem>>, vector<1x16xi32>,
        %swap3A_2590 = vector.shape_cast %swap3A_2589 : vector<1x16xi32> to vector<16xi32>
        %swap3A_2591 = vector.shape_cast %add3A_2584 : vector<16xi32> to vector<1x16xi32>
        tpu.vector_store %arg6[%swap3A_2587, %swap3A_2588], %swap3A_2591 {strides = array<i32>} : memref<400x128xi32, #tpu.memory_space<vmem>>, vector<1x16xi32>,
        %add3A_2592 = arith.constant 5 : i32
        %add3A_2593 = arith.addi %mul3A_1947, %add3A_2592 : i32
        %get3A_2594 = arith.index_cast %add3A_2593 : i32 to index
        %get3A_2595 = arith.constant 96 : index
        %get3A_2596 = tpu.vector_load %arg6[%get3A_2594, %get3A_2595] {strides = array<i32>} : memref<400x128xi32, #tpu.memory_space<vmem>>, vector<1x16xi32>,
        %get3A_2597 = vector.shape_cast %get3A_2596 : vector<1x16xi32> to vector<16xi32>
        %add3A_2598 = arith.addi %get3A_2597, %get3A_6 : vector<16xi32>
        %add3A_2599 = arith.constant 5 : i32
        %add3A_2600 = arith.addi %mul3A_1947, %add3A_2599 : i32
        %swap3A_2601 = arith.index_cast %add3A_2600 : i32 to index
        %swap3A_2602 = arith.constant 96 : index
        %swap3A_2603 = tpu.vector_load %arg6[%swap3A_2601, %swap3A_2602] {strides = array<i32>} : memref<400x128xi32, #tpu.memory_space<vmem>>, vector<1x16xi32>,
        %swap3A_2604 = vector.shape_cast %swap3A_2603 : vector<1x16xi32> to vector<16xi32>
        %swap3A_2605 = vector.shape_cast %add3A_2598 : vector<16xi32> to vector<1x16xi32>
        tpu.vector_store %arg6[%swap3A_2601, %swap3A_2602], %swap3A_2605 {strides = array<i32>} : memref<400x128xi32, #tpu.memory_space<vmem>>, vector<1x16xi32>,
        %add3A_2606 = arith.constant 5 : i32
        %add3A_2607 = arith.addi %mul3A_1947, %add3A_2606 : i32
        %get3A_2608 = arith.index_cast %add3A_2607 : i32 to index
        %get3A_2609 = arith.constant 112 : index
        %get3A_2610 = tpu.vector_load %arg6[%get3A_2608, %get3A_2609] {strides = array<i32>} : memref<400x128xi32, #tpu.memory_space<vmem>>, vector<1x16xi32>,
        %get3A_2611 = vector.shape_cast %get3A_2610 : vector<1x16xi32> to vector<16xi32>
        %add3A_2612 = arith.addi %get3A_2611, %get3A_6 : vector<16xi32>
        %add3A_2613 = arith.constant 5 : i32
        %add3A_2614 = arith.addi %mul3A_1947, %add3A_2613 : i32
        %swap3A_2615 = arith.index_cast %add3A_2614 : i32 to index
        %swap3A_2616 = arith.constant 112 : index
        %swap3A_2617 = tpu.vector_load %arg6[%swap3A_2615, %swap3A_2616] {strides = array<i32>} : memref<400x128xi32, #tpu.memory_space<vmem>>, vector<1x16xi32>,
        %swap3A_2618 = vector.shape_cast %swap3A_2617 : vector<1x16xi32> to vector<16xi32>
        %swap3A_2619 = vector.shape_cast %add3A_2612 : vector<16xi32> to vector<1x16xi32>
        tpu.vector_store %arg6[%swap3A_2615, %swap3A_2616], %swap3A_2619 {strides = array<i32>} : memref<400x128xi32, #tpu.memory_space<vmem>>, vector<1x16xi32>,
        %add3A_2620 = arith.constant 6 : i32
        %add3A_2621 = arith.addi %mul3A_1947, %add3A_2620 : i32
        %get3A_2622 = arith.index_cast %add3A_2621 : i32 to index
        %get3A_2623 = arith.constant 0 : index
        %get3A_2624 = tpu.vector_load %arg6[%get3A_2622, %get3A_2623] {strides = array<i32>} : memref<400x128xi32, #tpu.memory_space<vmem>>, vector<1x16xi32>,
        %get3A_2625 = vector.shape_cast %get3A_2624 : vector<1x16xi32> to vector<16xi32>
        %add3A_2626 = arith.addi %get3A_2625, %get3A_6 : vector<16xi32>
        %add3A_2627 = arith.constant 6 : i32
        %add3A_2628 = arith.addi %mul3A_1947, %add3A_2627 : i32
        %swap3A_2629 = arith.index_cast %add3A_2628 : i32 to index
        %swap3A_2630 = arith.constant 0 : index
        %swap3A_2631 = tpu.vector_load %arg6[%swap3A_2629, %swap3A_2630] {strides = array<i32>} : memref<400x128xi32, #tpu.memory_space<vmem>>, vector<1x16xi32>,
        %swap3A_2632 = vector.shape_cast %swap3A_2631 : vector<1x16xi32> to vector<16xi32>
        %swap3A_2633 = vector.shape_cast %add3A_2626 : vector<16xi32> to vector<1x16xi32>
        tpu.vector_store %arg6[%swap3A_2629, %swap3A_2630], %swap3A_2633 {strides = array<i32>} : memref<400x128xi32, #tpu.memory_space<vmem>>, vector<1x16xi32>,
        %add3A_2634 = arith.constant 6 : i32
        %add3A_2635 = arith.addi %mul3A_1947, %add3A_2634 : i32
        %get3A_2636 = arith.index_cast %add3A_2635 : i32 to index
        %get3A_2637 = arith.constant 16 : index
        %get3A_2638 = tpu.vector_load %arg6[%get3A_2636, %get3A_2637] {strides = array<i32>} : memref<400x128xi32, #tpu.memory_space<vmem>>, vector<1x16xi32>,
        %get3A_2639 = vector.shape_cast %get3A_2638 : vector<1x16xi32> to vector<16xi32>
        %add3A_2640 = arith.addi %get3A_2639, %get3A_6 : vector<16xi32>
        %add3A_2641 = arith.constant 6 : i32
        %add3A_2642 = arith.addi %mul3A_1947, %add3A_2641 : i32
        %swap3A_2643 = arith.index_cast %add3A_2642 : i32 to index
        %swap3A_2644 = arith.constant 16 : index
        %swap3A_2645 = tpu.vector_load %arg6[%swap3A_2643, %swap3A_2644] {strides = array<i32>} : memref<400x128xi32, #tpu.memory_space<vmem>>, vector<1x16xi32>,
        %swap3A_2646 = vector.shape_cast %swap3A_2645 : vector<1x16xi32> to vector<16xi32>
        %swap3A_2647 = vector.shape_cast %add3A_2640 : vector<16xi32> to vector<1x16xi32>
        tpu.vector_store %arg6[%swap3A_2643, %swap3A_2644], %swap3A_2647 {strides = array<i32>} : memref<400x128xi32, #tpu.memory_space<vmem>>, vector<1x16xi32>,
        %add3A_2648 = arith.constant 6 : i32
        %add3A_2649 = arith.addi %mul3A_1947, %add3A_2648 : i32
        %get3A_2650 = arith.index_cast %add3A_2649 : i32 to index
        %get3A_2651 = arith.constant 32 : index
        %get3A_2652 = tpu.vector_load %arg6[%get3A_2650, %get3A_2651] {strides = array<i32>} : memref<400x128xi32, #tpu.memory_space<vmem>>, vector<1x16xi32>,
        %get3A_2653 = vector.shape_cast %get3A_2652 : vector<1x16xi32> to vector<16xi32>
        %add3A_2654 = arith.addi %get3A_2653, %get3A_6 : vector<16xi32>
        %add3A_2655 = arith.constant 6 : i32
        %add3A_2656 = arith.addi %mul3A_1947, %add3A_2655 : i32
        %swap3A_2657 = arith.index_cast %add3A_2656 : i32 to index
        %swap3A_2658 = arith.constant 32 : index
        %swap3A_2659 = tpu.vector_load %arg6[%swap3A_2657, %swap3A_2658] {strides = array<i32>} : memref<400x128xi32, #tpu.memory_space<vmem>>, vector<1x16xi32>,
        %swap3A_2660 = vector.shape_cast %swap3A_2659 : vector<1x16xi32> to vector<16xi32>
        %swap3A_2661 = vector.shape_cast %add3A_2654 : vector<16xi32> to vector<1x16xi32>
        tpu.vector_store %arg6[%swap3A_2657, %swap3A_2658], %swap3A_2661 {strides = array<i32>} : memref<400x128xi32, #tpu.memory_space<vmem>>, vector<1x16xi32>,
        %add3A_2662 = arith.constant 6 : i32
        %add3A_2663 = arith.addi %mul3A_1947, %add3A_2662 : i32
        %get3A_2664 = arith.index_cast %add3A_2663 : i32 to index
        %get3A_2665 = arith.constant 48 : index
        %get3A_2666 = tpu.vector_load %arg6[%get3A_2664, %get3A_2665] {strides = array<i32>} : memref<400x128xi32, #tpu.memory_space<vmem>>, vector<1x16xi32>,
        %get3A_2667 = vector.shape_cast %get3A_2666 : vector<1x16xi32> to vector<16xi32>
        %add3A_2668 = arith.addi %get3A_2667, %get3A_6 : vector<16xi32>
        %add3A_2669 = arith.constant 6 : i32
        %add3A_2670 = arith.addi %mul3A_1947, %add3A_2669 : i32
        %swap3A_2671 = arith.index_cast %add3A_2670 : i32 to index
        %swap3A_2672 = arith.constant 48 : index
        %swap3A_2673 = tpu.vector_load %arg6[%swap3A_2671, %swap3A_2672] {strides = array<i32>} : memref<400x128xi32, #tpu.memory_space<vmem>>, vector<1x16xi32>,
        %swap3A_2674 = vector.shape_cast %swap3A_2673 : vector<1x16xi32> to vector<16xi32>
        %swap3A_2675 = vector.shape_cast %add3A_2668 : vector<16xi32> to vector<1x16xi32>
        tpu.vector_store %arg6[%swap3A_2671, %swap3A_2672], %swap3A_2675 {strides = array<i32>} : memref<400x128xi32, #tpu.memory_space<vmem>>, vector<1x16xi32>,
        %add3A_2676 = arith.constant 6 : i32
        %add3A_2677 = arith.addi %mul3A_1947, %add3A_2676 : i32
        %get3A_2678 = arith.index_cast %add3A_2677 : i32 to index
        %get3A_2679 = arith.constant 64 : index
        %get3A_2680 = tpu.vector_load %arg6[%get3A_2678, %get3A_2679] {strides = array<i32>} : memref<400x128xi32, #tpu.memory_space<vmem>>, vector<1x16xi32>,
        %get3A_2681 = vector.shape_cast %get3A_2680 : vector<1x16xi32> to vector<16xi32>
        %add3A_2682 = arith.addi %get3A_2681, %get3A_6 : vector<16xi32>
        %add3A_2683 = arith.constant 6 : i32
        %add3A_2684 = arith.addi %mul3A_1947, %add3A_2683 : i32
        %swap3A_2685 = arith.index_cast %add3A_2684 : i32 to index
        %swap3A_2686 = arith.constant 64 : index
        %swap3A_2687 = tpu.vector_load %arg6[%swap3A_2685, %swap3A_2686] {strides = array<i32>} : memref<400x128xi32, #tpu.memory_space<vmem>>, vector<1x16xi32>,
        %swap3A_2688 = vector.shape_cast %swap3A_2687 : vector<1x16xi32> to vector<16xi32>
        %swap3A_2689 = vector.shape_cast %add3A_2682 : vector<16xi32> to vector<1x16xi32>
        tpu.vector_store %arg6[%swap3A_2685, %swap3A_2686], %swap3A_2689 {strides = array<i32>} : memref<400x128xi32, #tpu.memory_space<vmem>>, vector<1x16xi32>,
        %add3A_2690 = arith.constant 6 : i32
        %add3A_2691 = arith.addi %mul3A_1947, %add3A_2690 : i32
        %get3A_2692 = arith.index_cast %add3A_2691 : i32 to index
        %get3A_2693 = arith.constant 80 : index
        %get3A_2694 = tpu.vector_load %arg6[%get3A_2692, %get3A_2693] {strides = array<i32>} : memref<400x128xi32, #tpu.memory_space<vmem>>, vector<1x16xi32>,
        %get3A_2695 = vector.shape_cast %get3A_2694 : vector<1x16xi32> to vector<16xi32>
        %add3A_2696 = arith.addi %get3A_2695, %get3A_6 : vector<16xi32>
        %add3A_2697 = arith.constant 6 : i32
        %add3A_2698 = arith.addi %mul3A_1947, %add3A_2697 : i32
        %swap3A_2699 = arith.index_cast %add3A_2698 : i32 to index
        %swap3A_2700 = arith.constant 80 : index
        %swap3A_2701 = tpu.vector_load %arg6[%swap3A_2699, %swap3A_2700] {strides = array<i32>} : memref<400x128xi32, #tpu.memory_space<vmem>>, vector<1x16xi32>,
        %swap3A_2702 = vector.shape_cast %swap3A_2701 : vector<1x16xi32> to vector<16xi32>
        %swap3A_2703 = vector.shape_cast %add3A_2696 : vector<16xi32> to vector<1x16xi32>
        tpu.vector_store %arg6[%swap3A_2699, %swap3A_2700], %swap3A_2703 {strides = array<i32>} : memref<400x128xi32, #tpu.memory_space<vmem>>, vector<1x16xi32>,
        %add3A_2704 = arith.constant 6 : i32
        %add3A_2705 = arith.addi %mul3A_1947, %add3A_2704 : i32
        %get3A_2706 = arith.index_cast %add3A_2705 : i32 to index
        %get3A_2707 = arith.constant 96 : index
        %get3A_2708 = tpu.vector_load %arg6[%get3A_2706, %get3A_2707] {strides = array<i32>} : memref<400x128xi32, #tpu.memory_space<vmem>>, vector<1x16xi32>,
        %get3A_2709 = vector.shape_cast %get3A_2708 : vector<1x16xi32> to vector<16xi32>
        %add3A_2710 = arith.addi %get3A_2709, %get3A_6 : vector<16xi32>
        %add3A_2711 = arith.constant 6 : i32
        %add3A_2712 = arith.addi %mul3A_1947, %add3A_2711 : i32
        %swap3A_2713 = arith.index_cast %add3A_2712 : i32 to index
        %swap3A_2714 = arith.constant 96 : index
        %swap3A_2715 = tpu.vector_load %arg6[%swap3A_2713, %swap3A_2714] {strides = array<i32>} : memref<400x128xi32, #tpu.memory_space<vmem>>, vector<1x16xi32>,
        %swap3A_2716 = vector.shape_cast %swap3A_2715 : vector<1x16xi32> to vector<16xi32>
        %swap3A_2717 = vector.shape_cast %add3A_2710 : vector<16xi32> to vector<1x16xi32>
        tpu.vector_store %arg6[%swap3A_2713, %swap3A_2714], %swap3A_2717 {strides = array<i32>} : memref<400x128xi32, #tpu.memory_space<vmem>>, vector<1x16xi32>,
        %add3A_2718 = arith.constant 6 : i32
        %add3A_2719 = arith.addi %mul3A_1947, %add3A_2718 : i32
        %get3A_2720 = arith.index_cast %add3A_2719 : i32 to index
        %get3A_2721 = arith.constant 112 : index
        %get3A_2722 = tpu.vector_load %arg6[%get3A_2720, %get3A_2721] {strides = array<i32>} : memref<400x128xi32, #tpu.memory_space<vmem>>, vector<1x16xi32>,
        %get3A_2723 = vector.shape_cast %get3A_2722 : vector<1x16xi32> to vector<16xi32>
        %add3A_2724 = arith.addi %get3A_2723, %get3A_6 : vector<16xi32>
        %add3A_2725 = arith.constant 6 : i32
        %add3A_2726 = arith.addi %mul3A_1947, %add3A_2725 : i32
        %swap3A_2727 = arith.index_cast %add3A_2726 : i32 to index
        %swap3A_2728 = arith.constant 112 : index
        %swap3A_2729 = tpu.vector_load %arg6[%swap3A_2727, %swap3A_2728] {strides = array<i32>} : memref<400x128xi32, #tpu.memory_space<vmem>>, vector<1x16xi32>,
        %swap3A_2730 = vector.shape_cast %swap3A_2729 : vector<1x16xi32> to vector<16xi32>
        %swap3A_2731 = vector.shape_cast %add3A_2724 : vector<16xi32> to vector<1x16xi32>
        tpu.vector_store %arg6[%swap3A_2727, %swap3A_2728], %swap3A_2731 {strides = array<i32>} : memref<400x128xi32, #tpu.memory_space<vmem>>, vector<1x16xi32>,
        %add3A_2732 = arith.constant 7 : i32
        %add3A_2733 = arith.addi %mul3A_1947, %add3A_2732 : i32
        %get3A_2734 = arith.index_cast %add3A_2733 : i32 to index
        %get3A_2735 = arith.constant 0 : index
        %get3A_2736 = tpu.vector_load %arg6[%get3A_2734, %get3A_2735] {strides = array<i32>} : memref<400x128xi32, #tpu.memory_space<vmem>>, vector<1x16xi32>,
        %get3A_2737 = vector.shape_cast %get3A_2736 : vector<1x16xi32> to vector<16xi32>
        %add3A_2738 = arith.addi %get3A_2737, %get3A_6 : vector<16xi32>
        %add3A_2739 = arith.constant 7 : i32
        %add3A_2740 = arith.addi %mul3A_1947, %add3A_2739 : i32
        %swap3A_2741 = arith.index_cast %add3A_2740 : i32 to index
        %swap3A_2742 = arith.constant 0 : index
        %swap3A_2743 = tpu.vector_load %arg6[%swap3A_2741, %swap3A_2742] {strides = array<i32>} : memref<400x128xi32, #tpu.memory_space<vmem>>, vector<1x16xi32>,
        %swap3A_2744 = vector.shape_cast %swap3A_2743 : vector<1x16xi32> to vector<16xi32>
        %swap3A_2745 = vector.shape_cast %add3A_2738 : vector<16xi32> to vector<1x16xi32>
        tpu.vector_store %arg6[%swap3A_2741, %swap3A_2742], %swap3A_2745 {strides = array<i32>} : memref<400x128xi32, #tpu.memory_space<vmem>>, vector<1x16xi32>,
        %add3A_2746 = arith.constant 7 : i32
        %add3A_2747 = arith.addi %mul3A_1947, %add3A_2746 : i32
        %get3A_2748 = arith.index_cast %add3A_2747 : i32 to index
        %get3A_2749 = arith.constant 16 : index
        %get3A_2750 = tpu.vector_load %arg6[%get3A_2748, %get3A_2749] {strides = array<i32>} : memref<400x128xi32, #tpu.memory_space<vmem>>, vector<1x16xi32>,
        %get3A_2751 = vector.shape_cast %get3A_2750 : vector<1x16xi32> to vector<16xi32>
        %add3A_2752 = arith.addi %get3A_2751, %get3A_6 : vector<16xi32>
        %add3A_2753 = arith.constant 7 : i32
        %add3A_2754 = arith.addi %mul3A_1947, %add3A_2753 : i32
        %swap3A_2755 = arith.index_cast %add3A_2754 : i32 to index
        %swap3A_2756 = arith.constant 16 : index
        %swap3A_2757 = tpu.vector_load %arg6[%swap3A_2755, %swap3A_2756] {strides = array<i32>} : memref<400x128xi32, #tpu.memory_space<vmem>>, vector<1x16xi32>,
        %swap3A_2758 = vector.shape_cast %swap3A_2757 : vector<1x16xi32> to vector<16xi32>
        %swap3A_2759 = vector.shape_cast %add3A_2752 : vector<16xi32> to vector<1x16xi32>
        tpu.vector_store %arg6[%swap3A_2755, %swap3A_2756], %swap3A_2759 {strides = array<i32>} : memref<400x128xi32, #tpu.memory_space<vmem>>, vector<1x16xi32>,
        %add3A_2760 = arith.constant 7 : i32
        %add3A_2761 = arith.addi %mul3A_1947, %add3A_2760 : i32
        %get3A_2762 = arith.index_cast %add3A_2761 : i32 to index
        %get3A_2763 = arith.constant 32 : index
        %get3A_2764 = tpu.vector_load %arg6[%get3A_2762, %get3A_2763] {strides = array<i32>} : memref<400x128xi32, #tpu.memory_space<vmem>>, vector<1x16xi32>,
        %get3A_2765 = vector.shape_cast %get3A_2764 : vector<1x16xi32> to vector<16xi32>
        %add3A_2766 = arith.addi %get3A_2765, %get3A_6 : vector<16xi32>
        %add3A_2767 = arith.constant 7 : i32
        %add3A_2768 = arith.addi %mul3A_1947, %add3A_2767 : i32
        %swap3A_2769 = arith.index_cast %add3A_2768 : i32 to index
        %swap3A_2770 = arith.constant 32 : index
        %swap3A_2771 = tpu.vector_load %arg6[%swap3A_2769, %swap3A_2770] {strides = array<i32>} : memref<400x128xi32, #tpu.memory_space<vmem>>, vector<1x16xi32>,
        %swap3A_2772 = vector.shape_cast %swap3A_2771 : vector<1x16xi32> to vector<16xi32>
        %swap3A_2773 = vector.shape_cast %add3A_2766 : vector<16xi32> to vector<1x16xi32>
        tpu.vector_store %arg6[%swap3A_2769, %swap3A_2770], %swap3A_2773 {strides = array<i32>} : memref<400x128xi32, #tpu.memory_space<vmem>>, vector<1x16xi32>,
        %add3A_2774 = arith.constant 7 : i32
        %add3A_2775 = arith.addi %mul3A_1947, %add3A_2774 : i32
        %get3A_2776 = arith.index_cast %add3A_2775 : i32 to index
        %get3A_2777 = arith.constant 48 : index
        %get3A_2778 = tpu.vector_load %arg6[%get3A_2776, %get3A_2777] {strides = array<i32>} : memref<400x128xi32, #tpu.memory_space<vmem>>, vector<1x16xi32>,
        %get3A_2779 = vector.shape_cast %get3A_2778 : vector<1x16xi32> to vector<16xi32>
        %add3A_2780 = arith.addi %get3A_2779, %get3A_6 : vector<16xi32>
        %add3A_2781 = arith.constant 7 : i32
        %add3A_2782 = arith.addi %mul3A_1947, %add3A_2781 : i32
        %swap3A_2783 = arith.index_cast %add3A_2782 : i32 to index
        %swap3A_2784 = arith.constant 48 : index
        %swap3A_2785 = tpu.vector_load %arg6[%swap3A_2783, %swap3A_2784] {strides = array<i32>} : memref<400x128xi32, #tpu.memory_space<vmem>>, vector<1x16xi32>,
        %swap3A_2786 = vector.shape_cast %swap3A_2785 : vector<1x16xi32> to vector<16xi32>
        %swap3A_2787 = vector.shape_cast %add3A_2780 : vector<16xi32> to vector<1x16xi32>
        tpu.vector_store %arg6[%swap3A_2783, %swap3A_2784], %swap3A_2787 {strides = array<i32>} : memref<400x128xi32, #tpu.memory_space<vmem>>, vector<1x16xi32>,
        %add3A_2788 = arith.constant 7 : i32
        %add3A_2789 = arith.addi %mul3A_1947, %add3A_2788 : i32
        %get3A_2790 = arith.index_cast %add3A_2789 : i32 to index
        %get3A_2791 = arith.constant 64 : index
        %get3A_2792 = tpu.vector_load %arg6[%get3A_2790, %get3A_2791] {strides = array<i32>} : memref<400x128xi32, #tpu.memory_space<vmem>>, vector<1x16xi32>,
        %get3A_2793 = vector.shape_cast %get3A_2792 : vector<1x16xi32> to vector<16xi32>
        %add3A_2794 = arith.addi %get3A_2793, %get3A_6 : vector<16xi32>
        %add3A_2795 = arith.constant 7 : i32
        %add3A_2796 = arith.addi %mul3A_1947, %add3A_2795 : i32
        %swap3A_2797 = arith.index_cast %add3A_2796 : i32 to index
        %swap3A_2798 = arith.constant 64 : index
        %swap3A_2799 = tpu.vector_load %arg6[%swap3A_2797, %swap3A_2798] {strides = array<i32>} : memref<400x128xi32, #tpu.memory_space<vmem>>, vector<1x16xi32>,
        %swap3A_2800 = vector.shape_cast %swap3A_2799 : vector<1x16xi32> to vector<16xi32>
        %swap3A_2801 = vector.shape_cast %add3A_2794 : vector<16xi32> to vector<1x16xi32>
        tpu.vector_store %arg6[%swap3A_2797, %swap3A_2798], %swap3A_2801 {strides = array<i32>} : memref<400x128xi32, #tpu.memory_space<vmem>>, vector<1x16xi32>,
        %add3A_2802 = arith.constant 7 : i32
        %add3A_2803 = arith.addi %mul3A_1947, %add3A_2802 : i32
        %get3A_2804 = arith.index_cast %add3A_2803 : i32 to index
        %get3A_2805 = arith.constant 80 : index
        %get3A_2806 = tpu.vector_load %arg6[%get3A_2804, %get3A_2805] {strides = array<i32>} : memref<400x128xi32, #tpu.memory_space<vmem>>, vector<1x16xi32>,
        %get3A_2807 = vector.shape_cast %get3A_2806 : vector<1x16xi32> to vector<16xi32>
        %add3A_2808 = arith.addi %get3A_2807, %get3A_6 : vector<16xi32>
        %add3A_2809 = arith.constant 7 : i32
        %add3A_2810 = arith.addi %mul3A_1947, %add3A_2809 : i32
        %swap3A_2811 = arith.index_cast %add3A_2810 : i32 to index
        %swap3A_2812 = arith.constant 80 : index
        %swap3A_2813 = tpu.vector_load %arg6[%swap3A_2811, %swap3A_2812] {strides = array<i32>} : memref<400x128xi32, #tpu.memory_space<vmem>>, vector<1x16xi32>,
        %swap3A_2814 = vector.shape_cast %swap3A_2813 : vector<1x16xi32> to vector<16xi32>
        %swap3A_2815 = vector.shape_cast %add3A_2808 : vector<16xi32> to vector<1x16xi32>
        tpu.vector_store %arg6[%swap3A_2811, %swap3A_2812], %swap3A_2815 {strides = array<i32>} : memref<400x128xi32, #tpu.memory_space<vmem>>, vector<1x16xi32>,
        %add3A_2816 = arith.constant 7 : i32
        %add3A_2817 = arith.addi %mul3A_1947, %add3A_2816 : i32
        %get3A_2818 = arith.index_cast %add3A_2817 : i32 to index
        %get3A_2819 = arith.constant 96 : index
        %get3A_2820 = tpu.vector_load %arg6[%get3A_2818, %get3A_2819] {strides = array<i32>} : memref<400x128xi32, #tpu.memory_space<vmem>>, vector<1x16xi32>,
        %get3A_2821 = vector.shape_cast %get3A_2820 : vector<1x16xi32> to vector<16xi32>
        %add3A_2822 = arith.addi %get3A_2821, %get3A_6 : vector<16xi32>
        %add3A_2823 = arith.constant 7 : i32
        %add3A_2824 = arith.addi %mul3A_1947, %add3A_2823 : i32
        %swap3A_2825 = arith.index_cast %add3A_2824 : i32 to index
        %swap3A_2826 = arith.constant 96 : index
        %swap3A_2827 = tpu.vector_load %arg6[%swap3A_2825, %swap3A_2826] {strides = array<i32>} : memref<400x128xi32, #tpu.memory_space<vmem>>, vector<1x16xi32>,
        %swap3A_2828 = vector.shape_cast %swap3A_2827 : vector<1x16xi32> to vector<16xi32>
        %swap3A_2829 = vector.shape_cast %add3A_2822 : vector<16xi32> to vector<1x16xi32>
        tpu.vector_store %arg6[%swap3A_2825, %swap3A_2826], %swap3A_2829 {strides = array<i32>} : memref<400x128xi32, #tpu.memory_space<vmem>>, vector<1x16xi32>,
        %add3A_2830 = arith.constant 7 : i32
        %add3A_2831 = arith.addi %mul3A_1947, %add3A_2830 : i32
        %get3A_2832 = arith.index_cast %add3A_2831 : i32 to index
        %get3A_2833 = arith.constant 112 : index
        %get3A_2834 = tpu.vector_load %arg6[%get3A_2832, %get3A_2833] {strides = array<i32>} : memref<400x128xi32, #tpu.memory_space<vmem>>, vector<1x16xi32>,
        %get3A_2835 = vector.shape_cast %get3A_2834 : vector<1x16xi32> to vector<16xi32>
        %add3A_2836 = arith.addi %get3A_2835, %get3A_6 : vector<16xi32>
        %add3A_2837 = arith.constant 7 : i32
        %add3A_2838 = arith.addi %mul3A_1947, %add3A_2837 : i32
        %swap3A_2839 = arith.index_cast %add3A_2838 : i32 to index
        %swap3A_2840 = arith.constant 112 : index
        %swap3A_2841 = tpu.vector_load %arg6[%swap3A_2839, %swap3A_2840] {strides = array<i32>} : memref<400x128xi32, #tpu.memory_space<vmem>>, vector<1x16xi32>,
        %swap3A_2842 = vector.shape_cast %swap3A_2841 : vector<1x16xi32> to vector<16xi32>
        %swap3A_2843 = vector.shape_cast %add3A_2836 : vector<16xi32> to vector<1x16xi32>
        tpu.vector_store %arg6[%swap3A_2839, %swap3A_2840], %swap3A_2843 {strides = array<i32>} : memref<400x128xi32, #tpu.memory_space<vmem>>, vector<1x16xi32>,
      } else {
      }
      %dma_wait3A_1668 = arith.constant 0 : i32
      %dma_wait3A_1669 = arith.constant 0 : i32
      %dma_wait3A_1670 = tpu.memref_slice %arg8[%dma_wait3A_1668, %dma_wait3A_1669] : memref<1024x32xf32, #tpu.memory_space<vmem>> -> memref<128x32xf32, #tpu.memory_space<vmem>>
      %dma_wait3A_1671 = arith.constant 0 : i32
      %dma_wait3A_1672 = tpu.memref_slice %arg6[%add3A_1564, %dma_wait3A_1671] : memref<400x128xi32, #tpu.memory_space<vmem>> -> memref<1x128xi32, #tpu.memory_space<vmem>>
      %dma_wait3A_1673 = tpu.memref_squeeze %dma_wait3A_1672 : memref<1x128xi32, #tpu.memory_space<vmem>> -> memref<128xi32, #tpu.memory_space<vmem>>
      %dma_wait3A_1674 = arith.constant 0 : i32
      %dma_wait3A_1675 = arith.constant 0 : i32
      %dma_wait3A_1676 = tpu.memref_slice %arg3[%dma_wait3A_1674, %dma_wait3A_1675] : memref<800452x32xf32, #tpu.memory_space<hbm>> -> memref<800452x32xf32, #tpu.memory_space<hbm>>
      tpu.wait_indirect_dma semaphore(%arg10 : memref<!tpu.dma_semaphore, #tpu.memory_space<semaphore_mem>>) src(%dma_wait3A_1676 : memref<800452x32xf32, #tpu.memory_space<hbm>>) dst(%dma_wait3A_1670 : memref<128x32xf32, #tpu.memory_space<vmem>>)
      %dma_wait3A_1677 = arith.constant 128 : i32
      %dma_wait3A_1678 = arith.constant 0 : i32
      %dma_wait3A_1679 = tpu.memref_slice %arg8[%dma_wait3A_1677, %dma_wait3A_1678] : memref<1024x32xf32, #tpu.memory_space<vmem>> -> memref<128x32xf32, #tpu.memory_space<vmem>>
      %dma_wait3A_1680 = arith.constant 0 : i32
      %dma_wait3A_1681 = tpu.memref_slice %arg6[%add3A_1576, %dma_wait3A_1680] : memref<400x128xi32, #tpu.memory_space<vmem>> -> memref<1x128xi32, #tpu.memory_space<vmem>>
      %dma_wait3A_1682 = tpu.memref_squeeze %dma_wait3A_1681 : memref<1x128xi32, #tpu.memory_space<vmem>> -> memref<128xi32, #tpu.memory_space<vmem>>
      %dma_wait3A_1683 = arith.constant 0 : i32
      %dma_wait3A_1684 = arith.constant 0 : i32
      %dma_wait3A_1685 = tpu.memref_slice %arg3[%dma_wait3A_1683, %dma_wait3A_1684] : memref<800452x32xf32, #tpu.memory_space<hbm>> -> memref<800452x32xf32, #tpu.memory_space<hbm>>
      tpu.wait_indirect_dma semaphore(%arg10 : memref<!tpu.dma_semaphore, #tpu.memory_space<semaphore_mem>>) src(%dma_wait3A_1685 : memref<800452x32xf32, #tpu.memory_space<hbm>>) dst(%dma_wait3A_1679 : memref<128x32xf32, #tpu.memory_space<vmem>>)
      %dma_wait3A_1686 = arith.constant 256 : i32
      %dma_wait3A_1687 = arith.constant 0 : i32
      %dma_wait3A_1688 = tpu.memref_slice %arg8[%dma_wait3A_1686, %dma_wait3A_1687] : memref<1024x32xf32, #tpu.memory_space<vmem>> -> memref<128x32xf32, #tpu.memory_space<vmem>>
      %dma_wait3A_1689 = arith.constant 0 : i32
      %dma_wait3A_1690 = tpu.memref_slice %arg6[%add3A_1589, %dma_wait3A_1689] : memref<400x128xi32, #tpu.memory_space<vmem>> -> memref<1x128xi32, #tpu.memory_space<vmem>>
      %dma_wait3A_1691 = tpu.memref_squeeze %dma_wait3A_1690 : memref<1x128xi32, #tpu.memory_space<vmem>> -> memref<128xi32, #tpu.memory_space<vmem>>
      %dma_wait3A_1692 = arith.constant 0 : i32
      %dma_wait3A_1693 = arith.constant 0 : i32
      %dma_wait3A_1694 = tpu.memref_slice %arg3[%dma_wait3A_1692, %dma_wait3A_1693] : memref<800452x32xf32, #tpu.memory_space<hbm>> -> memref<800452x32xf32, #tpu.memory_space<hbm>>
      tpu.wait_indirect_dma semaphore(%arg10 : memref<!tpu.dma_semaphore, #tpu.memory_space<semaphore_mem>>) src(%dma_wait3A_1694 : memref<800452x32xf32, #tpu.memory_space<hbm>>) dst(%dma_wait3A_1688 : memref<128x32xf32, #tpu.memory_space<vmem>>)
      %dma_wait3A_1695 = arith.constant 384 : i32
      %dma_wait3A_1696 = arith.constant 0 : i32
      %dma_wait3A_1697 = tpu.memref_slice %arg8[%dma_wait3A_1695, %dma_wait3A_1696] : memref<1024x32xf32, #tpu.memory_space<vmem>> -> memref<128x32xf32, #tpu.memory_space<vmem>>
      %dma_wait3A_1698 = arith.constant 0 : i32
      %dma_wait3A_1699 = tpu.memref_slice %arg6[%add3A_1602, %dma_wait3A_1698] : memref<400x128xi32, #tpu.memory_space<vmem>> -> memref<1x128xi32, #tpu.memory_space<vmem>>
      %dma_wait3A_1700 = tpu.memref_squeeze %dma_wait3A_1699 : memref<1x128xi32, #tpu.memory_space<vmem>> -> memref<128xi32, #tpu.memory_space<vmem>>
      %dma_wait3A_1701 = arith.constant 0 : i32
      %dma_wait3A_1702 = arith.constant 0 : i32
      %dma_wait3A_1703 = tpu.memref_slice %arg3[%dma_wait3A_1701, %dma_wait3A_1702] : memref<800452x32xf32, #tpu.memory_space<hbm>> -> memref<800452x32xf32, #tpu.memory_space<hbm>>
      tpu.wait_indirect_dma semaphore(%arg10 : memref<!tpu.dma_semaphore, #tpu.memory_space<semaphore_mem>>) src(%dma_wait3A_1703 : memref<800452x32xf32, #tpu.memory_space<hbm>>) dst(%dma_wait3A_1697 : memref<128x32xf32, #tpu.memory_space<vmem>>)
      %dma_wait3A_1704 = arith.constant 512 : i32
      %dma_wait3A_1705 = arith.constant 0 : i32
      %dma_wait3A_1706 = tpu.memref_slice %arg8[%dma_wait3A_1704, %dma_wait3A_1705] : memref<1024x32xf32, #tpu.memory_space<vmem>> -> memref<128x32xf32, #tpu.memory_space<vmem>>
      %dma_wait3A_1707 = arith.constant 0 : i32
      %dma_wait3A_1708 = tpu.memref_slice %arg6[%add3A_1615, %dma_wait3A_1707] : memref<400x128xi32, #tpu.memory_space<vmem>> -> memref<1x128xi32, #tpu.memory_space<vmem>>
      %dma_wait3A_1709 = tpu.memref_squeeze %dma_wait3A_1708 : memref<1x128xi32, #tpu.memory_space<vmem>> -> memref<128xi32, #tpu.memory_space<vmem>>
      %dma_wait3A_1710 = arith.constant 0 : i32
      %dma_wait3A_1711 = arith.constant 0 : i32
      %dma_wait3A_1712 = tpu.memref_slice %arg3[%dma_wait3A_1710, %dma_wait3A_1711] : memref<800452x32xf32, #tpu.memory_space<hbm>> -> memref<800452x32xf32, #tpu.memory_space<hbm>>
      tpu.wait_indirect_dma semaphore(%arg10 : memref<!tpu.dma_semaphore, #tpu.memory_space<semaphore_mem>>) src(%dma_wait3A_1712 : memref<800452x32xf32, #tpu.memory_space<hbm>>) dst(%dma_wait3A_1706 : memref<128x32xf32, #tpu.memory_space<vmem>>)
      %dma_wait3A_1713 = arith.constant 640 : i32
      %dma_wait3A_1714 = arith.constant 0 : i32
      %dma_wait3A_1715 = tpu.memref_slice %arg8[%dma_wait3A_1713, %dma_wait3A_1714] : memref<1024x32xf32, #tpu.memory_space<vmem>> -> memref<128x32xf32, #tpu.memory_space<vmem>>
      %dma_wait3A_1716 = arith.constant 0 : i32
      %dma_wait3A_1717 = tpu.memref_slice %arg6[%add3A_1628, %dma_wait3A_1716] : memref<400x128xi32, #tpu.memory_space<vmem>> -> memref<1x128xi32, #tpu.memory_space<vmem>>
      %dma_wait3A_1718 = tpu.memref_squeeze %dma_wait3A_1717 : memref<1x128xi32, #tpu.memory_space<vmem>> -> memref<128xi32, #tpu.memory_space<vmem>>
      %dma_wait3A_1719 = arith.constant 0 : i32
      %dma_wait3A_1720 = arith.constant 0 : i32
      %dma_wait3A_1721 = tpu.memref_slice %arg3[%dma_wait3A_1719, %dma_wait3A_1720] : memref<800452x32xf32, #tpu.memory_space<hbm>> -> memref<800452x32xf32, #tpu.memory_space<hbm>>
      tpu.wait_indirect_dma semaphore(%arg10 : memref<!tpu.dma_semaphore, #tpu.memory_space<semaphore_mem>>) src(%dma_wait3A_1721 : memref<800452x32xf32, #tpu.memory_space<hbm>>) dst(%dma_wait3A_1715 : memref<128x32xf32, #tpu.memory_space<vmem>>)
      %dma_wait3A_1722 = arith.constant 768 : i32
      %dma_wait3A_1723 = arith.constant 0 : i32
      %dma_wait3A_1724 = tpu.memref_slice %arg8[%dma_wait3A_1722, %dma_wait3A_1723] : memref<1024x32xf32, #tpu.memory_space<vmem>> -> memref<128x32xf32, #tpu.memory_space<vmem>>
      %dma_wait3A_1725 = arith.constant 0 : i32
      %dma_wait3A_1726 = tpu.memref_slice %arg6[%add3A_1641, %dma_wait3A_1725] : memref<400x128xi32, #tpu.memory_space<vmem>> -> memref<1x128xi32, #tpu.memory_space<vmem>>
      %dma_wait3A_1727 = tpu.memref_squeeze %dma_wait3A_1726 : memref<1x128xi32, #tpu.memory_space<vmem>> -> memref<128xi32, #tpu.memory_space<vmem>>
      %dma_wait3A_1728 = arith.constant 0 : i32
      %dma_wait3A_1729 = arith.constant 0 : i32
      %dma_wait3A_1730 = tpu.memref_slice %arg3[%dma_wait3A_1728, %dma_wait3A_1729] : memref<800452x32xf32, #tpu.memory_space<hbm>> -> memref<800452x32xf32, #tpu.memory_space<hbm>>
      tpu.wait_indirect_dma semaphore(%arg10 : memref<!tpu.dma_semaphore, #tpu.memory_space<semaphore_mem>>) src(%dma_wait3A_1730 : memref<800452x32xf32, #tpu.memory_space<hbm>>) dst(%dma_wait3A_1724 : memref<128x32xf32, #tpu.memory_space<vmem>>)
      %dma_wait3A_1731 = arith.constant 896 : i32
      %dma_wait3A_1732 = arith.constant 0 : i32
      %dma_wait3A_1733 = tpu.memref_slice %arg8[%dma_wait3A_1731, %dma_wait3A_1732] : memref<1024x32xf32, #tpu.memory_space<vmem>> -> memref<128x32xf32, #tpu.memory_space<vmem>>
      %dma_wait3A_1734 = arith.constant 0 : i32
      %dma_wait3A_1735 = tpu.memref_slice %arg6[%add3A_1654, %dma_wait3A_1734] : memref<400x128xi32, #tpu.memory_space<vmem>> -> memref<1x128xi32, #tpu.memory_space<vmem>>
      %dma_wait3A_1736 = tpu.memref_squeeze %dma_wait3A_1735 : memref<1x128xi32, #tpu.memory_space<vmem>> -> memref<128xi32, #tpu.memory_space<vmem>>
      %dma_wait3A_1737 = arith.constant 0 : i32
      %dma_wait3A_1738 = arith.constant 0 : i32
      %dma_wait3A_1739 = tpu.memref_slice %arg3[%dma_wait3A_1737, %dma_wait3A_1738] : memref<800452x32xf32, #tpu.memory_space<hbm>> -> memref<800452x32xf32, #tpu.memory_space<hbm>>
      tpu.wait_indirect_dma semaphore(%arg10 : memref<!tpu.dma_semaphore, #tpu.memory_space<semaphore_mem>>) src(%dma_wait3A_1739 : memref<800452x32xf32, #tpu.memory_space<hbm>>) dst(%dma_wait3A_1733 : memref<128x32xf32, #tpu.memory_space<vmem>>)
      %mul3A_1740 = arith.constant 1024 : i32
      %mul3A_1741 = arith.muli %add3A_1558, %mul3A_1740 : i32
      %add3A_1742 = arith.addi %mul3A_2, %mul3A_1741 : i32
      %dma_start3A_1743 = arith.constant 0 : i32
      %dma_start3A_1744 = tpu.memref_slice %arg5[%add3A_1742, %dma_start3A_1743] : memref<1638400x128xf32, #tpu.memory_space<hbm>> -> memref<1024x32xf32, #tpu.memory_space<hbm>>
      %dma_start3A_1745 = arith.constant 0 : i32
      %dma_start3A_1746 = tpu.memref_slice %arg5[%add3A_1742, %dma_start3A_1745] : memref<1638400x128xf32, #tpu.memory_space<hbm>> -> memref<1024x32xf32, #tpu.memory_space<hbm>>
      tpu.enqueue_dma source(%arg8 : memref<1024x32xf32, #tpu.memory_space<vmem>>) target(%dma_start3A_1746 : memref<1024x32xf32, #tpu.memory_space<hbm>>) target_semaphore(%arg11 : memref<!tpu.dma_semaphore, #tpu.memory_space<semaphore_mem>>)
      %mul3A_1747 = arith.constant 2 : i32
      %mul3A_1748 = arith.muli %mul3A_1747, %scan3A_1554 : i32
      %add3A_1749 = arith.constant 1 : i32
      %add3A_1750 = arith.addi %mul3A_1748, %add3A_1749 : i32
      %gt3A_1751 = arith.constant 0 : i32
      %gt3A_1752 = arith.cmpi sgt, %scan3A_1554, %gt3A_1751 : i32
      %convert_element_type3A_1753 = arith.extui %gt3A_1752 : i1 to i32
      %cond3A_1754 = arith.constant 0 : i32
      %cond3A_1755 = arith.cmpi ne, %convert_element_type3A_1753, %cond3A_1754 : i32
      scf.if %cond3A_1755 {
        %mul3A_1944 = arith.constant 1024 : i32
        %mul3A_1945 = arith.muli %add3A_1750, %mul3A_1944 : i32
        %add3A_1946 = arith.addi %mul3A_2, %mul3A_1945 : i32
        %dma_wait3A_1947 = arith.constant 0 : i32
        %dma_wait3A_1948 = tpu.memref_slice %arg5[%add3A_1946, %dma_wait3A_1947] : memref<1638400x128xf32, #tpu.memory_space<hbm>> -> memref<1024x32xf32, #tpu.memory_space<hbm>>
        %dma_wait3A_1949 = arith.constant 0 : i32
        %dma_wait3A_1950 = tpu.memref_slice %arg5[%add3A_1946, %dma_wait3A_1949] : memref<1638400x128xf32, #tpu.memory_space<hbm>> -> memref<1024x32xf32, #tpu.memory_space<hbm>>
        tpu.wait_dma2 semaphore(%arg12 : memref<!tpu.dma_semaphore, #tpu.memory_space<semaphore_mem>>) src(%arg9 : memref<1024x32xf32, #tpu.memory_space<vmem>>) dst(%dma_wait3A_1950 : memref<1024x32xf32, #tpu.memory_space<hbm>>)
      } else {
      }
      %mul3A_1756 = arith.constant 8 : i32
      %mul3A_1757 = arith.muli %add3A_1750, %mul3A_1756 : i32
      %add3A_1758 = arith.constant 0 : i32
      %add3A_1759 = arith.addi %mul3A_1757, %add3A_1758 : i32
      %dma_start3A_1760 = arith.constant 0 : i32
      %dma_start3A_1761 = arith.constant 0 : i32
      %dma_start3A_1762 = tpu.memref_slice %arg9[%dma_start3A_1760, %dma_start3A_1761] : memref<1024x32xf32, #tpu.memory_space<vmem>> -> memref<128x32xf32, #tpu.memory_space<vmem>>
      %dma_start3A_1763 = arith.constant 0 : i32
      %dma_start3A_1764 = tpu.memref_slice %arg6[%add3A_1759, %dma_start3A_1763] : memref<400x128xi32, #tpu.memory_space<vmem>> -> memref<1x128xi32, #tpu.memory_space<vmem>>
      %dma_start3A_1765 = tpu.memref_squeeze %dma_start3A_1764 : memref<1x128xi32, #tpu.memory_space<vmem>> -> memref<128xi32, #tpu.memory_space<vmem>>
      %dma_start3A_1766 = arith.constant 0 : i32
      %dma_start3A_1767 = arith.constant 0 : i32
      %dma_start3A_1768 = tpu.memref_slice %arg3[%dma_start3A_1766, %dma_start3A_1767] : memref<800452x32xf32, #tpu.memory_space<hbm>> -> memref<800452x32xf32, #tpu.memory_space<hbm>>
      tpu.enqueue_indirect_dma source(%dma_start3A_1768 : memref<800452x32xf32, #tpu.memory_space<hbm>>) target(%dma_start3A_1762 : memref<128x32xf32, #tpu.memory_space<vmem>>) offsets(%dma_start3A_1765 : memref<128xi32, #tpu.memory_space<vmem>>) semaphore(%arg10 : memref<!tpu.dma_semaphore, #tpu.memory_space<semaphore_mem>>)
      %mul3A_1769 = arith.constant 8 : i32
      %mul3A_1770 = arith.muli %add3A_1750, %mul3A_1769 : i32
      %add3A_1771 = arith.constant 1 : i32
      %add3A_1772 = arith.addi %mul3A_1770, %add3A_1771 : i32
      %dma_start3A_1773 = arith.constant 128 : i32
      %dma_start3A_1774 = arith.constant 0 : i32
      %dma_start3A_1775 = tpu.memref_slice %arg9[%dma_start3A_1773, %dma_start3A_1774] : memref<1024x32xf32, #tpu.memory_space<vmem>> -> memref<128x32xf32, #tpu.memory_space<vmem>>
      %dma_start3A_1776 = arith.constant 0 : i32
      %dma_start3A_1777 = tpu.memref_slice %arg6[%add3A_1772, %dma_start3A_1776] : memref<400x128xi32, #tpu.memory_space<vmem>> -> memref<1x128xi32, #tpu.memory_space<vmem>>
      %dma_start3A_1778 = tpu.memref_squeeze %dma_start3A_1777 : memref<1x128xi32, #tpu.memory_space<vmem>> -> memref<128xi32, #tpu.memory_space<vmem>>
      %dma_start3A_1779 = arith.constant 0 : i32
      %dma_start3A_1780 = arith.constant 0 : i32
      %dma_start3A_1781 = tpu.memref_slice %arg3[%dma_start3A_1779, %dma_start3A_1780] : memref<800452x32xf32, #tpu.memory_space<hbm>> -> memref<800452x32xf32, #tpu.memory_space<hbm>>
      tpu.enqueue_indirect_dma source(%dma_start3A_1781 : memref<800452x32xf32, #tpu.memory_space<hbm>>) target(%dma_start3A_1775 : memref<128x32xf32, #tpu.memory_space<vmem>>) offsets(%dma_start3A_1778 : memref<128xi32, #tpu.memory_space<vmem>>) semaphore(%arg10 : memref<!tpu.dma_semaphore, #tpu.memory_space<semaphore_mem>>)
      %mul3A_1782 = arith.constant 8 : i32
      %mul3A_1783 = arith.muli %add3A_1750, %mul3A_1782 : i32
      %add3A_1784 = arith.constant 2 : i32
      %add3A_1785 = arith.addi %mul3A_1783, %add3A_1784 : i32
      %dma_start3A_1786 = arith.constant 256 : i32
      %dma_start3A_1787 = arith.constant 0 : i32
      %dma_start3A_1788 = tpu.memref_slice %arg9[%dma_start3A_1786, %dma_start3A_1787] : memref<1024x32xf32, #tpu.memory_space<vmem>> -> memref<128x32xf32, #tpu.memory_space<vmem>>
      %dma_start3A_1789 = arith.constant 0 : i32
      %dma_start3A_1790 = tpu.memref_slice %arg6[%add3A_1785, %dma_start3A_1789] : memref<400x128xi32, #tpu.memory_space<vmem>> -> memref<1x128xi32, #tpu.memory_space<vmem>>
      %dma_start3A_1791 = tpu.memref_squeeze %dma_start3A_1790 : memref<1x128xi32, #tpu.memory_space<vmem>> -> memref<128xi32, #tpu.memory_space<vmem>>
      %dma_start3A_1792 = arith.constant 0 : i32
      %dma_start3A_1793 = arith.constant 0 : i32
      %dma_start3A_1794 = tpu.memref_slice %arg3[%dma_start3A_1792, %dma_start3A_1793] : memref<800452x32xf32, #tpu.memory_space<hbm>> -> memref<800452x32xf32, #tpu.memory_space<hbm>>
      tpu.enqueue_indirect_dma source(%dma_start3A_1794 : memref<800452x32xf32, #tpu.memory_space<hbm>>) target(%dma_start3A_1788 : memref<128x32xf32, #tpu.memory_space<vmem>>) offsets(%dma_start3A_1791 : memref<128xi32, #tpu.memory_space<vmem>>) semaphore(%arg10 : memref<!tpu.dma_semaphore, #tpu.memory_space<semaphore_mem>>)
      %mul3A_1795 = arith.constant 8 : i32
      %mul3A_1796 = arith.muli %add3A_1750, %mul3A_1795 : i32
      %add3A_1797 = arith.constant 3 : i32
      %add3A_1798 = arith.addi %mul3A_1796, %add3A_1797 : i32
      %dma_start3A_1799 = arith.constant 384 : i32
      %dma_start3A_1800 = arith.constant 0 : i32
      %dma_start3A_1801 = tpu.memref_slice %arg9[%dma_start3A_1799, %dma_start3A_1800] : memref<1024x32xf32, #tpu.memory_space<vmem>> -> memref<128x32xf32, #tpu.memory_space<vmem>>
      %dma_start3A_1802 = arith.constant 0 : i32
      %dma_start3A_1803 = tpu.memref_slice %arg6[%add3A_1798, %dma_start3A_1802] : memref<400x128xi32, #tpu.memory_space<vmem>> -> memref<1x128xi32, #tpu.memory_space<vmem>>
      %dma_start3A_1804 = tpu.memref_squeeze %dma_start3A_1803 : memref<1x128xi32, #tpu.memory_space<vmem>> -> memref<128xi32, #tpu.memory_space<vmem>>
      %dma_start3A_1805 = arith.constant 0 : i32
      %dma_start3A_1806 = arith.constant 0 : i32
      %dma_start3A_1807 = tpu.memref_slice %arg3[%dma_start3A_1805, %dma_start3A_1806] : memref<800452x32xf32, #tpu.memory_space<hbm>> -> memref<800452x32xf32, #tpu.memory_space<hbm>>
      tpu.enqueue_indirect_dma source(%dma_start3A_1807 : memref<800452x32xf32, #tpu.memory_space<hbm>>) target(%dma_start3A_1801 : memref<128x32xf32, #tpu.memory_space<vmem>>) offsets(%dma_start3A_1804 : memref<128xi32, #tpu.memory_space<vmem>>) semaphore(%arg10 : memref<!tpu.dma_semaphore, #tpu.memory_space<semaphore_mem>>)
      %mul3A_1808 = arith.constant 8 : i32
      %mul3A_1809 = arith.muli %add3A_1750, %mul3A_1808 : i32
      %add3A_1810 = arith.constant 4 : i32
      %add3A_1811 = arith.addi %mul3A_1809, %add3A_1810 : i32
      %dma_start3A_1812 = arith.constant 512 : i32
      %dma_start3A_1813 = arith.constant 0 : i32
      %dma_start3A_1814 = tpu.memref_slice %arg9[%dma_start3A_1812, %dma_start3A_1813] : memref<1024x32xf32, #tpu.memory_space<vmem>> -> memref<128x32xf32, #tpu.memory_space<vmem>>
      %dma_start3A_1815 = arith.constant 0 : i32
      %dma_start3A_1816 = tpu.memref_slice %arg6[%add3A_1811, %dma_start3A_1815] : memref<400x128xi32, #tpu.memory_space<vmem>> -> memref<1x128xi32, #tpu.memory_space<vmem>>
      %dma_start3A_1817 = tpu.memref_squeeze %dma_start3A_1816 : memref<1x128xi32, #tpu.memory_space<vmem>> -> memref<128xi32, #tpu.memory_space<vmem>>
      %dma_start3A_1818 = arith.constant 0 : i32
      %dma_start3A_1819 = arith.constant 0 : i32
      %dma_start3A_1820 = tpu.memref_slice %arg3[%dma_start3A_1818, %dma_start3A_1819] : memref<800452x32xf32, #tpu.memory_space<hbm>> -> memref<800452x32xf32, #tpu.memory_space<hbm>>
      tpu.enqueue_indirect_dma source(%dma_start3A_1820 : memref<800452x32xf32, #tpu.memory_space<hbm>>) target(%dma_start3A_1814 : memref<128x32xf32, #tpu.memory_space<vmem>>) offsets(%dma_start3A_1817 : memref<128xi32, #tpu.memory_space<vmem>>) semaphore(%arg10 : memref<!tpu.dma_semaphore, #tpu.memory_space<semaphore_mem>>)
      %mul3A_1821 = arith.constant 8 : i32
      %mul3A_1822 = arith.muli %add3A_1750, %mul3A_1821 : i32
      %add3A_1823 = arith.constant 5 : i32
      %add3A_1824 = arith.addi %mul3A_1822, %add3A_1823 : i32
      %dma_start3A_1825 = arith.constant 640 : i32
      %dma_start3A_1826 = arith.constant 0 : i32
      %dma_start3A_1827 = tpu.memref_slice %arg9[%dma_start3A_1825, %dma_start3A_1826] : memref<1024x32xf32, #tpu.memory_space<vmem>> -> memref<128x32xf32, #tpu.memory_space<vmem>>
      %dma_start3A_1828 = arith.constant 0 : i32
      %dma_start3A_1829 = tpu.memref_slice %arg6[%add3A_1824, %dma_start3A_1828] : memref<400x128xi32, #tpu.memory_space<vmem>> -> memref<1x128xi32, #tpu.memory_space<vmem>>
      %dma_start3A_1830 = tpu.memref_squeeze %dma_start3A_1829 : memref<1x128xi32, #tpu.memory_space<vmem>> -> memref<128xi32, #tpu.memory_space<vmem>>
      %dma_start3A_1831 = arith.constant 0 : i32
      %dma_start3A_1832 = arith.constant 0 : i32
      %dma_start3A_1833 = tpu.memref_slice %arg3[%dma_start3A_1831, %dma_start3A_1832] : memref<800452x32xf32, #tpu.memory_space<hbm>> -> memref<800452x32xf32, #tpu.memory_space<hbm>>
      tpu.enqueue_indirect_dma source(%dma_start3A_1833 : memref<800452x32xf32, #tpu.memory_space<hbm>>) target(%dma_start3A_1827 : memref<128x32xf32, #tpu.memory_space<vmem>>) offsets(%dma_start3A_1830 : memref<128xi32, #tpu.memory_space<vmem>>) semaphore(%arg10 : memref<!tpu.dma_semaphore, #tpu.memory_space<semaphore_mem>>)
      %mul3A_1834 = arith.constant 8 : i32
      %mul3A_1835 = arith.muli %add3A_1750, %mul3A_1834 : i32
      %add3A_1836 = arith.constant 6 : i32
      %add3A_1837 = arith.addi %mul3A_1835, %add3A_1836 : i32
      %dma_start3A_1838 = arith.constant 768 : i32
      %dma_start3A_1839 = arith.constant 0 : i32
      %dma_start3A_1840 = tpu.memref_slice %arg9[%dma_start3A_1838, %dma_start3A_1839] : memref<1024x32xf32, #tpu.memory_space<vmem>> -> memref<128x32xf32, #tpu.memory_space<vmem>>
      %dma_start3A_1841 = arith.constant 0 : i32
      %dma_start3A_1842 = tpu.memref_slice %arg6[%add3A_1837, %dma_start3A_1841] : memref<400x128xi32, #tpu.memory_space<vmem>> -> memref<1x128xi32, #tpu.memory_space<vmem>>
      %dma_start3A_1843 = tpu.memref_squeeze %dma_start3A_1842 : memref<1x128xi32, #tpu.memory_space<vmem>> -> memref<128xi32, #tpu.memory_space<vmem>>
      %dma_start3A_1844 = arith.constant 0 : i32
      %dma_start3A_1845 = arith.constant 0 : i32
      %dma_start3A_1846 = tpu.memref_slice %arg3[%dma_start3A_1844, %dma_start3A_1845] : memref<800452x32xf32, #tpu.memory_space<hbm>> -> memref<800452x32xf32, #tpu.memory_space<hbm>>
      tpu.enqueue_indirect_dma source(%dma_start3A_1846 : memref<800452x32xf32, #tpu.memory_space<hbm>>) target(%dma_start3A_1840 : memref<128x32xf32, #tpu.memory_space<vmem>>) offsets(%dma_start3A_1843 : memref<128xi32, #tpu.memory_space<vmem>>) semaphore(%arg10 : memref<!tpu.dma_semaphore, #tpu.memory_space<semaphore_mem>>)
      %mul3A_1847 = arith.constant 8 : i32
      %mul3A_1848 = arith.muli %add3A_1750, %mul3A_1847 : i32
      %add3A_1849 = arith.constant 7 : i32
      %add3A_1850 = arith.addi %mul3A_1848, %add3A_1849 : i32
      %dma_start3A_1851 = arith.constant 896 : i32
      %dma_start3A_1852 = arith.constant 0 : i32
      %dma_start3A_1853 = tpu.memref_slice %arg9[%dma_start3A_1851, %dma_start3A_1852] : memref<1024x32xf32, #tpu.memory_space<vmem>> -> memref<128x32xf32, #tpu.memory_space<vmem>>
      %dma_start3A_1854 = arith.constant 0 : i32
      %dma_start3A_1855 = tpu.memref_slice %arg6[%add3A_1850, %dma_start3A_1854] : memref<400x128xi32, #tpu.memory_space<vmem>> -> memref<1x128xi32, #tpu.memory_space<vmem>>
      %dma_start3A_1856 = tpu.memref_squeeze %dma_start3A_1855 : memref<1x128xi32, #tpu.memory_space<vmem>> -> memref<128xi32, #tpu.memory_space<vmem>>
      %dma_start3A_1857 = arith.constant 0 : i32
      %dma_start3A_1858 = arith.constant 0 : i32
      %dma_start3A_1859 = tpu.memref_slice %arg3[%dma_start3A_1857, %dma_start3A_1858] : memref<800452x32xf32, #tpu.memory_space<hbm>> -> memref<800452x32xf32, #tpu.memory_space<hbm>>
      tpu.enqueue_indirect_dma source(%dma_start3A_1859 : memref<800452x32xf32, #tpu.memory_space<hbm>>) target(%dma_start3A_1853 : memref<128x32xf32, #tpu.memory_space<vmem>>) offsets(%dma_start3A_1856 : memref<128xi32, #tpu.memory_space<vmem>>) semaphore(%arg10 : memref<!tpu.dma_semaphore, #tpu.memory_space<semaphore_mem>>)
      %lt3A_1860 = arith.constant 48 : i32
      %lt3A_1861 = arith.cmpi slt, %add3A_1750, %lt3A_1860 : i32
      %convert_element_type3A_1862 = arith.extui %lt3A_1861 : i1 to i32
      %cond3A_1863 = arith.constant 0 : i32
      %cond3A_1864 = arith.cmpi ne, %convert_element_type3A_1862, %cond3A_1863 : i32
      scf.if %cond3A_1864 {
        %add3A_1944 = arith.constant 2 : i32
        %add3A_1945 = arith.addi %add3A_1750, %add3A_1944 : i32
        %mul3A_1946 = arith.constant 8 : i32
        %mul3A_1947 = arith.muli %add3A_1945, %mul3A_1946 : i32
        %add3A_1948 = arith.constant 0 : i32
        %add3A_1949 = arith.addi %mul3A_1947, %add3A_1948 : i32
        %get3A_1950 = arith.index_cast %add3A_1949 : i32 to index
        %get3A_1951 = arith.constant 0 : index
        %get3A_1952 = tpu.vector_load %arg6[%get3A_1950, %get3A_1951] {strides = array<i32>} : memref<400x128xi32, #tpu.memory_space<vmem>>, vector<1x16xi32>,
        %get3A_1953 = vector.shape_cast %get3A_1952 : vector<1x16xi32> to vector<16xi32>
        %add3A_1954 = arith.addi %get3A_1953, %get3A_6 : vector<16xi32>
        %add3A_1955 = arith.constant 0 : i32
        %add3A_1956 = arith.addi %mul3A_1947, %add3A_1955 : i32
        %swap3A_1957 = arith.index_cast %add3A_1956 : i32 to index
        %swap3A_1958 = arith.constant 0 : index
        %swap3A_1959 = tpu.vector_load %arg6[%swap3A_1957, %swap3A_1958] {strides = array<i32>} : memref<400x128xi32, #tpu.memory_space<vmem>>, vector<1x16xi32>,
        %swap3A_1960 = vector.shape_cast %swap3A_1959 : vector<1x16xi32> to vector<16xi32>
        %swap3A_1961 = vector.shape_cast %add3A_1954 : vector<16xi32> to vector<1x16xi32>
        tpu.vector_store %arg6[%swap3A_1957, %swap3A_1958], %swap3A_1961 {strides = array<i32>} : memref<400x128xi32, #tpu.memory_space<vmem>>, vector<1x16xi32>,
        %add3A_1962 = arith.constant 0 : i32
        %add3A_1963 = arith.addi %mul3A_1947, %add3A_1962 : i32
        %get3A_1964 = arith.index_cast %add3A_1963 : i32 to index
        %get3A_1965 = arith.constant 16 : index
        %get3A_1966 = tpu.vector_load %arg6[%get3A_1964, %get3A_1965] {strides = array<i32>} : memref<400x128xi32, #tpu.memory_space<vmem>>, vector<1x16xi32>,
        %get3A_1967 = vector.shape_cast %get3A_1966 : vector<1x16xi32> to vector<16xi32>
        %add3A_1968 = arith.addi %get3A_1967, %get3A_6 : vector<16xi32>
        %add3A_1969 = arith.constant 0 : i32
        %add3A_1970 = arith.addi %mul3A_1947, %add3A_1969 : i32
        %swap3A_1971 = arith.index_cast %add3A_1970 : i32 to index
        %swap3A_1972 = arith.constant 16 : index
        %swap3A_1973 = tpu.vector_load %arg6[%swap3A_1971, %swap3A_1972] {strides = array<i32>} : memref<400x128xi32, #tpu.memory_space<vmem>>, vector<1x16xi32>,
        %swap3A_1974 = vector.shape_cast %swap3A_1973 : vector<1x16xi32> to vector<16xi32>
        %swap3A_1975 = vector.shape_cast %add3A_1968 : vector<16xi32> to vector<1x16xi32>
        tpu.vector_store %arg6[%swap3A_1971, %swap3A_1972], %swap3A_1975 {strides = array<i32>} : memref<400x128xi32, #tpu.memory_space<vmem>>, vector<1x16xi32>,
        %add3A_1976 = arith.constant 0 : i32
        %add3A_1977 = arith.addi %mul3A_1947, %add3A_1976 : i32
        %get3A_1978 = arith.index_cast %add3A_1977 : i32 to index
        %get3A_1979 = arith.constant 32 : index
        %get3A_1980 = tpu.vector_load %arg6[%get3A_1978, %get3A_1979] {strides = array<i32>} : memref<400x128xi32, #tpu.memory_space<vmem>>, vector<1x16xi32>,
        %get3A_1981 = vector.shape_cast %get3A_1980 : vector<1x16xi32> to vector<16xi32>
        %add3A_1982 = arith.addi %get3A_1981, %get3A_6 : vector<16xi32>
        %add3A_1983 = arith.constant 0 : i32
        %add3A_1984 = arith.addi %mul3A_1947, %add3A_1983 : i32
        %swap3A_1985 = arith.index_cast %add3A_1984 : i32 to index
        %swap3A_1986 = arith.constant 32 : index
        %swap3A_1987 = tpu.vector_load %arg6[%swap3A_1985, %swap3A_1986] {strides = array<i32>} : memref<400x128xi32, #tpu.memory_space<vmem>>, vector<1x16xi32>,
        %swap3A_1988 = vector.shape_cast %swap3A_1987 : vector<1x16xi32> to vector<16xi32>
        %swap3A_1989 = vector.shape_cast %add3A_1982 : vector<16xi32> to vector<1x16xi32>
        tpu.vector_store %arg6[%swap3A_1985, %swap3A_1986], %swap3A_1989 {strides = array<i32>} : memref<400x128xi32, #tpu.memory_space<vmem>>, vector<1x16xi32>,
        %add3A_1990 = arith.constant 0 : i32
        %add3A_1991 = arith.addi %mul3A_1947, %add3A_1990 : i32
        %get3A_1992 = arith.index_cast %add3A_1991 : i32 to index
        %get3A_1993 = arith.constant 48 : index
        %get3A_1994 = tpu.vector_load %arg6[%get3A_1992, %get3A_1993] {strides = array<i32>} : memref<400x128xi32, #tpu.memory_space<vmem>>, vector<1x16xi32>,
        %get3A_1995 = vector.shape_cast %get3A_1994 : vector<1x16xi32> to vector<16xi32>
        %add3A_1996 = arith.addi %get3A_1995, %get3A_6 : vector<16xi32>
        %add3A_1997 = arith.constant 0 : i32
        %add3A_1998 = arith.addi %mul3A_1947, %add3A_1997 : i32
        %swap3A_1999 = arith.index_cast %add3A_1998 : i32 to index
        %swap3A_2000 = arith.constant 48 : index
        %swap3A_2001 = tpu.vector_load %arg6[%swap3A_1999, %swap3A_2000] {strides = array<i32>} : memref<400x128xi32, #tpu.memory_space<vmem>>, vector<1x16xi32>,
        %swap3A_2002 = vector.shape_cast %swap3A_2001 : vector<1x16xi32> to vector<16xi32>
        %swap3A_2003 = vector.shape_cast %add3A_1996 : vector<16xi32> to vector<1x16xi32>
        tpu.vector_store %arg6[%swap3A_1999, %swap3A_2000], %swap3A_2003 {strides = array<i32>} : memref<400x128xi32, #tpu.memory_space<vmem>>, vector<1x16xi32>,
        %add3A_2004 = arith.constant 0 : i32
        %add3A_2005 = arith.addi %mul3A_1947, %add3A_2004 : i32
        %get3A_2006 = arith.index_cast %add3A_2005 : i32 to index
        %get3A_2007 = arith.constant 64 : index
        %get3A_2008 = tpu.vector_load %arg6[%get3A_2006, %get3A_2007] {strides = array<i32>} : memref<400x128xi32, #tpu.memory_space<vmem>>, vector<1x16xi32>,
        %get3A_2009 = vector.shape_cast %get3A_2008 : vector<1x16xi32> to vector<16xi32>
        %add3A_2010 = arith.addi %get3A_2009, %get3A_6 : vector<16xi32>
        %add3A_2011 = arith.constant 0 : i32
        %add3A_2012 = arith.addi %mul3A_1947, %add3A_2011 : i32
        %swap3A_2013 = arith.index_cast %add3A_2012 : i32 to index
        %swap3A_2014 = arith.constant 64 : index
        %swap3A_2015 = tpu.vector_load %arg6[%swap3A_2013, %swap3A_2014] {strides = array<i32>} : memref<400x128xi32, #tpu.memory_space<vmem>>, vector<1x16xi32>,
        %swap3A_2016 = vector.shape_cast %swap3A_2015 : vector<1x16xi32> to vector<16xi32>
        %swap3A_2017 = vector.shape_cast %add3A_2010 : vector<16xi32> to vector<1x16xi32>
        tpu.vector_store %arg6[%swap3A_2013, %swap3A_2014], %swap3A_2017 {strides = array<i32>} : memref<400x128xi32, #tpu.memory_space<vmem>>, vector<1x16xi32>,
        %add3A_2018 = arith.constant 0 : i32
        %add3A_2019 = arith.addi %mul3A_1947, %add3A_2018 : i32
        %get3A_2020 = arith.index_cast %add3A_2019 : i32 to index
        %get3A_2021 = arith.constant 80 : index
        %get3A_2022 = tpu.vector_load %arg6[%get3A_2020, %get3A_2021] {strides = array<i32>} : memref<400x128xi32, #tpu.memory_space<vmem>>, vector<1x16xi32>,
        %get3A_2023 = vector.shape_cast %get3A_2022 : vector<1x16xi32> to vector<16xi32>
        %add3A_2024 = arith.addi %get3A_2023, %get3A_6 : vector<16xi32>
        %add3A_2025 = arith.constant 0 : i32
        %add3A_2026 = arith.addi %mul3A_1947, %add3A_2025 : i32
        %swap3A_2027 = arith.index_cast %add3A_2026 : i32 to index
        %swap3A_2028 = arith.constant 80 : index
        %swap3A_2029 = tpu.vector_load %arg6[%swap3A_2027, %swap3A_2028] {strides = array<i32>} : memref<400x128xi32, #tpu.memory_space<vmem>>, vector<1x16xi32>,
        %swap3A_2030 = vector.shape_cast %swap3A_2029 : vector<1x16xi32> to vector<16xi32>
        %swap3A_2031 = vector.shape_cast %add3A_2024 : vector<16xi32> to vector<1x16xi32>
        tpu.vector_store %arg6[%swap3A_2027, %swap3A_2028], %swap3A_2031 {strides = array<i32>} : memref<400x128xi32, #tpu.memory_space<vmem>>, vector<1x16xi32>,
        %add3A_2032 = arith.constant 0 : i32
        %add3A_2033 = arith.addi %mul3A_1947, %add3A_2032 : i32
        %get3A_2034 = arith.index_cast %add3A_2033 : i32 to index
        %get3A_2035 = arith.constant 96 : index
        %get3A_2036 = tpu.vector_load %arg6[%get3A_2034, %get3A_2035] {strides = array<i32>} : memref<400x128xi32, #tpu.memory_space<vmem>>, vector<1x16xi32>,
        %get3A_2037 = vector.shape_cast %get3A_2036 : vector<1x16xi32> to vector<16xi32>
        %add3A_2038 = arith.addi %get3A_2037, %get3A_6 : vector<16xi32>
        %add3A_2039 = arith.constant 0 : i32
        %add3A_2040 = arith.addi %mul3A_1947, %add3A_2039 : i32
        %swap3A_2041 = arith.index_cast %add3A_2040 : i32 to index
        %swap3A_2042 = arith.constant 96 : index
        %swap3A_2043 = tpu.vector_load %arg6[%swap3A_2041, %swap3A_2042] {strides = array<i32>} : memref<400x128xi32, #tpu.memory_space<vmem>>, vector<1x16xi32>,
        %swap3A_2044 = vector.shape_cast %swap3A_2043 : vector<1x16xi32> to vector<16xi32>
        %swap3A_2045 = vector.shape_cast %add3A_2038 : vector<16xi32> to vector<1x16xi32>
        tpu.vector_store %arg6[%swap3A_2041, %swap3A_2042], %swap3A_2045 {strides = array<i32>} : memref<400x128xi32, #tpu.memory_space<vmem>>, vector<1x16xi32>,
        %add3A_2046 = arith.constant 0 : i32
        %add3A_2047 = arith.addi %mul3A_1947, %add3A_2046 : i32
        %get3A_2048 = arith.index_cast %add3A_2047 : i32 to index
        %get3A_2049 = arith.constant 112 : index
        %get3A_2050 = tpu.vector_load %arg6[%get3A_2048, %get3A_2049] {strides = array<i32>} : memref<400x128xi32, #tpu.memory_space<vmem>>, vector<1x16xi32>,
        %get3A_2051 = vector.shape_cast %get3A_2050 : vector<1x16xi32> to vector<16xi32>
        %add3A_2052 = arith.addi %get3A_2051, %get3A_6 : vector<16xi32>
        %add3A_2053 = arith.constant 0 : i32
        %add3A_2054 = arith.addi %mul3A_1947, %add3A_2053 : i32
        %swap3A_2055 = arith.index_cast %add3A_2054 : i32 to index
        %swap3A_2056 = arith.constant 112 : index
        %swap3A_2057 = tpu.vector_load %arg6[%swap3A_2055, %swap3A_2056] {strides = array<i32>} : memref<400x128xi32, #tpu.memory_space<vmem>>, vector<1x16xi32>,
        %swap3A_2058 = vector.shape_cast %swap3A_2057 : vector<1x16xi32> to vector<16xi32>
        %swap3A_2059 = vector.shape_cast %add3A_2052 : vector<16xi32> to vector<1x16xi32>
        tpu.vector_store %arg6[%swap3A_2055, %swap3A_2056], %swap3A_2059 {strides = array<i32>} : memref<400x128xi32, #tpu.memory_space<vmem>>, vector<1x16xi32>,
        %add3A_2060 = arith.constant 1 : i32
        %add3A_2061 = arith.addi %mul3A_1947, %add3A_2060 : i32
        %get3A_2062 = arith.index_cast %add3A_2061 : i32 to index
        %get3A_2063 = arith.constant 0 : index
        %get3A_2064 = tpu.vector_load %arg6[%get3A_2062, %get3A_2063] {strides = array<i32>} : memref<400x128xi32, #tpu.memory_space<vmem>>, vector<1x16xi32>,
        %get3A_2065 = vector.shape_cast %get3A_2064 : vector<1x16xi32> to vector<16xi32>
        %add3A_2066 = arith.addi %get3A_2065, %get3A_6 : vector<16xi32>
        %add3A_2067 = arith.constant 1 : i32
        %add3A_2068 = arith.addi %mul3A_1947, %add3A_2067 : i32
        %swap3A_2069 = arith.index_cast %add3A_2068 : i32 to index
        %swap3A_2070 = arith.constant 0 : index
        %swap3A_2071 = tpu.vector_load %arg6[%swap3A_2069, %swap3A_2070] {strides = array<i32>} : memref<400x128xi32, #tpu.memory_space<vmem>>, vector<1x16xi32>,
        %swap3A_2072 = vector.shape_cast %swap3A_2071 : vector<1x16xi32> to vector<16xi32>
        %swap3A_2073 = vector.shape_cast %add3A_2066 : vector<16xi32> to vector<1x16xi32>
        tpu.vector_store %arg6[%swap3A_2069, %swap3A_2070], %swap3A_2073 {strides = array<i32>} : memref<400x128xi32, #tpu.memory_space<vmem>>, vector<1x16xi32>,
        %add3A_2074 = arith.constant 1 : i32
        %add3A_2075 = arith.addi %mul3A_1947, %add3A_2074 : i32
        %get3A_2076 = arith.index_cast %add3A_2075 : i32 to index
        %get3A_2077 = arith.constant 16 : index
        %get3A_2078 = tpu.vector_load %arg6[%get3A_2076, %get3A_2077] {strides = array<i32>} : memref<400x128xi32, #tpu.memory_space<vmem>>, vector<1x16xi32>,
        %get3A_2079 = vector.shape_cast %get3A_2078 : vector<1x16xi32> to vector<16xi32>
        %add3A_2080 = arith.addi %get3A_2079, %get3A_6 : vector<16xi32>
        %add3A_2081 = arith.constant 1 : i32
        %add3A_2082 = arith.addi %mul3A_1947, %add3A_2081 : i32
        %swap3A_2083 = arith.index_cast %add3A_2082 : i32 to index
        %swap3A_2084 = arith.constant 16 : index
        %swap3A_2085 = tpu.vector_load %arg6[%swap3A_2083, %swap3A_2084] {strides = array<i32>} : memref<400x128xi32, #tpu.memory_space<vmem>>, vector<1x16xi32>,
        %swap3A_2086 = vector.shape_cast %swap3A_2085 : vector<1x16xi32> to vector<16xi32>
        %swap3A_2087 = vector.shape_cast %add3A_2080 : vector<16xi32> to vector<1x16xi32>
        tpu.vector_store %arg6[%swap3A_2083, %swap3A_2084], %swap3A_2087 {strides = array<i32>} : memref<400x128xi32, #tpu.memory_space<vmem>>, vector<1x16xi32>,
        %add3A_2088 = arith.constant 1 : i32
        %add3A_2089 = arith.addi %mul3A_1947, %add3A_2088 : i32
        %get3A_2090 = arith.index_cast %add3A_2089 : i32 to index
        %get3A_2091 = arith.constant 32 : index
        %get3A_2092 = tpu.vector_load %arg6[%get3A_2090, %get3A_2091] {strides = array<i32>} : memref<400x128xi32, #tpu.memory_space<vmem>>, vector<1x16xi32>,
        %get3A_2093 = vector.shape_cast %get3A_2092 : vector<1x16xi32> to vector<16xi32>
        %add3A_2094 = arith.addi %get3A_2093, %get3A_6 : vector<16xi32>
        %add3A_2095 = arith.constant 1 : i32
        %add3A_2096 = arith.addi %mul3A_1947, %add3A_2095 : i32
        %swap3A_2097 = arith.index_cast %add3A_2096 : i32 to index
        %swap3A_2098 = arith.constant 32 : index
        %swap3A_2099 = tpu.vector_load %arg6[%swap3A_2097, %swap3A_2098] {strides = array<i32>} : memref<400x128xi32, #tpu.memory_space<vmem>>, vector<1x16xi32>,
        %swap3A_2100 = vector.shape_cast %swap3A_2099 : vector<1x16xi32> to vector<16xi32>
        %swap3A_2101 = vector.shape_cast %add3A_2094 : vector<16xi32> to vector<1x16xi32>
        tpu.vector_store %arg6[%swap3A_2097, %swap3A_2098], %swap3A_2101 {strides = array<i32>} : memref<400x128xi32, #tpu.memory_space<vmem>>, vector<1x16xi32>,
        %add3A_2102 = arith.constant 1 : i32
        %add3A_2103 = arith.addi %mul3A_1947, %add3A_2102 : i32
        %get3A_2104 = arith.index_cast %add3A_2103 : i32 to index
        %get3A_2105 = arith.constant 48 : index
        %get3A_2106 = tpu.vector_load %arg6[%get3A_2104, %get3A_2105] {strides = array<i32>} : memref<400x128xi32, #tpu.memory_space<vmem>>, vector<1x16xi32>,
        %get3A_2107 = vector.shape_cast %get3A_2106 : vector<1x16xi32> to vector<16xi32>
        %add3A_2108 = arith.addi %get3A_2107, %get3A_6 : vector<16xi32>
        %add3A_2109 = arith.constant 1 : i32
        %add3A_2110 = arith.addi %mul3A_1947, %add3A_2109 : i32
        %swap3A_2111 = arith.index_cast %add3A_2110 : i32 to index
        %swap3A_2112 = arith.constant 48 : index
        %swap3A_2113 = tpu.vector_load %arg6[%swap3A_2111, %swap3A_2112] {strides = array<i32>} : memref<400x128xi32, #tpu.memory_space<vmem>>, vector<1x16xi32>,
        %swap3A_2114 = vector.shape_cast %swap3A_2113 : vector<1x16xi32> to vector<16xi32>
        %swap3A_2115 = vector.shape_cast %add3A_2108 : vector<16xi32> to vector<1x16xi32>
        tpu.vector_store %arg6[%swap3A_2111, %swap3A_2112], %swap3A_2115 {strides = array<i32>} : memref<400x128xi32, #tpu.memory_space<vmem>>, vector<1x16xi32>,
        %add3A_2116 = arith.constant 1 : i32
        %add3A_2117 = arith.addi %mul3A_1947, %add3A_2116 : i32
        %get3A_2118 = arith.index_cast %add3A_2117 : i32 to index
        %get3A_2119 = arith.constant 64 : index
        %get3A_2120 = tpu.vector_load %arg6[%get3A_2118, %get3A_2119] {strides = array<i32>} : memref<400x128xi32, #tpu.memory_space<vmem>>, vector<1x16xi32>,
        %get3A_2121 = vector.shape_cast %get3A_2120 : vector<1x16xi32> to vector<16xi32>
        %add3A_2122 = arith.addi %get3A_2121, %get3A_6 : vector<16xi32>
        %add3A_2123 = arith.constant 1 : i32
        %add3A_2124 = arith.addi %mul3A_1947, %add3A_2123 : i32
        %swap3A_2125 = arith.index_cast %add3A_2124 : i32 to index
        %swap3A_2126 = arith.constant 64 : index
        %swap3A_2127 = tpu.vector_load %arg6[%swap3A_2125, %swap3A_2126] {strides = array<i32>} : memref<400x128xi32, #tpu.memory_space<vmem>>, vector<1x16xi32>,
        %swap3A_2128 = vector.shape_cast %swap3A_2127 : vector<1x16xi32> to vector<16xi32>
        %swap3A_2129 = vector.shape_cast %add3A_2122 : vector<16xi32> to vector<1x16xi32>
        tpu.vector_store %arg6[%swap3A_2125, %swap3A_2126], %swap3A_2129 {strides = array<i32>} : memref<400x128xi32, #tpu.memory_space<vmem>>, vector<1x16xi32>,
        %add3A_2130 = arith.constant 1 : i32
        %add3A_2131 = arith.addi %mul3A_1947, %add3A_2130 : i32
        %get3A_2132 = arith.index_cast %add3A_2131 : i32 to index
        %get3A_2133 = arith.constant 80 : index
        %get3A_2134 = tpu.vector_load %arg6[%get3A_2132, %get3A_2133] {strides = array<i32>} : memref<400x128xi32, #tpu.memory_space<vmem>>, vector<1x16xi32>,
        %get3A_2135 = vector.shape_cast %get3A_2134 : vector<1x16xi32> to vector<16xi32>
        %add3A_2136 = arith.addi %get3A_2135, %get3A_6 : vector<16xi32>
        %add3A_2137 = arith.constant 1 : i32
        %add3A_2138 = arith.addi %mul3A_1947, %add3A_2137 : i32
        %swap3A_2139 = arith.index_cast %add3A_2138 : i32 to index
        %swap3A_2140 = arith.constant 80 : index
        %swap3A_2141 = tpu.vector_load %arg6[%swap3A_2139, %swap3A_2140] {strides = array<i32>} : memref<400x128xi32, #tpu.memory_space<vmem>>, vector<1x16xi32>,
        %swap3A_2142 = vector.shape_cast %swap3A_2141 : vector<1x16xi32> to vector<16xi32>
        %swap3A_2143 = vector.shape_cast %add3A_2136 : vector<16xi32> to vector<1x16xi32>
        tpu.vector_store %arg6[%swap3A_2139, %swap3A_2140], %swap3A_2143 {strides = array<i32>} : memref<400x128xi32, #tpu.memory_space<vmem>>, vector<1x16xi32>,
        %add3A_2144 = arith.constant 1 : i32
        %add3A_2145 = arith.addi %mul3A_1947, %add3A_2144 : i32
        %get3A_2146 = arith.index_cast %add3A_2145 : i32 to index
        %get3A_2147 = arith.constant 96 : index
        %get3A_2148 = tpu.vector_load %arg6[%get3A_2146, %get3A_2147] {strides = array<i32>} : memref<400x128xi32, #tpu.memory_space<vmem>>, vector<1x16xi32>,
        %get3A_2149 = vector.shape_cast %get3A_2148 : vector<1x16xi32> to vector<16xi32>
        %add3A_2150 = arith.addi %get3A_2149, %get3A_6 : vector<16xi32>
        %add3A_2151 = arith.constant 1 : i32
        %add3A_2152 = arith.addi %mul3A_1947, %add3A_2151 : i32
        %swap3A_2153 = arith.index_cast %add3A_2152 : i32 to index
        %swap3A_2154 = arith.constant 96 : index
        %swap3A_2155 = tpu.vector_load %arg6[%swap3A_2153, %swap3A_2154] {strides = array<i32>} : memref<400x128xi32, #tpu.memory_space<vmem>>, vector<1x16xi32>,
        %swap3A_2156 = vector.shape_cast %swap3A_2155 : vector<1x16xi32> to vector<16xi32>
        %swap3A_2157 = vector.shape_cast %add3A_2150 : vector<16xi32> to vector<1x16xi32>
        tpu.vector_store %arg6[%swap3A_2153, %swap3A_2154], %swap3A_2157 {strides = array<i32>} : memref<400x128xi32, #tpu.memory_space<vmem>>, vector<1x16xi32>,
        %add3A_2158 = arith.constant 1 : i32
        %add3A_2159 = arith.addi %mul3A_1947, %add3A_2158 : i32
        %get3A_2160 = arith.index_cast %add3A_2159 : i32 to index
        %get3A_2161 = arith.constant 112 : index
        %get3A_2162 = tpu.vector_load %arg6[%get3A_2160, %get3A_2161] {strides = array<i32>} : memref<400x128xi32, #tpu.memory_space<vmem>>, vector<1x16xi32>,
        %get3A_2163 = vector.shape_cast %get3A_2162 : vector<1x16xi32> to vector<16xi32>
        %add3A_2164 = arith.addi %get3A_2163, %get3A_6 : vector<16xi32>
        %add3A_2165 = arith.constant 1 : i32
        %add3A_2166 = arith.addi %mul3A_1947, %add3A_2165 : i32
        %swap3A_2167 = arith.index_cast %add3A_2166 : i32 to index
        %swap3A_2168 = arith.constant 112 : index
        %swap3A_2169 = tpu.vector_load %arg6[%swap3A_2167, %swap3A_2168] {strides = array<i32>} : memref<400x128xi32, #tpu.memory_space<vmem>>, vector<1x16xi32>,
        %swap3A_2170 = vector.shape_cast %swap3A_2169 : vector<1x16xi32> to vector<16xi32>
        %swap3A_2171 = vector.shape_cast %add3A_2164 : vector<16xi32> to vector<1x16xi32>
        tpu.vector_store %arg6[%swap3A_2167, %swap3A_2168], %swap3A_2171 {strides = array<i32>} : memref<400x128xi32, #tpu.memory_space<vmem>>, vector<1x16xi32>,
        %add3A_2172 = arith.constant 2 : i32
        %add3A_2173 = arith.addi %mul3A_1947, %add3A_2172 : i32
        %get3A_2174 = arith.index_cast %add3A_2173 : i32 to index
        %get3A_2175 = arith.constant 0 : index
        %get3A_2176 = tpu.vector_load %arg6[%get3A_2174, %get3A_2175] {strides = array<i32>} : memref<400x128xi32, #tpu.memory_space<vmem>>, vector<1x16xi32>,
        %get3A_2177 = vector.shape_cast %get3A_2176 : vector<1x16xi32> to vector<16xi32>
        %add3A_2178 = arith.addi %get3A_2177, %get3A_6 : vector<16xi32>
        %add3A_2179 = arith.constant 2 : i32
        %add3A_2180 = arith.addi %mul3A_1947, %add3A_2179 : i32
        %swap3A_2181 = arith.index_cast %add3A_2180 : i32 to index
        %swap3A_2182 = arith.constant 0 : index
        %swap3A_2183 = tpu.vector_load %arg6[%swap3A_2181, %swap3A_2182] {strides = array<i32>} : memref<400x128xi32, #tpu.memory_space<vmem>>, vector<1x16xi32>,
        %swap3A_2184 = vector.shape_cast %swap3A_2183 : vector<1x16xi32> to vector<16xi32>
        %swap3A_2185 = vector.shape_cast %add3A_2178 : vector<16xi32> to vector<1x16xi32>
        tpu.vector_store %arg6[%swap3A_2181, %swap3A_2182], %swap3A_2185 {strides = array<i32>} : memref<400x128xi32, #tpu.memory_space<vmem>>, vector<1x16xi32>,
        %add3A_2186 = arith.constant 2 : i32
        %add3A_2187 = arith.addi %mul3A_1947, %add3A_2186 : i32
        %get3A_2188 = arith.index_cast %add3A_2187 : i32 to index
        %get3A_2189 = arith.constant 16 : index
        %get3A_2190 = tpu.vector_load %arg6[%get3A_2188, %get3A_2189] {strides = array<i32>} : memref<400x128xi32, #tpu.memory_space<vmem>>, vector<1x16xi32>,
        %get3A_2191 = vector.shape_cast %get3A_2190 : vector<1x16xi32> to vector<16xi32>
        %add3A_2192 = arith.addi %get3A_2191, %get3A_6 : vector<16xi32>
        %add3A_2193 = arith.constant 2 : i32
        %add3A_2194 = arith.addi %mul3A_1947, %add3A_2193 : i32
        %swap3A_2195 = arith.index_cast %add3A_2194 : i32 to index
        %swap3A_2196 = arith.constant 16 : index
        %swap3A_2197 = tpu.vector_load %arg6[%swap3A_2195, %swap3A_2196] {strides = array<i32>} : memref<400x128xi32, #tpu.memory_space<vmem>>, vector<1x16xi32>,
        %swap3A_2198 = vector.shape_cast %swap3A_2197 : vector<1x16xi32> to vector<16xi32>
        %swap3A_2199 = vector.shape_cast %add3A_2192 : vector<16xi32> to vector<1x16xi32>
        tpu.vector_store %arg6[%swap3A_2195, %swap3A_2196], %swap3A_2199 {strides = array<i32>} : memref<400x128xi32, #tpu.memory_space<vmem>>, vector<1x16xi32>,
        %add3A_2200 = arith.constant 2 : i32
        %add3A_2201 = arith.addi %mul3A_1947, %add3A_2200 : i32
        %get3A_2202 = arith.index_cast %add3A_2201 : i32 to index
        %get3A_2203 = arith.constant 32 : index
        %get3A_2204 = tpu.vector_load %arg6[%get3A_2202, %get3A_2203] {strides = array<i32>} : memref<400x128xi32, #tpu.memory_space<vmem>>, vector<1x16xi32>,
        %get3A_2205 = vector.shape_cast %get3A_2204 : vector<1x16xi32> to vector<16xi32>
        %add3A_2206 = arith.addi %get3A_2205, %get3A_6 : vector<16xi32>
        %add3A_2207 = arith.constant 2 : i32
        %add3A_2208 = arith.addi %mul3A_1947, %add3A_2207 : i32
        %swap3A_2209 = arith.index_cast %add3A_2208 : i32 to index
        %swap3A_2210 = arith.constant 32 : index
        %swap3A_2211 = tpu.vector_load %arg6[%swap3A_2209, %swap3A_2210] {strides = array<i32>} : memref<400x128xi32, #tpu.memory_space<vmem>>, vector<1x16xi32>,
        %swap3A_2212 = vector.shape_cast %swap3A_2211 : vector<1x16xi32> to vector<16xi32>
        %swap3A_2213 = vector.shape_cast %add3A_2206 : vector<16xi32> to vector<1x16xi32>
        tpu.vector_store %arg6[%swap3A_2209, %swap3A_2210], %swap3A_2213 {strides = array<i32>} : memref<400x128xi32, #tpu.memory_space<vmem>>, vector<1x16xi32>,
        %add3A_2214 = arith.constant 2 : i32
        %add3A_2215 = arith.addi %mul3A_1947, %add3A_2214 : i32
        %get3A_2216 = arith.index_cast %add3A_2215 : i32 to index
        %get3A_2217 = arith.constant 48 : index
        %get3A_2218 = tpu.vector_load %arg6[%get3A_2216, %get3A_2217] {strides = array<i32>} : memref<400x128xi32, #tpu.memory_space<vmem>>, vector<1x16xi32>,
        %get3A_2219 = vector.shape_cast %get3A_2218 : vector<1x16xi32> to vector<16xi32>
        %add3A_2220 = arith.addi %get3A_2219, %get3A_6 : vector<16xi32>
        %add3A_2221 = arith.constant 2 : i32
        %add3A_2222 = arith.addi %mul3A_1947, %add3A_2221 : i32
        %swap3A_2223 = arith.index_cast %add3A_2222 : i32 to index
        %swap3A_2224 = arith.constant 48 : index
        %swap3A_2225 = tpu.vector_load %arg6[%swap3A_2223, %swap3A_2224] {strides = array<i32>} : memref<400x128xi32, #tpu.memory_space<vmem>>, vector<1x16xi32>,
        %swap3A_2226 = vector.shape_cast %swap3A_2225 : vector<1x16xi32> to vector<16xi32>
        %swap3A_2227 = vector.shape_cast %add3A_2220 : vector<16xi32> to vector<1x16xi32>
        tpu.vector_store %arg6[%swap3A_2223, %swap3A_2224], %swap3A_2227 {strides = array<i32>} : memref<400x128xi32, #tpu.memory_space<vmem>>, vector<1x16xi32>,
        %add3A_2228 = arith.constant 2 : i32
        %add3A_2229 = arith.addi %mul3A_1947, %add3A_2228 : i32
        %get3A_2230 = arith.index_cast %add3A_2229 : i32 to index
        %get3A_2231 = arith.constant 64 : index
        %get3A_2232 = tpu.vector_load %arg6[%get3A_2230, %get3A_2231] {strides = array<i32>} : memref<400x128xi32, #tpu.memory_space<vmem>>, vector<1x16xi32>,
        %get3A_2233 = vector.shape_cast %get3A_2232 : vector<1x16xi32> to vector<16xi32>
        %add3A_2234 = arith.addi %get3A_2233, %get3A_6 : vector<16xi32>
        %add3A_2235 = arith.constant 2 : i32
        %add3A_2236 = arith.addi %mul3A_1947, %add3A_2235 : i32
        %swap3A_2237 = arith.index_cast %add3A_2236 : i32 to index
        %swap3A_2238 = arith.constant 64 : index
        %swap3A_2239 = tpu.vector_load %arg6[%swap3A_2237, %swap3A_2238] {strides = array<i32>} : memref<400x128xi32, #tpu.memory_space<vmem>>, vector<1x16xi32>,
        %swap3A_2240 = vector.shape_cast %swap3A_2239 : vector<1x16xi32> to vector<16xi32>
        %swap3A_2241 = vector.shape_cast %add3A_2234 : vector<16xi32> to vector<1x16xi32>
        tpu.vector_store %arg6[%swap3A_2237, %swap3A_2238], %swap3A_2241 {strides = array<i32>} : memref<400x128xi32, #tpu.memory_space<vmem>>, vector<1x16xi32>,
        %add3A_2242 = arith.constant 2 : i32
        %add3A_2243 = arith.addi %mul3A_1947, %add3A_2242 : i32
        %get3A_2244 = arith.index_cast %add3A_2243 : i32 to index
        %get3A_2245 = arith.constant 80 : index
        %get3A_2246 = tpu.vector_load %arg6[%get3A_2244, %get3A_2245] {strides = array<i32>} : memref<400x128xi32, #tpu.memory_space<vmem>>, vector<1x16xi32>,
        %get3A_2247 = vector.shape_cast %get3A_2246 : vector<1x16xi32> to vector<16xi32>
        %add3A_2248 = arith.addi %get3A_2247, %get3A_6 : vector<16xi32>
        %add3A_2249 = arith.constant 2 : i32
        %add3A_2250 = arith.addi %mul3A_1947, %add3A_2249 : i32
        %swap3A_2251 = arith.index_cast %add3A_2250 : i32 to index
        %swap3A_2252 = arith.constant 80 : index
        %swap3A_2253 = tpu.vector_load %arg6[%swap3A_2251, %swap3A_2252] {strides = array<i32>} : memref<400x128xi32, #tpu.memory_space<vmem>>, vector<1x16xi32>,
        %swap3A_2254 = vector.shape_cast %swap3A_2253 : vector<1x16xi32> to vector<16xi32>
        %swap3A_2255 = vector.shape_cast %add3A_2248 : vector<16xi32> to vector<1x16xi32>
        tpu.vector_store %arg6[%swap3A_2251, %swap3A_2252], %swap3A_2255 {strides = array<i32>} : memref<400x128xi32, #tpu.memory_space<vmem>>, vector<1x16xi32>,
        %add3A_2256 = arith.constant 2 : i32
        %add3A_2257 = arith.addi %mul3A_1947, %add3A_2256 : i32
        %get3A_2258 = arith.index_cast %add3A_2257 : i32 to index
        %get3A_2259 = arith.constant 96 : index
        %get3A_2260 = tpu.vector_load %arg6[%get3A_2258, %get3A_2259] {strides = array<i32>} : memref<400x128xi32, #tpu.memory_space<vmem>>, vector<1x16xi32>,
        %get3A_2261 = vector.shape_cast %get3A_2260 : vector<1x16xi32> to vector<16xi32>
        %add3A_2262 = arith.addi %get3A_2261, %get3A_6 : vector<16xi32>
        %add3A_2263 = arith.constant 2 : i32
        %add3A_2264 = arith.addi %mul3A_1947, %add3A_2263 : i32
        %swap3A_2265 = arith.index_cast %add3A_2264 : i32 to index
        %swap3A_2266 = arith.constant 96 : index
        %swap3A_2267 = tpu.vector_load %arg6[%swap3A_2265, %swap3A_2266] {strides = array<i32>} : memref<400x128xi32, #tpu.memory_space<vmem>>, vector<1x16xi32>,
        %swap3A_2268 = vector.shape_cast %swap3A_2267 : vector<1x16xi32> to vector<16xi32>
        %swap3A_2269 = vector.shape_cast %add3A_2262 : vector<16xi32> to vector<1x16xi32>
        tpu.vector_store %arg6[%swap3A_2265, %swap3A_2266], %swap3A_2269 {strides = array<i32>} : memref<400x128xi32, #tpu.memory_space<vmem>>, vector<1x16xi32>,
        %add3A_2270 = arith.constant 2 : i32
        %add3A_2271 = arith.addi %mul3A_1947, %add3A_2270 : i32
        %get3A_2272 = arith.index_cast %add3A_2271 : i32 to index
        %get3A_2273 = arith.constant 112 : index
        %get3A_2274 = tpu.vector_load %arg6[%get3A_2272, %get3A_2273] {strides = array<i32>} : memref<400x128xi32, #tpu.memory_space<vmem>>, vector<1x16xi32>,
        %get3A_2275 = vector.shape_cast %get3A_2274 : vector<1x16xi32> to vector<16xi32>
        %add3A_2276 = arith.addi %get3A_2275, %get3A_6 : vector<16xi32>
        %add3A_2277 = arith.constant 2 : i32
        %add3A_2278 = arith.addi %mul3A_1947, %add3A_2277 : i32
        %swap3A_2279 = arith.index_cast %add3A_2278 : i32 to index
        %swap3A_2280 = arith.constant 112 : index
        %swap3A_2281 = tpu.vector_load %arg6[%swap3A_2279, %swap3A_2280] {strides = array<i32>} : memref<400x128xi32, #tpu.memory_space<vmem>>, vector<1x16xi32>,
        %swap3A_2282 = vector.shape_cast %swap3A_2281 : vector<1x16xi32> to vector<16xi32>
        %swap3A_2283 = vector.shape_cast %add3A_2276 : vector<16xi32> to vector<1x16xi32>
        tpu.vector_store %arg6[%swap3A_2279, %swap3A_2280], %swap3A_2283 {strides = array<i32>} : memref<400x128xi32, #tpu.memory_space<vmem>>, vector<1x16xi32>,
        %add3A_2284 = arith.constant 3 : i32
        %add3A_2285 = arith.addi %mul3A_1947, %add3A_2284 : i32
        %get3A_2286 = arith.index_cast %add3A_2285 : i32 to index
        %get3A_2287 = arith.constant 0 : index
        %get3A_2288 = tpu.vector_load %arg6[%get3A_2286, %get3A_2287] {strides = array<i32>} : memref<400x128xi32, #tpu.memory_space<vmem>>, vector<1x16xi32>,
        %get3A_2289 = vector.shape_cast %get3A_2288 : vector<1x16xi32> to vector<16xi32>
        %add3A_2290 = arith.addi %get3A_2289, %get3A_6 : vector<16xi32>
        %add3A_2291 = arith.constant 3 : i32
        %add3A_2292 = arith.addi %mul3A_1947, %add3A_2291 : i32
        %swap3A_2293 = arith.index_cast %add3A_2292 : i32 to index
        %swap3A_2294 = arith.constant 0 : index
        %swap3A_2295 = tpu.vector_load %arg6[%swap3A_2293, %swap3A_2294] {strides = array<i32>} : memref<400x128xi32, #tpu.memory_space<vmem>>, vector<1x16xi32>,
        %swap3A_2296 = vector.shape_cast %swap3A_2295 : vector<1x16xi32> to vector<16xi32>
        %swap3A_2297 = vector.shape_cast %add3A_2290 : vector<16xi32> to vector<1x16xi32>
        tpu.vector_store %arg6[%swap3A_2293, %swap3A_2294], %swap3A_2297 {strides = array<i32>} : memref<400x128xi32, #tpu.memory_space<vmem>>, vector<1x16xi32>,
        %add3A_2298 = arith.constant 3 : i32
        %add3A_2299 = arith.addi %mul3A_1947, %add3A_2298 : i32
        %get3A_2300 = arith.index_cast %add3A_2299 : i32 to index
        %get3A_2301 = arith.constant 16 : index
        %get3A_2302 = tpu.vector_load %arg6[%get3A_2300, %get3A_2301] {strides = array<i32>} : memref<400x128xi32, #tpu.memory_space<vmem>>, vector<1x16xi32>,
        %get3A_2303 = vector.shape_cast %get3A_2302 : vector<1x16xi32> to vector<16xi32>
        %add3A_2304 = arith.addi %get3A_2303, %get3A_6 : vector<16xi32>
        %add3A_2305 = arith.constant 3 : i32
        %add3A_2306 = arith.addi %mul3A_1947, %add3A_2305 : i32
        %swap3A_2307 = arith.index_cast %add3A_2306 : i32 to index
        %swap3A_2308 = arith.constant 16 : index
        %swap3A_2309 = tpu.vector_load %arg6[%swap3A_2307, %swap3A_2308] {strides = array<i32>} : memref<400x128xi32, #tpu.memory_space<vmem>>, vector<1x16xi32>,
        %swap3A_2310 = vector.shape_cast %swap3A_2309 : vector<1x16xi32> to vector<16xi32>
        %swap3A_2311 = vector.shape_cast %add3A_2304 : vector<16xi32> to vector<1x16xi32>
        tpu.vector_store %arg6[%swap3A_2307, %swap3A_2308], %swap3A_2311 {strides = array<i32>} : memref<400x128xi32, #tpu.memory_space<vmem>>, vector<1x16xi32>,
        %add3A_2312 = arith.constant 3 : i32
        %add3A_2313 = arith.addi %mul3A_1947, %add3A_2312 : i32
        %get3A_2314 = arith.index_cast %add3A_2313 : i32 to index
        %get3A_2315 = arith.constant 32 : index
        %get3A_2316 = tpu.vector_load %arg6[%get3A_2314, %get3A_2315] {strides = array<i32>} : memref<400x128xi32, #tpu.memory_space<vmem>>, vector<1x16xi32>,
        %get3A_2317 = vector.shape_cast %get3A_2316 : vector<1x16xi32> to vector<16xi32>
        %add3A_2318 = arith.addi %get3A_2317, %get3A_6 : vector<16xi32>
        %add3A_2319 = arith.constant 3 : i32
        %add3A_2320 = arith.addi %mul3A_1947, %add3A_2319 : i32
        %swap3A_2321 = arith.index_cast %add3A_2320 : i32 to index
        %swap3A_2322 = arith.constant 32 : index
        %swap3A_2323 = tpu.vector_load %arg6[%swap3A_2321, %swap3A_2322] {strides = array<i32>} : memref<400x128xi32, #tpu.memory_space<vmem>>, vector<1x16xi32>,
        %swap3A_2324 = vector.shape_cast %swap3A_2323 : vector<1x16xi32> to vector<16xi32>
        %swap3A_2325 = vector.shape_cast %add3A_2318 : vector<16xi32> to vector<1x16xi32>
        tpu.vector_store %arg6[%swap3A_2321, %swap3A_2322], %swap3A_2325 {strides = array<i32>} : memref<400x128xi32, #tpu.memory_space<vmem>>, vector<1x16xi32>,
        %add3A_2326 = arith.constant 3 : i32
        %add3A_2327 = arith.addi %mul3A_1947, %add3A_2326 : i32
        %get3A_2328 = arith.index_cast %add3A_2327 : i32 to index
        %get3A_2329 = arith.constant 48 : index
        %get3A_2330 = tpu.vector_load %arg6[%get3A_2328, %get3A_2329] {strides = array<i32>} : memref<400x128xi32, #tpu.memory_space<vmem>>, vector<1x16xi32>,
        %get3A_2331 = vector.shape_cast %get3A_2330 : vector<1x16xi32> to vector<16xi32>
        %add3A_2332 = arith.addi %get3A_2331, %get3A_6 : vector<16xi32>
        %add3A_2333 = arith.constant 3 : i32
        %add3A_2334 = arith.addi %mul3A_1947, %add3A_2333 : i32
        %swap3A_2335 = arith.index_cast %add3A_2334 : i32 to index
        %swap3A_2336 = arith.constant 48 : index
        %swap3A_2337 = tpu.vector_load %arg6[%swap3A_2335, %swap3A_2336] {strides = array<i32>} : memref<400x128xi32, #tpu.memory_space<vmem>>, vector<1x16xi32>,
        %swap3A_2338 = vector.shape_cast %swap3A_2337 : vector<1x16xi32> to vector<16xi32>
        %swap3A_2339 = vector.shape_cast %add3A_2332 : vector<16xi32> to vector<1x16xi32>
        tpu.vector_store %arg6[%swap3A_2335, %swap3A_2336], %swap3A_2339 {strides = array<i32>} : memref<400x128xi32, #tpu.memory_space<vmem>>, vector<1x16xi32>,
        %add3A_2340 = arith.constant 3 : i32
        %add3A_2341 = arith.addi %mul3A_1947, %add3A_2340 : i32
        %get3A_2342 = arith.index_cast %add3A_2341 : i32 to index
        %get3A_2343 = arith.constant 64 : index
        %get3A_2344 = tpu.vector_load %arg6[%get3A_2342, %get3A_2343] {strides = array<i32>} : memref<400x128xi32, #tpu.memory_space<vmem>>, vector<1x16xi32>,
        %get3A_2345 = vector.shape_cast %get3A_2344 : vector<1x16xi32> to vector<16xi32>
        %add3A_2346 = arith.addi %get3A_2345, %get3A_6 : vector<16xi32>
        %add3A_2347 = arith.constant 3 : i32
        %add3A_2348 = arith.addi %mul3A_1947, %add3A_2347 : i32
        %swap3A_2349 = arith.index_cast %add3A_2348 : i32 to index
        %swap3A_2350 = arith.constant 64 : index
        %swap3A_2351 = tpu.vector_load %arg6[%swap3A_2349, %swap3A_2350] {strides = array<i32>} : memref<400x128xi32, #tpu.memory_space<vmem>>, vector<1x16xi32>,
        %swap3A_2352 = vector.shape_cast %swap3A_2351 : vector<1x16xi32> to vector<16xi32>
        %swap3A_2353 = vector.shape_cast %add3A_2346 : vector<16xi32> to vector<1x16xi32>
        tpu.vector_store %arg6[%swap3A_2349, %swap3A_2350], %swap3A_2353 {strides = array<i32>} : memref<400x128xi32, #tpu.memory_space<vmem>>, vector<1x16xi32>,
        %add3A_2354 = arith.constant 3 : i32
        %add3A_2355 = arith.addi %mul3A_1947, %add3A_2354 : i32
        %get3A_2356 = arith.index_cast %add3A_2355 : i32 to index
        %get3A_2357 = arith.constant 80 : index
        %get3A_2358 = tpu.vector_load %arg6[%get3A_2356, %get3A_2357] {strides = array<i32>} : memref<400x128xi32, #tpu.memory_space<vmem>>, vector<1x16xi32>,
        %get3A_2359 = vector.shape_cast %get3A_2358 : vector<1x16xi32> to vector<16xi32>
        %add3A_2360 = arith.addi %get3A_2359, %get3A_6 : vector<16xi32>
        %add3A_2361 = arith.constant 3 : i32
        %add3A_2362 = arith.addi %mul3A_1947, %add3A_2361 : i32
        %swap3A_2363 = arith.index_cast %add3A_2362 : i32 to index
        %swap3A_2364 = arith.constant 80 : index
        %swap3A_2365 = tpu.vector_load %arg6[%swap3A_2363, %swap3A_2364] {strides = array<i32>} : memref<400x128xi32, #tpu.memory_space<vmem>>, vector<1x16xi32>,
        %swap3A_2366 = vector.shape_cast %swap3A_2365 : vector<1x16xi32> to vector<16xi32>
        %swap3A_2367 = vector.shape_cast %add3A_2360 : vector<16xi32> to vector<1x16xi32>
        tpu.vector_store %arg6[%swap3A_2363, %swap3A_2364], %swap3A_2367 {strides = array<i32>} : memref<400x128xi32, #tpu.memory_space<vmem>>, vector<1x16xi32>,
        %add3A_2368 = arith.constant 3 : i32
        %add3A_2369 = arith.addi %mul3A_1947, %add3A_2368 : i32
        %get3A_2370 = arith.index_cast %add3A_2369 : i32 to index
        %get3A_2371 = arith.constant 96 : index
        %get3A_2372 = tpu.vector_load %arg6[%get3A_2370, %get3A_2371] {strides = array<i32>} : memref<400x128xi32, #tpu.memory_space<vmem>>, vector<1x16xi32>,
        %get3A_2373 = vector.shape_cast %get3A_2372 : vector<1x16xi32> to vector<16xi32>
        %add3A_2374 = arith.addi %get3A_2373, %get3A_6 : vector<16xi32>
        %add3A_2375 = arith.constant 3 : i32
        %add3A_2376 = arith.addi %mul3A_1947, %add3A_2375 : i32
        %swap3A_2377 = arith.index_cast %add3A_2376 : i32 to index
        %swap3A_2378 = arith.constant 96 : index
        %swap3A_2379 = tpu.vector_load %arg6[%swap3A_2377, %swap3A_2378] {strides = array<i32>} : memref<400x128xi32, #tpu.memory_space<vmem>>, vector<1x16xi32>,
        %swap3A_2380 = vector.shape_cast %swap3A_2379 : vector<1x16xi32> to vector<16xi32>
        %swap3A_2381 = vector.shape_cast %add3A_2374 : vector<16xi32> to vector<1x16xi32>
        tpu.vector_store %arg6[%swap3A_2377, %swap3A_2378], %swap3A_2381 {strides = array<i32>} : memref<400x128xi32, #tpu.memory_space<vmem>>, vector<1x16xi32>,
        %add3A_2382 = arith.constant 3 : i32
        %add3A_2383 = arith.addi %mul3A_1947, %add3A_2382 : i32
        %get3A_2384 = arith.index_cast %add3A_2383 : i32 to index
        %get3A_2385 = arith.constant 112 : index
        %get3A_2386 = tpu.vector_load %arg6[%get3A_2384, %get3A_2385] {strides = array<i32>} : memref<400x128xi32, #tpu.memory_space<vmem>>, vector<1x16xi32>,
        %get3A_2387 = vector.shape_cast %get3A_2386 : vector<1x16xi32> to vector<16xi32>
        %add3A_2388 = arith.addi %get3A_2387, %get3A_6 : vector<16xi32>
        %add3A_2389 = arith.constant 3 : i32
        %add3A_2390 = arith.addi %mul3A_1947, %add3A_2389 : i32
        %swap3A_2391 = arith.index_cast %add3A_2390 : i32 to index
        %swap3A_2392 = arith.constant 112 : index
        %swap3A_2393 = tpu.vector_load %arg6[%swap3A_2391, %swap3A_2392] {strides = array<i32>} : memref<400x128xi32, #tpu.memory_space<vmem>>, vector<1x16xi32>,
        %swap3A_2394 = vector.shape_cast %swap3A_2393 : vector<1x16xi32> to vector<16xi32>
        %swap3A_2395 = vector.shape_cast %add3A_2388 : vector<16xi32> to vector<1x16xi32>
        tpu.vector_store %arg6[%swap3A_2391, %swap3A_2392], %swap3A_2395 {strides = array<i32>} : memref<400x128xi32, #tpu.memory_space<vmem>>, vector<1x16xi32>,
        %add3A_2396 = arith.constant 4 : i32
        %add3A_2397 = arith.addi %mul3A_1947, %add3A_2396 : i32
        %get3A_2398 = arith.index_cast %add3A_2397 : i32 to index
        %get3A_2399 = arith.constant 0 : index
        %get3A_2400 = tpu.vector_load %arg6[%get3A_2398, %get3A_2399] {strides = array<i32>} : memref<400x128xi32, #tpu.memory_space<vmem>>, vector<1x16xi32>,
        %get3A_2401 = vector.shape_cast %get3A_2400 : vector<1x16xi32> to vector<16xi32>
        %add3A_2402 = arith.addi %get3A_2401, %get3A_6 : vector<16xi32>
        %add3A_2403 = arith.constant 4 : i32
        %add3A_2404 = arith.addi %mul3A_1947, %add3A_2403 : i32
        %swap3A_2405 = arith.index_cast %add3A_2404 : i32 to index
        %swap3A_2406 = arith.constant 0 : index
        %swap3A_2407 = tpu.vector_load %arg6[%swap3A_2405, %swap3A_2406] {strides = array<i32>} : memref<400x128xi32, #tpu.memory_space<vmem>>, vector<1x16xi32>,
        %swap3A_2408 = vector.shape_cast %swap3A_2407 : vector<1x16xi32> to vector<16xi32>
        %swap3A_2409 = vector.shape_cast %add3A_2402 : vector<16xi32> to vector<1x16xi32>
        tpu.vector_store %arg6[%swap3A_2405, %swap3A_2406], %swap3A_2409 {strides = array<i32>} : memref<400x128xi32, #tpu.memory_space<vmem>>, vector<1x16xi32>,
        %add3A_2410 = arith.constant 4 : i32
        %add3A_2411 = arith.addi %mul3A_1947, %add3A_2410 : i32
        %get3A_2412 = arith.index_cast %add3A_2411 : i32 to index
        %get3A_2413 = arith.constant 16 : index
        %get3A_2414 = tpu.vector_load %arg6[%get3A_2412, %get3A_2413] {strides = array<i32>} : memref<400x128xi32, #tpu.memory_space<vmem>>, vector<1x16xi32>,
        %get3A_2415 = vector.shape_cast %get3A_2414 : vector<1x16xi32> to vector<16xi32>
        %add3A_2416 = arith.addi %get3A_2415, %get3A_6 : vector<16xi32>
        %add3A_2417 = arith.constant 4 : i32
        %add3A_2418 = arith.addi %mul3A_1947, %add3A_2417 : i32
        %swap3A_2419 = arith.index_cast %add3A_2418 : i32 to index
        %swap3A_2420 = arith.constant 16 : index
        %swap3A_2421 = tpu.vector_load %arg6[%swap3A_2419, %swap3A_2420] {strides = array<i32>} : memref<400x128xi32, #tpu.memory_space<vmem>>, vector<1x16xi32>,
        %swap3A_2422 = vector.shape_cast %swap3A_2421 : vector<1x16xi32> to vector<16xi32>
        %swap3A_2423 = vector.shape_cast %add3A_2416 : vector<16xi32> to vector<1x16xi32>
        tpu.vector_store %arg6[%swap3A_2419, %swap3A_2420], %swap3A_2423 {strides = array<i32>} : memref<400x128xi32, #tpu.memory_space<vmem>>, vector<1x16xi32>,
        %add3A_2424 = arith.constant 4 : i32
        %add3A_2425 = arith.addi %mul3A_1947, %add3A_2424 : i32
        %get3A_2426 = arith.index_cast %add3A_2425 : i32 to index
        %get3A_2427 = arith.constant 32 : index
        %get3A_2428 = tpu.vector_load %arg6[%get3A_2426, %get3A_2427] {strides = array<i32>} : memref<400x128xi32, #tpu.memory_space<vmem>>, vector<1x16xi32>,
        %get3A_2429 = vector.shape_cast %get3A_2428 : vector<1x16xi32> to vector<16xi32>
        %add3A_2430 = arith.addi %get3A_2429, %get3A_6 : vector<16xi32>
        %add3A_2431 = arith.constant 4 : i32
        %add3A_2432 = arith.addi %mul3A_1947, %add3A_2431 : i32
        %swap3A_2433 = arith.index_cast %add3A_2432 : i32 to index
        %swap3A_2434 = arith.constant 32 : index
        %swap3A_2435 = tpu.vector_load %arg6[%swap3A_2433, %swap3A_2434] {strides = array<i32>} : memref<400x128xi32, #tpu.memory_space<vmem>>, vector<1x16xi32>,
        %swap3A_2436 = vector.shape_cast %swap3A_2435 : vector<1x16xi32> to vector<16xi32>
        %swap3A_2437 = vector.shape_cast %add3A_2430 : vector<16xi32> to vector<1x16xi32>
        tpu.vector_store %arg6[%swap3A_2433, %swap3A_2434], %swap3A_2437 {strides = array<i32>} : memref<400x128xi32, #tpu.memory_space<vmem>>, vector<1x16xi32>,
        %add3A_2438 = arith.constant 4 : i32
        %add3A_2439 = arith.addi %mul3A_1947, %add3A_2438 : i32
        %get3A_2440 = arith.index_cast %add3A_2439 : i32 to index
        %get3A_2441 = arith.constant 48 : index
        %get3A_2442 = tpu.vector_load %arg6[%get3A_2440, %get3A_2441] {strides = array<i32>} : memref<400x128xi32, #tpu.memory_space<vmem>>, vector<1x16xi32>,
        %get3A_2443 = vector.shape_cast %get3A_2442 : vector<1x16xi32> to vector<16xi32>
        %add3A_2444 = arith.addi %get3A_2443, %get3A_6 : vector<16xi32>
        %add3A_2445 = arith.constant 4 : i32
        %add3A_2446 = arith.addi %mul3A_1947, %add3A_2445 : i32
        %swap3A_2447 = arith.index_cast %add3A_2446 : i32 to index
        %swap3A_2448 = arith.constant 48 : index
        %swap3A_2449 = tpu.vector_load %arg6[%swap3A_2447, %swap3A_2448] {strides = array<i32>} : memref<400x128xi32, #tpu.memory_space<vmem>>, vector<1x16xi32>,
        %swap3A_2450 = vector.shape_cast %swap3A_2449 : vector<1x16xi32> to vector<16xi32>
        %swap3A_2451 = vector.shape_cast %add3A_2444 : vector<16xi32> to vector<1x16xi32>
        tpu.vector_store %arg6[%swap3A_2447, %swap3A_2448], %swap3A_2451 {strides = array<i32>} : memref<400x128xi32, #tpu.memory_space<vmem>>, vector<1x16xi32>,
        %add3A_2452 = arith.constant 4 : i32
        %add3A_2453 = arith.addi %mul3A_1947, %add3A_2452 : i32
        %get3A_2454 = arith.index_cast %add3A_2453 : i32 to index
        %get3A_2455 = arith.constant 64 : index
        %get3A_2456 = tpu.vector_load %arg6[%get3A_2454, %get3A_2455] {strides = array<i32>} : memref<400x128xi32, #tpu.memory_space<vmem>>, vector<1x16xi32>,
        %get3A_2457 = vector.shape_cast %get3A_2456 : vector<1x16xi32> to vector<16xi32>
        %add3A_2458 = arith.addi %get3A_2457, %get3A_6 : vector<16xi32>
        %add3A_2459 = arith.constant 4 : i32
        %add3A_2460 = arith.addi %mul3A_1947, %add3A_2459 : i32
        %swap3A_2461 = arith.index_cast %add3A_2460 : i32 to index
        %swap3A_2462 = arith.constant 64 : index
        %swap3A_2463 = tpu.vector_load %arg6[%swap3A_2461, %swap3A_2462] {strides = array<i32>} : memref<400x128xi32, #tpu.memory_space<vmem>>, vector<1x16xi32>,
        %swap3A_2464 = vector.shape_cast %swap3A_2463 : vector<1x16xi32> to vector<16xi32>
        %swap3A_2465 = vector.shape_cast %add3A_2458 : vector<16xi32> to vector<1x16xi32>
        tpu.vector_store %arg6[%swap3A_2461, %swap3A_2462], %swap3A_2465 {strides = array<i32>} : memref<400x128xi32, #tpu.memory_space<vmem>>, vector<1x16xi32>,
        %add3A_2466 = arith.constant 4 : i32
        %add3A_2467 = arith.addi %mul3A_1947, %add3A_2466 : i32
        %get3A_2468 = arith.index_cast %add3A_2467 : i32 to index
        %get3A_2469 = arith.constant 80 : index
        %get3A_2470 = tpu.vector_load %arg6[%get3A_2468, %get3A_2469] {strides = array<i32>} : memref<400x128xi32, #tpu.memory_space<vmem>>, vector<1x16xi32>,
        %get3A_2471 = vector.shape_cast %get3A_2470 : vector<1x16xi32> to vector<16xi32>
        %add3A_2472 = arith.addi %get3A_2471, %get3A_6 : vector<16xi32>
        %add3A_2473 = arith.constant 4 : i32
        %add3A_2474 = arith.addi %mul3A_1947, %add3A_2473 : i32
        %swap3A_2475 = arith.index_cast %add3A_2474 : i32 to index
        %swap3A_2476 = arith.constant 80 : index
        %swap3A_2477 = tpu.vector_load %arg6[%swap3A_2475, %swap3A_2476] {strides = array<i32>} : memref<400x128xi32, #tpu.memory_space<vmem>>, vector<1x16xi32>,
        %swap3A_2478 = vector.shape_cast %swap3A_2477 : vector<1x16xi32> to vector<16xi32>
        %swap3A_2479 = vector.shape_cast %add3A_2472 : vector<16xi32> to vector<1x16xi32>
        tpu.vector_store %arg6[%swap3A_2475, %swap3A_2476], %swap3A_2479 {strides = array<i32>} : memref<400x128xi32, #tpu.memory_space<vmem>>, vector<1x16xi32>,
        %add3A_2480 = arith.constant 4 : i32
        %add3A_2481 = arith.addi %mul3A_1947, %add3A_2480 : i32
        %get3A_2482 = arith.index_cast %add3A_2481 : i32 to index
        %get3A_2483 = arith.constant 96 : index
        %get3A_2484 = tpu.vector_load %arg6[%get3A_2482, %get3A_2483] {strides = array<i32>} : memref<400x128xi32, #tpu.memory_space<vmem>>, vector<1x16xi32>,
        %get3A_2485 = vector.shape_cast %get3A_2484 : vector<1x16xi32> to vector<16xi32>
        %add3A_2486 = arith.addi %get3A_2485, %get3A_6 : vector<16xi32>
        %add3A_2487 = arith.constant 4 : i32
        %add3A_2488 = arith.addi %mul3A_1947, %add3A_2487 : i32
        %swap3A_2489 = arith.index_cast %add3A_2488 : i32 to index
        %swap3A_2490 = arith.constant 96 : index
        %swap3A_2491 = tpu.vector_load %arg6[%swap3A_2489, %swap3A_2490] {strides = array<i32>} : memref<400x128xi32, #tpu.memory_space<vmem>>, vector<1x16xi32>,
        %swap3A_2492 = vector.shape_cast %swap3A_2491 : vector<1x16xi32> to vector<16xi32>
        %swap3A_2493 = vector.shape_cast %add3A_2486 : vector<16xi32> to vector<1x16xi32>
        tpu.vector_store %arg6[%swap3A_2489, %swap3A_2490], %swap3A_2493 {strides = array<i32>} : memref<400x128xi32, #tpu.memory_space<vmem>>, vector<1x16xi32>,
        %add3A_2494 = arith.constant 4 : i32
        %add3A_2495 = arith.addi %mul3A_1947, %add3A_2494 : i32
        %get3A_2496 = arith.index_cast %add3A_2495 : i32 to index
        %get3A_2497 = arith.constant 112 : index
        %get3A_2498 = tpu.vector_load %arg6[%get3A_2496, %get3A_2497] {strides = array<i32>} : memref<400x128xi32, #tpu.memory_space<vmem>>, vector<1x16xi32>,
        %get3A_2499 = vector.shape_cast %get3A_2498 : vector<1x16xi32> to vector<16xi32>
        %add3A_2500 = arith.addi %get3A_2499, %get3A_6 : vector<16xi32>
        %add3A_2501 = arith.constant 4 : i32
        %add3A_2502 = arith.addi %mul3A_1947, %add3A_2501 : i32
        %swap3A_2503 = arith.index_cast %add3A_2502 : i32 to index
        %swap3A_2504 = arith.constant 112 : index
        %swap3A_2505 = tpu.vector_load %arg6[%swap3A_2503, %swap3A_2504] {strides = array<i32>} : memref<400x128xi32, #tpu.memory_space<vmem>>, vector<1x16xi32>,
        %swap3A_2506 = vector.shape_cast %swap3A_2505 : vector<1x16xi32> to vector<16xi32>
        %swap3A_2507 = vector.shape_cast %add3A_2500 : vector<16xi32> to vector<1x16xi32>
        tpu.vector_store %arg6[%swap3A_2503, %swap3A_2504], %swap3A_2507 {strides = array<i32>} : memref<400x128xi32, #tpu.memory_space<vmem>>, vector<1x16xi32>,
        %add3A_2508 = arith.constant 5 : i32
        %add3A_2509 = arith.addi %mul3A_1947, %add3A_2508 : i32
        %get3A_2510 = arith.index_cast %add3A_2509 : i32 to index
        %get3A_2511 = arith.constant 0 : index
        %get3A_2512 = tpu.vector_load %arg6[%get3A_2510, %get3A_2511] {strides = array<i32>} : memref<400x128xi32, #tpu.memory_space<vmem>>, vector<1x16xi32>,
        %get3A_2513 = vector.shape_cast %get3A_2512 : vector<1x16xi32> to vector<16xi32>
        %add3A_2514 = arith.addi %get3A_2513, %get3A_6 : vector<16xi32>
        %add3A_2515 = arith.constant 5 : i32
        %add3A_2516 = arith.addi %mul3A_1947, %add3A_2515 : i32
        %swap3A_2517 = arith.index_cast %add3A_2516 : i32 to index
        %swap3A_2518 = arith.constant 0 : index
        %swap3A_2519 = tpu.vector_load %arg6[%swap3A_2517, %swap3A_2518] {strides = array<i32>} : memref<400x128xi32, #tpu.memory_space<vmem>>, vector<1x16xi32>,
        %swap3A_2520 = vector.shape_cast %swap3A_2519 : vector<1x16xi32> to vector<16xi32>
        %swap3A_2521 = vector.shape_cast %add3A_2514 : vector<16xi32> to vector<1x16xi32>
        tpu.vector_store %arg6[%swap3A_2517, %swap3A_2518], %swap3A_2521 {strides = array<i32>} : memref<400x128xi32, #tpu.memory_space<vmem>>, vector<1x16xi32>,
        %add3A_2522 = arith.constant 5 : i32
        %add3A_2523 = arith.addi %mul3A_1947, %add3A_2522 : i32
        %get3A_2524 = arith.index_cast %add3A_2523 : i32 to index
        %get3A_2525 = arith.constant 16 : index
        %get3A_2526 = tpu.vector_load %arg6[%get3A_2524, %get3A_2525] {strides = array<i32>} : memref<400x128xi32, #tpu.memory_space<vmem>>, vector<1x16xi32>,
        %get3A_2527 = vector.shape_cast %get3A_2526 : vector<1x16xi32> to vector<16xi32>
        %add3A_2528 = arith.addi %get3A_2527, %get3A_6 : vector<16xi32>
        %add3A_2529 = arith.constant 5 : i32
        %add3A_2530 = arith.addi %mul3A_1947, %add3A_2529 : i32
        %swap3A_2531 = arith.index_cast %add3A_2530 : i32 to index
        %swap3A_2532 = arith.constant 16 : index
        %swap3A_2533 = tpu.vector_load %arg6[%swap3A_2531, %swap3A_2532] {strides = array<i32>} : memref<400x128xi32, #tpu.memory_space<vmem>>, vector<1x16xi32>,
        %swap3A_2534 = vector.shape_cast %swap3A_2533 : vector<1x16xi32> to vector<16xi32>
        %swap3A_2535 = vector.shape_cast %add3A_2528 : vector<16xi32> to vector<1x16xi32>
        tpu.vector_store %arg6[%swap3A_2531, %swap3A_2532], %swap3A_2535 {strides = array<i32>} : memref<400x128xi32, #tpu.memory_space<vmem>>, vector<1x16xi32>,
        %add3A_2536 = arith.constant 5 : i32
        %add3A_2537 = arith.addi %mul3A_1947, %add3A_2536 : i32
        %get3A_2538 = arith.index_cast %add3A_2537 : i32 to index
        %get3A_2539 = arith.constant 32 : index
        %get3A_2540 = tpu.vector_load %arg6[%get3A_2538, %get3A_2539] {strides = array<i32>} : memref<400x128xi32, #tpu.memory_space<vmem>>, vector<1x16xi32>,
        %get3A_2541 = vector.shape_cast %get3A_2540 : vector<1x16xi32> to vector<16xi32>
        %add3A_2542 = arith.addi %get3A_2541, %get3A_6 : vector<16xi32>
        %add3A_2543 = arith.constant 5 : i32
        %add3A_2544 = arith.addi %mul3A_1947, %add3A_2543 : i32
        %swap3A_2545 = arith.index_cast %add3A_2544 : i32 to index
        %swap3A_2546 = arith.constant 32 : index
        %swap3A_2547 = tpu.vector_load %arg6[%swap3A_2545, %swap3A_2546] {strides = array<i32>} : memref<400x128xi32, #tpu.memory_space<vmem>>, vector<1x16xi32>,
        %swap3A_2548 = vector.shape_cast %swap3A_2547 : vector<1x16xi32> to vector<16xi32>
        %swap3A_2549 = vector.shape_cast %add3A_2542 : vector<16xi32> to vector<1x16xi32>
        tpu.vector_store %arg6[%swap3A_2545, %swap3A_2546], %swap3A_2549 {strides = array<i32>} : memref<400x128xi32, #tpu.memory_space<vmem>>, vector<1x16xi32>,
        %add3A_2550 = arith.constant 5 : i32
        %add3A_2551 = arith.addi %mul3A_1947, %add3A_2550 : i32
        %get3A_2552 = arith.index_cast %add3A_2551 : i32 to index
        %get3A_2553 = arith.constant 48 : index
        %get3A_2554 = tpu.vector_load %arg6[%get3A_2552, %get3A_2553] {strides = array<i32>} : memref<400x128xi32, #tpu.memory_space<vmem>>, vector<1x16xi32>,
        %get3A_2555 = vector.shape_cast %get3A_2554 : vector<1x16xi32> to vector<16xi32>
        %add3A_2556 = arith.addi %get3A_2555, %get3A_6 : vector<16xi32>
        %add3A_2557 = arith.constant 5 : i32
        %add3A_2558 = arith.addi %mul3A_1947, %add3A_2557 : i32
        %swap3A_2559 = arith.index_cast %add3A_2558 : i32 to index
        %swap3A_2560 = arith.constant 48 : index
        %swap3A_2561 = tpu.vector_load %arg6[%swap3A_2559, %swap3A_2560] {strides = array<i32>} : memref<400x128xi32, #tpu.memory_space<vmem>>, vector<1x16xi32>,
        %swap3A_2562 = vector.shape_cast %swap3A_2561 : vector<1x16xi32> to vector<16xi32>
        %swap3A_2563 = vector.shape_cast %add3A_2556 : vector<16xi32> to vector<1x16xi32>
        tpu.vector_store %arg6[%swap3A_2559, %swap3A_2560], %swap3A_2563 {strides = array<i32>} : memref<400x128xi32, #tpu.memory_space<vmem>>, vector<1x16xi32>,
        %add3A_2564 = arith.constant 5 : i32
        %add3A_2565 = arith.addi %mul3A_1947, %add3A_2564 : i32
        %get3A_2566 = arith.index_cast %add3A_2565 : i32 to index
        %get3A_2567 = arith.constant 64 : index
        %get3A_2568 = tpu.vector_load %arg6[%get3A_2566, %get3A_2567] {strides = array<i32>} : memref<400x128xi32, #tpu.memory_space<vmem>>, vector<1x16xi32>,
        %get3A_2569 = vector.shape_cast %get3A_2568 : vector<1x16xi32> to vector<16xi32>
        %add3A_2570 = arith.addi %get3A_2569, %get3A_6 : vector<16xi32>
        %add3A_2571 = arith.constant 5 : i32
        %add3A_2572 = arith.addi %mul3A_1947, %add3A_2571 : i32
        %swap3A_2573 = arith.index_cast %add3A_2572 : i32 to index
        %swap3A_2574 = arith.constant 64 : index
        %swap3A_2575 = tpu.vector_load %arg6[%swap3A_2573, %swap3A_2574] {strides = array<i32>} : memref<400x128xi32, #tpu.memory_space<vmem>>, vector<1x16xi32>,
        %swap3A_2576 = vector.shape_cast %swap3A_2575 : vector<1x16xi32> to vector<16xi32>
        %swap3A_2577 = vector.shape_cast %add3A_2570 : vector<16xi32> to vector<1x16xi32>
        tpu.vector_store %arg6[%swap3A_2573, %swap3A_2574], %swap3A_2577 {strides = array<i32>} : memref<400x128xi32, #tpu.memory_space<vmem>>, vector<1x16xi32>,
        %add3A_2578 = arith.constant 5 : i32
        %add3A_2579 = arith.addi %mul3A_1947, %add3A_2578 : i32
        %get3A_2580 = arith.index_cast %add3A_2579 : i32 to index
        %get3A_2581 = arith.constant 80 : index
        %get3A_2582 = tpu.vector_load %arg6[%get3A_2580, %get3A_2581] {strides = array<i32>} : memref<400x128xi32, #tpu.memory_space<vmem>>, vector<1x16xi32>,
        %get3A_2583 = vector.shape_cast %get3A_2582 : vector<1x16xi32> to vector<16xi32>
        %add3A_2584 = arith.addi %get3A_2583, %get3A_6 : vector<16xi32>
        %add3A_2585 = arith.constant 5 : i32
        %add3A_2586 = arith.addi %mul3A_1947, %add3A_2585 : i32
        %swap3A_2587 = arith.index_cast %add3A_2586 : i32 to index
        %swap3A_2588 = arith.constant 80 : index
        %swap3A_2589 = tpu.vector_load %arg6[%swap3A_2587, %swap3A_2588] {strides = array<i32>} : memref<400x128xi32, #tpu.memory_space<vmem>>, vector<1x16xi32>,
        %swap3A_2590 = vector.shape_cast %swap3A_2589 : vector<1x16xi32> to vector<16xi32>
        %swap3A_2591 = vector.shape_cast %add3A_2584 : vector<16xi32> to vector<1x16xi32>
        tpu.vector_store %arg6[%swap3A_2587, %swap3A_2588], %swap3A_2591 {strides = array<i32>} : memref<400x128xi32, #tpu.memory_space<vmem>>, vector<1x16xi32>,
        %add3A_2592 = arith.constant 5 : i32
        %add3A_2593 = arith.addi %mul3A_1947, %add3A_2592 : i32
        %get3A_2594 = arith.index_cast %add3A_2593 : i32 to index
        %get3A_2595 = arith.constant 96 : index
        %get3A_2596 = tpu.vector_load %arg6[%get3A_2594, %get3A_2595] {strides = array<i32>} : memref<400x128xi32, #tpu.memory_space<vmem>>, vector<1x16xi32>,
        %get3A_2597 = vector.shape_cast %get3A_2596 : vector<1x16xi32> to vector<16xi32>
        %add3A_2598 = arith.addi %get3A_2597, %get3A_6 : vector<16xi32>
        %add3A_2599 = arith.constant 5 : i32
        %add3A_2600 = arith.addi %mul3A_1947, %add3A_2599 : i32
        %swap3A_2601 = arith.index_cast %add3A_2600 : i32 to index
        %swap3A_2602 = arith.constant 96 : index
        %swap3A_2603 = tpu.vector_load %arg6[%swap3A_2601, %swap3A_2602] {strides = array<i32>} : memref<400x128xi32, #tpu.memory_space<vmem>>, vector<1x16xi32>,
        %swap3A_2604 = vector.shape_cast %swap3A_2603 : vector<1x16xi32> to vector<16xi32>
        %swap3A_2605 = vector.shape_cast %add3A_2598 : vector<16xi32> to vector<1x16xi32>
        tpu.vector_store %arg6[%swap3A_2601, %swap3A_2602], %swap3A_2605 {strides = array<i32>} : memref<400x128xi32, #tpu.memory_space<vmem>>, vector<1x16xi32>,
        %add3A_2606 = arith.constant 5 : i32
        %add3A_2607 = arith.addi %mul3A_1947, %add3A_2606 : i32
        %get3A_2608 = arith.index_cast %add3A_2607 : i32 to index
        %get3A_2609 = arith.constant 112 : index
        %get3A_2610 = tpu.vector_load %arg6[%get3A_2608, %get3A_2609] {strides = array<i32>} : memref<400x128xi32, #tpu.memory_space<vmem>>, vector<1x16xi32>,
        %get3A_2611 = vector.shape_cast %get3A_2610 : vector<1x16xi32> to vector<16xi32>
        %add3A_2612 = arith.addi %get3A_2611, %get3A_6 : vector<16xi32>
        %add3A_2613 = arith.constant 5 : i32
        %add3A_2614 = arith.addi %mul3A_1947, %add3A_2613 : i32
        %swap3A_2615 = arith.index_cast %add3A_2614 : i32 to index
        %swap3A_2616 = arith.constant 112 : index
        %swap3A_2617 = tpu.vector_load %arg6[%swap3A_2615, %swap3A_2616] {strides = array<i32>} : memref<400x128xi32, #tpu.memory_space<vmem>>, vector<1x16xi32>,
        %swap3A_2618 = vector.shape_cast %swap3A_2617 : vector<1x16xi32> to vector<16xi32>
        %swap3A_2619 = vector.shape_cast %add3A_2612 : vector<16xi32> to vector<1x16xi32>
        tpu.vector_store %arg6[%swap3A_2615, %swap3A_2616], %swap3A_2619 {strides = array<i32>} : memref<400x128xi32, #tpu.memory_space<vmem>>, vector<1x16xi32>,
        %add3A_2620 = arith.constant 6 : i32
        %add3A_2621 = arith.addi %mul3A_1947, %add3A_2620 : i32
        %get3A_2622 = arith.index_cast %add3A_2621 : i32 to index
        %get3A_2623 = arith.constant 0 : index
        %get3A_2624 = tpu.vector_load %arg6[%get3A_2622, %get3A_2623] {strides = array<i32>} : memref<400x128xi32, #tpu.memory_space<vmem>>, vector<1x16xi32>,
        %get3A_2625 = vector.shape_cast %get3A_2624 : vector<1x16xi32> to vector<16xi32>
        %add3A_2626 = arith.addi %get3A_2625, %get3A_6 : vector<16xi32>
        %add3A_2627 = arith.constant 6 : i32
        %add3A_2628 = arith.addi %mul3A_1947, %add3A_2627 : i32
        %swap3A_2629 = arith.index_cast %add3A_2628 : i32 to index
        %swap3A_2630 = arith.constant 0 : index
        %swap3A_2631 = tpu.vector_load %arg6[%swap3A_2629, %swap3A_2630] {strides = array<i32>} : memref<400x128xi32, #tpu.memory_space<vmem>>, vector<1x16xi32>,
        %swap3A_2632 = vector.shape_cast %swap3A_2631 : vector<1x16xi32> to vector<16xi32>
        %swap3A_2633 = vector.shape_cast %add3A_2626 : vector<16xi32> to vector<1x16xi32>
        tpu.vector_store %arg6[%swap3A_2629, %swap3A_2630], %swap3A_2633 {strides = array<i32>} : memref<400x128xi32, #tpu.memory_space<vmem>>, vector<1x16xi32>,
        %add3A_2634 = arith.constant 6 : i32
        %add3A_2635 = arith.addi %mul3A_1947, %add3A_2634 : i32
        %get3A_2636 = arith.index_cast %add3A_2635 : i32 to index
        %get3A_2637 = arith.constant 16 : index
        %get3A_2638 = tpu.vector_load %arg6[%get3A_2636, %get3A_2637] {strides = array<i32>} : memref<400x128xi32, #tpu.memory_space<vmem>>, vector<1x16xi32>,
        %get3A_2639 = vector.shape_cast %get3A_2638 : vector<1x16xi32> to vector<16xi32>
        %add3A_2640 = arith.addi %get3A_2639, %get3A_6 : vector<16xi32>
        %add3A_2641 = arith.constant 6 : i32
        %add3A_2642 = arith.addi %mul3A_1947, %add3A_2641 : i32
        %swap3A_2643 = arith.index_cast %add3A_2642 : i32 to index
        %swap3A_2644 = arith.constant 16 : index
        %swap3A_2645 = tpu.vector_load %arg6[%swap3A_2643, %swap3A_2644] {strides = array<i32>} : memref<400x128xi32, #tpu.memory_space<vmem>>, vector<1x16xi32>,
        %swap3A_2646 = vector.shape_cast %swap3A_2645 : vector<1x16xi32> to vector<16xi32>
        %swap3A_2647 = vector.shape_cast %add3A_2640 : vector<16xi32> to vector<1x16xi32>
        tpu.vector_store %arg6[%swap3A_2643, %swap3A_2644], %swap3A_2647 {strides = array<i32>} : memref<400x128xi32, #tpu.memory_space<vmem>>, vector<1x16xi32>,
        %add3A_2648 = arith.constant 6 : i32
        %add3A_2649 = arith.addi %mul3A_1947, %add3A_2648 : i32
        %get3A_2650 = arith.index_cast %add3A_2649 : i32 to index
        %get3A_2651 = arith.constant 32 : index
        %get3A_2652 = tpu.vector_load %arg6[%get3A_2650, %get3A_2651] {strides = array<i32>} : memref<400x128xi32, #tpu.memory_space<vmem>>, vector<1x16xi32>,
        %get3A_2653 = vector.shape_cast %get3A_2652 : vector<1x16xi32> to vector<16xi32>
        %add3A_2654 = arith.addi %get3A_2653, %get3A_6 : vector<16xi32>
        %add3A_2655 = arith.constant 6 : i32
        %add3A_2656 = arith.addi %mul3A_1947, %add3A_2655 : i32
        %swap3A_2657 = arith.index_cast %add3A_2656 : i32 to index
        %swap3A_2658 = arith.constant 32 : index
        %swap3A_2659 = tpu.vector_load %arg6[%swap3A_2657, %swap3A_2658] {strides = array<i32>} : memref<400x128xi32, #tpu.memory_space<vmem>>, vector<1x16xi32>,
        %swap3A_2660 = vector.shape_cast %swap3A_2659 : vector<1x16xi32> to vector<16xi32>
        %swap3A_2661 = vector.shape_cast %add3A_2654 : vector<16xi32> to vector<1x16xi32>
        tpu.vector_store %arg6[%swap3A_2657, %swap3A_2658], %swap3A_2661 {strides = array<i32>} : memref<400x128xi32, #tpu.memory_space<vmem>>, vector<1x16xi32>,
        %add3A_2662 = arith.constant 6 : i32
        %add3A_2663 = arith.addi %mul3A_1947, %add3A_2662 : i32
        %get3A_2664 = arith.index_cast %add3A_2663 : i32 to index
        %get3A_2665 = arith.constant 48 : index
        %get3A_2666 = tpu.vector_load %arg6[%get3A_2664, %get3A_2665] {strides = array<i32>} : memref<400x128xi32, #tpu.memory_space<vmem>>, vector<1x16xi32>,
        %get3A_2667 = vector.shape_cast %get3A_2666 : vector<1x16xi32> to vector<16xi32>
        %add3A_2668 = arith.addi %get3A_2667, %get3A_6 : vector<16xi32>
        %add3A_2669 = arith.constant 6 : i32
        %add3A_2670 = arith.addi %mul3A_1947, %add3A_2669 : i32
        %swap3A_2671 = arith.index_cast %add3A_2670 : i32 to index
        %swap3A_2672 = arith.constant 48 : index
        %swap3A_2673 = tpu.vector_load %arg6[%swap3A_2671, %swap3A_2672] {strides = array<i32>} : memref<400x128xi32, #tpu.memory_space<vmem>>, vector<1x16xi32>,
        %swap3A_2674 = vector.shape_cast %swap3A_2673 : vector<1x16xi32> to vector<16xi32>
        %swap3A_2675 = vector.shape_cast %add3A_2668 : vector<16xi32> to vector<1x16xi32>
        tpu.vector_store %arg6[%swap3A_2671, %swap3A_2672], %swap3A_2675 {strides = array<i32>} : memref<400x128xi32, #tpu.memory_space<vmem>>, vector<1x16xi32>,
        %add3A_2676 = arith.constant 6 : i32
        %add3A_2677 = arith.addi %mul3A_1947, %add3A_2676 : i32
        %get3A_2678 = arith.index_cast %add3A_2677 : i32 to index
        %get3A_2679 = arith.constant 64 : index
        %get3A_2680 = tpu.vector_load %arg6[%get3A_2678, %get3A_2679] {strides = array<i32>} : memref<400x128xi32, #tpu.memory_space<vmem>>, vector<1x16xi32>,
        %get3A_2681 = vector.shape_cast %get3A_2680 : vector<1x16xi32> to vector<16xi32>
        %add3A_2682 = arith.addi %get3A_2681, %get3A_6 : vector<16xi32>
        %add3A_2683 = arith.constant 6 : i32
        %add3A_2684 = arith.addi %mul3A_1947, %add3A_2683 : i32
        %swap3A_2685 = arith.index_cast %add3A_2684 : i32 to index
        %swap3A_2686 = arith.constant 64 : index
        %swap3A_2687 = tpu.vector_load %arg6[%swap3A_2685, %swap3A_2686] {strides = array<i32>} : memref<400x128xi32, #tpu.memory_space<vmem>>, vector<1x16xi32>,
        %swap3A_2688 = vector.shape_cast %swap3A_2687 : vector<1x16xi32> to vector<16xi32>
        %swap3A_2689 = vector.shape_cast %add3A_2682 : vector<16xi32> to vector<1x16xi32>
        tpu.vector_store %arg6[%swap3A_2685, %swap3A_2686], %swap3A_2689 {strides = array<i32>} : memref<400x128xi32, #tpu.memory_space<vmem>>, vector<1x16xi32>,
        %add3A_2690 = arith.constant 6 : i32
        %add3A_2691 = arith.addi %mul3A_1947, %add3A_2690 : i32
        %get3A_2692 = arith.index_cast %add3A_2691 : i32 to index
        %get3A_2693 = arith.constant 80 : index
        %get3A_2694 = tpu.vector_load %arg6[%get3A_2692, %get3A_2693] {strides = array<i32>} : memref<400x128xi32, #tpu.memory_space<vmem>>, vector<1x16xi32>,
        %get3A_2695 = vector.shape_cast %get3A_2694 : vector<1x16xi32> to vector<16xi32>
        %add3A_2696 = arith.addi %get3A_2695, %get3A_6 : vector<16xi32>
        %add3A_2697 = arith.constant 6 : i32
        %add3A_2698 = arith.addi %mul3A_1947, %add3A_2697 : i32
        %swap3A_2699 = arith.index_cast %add3A_2698 : i32 to index
        %swap3A_2700 = arith.constant 80 : index
        %swap3A_2701 = tpu.vector_load %arg6[%swap3A_2699, %swap3A_2700] {strides = array<i32>} : memref<400x128xi32, #tpu.memory_space<vmem>>, vector<1x16xi32>,
        %swap3A_2702 = vector.shape_cast %swap3A_2701 : vector<1x16xi32> to vector<16xi32>
        %swap3A_2703 = vector.shape_cast %add3A_2696 : vector<16xi32> to vector<1x16xi32>
        tpu.vector_store %arg6[%swap3A_2699, %swap3A_2700], %swap3A_2703 {strides = array<i32>} : memref<400x128xi32, #tpu.memory_space<vmem>>, vector<1x16xi32>,
        %add3A_2704 = arith.constant 6 : i32
        %add3A_2705 = arith.addi %mul3A_1947, %add3A_2704 : i32
        %get3A_2706 = arith.index_cast %add3A_2705 : i32 to index
        %get3A_2707 = arith.constant 96 : index
        %get3A_2708 = tpu.vector_load %arg6[%get3A_2706, %get3A_2707] {strides = array<i32>} : memref<400x128xi32, #tpu.memory_space<vmem>>, vector<1x16xi32>,
        %get3A_2709 = vector.shape_cast %get3A_2708 : vector<1x16xi32> to vector<16xi32>
        %add3A_2710 = arith.addi %get3A_2709, %get3A_6 : vector<16xi32>
        %add3A_2711 = arith.constant 6 : i32
        %add3A_2712 = arith.addi %mul3A_1947, %add3A_2711 : i32
        %swap3A_2713 = arith.index_cast %add3A_2712 : i32 to index
        %swap3A_2714 = arith.constant 96 : index
        %swap3A_2715 = tpu.vector_load %arg6[%swap3A_2713, %swap3A_2714] {strides = array<i32>} : memref<400x128xi32, #tpu.memory_space<vmem>>, vector<1x16xi32>,
        %swap3A_2716 = vector.shape_cast %swap3A_2715 : vector<1x16xi32> to vector<16xi32>
        %swap3A_2717 = vector.shape_cast %add3A_2710 : vector<16xi32> to vector<1x16xi32>
        tpu.vector_store %arg6[%swap3A_2713, %swap3A_2714], %swap3A_2717 {strides = array<i32>} : memref<400x128xi32, #tpu.memory_space<vmem>>, vector<1x16xi32>,
        %add3A_2718 = arith.constant 6 : i32
        %add3A_2719 = arith.addi %mul3A_1947, %add3A_2718 : i32
        %get3A_2720 = arith.index_cast %add3A_2719 : i32 to index
        %get3A_2721 = arith.constant 112 : index
        %get3A_2722 = tpu.vector_load %arg6[%get3A_2720, %get3A_2721] {strides = array<i32>} : memref<400x128xi32, #tpu.memory_space<vmem>>, vector<1x16xi32>,
        %get3A_2723 = vector.shape_cast %get3A_2722 : vector<1x16xi32> to vector<16xi32>
        %add3A_2724 = arith.addi %get3A_2723, %get3A_6 : vector<16xi32>
        %add3A_2725 = arith.constant 6 : i32
        %add3A_2726 = arith.addi %mul3A_1947, %add3A_2725 : i32
        %swap3A_2727 = arith.index_cast %add3A_2726 : i32 to index
        %swap3A_2728 = arith.constant 112 : index
        %swap3A_2729 = tpu.vector_load %arg6[%swap3A_2727, %swap3A_2728] {strides = array<i32>} : memref<400x128xi32, #tpu.memory_space<vmem>>, vector<1x16xi32>,
        %swap3A_2730 = vector.shape_cast %swap3A_2729 : vector<1x16xi32> to vector<16xi32>
        %swap3A_2731 = vector.shape_cast %add3A_2724 : vector<16xi32> to vector<1x16xi32>
        tpu.vector_store %arg6[%swap3A_2727, %swap3A_2728], %swap3A_2731 {strides = array<i32>} : memref<400x128xi32, #tpu.memory_space<vmem>>, vector<1x16xi32>,
        %add3A_2732 = arith.constant 7 : i32
        %add3A_2733 = arith.addi %mul3A_1947, %add3A_2732 : i32
        %get3A_2734 = arith.index_cast %add3A_2733 : i32 to index
        %get3A_2735 = arith.constant 0 : index
        %get3A_2736 = tpu.vector_load %arg6[%get3A_2734, %get3A_2735] {strides = array<i32>} : memref<400x128xi32, #tpu.memory_space<vmem>>, vector<1x16xi32>,
        %get3A_2737 = vector.shape_cast %get3A_2736 : vector<1x16xi32> to vector<16xi32>
        %add3A_2738 = arith.addi %get3A_2737, %get3A_6 : vector<16xi32>
        %add3A_2739 = arith.constant 7 : i32
        %add3A_2740 = arith.addi %mul3A_1947, %add3A_2739 : i32
        %swap3A_2741 = arith.index_cast %add3A_2740 : i32 to index
        %swap3A_2742 = arith.constant 0 : index
        %swap3A_2743 = tpu.vector_load %arg6[%swap3A_2741, %swap3A_2742] {strides = array<i32>} : memref<400x128xi32, #tpu.memory_space<vmem>>, vector<1x16xi32>,
        %swap3A_2744 = vector.shape_cast %swap3A_2743 : vector<1x16xi32> to vector<16xi32>
        %swap3A_2745 = vector.shape_cast %add3A_2738 : vector<16xi32> to vector<1x16xi32>
        tpu.vector_store %arg6[%swap3A_2741, %swap3A_2742], %swap3A_2745 {strides = array<i32>} : memref<400x128xi32, #tpu.memory_space<vmem>>, vector<1x16xi32>,
        %add3A_2746 = arith.constant 7 : i32
        %add3A_2747 = arith.addi %mul3A_1947, %add3A_2746 : i32
        %get3A_2748 = arith.index_cast %add3A_2747 : i32 to index
        %get3A_2749 = arith.constant 16 : index
        %get3A_2750 = tpu.vector_load %arg6[%get3A_2748, %get3A_2749] {strides = array<i32>} : memref<400x128xi32, #tpu.memory_space<vmem>>, vector<1x16xi32>,
        %get3A_2751 = vector.shape_cast %get3A_2750 : vector<1x16xi32> to vector<16xi32>
        %add3A_2752 = arith.addi %get3A_2751, %get3A_6 : vector<16xi32>
        %add3A_2753 = arith.constant 7 : i32
        %add3A_2754 = arith.addi %mul3A_1947, %add3A_2753 : i32
        %swap3A_2755 = arith.index_cast %add3A_2754 : i32 to index
        %swap3A_2756 = arith.constant 16 : index
        %swap3A_2757 = tpu.vector_load %arg6[%swap3A_2755, %swap3A_2756] {strides = array<i32>} : memref<400x128xi32, #tpu.memory_space<vmem>>, vector<1x16xi32>,
        %swap3A_2758 = vector.shape_cast %swap3A_2757 : vector<1x16xi32> to vector<16xi32>
        %swap3A_2759 = vector.shape_cast %add3A_2752 : vector<16xi32> to vector<1x16xi32>
        tpu.vector_store %arg6[%swap3A_2755, %swap3A_2756], %swap3A_2759 {strides = array<i32>} : memref<400x128xi32, #tpu.memory_space<vmem>>, vector<1x16xi32>,
        %add3A_2760 = arith.constant 7 : i32
        %add3A_2761 = arith.addi %mul3A_1947, %add3A_2760 : i32
        %get3A_2762 = arith.index_cast %add3A_2761 : i32 to index
        %get3A_2763 = arith.constant 32 : index
        %get3A_2764 = tpu.vector_load %arg6[%get3A_2762, %get3A_2763] {strides = array<i32>} : memref<400x128xi32, #tpu.memory_space<vmem>>, vector<1x16xi32>,
        %get3A_2765 = vector.shape_cast %get3A_2764 : vector<1x16xi32> to vector<16xi32>
        %add3A_2766 = arith.addi %get3A_2765, %get3A_6 : vector<16xi32>
        %add3A_2767 = arith.constant 7 : i32
        %add3A_2768 = arith.addi %mul3A_1947, %add3A_2767 : i32
        %swap3A_2769 = arith.index_cast %add3A_2768 : i32 to index
        %swap3A_2770 = arith.constant 32 : index
        %swap3A_2771 = tpu.vector_load %arg6[%swap3A_2769, %swap3A_2770] {strides = array<i32>} : memref<400x128xi32, #tpu.memory_space<vmem>>, vector<1x16xi32>,
        %swap3A_2772 = vector.shape_cast %swap3A_2771 : vector<1x16xi32> to vector<16xi32>
        %swap3A_2773 = vector.shape_cast %add3A_2766 : vector<16xi32> to vector<1x16xi32>
        tpu.vector_store %arg6[%swap3A_2769, %swap3A_2770], %swap3A_2773 {strides = array<i32>} : memref<400x128xi32, #tpu.memory_space<vmem>>, vector<1x16xi32>,
        %add3A_2774 = arith.constant 7 : i32
        %add3A_2775 = arith.addi %mul3A_1947, %add3A_2774 : i32
        %get3A_2776 = arith.index_cast %add3A_2775 : i32 to index
        %get3A_2777 = arith.constant 48 : index
        %get3A_2778 = tpu.vector_load %arg6[%get3A_2776, %get3A_2777] {strides = array<i32>} : memref<400x128xi32, #tpu.memory_space<vmem>>, vector<1x16xi32>,
        %get3A_2779 = vector.shape_cast %get3A_2778 : vector<1x16xi32> to vector<16xi32>
        %add3A_2780 = arith.addi %get3A_2779, %get3A_6 : vector<16xi32>
        %add3A_2781 = arith.constant 7 : i32
        %add3A_2782 = arith.addi %mul3A_1947, %add3A_2781 : i32
        %swap3A_2783 = arith.index_cast %add3A_2782 : i32 to index
        %swap3A_2784 = arith.constant 48 : index
        %swap3A_2785 = tpu.vector_load %arg6[%swap3A_2783, %swap3A_2784] {strides = array<i32>} : memref<400x128xi32, #tpu.memory_space<vmem>>, vector<1x16xi32>,
        %swap3A_2786 = vector.shape_cast %swap3A_2785 : vector<1x16xi32> to vector<16xi32>
        %swap3A_2787 = vector.shape_cast %add3A_2780 : vector<16xi32> to vector<1x16xi32>
        tpu.vector_store %arg6[%swap3A_2783, %swap3A_2784], %swap3A_2787 {strides = array<i32>} : memref<400x128xi32, #tpu.memory_space<vmem>>, vector<1x16xi32>,
        %add3A_2788 = arith.constant 7 : i32
        %add3A_2789 = arith.addi %mul3A_1947, %add3A_2788 : i32
        %get3A_2790 = arith.index_cast %add3A_2789 : i32 to index
        %get3A_2791 = arith.constant 64 : index
        %get3A_2792 = tpu.vector_load %arg6[%get3A_2790, %get3A_2791] {strides = array<i32>} : memref<400x128xi32, #tpu.memory_space<vmem>>, vector<1x16xi32>,
        %get3A_2793 = vector.shape_cast %get3A_2792 : vector<1x16xi32> to vector<16xi32>
        %add3A_2794 = arith.addi %get3A_2793, %get3A_6 : vector<16xi32>
        %add3A_2795 = arith.constant 7 : i32
        %add3A_2796 = arith.addi %mul3A_1947, %add3A_2795 : i32
        %swap3A_2797 = arith.index_cast %add3A_2796 : i32 to index
        %swap3A_2798 = arith.constant 64 : index
        %swap3A_2799 = tpu.vector_load %arg6[%swap3A_2797, %swap3A_2798] {strides = array<i32>} : memref<400x128xi32, #tpu.memory_space<vmem>>, vector<1x16xi32>,
        %swap3A_2800 = vector.shape_cast %swap3A_2799 : vector<1x16xi32> to vector<16xi32>
        %swap3A_2801 = vector.shape_cast %add3A_2794 : vector<16xi32> to vector<1x16xi32>
        tpu.vector_store %arg6[%swap3A_2797, %swap3A_2798], %swap3A_2801 {strides = array<i32>} : memref<400x128xi32, #tpu.memory_space<vmem>>, vector<1x16xi32>,
        %add3A_2802 = arith.constant 7 : i32
        %add3A_2803 = arith.addi %mul3A_1947, %add3A_2802 : i32
        %get3A_2804 = arith.index_cast %add3A_2803 : i32 to index
        %get3A_2805 = arith.constant 80 : index
        %get3A_2806 = tpu.vector_load %arg6[%get3A_2804, %get3A_2805] {strides = array<i32>} : memref<400x128xi32, #tpu.memory_space<vmem>>, vector<1x16xi32>,
        %get3A_2807 = vector.shape_cast %get3A_2806 : vector<1x16xi32> to vector<16xi32>
        %add3A_2808 = arith.addi %get3A_2807, %get3A_6 : vector<16xi32>
        %add3A_2809 = arith.constant 7 : i32
        %add3A_2810 = arith.addi %mul3A_1947, %add3A_2809 : i32
        %swap3A_2811 = arith.index_cast %add3A_2810 : i32 to index
        %swap3A_2812 = arith.constant 80 : index
        %swap3A_2813 = tpu.vector_load %arg6[%swap3A_2811, %swap3A_2812] {strides = array<i32>} : memref<400x128xi32, #tpu.memory_space<vmem>>, vector<1x16xi32>,
        %swap3A_2814 = vector.shape_cast %swap3A_2813 : vector<1x16xi32> to vector<16xi32>
        %swap3A_2815 = vector.shape_cast %add3A_2808 : vector<16xi32> to vector<1x16xi32>
        tpu.vector_store %arg6[%swap3A_2811, %swap3A_2812], %swap3A_2815 {strides = array<i32>} : memref<400x128xi32, #tpu.memory_space<vmem>>, vector<1x16xi32>,
        %add3A_2816 = arith.constant 7 : i32
        %add3A_2817 = arith.addi %mul3A_1947, %add3A_2816 : i32
        %get3A_2818 = arith.index_cast %add3A_2817 : i32 to index
        %get3A_2819 = arith.constant 96 : index
        %get3A_2820 = tpu.vector_load %arg6[%get3A_2818, %get3A_2819] {strides = array<i32>} : memref<400x128xi32, #tpu.memory_space<vmem>>, vector<1x16xi32>,
        %get3A_2821 = vector.shape_cast %get3A_2820 : vector<1x16xi32> to vector<16xi32>
        %add3A_2822 = arith.addi %get3A_2821, %get3A_6 : vector<16xi32>
        %add3A_2823 = arith.constant 7 : i32
        %add3A_2824 = arith.addi %mul3A_1947, %add3A_2823 : i32
        %swap3A_2825 = arith.index_cast %add3A_2824 : i32 to index
        %swap3A_2826 = arith.constant 96 : index
        %swap3A_2827 = tpu.vector_load %arg6[%swap3A_2825, %swap3A_2826] {strides = array<i32>} : memref<400x128xi32, #tpu.memory_space<vmem>>, vector<1x16xi32>,
        %swap3A_2828 = vector.shape_cast %swap3A_2827 : vector<1x16xi32> to vector<16xi32>
        %swap3A_2829 = vector.shape_cast %add3A_2822 : vector<16xi32> to vector<1x16xi32>
        tpu.vector_store %arg6[%swap3A_2825, %swap3A_2826], %swap3A_2829 {strides = array<i32>} : memref<400x128xi32, #tpu.memory_space<vmem>>, vector<1x16xi32>,
        %add3A_2830 = arith.constant 7 : i32
        %add3A_2831 = arith.addi %mul3A_1947, %add3A_2830 : i32
        %get3A_2832 = arith.index_cast %add3A_2831 : i32 to index
        %get3A_2833 = arith.constant 112 : index
        %get3A_2834 = tpu.vector_load %arg6[%get3A_2832, %get3A_2833] {strides = array<i32>} : memref<400x128xi32, #tpu.memory_space<vmem>>, vector<1x16xi32>,
        %get3A_2835 = vector.shape_cast %get3A_2834 : vector<1x16xi32> to vector<16xi32>
        %add3A_2836 = arith.addi %get3A_2835, %get3A_6 : vector<16xi32>
        %add3A_2837 = arith.constant 7 : i32
        %add3A_2838 = arith.addi %mul3A_1947, %add3A_2837 : i32
        %swap3A_2839 = arith.index_cast %add3A_2838 : i32 to index
        %swap3A_2840 = arith.constant 112 : index
        %swap3A_2841 = tpu.vector_load %arg6[%swap3A_2839, %swap3A_2840] {strides = array<i32>} : memref<400x128xi32, #tpu.memory_space<vmem>>, vector<1x16xi32>,
        %swap3A_2842 = vector.shape_cast %swap3A_2841 : vector<1x16xi32> to vector<16xi32>
        %swap3A_2843 = vector.shape_cast %add3A_2836 : vector<16xi32> to vector<1x16xi32>
        tpu.vector_store %arg6[%swap3A_2839, %swap3A_2840], %swap3A_2843 {strides = array<i32>} : memref<400x128xi32, #tpu.memory_space<vmem>>, vector<1x16xi32>,
      } else {
      }
      %dma_wait3A_1865 = arith.constant 0 : i32
      %dma_wait3A_1866 = arith.constant 0 : i32
      %dma_wait3A_1867 = tpu.memref_slice %arg9[%dma_wait3A_1865, %dma_wait3A_1866] : memref<1024x32xf32, #tpu.memory_space<vmem>> -> memref<128x32xf32, #tpu.memory_space<vmem>>
      %dma_wait3A_1868 = arith.constant 0 : i32
      %dma_wait3A_1869 = tpu.memref_slice %arg6[%add3A_1759, %dma_wait3A_1868] : memref<400x128xi32, #tpu.memory_space<vmem>> -> memref<1x128xi32, #tpu.memory_space<vmem>>
      %dma_wait3A_1870 = tpu.memref_squeeze %dma_wait3A_1869 : memref<1x128xi32, #tpu.memory_space<vmem>> -> memref<128xi32, #tpu.memory_space<vmem>>
      %dma_wait3A_1871 = arith.constant 0 : i32
      %dma_wait3A_1872 = arith.constant 0 : i32
      %dma_wait3A_1873 = tpu.memref_slice %arg3[%dma_wait3A_1871, %dma_wait3A_1872] : memref<800452x32xf32, #tpu.memory_space<hbm>> -> memref<800452x32xf32, #tpu.memory_space<hbm>>
      tpu.wait_indirect_dma semaphore(%arg10 : memref<!tpu.dma_semaphore, #tpu.memory_space<semaphore_mem>>) src(%dma_wait3A_1873 : memref<800452x32xf32, #tpu.memory_space<hbm>>) dst(%dma_wait3A_1867 : memref<128x32xf32, #tpu.memory_space<vmem>>)
      %dma_wait3A_1874 = arith.constant 128 : i32
      %dma_wait3A_1875 = arith.constant 0 : i32
      %dma_wait3A_1876 = tpu.memref_slice %arg9[%dma_wait3A_1874, %dma_wait3A_1875] : memref<1024x32xf32, #tpu.memory_space<vmem>> -> memref<128x32xf32, #tpu.memory_space<vmem>>
      %dma_wait3A_1877 = arith.constant 0 : i32
      %dma_wait3A_1878 = tpu.memref_slice %arg6[%add3A_1772, %dma_wait3A_1877] : memref<400x128xi32, #tpu.memory_space<vmem>> -> memref<1x128xi32, #tpu.memory_space<vmem>>
      %dma_wait3A_1879 = tpu.memref_squeeze %dma_wait3A_1878 : memref<1x128xi32, #tpu.memory_space<vmem>> -> memref<128xi32, #tpu.memory_space<vmem>>
      %dma_wait3A_1880 = arith.constant 0 : i32
      %dma_wait3A_1881 = arith.constant 0 : i32
      %dma_wait3A_1882 = tpu.memref_slice %arg3[%dma_wait3A_1880, %dma_wait3A_1881] : memref<800452x32xf32, #tpu.memory_space<hbm>> -> memref<800452x32xf32, #tpu.memory_space<hbm>>
      tpu.wait_indirect_dma semaphore(%arg10 : memref<!tpu.dma_semaphore, #tpu.memory_space<semaphore_mem>>) src(%dma_wait3A_1882 : memref<800452x32xf32, #tpu.memory_space<hbm>>) dst(%dma_wait3A_1876 : memref<128x32xf32, #tpu.memory_space<vmem>>)
      %dma_wait3A_1883 = arith.constant 256 : i32
      %dma_wait3A_1884 = arith.constant 0 : i32
      %dma_wait3A_1885 = tpu.memref_slice %arg9[%dma_wait3A_1883, %dma_wait3A_1884] : memref<1024x32xf32, #tpu.memory_space<vmem>> -> memref<128x32xf32, #tpu.memory_space<vmem>>
      %dma_wait3A_1886 = arith.constant 0 : i32
      %dma_wait3A_1887 = tpu.memref_slice %arg6[%add3A_1785, %dma_wait3A_1886] : memref<400x128xi32, #tpu.memory_space<vmem>> -> memref<1x128xi32, #tpu.memory_space<vmem>>
      %dma_wait3A_1888 = tpu.memref_squeeze %dma_wait3A_1887 : memref<1x128xi32, #tpu.memory_space<vmem>> -> memref<128xi32, #tpu.memory_space<vmem>>
      %dma_wait3A_1889 = arith.constant 0 : i32
      %dma_wait3A_1890 = arith.constant 0 : i32
      %dma_wait3A_1891 = tpu.memref_slice %arg3[%dma_wait3A_1889, %dma_wait3A_1890] : memref<800452x32xf32, #tpu.memory_space<hbm>> -> memref<800452x32xf32, #tpu.memory_space<hbm>>
      tpu.wait_indirect_dma semaphore(%arg10 : memref<!tpu.dma_semaphore, #tpu.memory_space<semaphore_mem>>) src(%dma_wait3A_1891 : memref<800452x32xf32, #tpu.memory_space<hbm>>) dst(%dma_wait3A_1885 : memref<128x32xf32, #tpu.memory_space<vmem>>)
      %dma_wait3A_1892 = arith.constant 384 : i32
      %dma_wait3A_1893 = arith.constant 0 : i32
      %dma_wait3A_1894 = tpu.memref_slice %arg9[%dma_wait3A_1892, %dma_wait3A_1893] : memref<1024x32xf32, #tpu.memory_space<vmem>> -> memref<128x32xf32, #tpu.memory_space<vmem>>
      %dma_wait3A_1895 = arith.constant 0 : i32
      %dma_wait3A_1896 = tpu.memref_slice %arg6[%add3A_1798, %dma_wait3A_1895] : memref<400x128xi32, #tpu.memory_space<vmem>> -> memref<1x128xi32, #tpu.memory_space<vmem>>
      %dma_wait3A_1897 = tpu.memref_squeeze %dma_wait3A_1896 : memref<1x128xi32, #tpu.memory_space<vmem>> -> memref<128xi32, #tpu.memory_space<vmem>>
      %dma_wait3A_1898 = arith.constant 0 : i32
      %dma_wait3A_1899 = arith.constant 0 : i32
      %dma_wait3A_1900 = tpu.memref_slice %arg3[%dma_wait3A_1898, %dma_wait3A_1899] : memref<800452x32xf32, #tpu.memory_space<hbm>> -> memref<800452x32xf32, #tpu.memory_space<hbm>>
      tpu.wait_indirect_dma semaphore(%arg10 : memref<!tpu.dma_semaphore, #tpu.memory_space<semaphore_mem>>) src(%dma_wait3A_1900 : memref<800452x32xf32, #tpu.memory_space<hbm>>) dst(%dma_wait3A_1894 : memref<128x32xf32, #tpu.memory_space<vmem>>)
      %dma_wait3A_1901 = arith.constant 512 : i32
      %dma_wait3A_1902 = arith.constant 0 : i32
      %dma_wait3A_1903 = tpu.memref_slice %arg9[%dma_wait3A_1901, %dma_wait3A_1902] : memref<1024x32xf32, #tpu.memory_space<vmem>> -> memref<128x32xf32, #tpu.memory_space<vmem>>
      %dma_wait3A_1904 = arith.constant 0 : i32
      %dma_wait3A_1905 = tpu.memref_slice %arg6[%add3A_1811, %dma_wait3A_1904] : memref<400x128xi32, #tpu.memory_space<vmem>> -> memref<1x128xi32, #tpu.memory_space<vmem>>
      %dma_wait3A_1906 = tpu.memref_squeeze %dma_wait3A_1905 : memref<1x128xi32, #tpu.memory_space<vmem>> -> memref<128xi32, #tpu.memory_space<vmem>>
      %dma_wait3A_1907 = arith.constant 0 : i32
      %dma_wait3A_1908 = arith.constant 0 : i32
      %dma_wait3A_1909 = tpu.memref_slice %arg3[%dma_wait3A_1907, %dma_wait3A_1908] : memref<800452x32xf32, #tpu.memory_space<hbm>> -> memref<800452x32xf32, #tpu.memory_space<hbm>>
      tpu.wait_indirect_dma semaphore(%arg10 : memref<!tpu.dma_semaphore, #tpu.memory_space<semaphore_mem>>) src(%dma_wait3A_1909 : memref<800452x32xf32, #tpu.memory_space<hbm>>) dst(%dma_wait3A_1903 : memref<128x32xf32, #tpu.memory_space<vmem>>)
      %dma_wait3A_1910 = arith.constant 640 : i32
      %dma_wait3A_1911 = arith.constant 0 : i32
      %dma_wait3A_1912 = tpu.memref_slice %arg9[%dma_wait3A_1910, %dma_wait3A_1911] : memref<1024x32xf32, #tpu.memory_space<vmem>> -> memref<128x32xf32, #tpu.memory_space<vmem>>
      %dma_wait3A_1913 = arith.constant 0 : i32
      %dma_wait3A_1914 = tpu.memref_slice %arg6[%add3A_1824, %dma_wait3A_1913] : memref<400x128xi32, #tpu.memory_space<vmem>> -> memref<1x128xi32, #tpu.memory_space<vmem>>
      %dma_wait3A_1915 = tpu.memref_squeeze %dma_wait3A_1914 : memref<1x128xi32, #tpu.memory_space<vmem>> -> memref<128xi32, #tpu.memory_space<vmem>>
      %dma_wait3A_1916 = arith.constant 0 : i32
      %dma_wait3A_1917 = arith.constant 0 : i32
      %dma_wait3A_1918 = tpu.memref_slice %arg3[%dma_wait3A_1916, %dma_wait3A_1917] : memref<800452x32xf32, #tpu.memory_space<hbm>> -> memref<800452x32xf32, #tpu.memory_space<hbm>>
      tpu.wait_indirect_dma semaphore(%arg10 : memref<!tpu.dma_semaphore, #tpu.memory_space<semaphore_mem>>) src(%dma_wait3A_1918 : memref<800452x32xf32, #tpu.memory_space<hbm>>) dst(%dma_wait3A_1912 : memref<128x32xf32, #tpu.memory_space<vmem>>)
      %dma_wait3A_1919 = arith.constant 768 : i32
      %dma_wait3A_1920 = arith.constant 0 : i32
      %dma_wait3A_1921 = tpu.memref_slice %arg9[%dma_wait3A_1919, %dma_wait3A_1920] : memref<1024x32xf32, #tpu.memory_space<vmem>> -> memref<128x32xf32, #tpu.memory_space<vmem>>
      %dma_wait3A_1922 = arith.constant 0 : i32
      %dma_wait3A_1923 = tpu.memref_slice %arg6[%add3A_1837, %dma_wait3A_1922] : memref<400x128xi32, #tpu.memory_space<vmem>> -> memref<1x128xi32, #tpu.memory_space<vmem>>
      %dma_wait3A_1924 = tpu.memref_squeeze %dma_wait3A_1923 : memref<1x128xi32, #tpu.memory_space<vmem>> -> memref<128xi32, #tpu.memory_space<vmem>>
      %dma_wait3A_1925 = arith.constant 0 : i32
      %dma_wait3A_1926 = arith.constant 0 : i32
      %dma_wait3A_1927 = tpu.memref_slice %arg3[%dma_wait3A_1925, %dma_wait3A_1926] : memref<800452x32xf32, #tpu.memory_space<hbm>> -> memref<800452x32xf32, #tpu.memory_space<hbm>>
      tpu.wait_indirect_dma semaphore(%arg10 : memref<!tpu.dma_semaphore, #tpu.memory_space<semaphore_mem>>) src(%dma_wait3A_1927 : memref<800452x32xf32, #tpu.memory_space<hbm>>) dst(%dma_wait3A_1921 : memref<128x32xf32, #tpu.memory_space<vmem>>)
      %dma_wait3A_1928 = arith.constant 896 : i32
      %dma_wait3A_1929 = arith.constant 0 : i32
      %dma_wait3A_1930 = tpu.memref_slice %arg9[%dma_wait3A_1928, %dma_wait3A_1929] : memref<1024x32xf32, #tpu.memory_space<vmem>> -> memref<128x32xf32, #tpu.memory_space<vmem>>
      %dma_wait3A_1931 = arith.constant 0 : i32
      %dma_wait3A_1932 = tpu.memref_slice %arg6[%add3A_1850, %dma_wait3A_1931] : memref<400x128xi32, #tpu.memory_space<vmem>> -> memref<1x128xi32, #tpu.memory_space<vmem>>
      %dma_wait3A_1933 = tpu.memref_squeeze %dma_wait3A_1932 : memref<1x128xi32, #tpu.memory_space<vmem>> -> memref<128xi32, #tpu.memory_space<vmem>>
      %dma_wait3A_1934 = arith.constant 0 : i32
      %dma_wait3A_1935 = arith.constant 0 : i32
      %dma_wait3A_1936 = tpu.memref_slice %arg3[%dma_wait3A_1934, %dma_wait3A_1935] : memref<800452x32xf32, #tpu.memory_space<hbm>> -> memref<800452x32xf32, #tpu.memory_space<hbm>>
      tpu.wait_indirect_dma semaphore(%arg10 : memref<!tpu.dma_semaphore, #tpu.memory_space<semaphore_mem>>) src(%dma_wait3A_1936 : memref<800452x32xf32, #tpu.memory_space<hbm>>) dst(%dma_wait3A_1930 : memref<128x32xf32, #tpu.memory_space<vmem>>)
      %mul3A_1937 = arith.constant 1024 : i32
      %mul3A_1938 = arith.muli %add3A_1750, %mul3A_1937 : i32
      %add3A_1939 = arith.addi %mul3A_2, %mul3A_1938 : i32
      %dma_start3A_1940 = arith.constant 0 : i32
      %dma_start3A_1941 = tpu.memref_slice %arg5[%add3A_1939, %dma_start3A_1940] : memref<1638400x128xf32, #tpu.memory_space<hbm>> -> memref<1024x32xf32, #tpu.memory_space<hbm>>
      %dma_start3A_1942 = arith.constant 0 : i32
      %dma_start3A_1943 = tpu.memref_slice %arg5[%add3A_1939, %dma_start3A_1942] : memref<1638400x128xf32, #tpu.memory_space<hbm>> -> memref<1024x32xf32, #tpu.memory_space<hbm>>
      tpu.enqueue_dma source(%arg9 : memref<1024x32xf32, #tpu.memory_space<vmem>>) target(%dma_start3A_1943 : memref<1024x32xf32, #tpu.memory_space<hbm>>) target_semaphore(%arg12 : memref<!tpu.dma_semaphore, #tpu.memory_space<semaphore_mem>>)
    }
    %scan3A_1546 = arith.constant 25 : i32
    %dma_wait3A = arith.constant 0 : i32
    %dma_wait3A_1547 = tpu.memref_slice %arg5[%mul3A_2, %dma_wait3A] : memref<1638400x128xf32, #tpu.memory_space<hbm>> -> memref<1024x32xf32, #tpu.memory_space<hbm>>
    %dma_wait3A_1548 = arith.constant 0 : i32
    %dma_wait3A_1549 = tpu.memref_slice %arg5[%mul3A_2, %dma_wait3A_1548] : memref<1638400x128xf32, #tpu.memory_space<hbm>> -> memref<1024x32xf32, #tpu.memory_space<hbm>>
    tpu.wait_dma2 semaphore(%arg11 : memref<!tpu.dma_semaphore, #tpu.memory_space<semaphore_mem>>) src(%arg8 : memref<1024x32xf32, #tpu.memory_space<vmem>>) dst(%dma_wait3A_1549 : memref<1024x32xf32, #tpu.memory_space<hbm>>)
    %dma_wait3A_1550 = arith.constant 0 : i32
    %dma_wait3A_1551 = tpu.memref_slice %arg5[%mul3A_2, %dma_wait3A_1550] : memref<1638400x128xf32, #tpu.memory_space<hbm>> -> memref<1024x32xf32, #tpu.memory_space<hbm>>
    %dma_wait3A_1552 = arith.constant 0 : i32
    %dma_wait3A_1553 = tpu.memref_slice %arg5[%mul3A_2, %dma_wait3A_1552] : memref<1638400x128xf32, #tpu.memory_space<hbm>> -> memref<1024x32xf32, #tpu.memory_space<hbm>>
    tpu.wait_dma2 semaphore(%arg12 : memref<!tpu.dma_semaphore, #tpu.memory_space<semaphore_mem>>) src(%arg9 : memref<1024x32xf32, #tpu.memory_space<vmem>>) dst(%dma_wait3A_1553 : memref<1024x32xf32, #tpu.memory_space<hbm>>)
    return
  }
}

</mosaic_0001>

<sc_bundles>
// kernel: kernel.3.cloned.1.call-start
scs
__scs_entry_jumppad:
0x0: {  	(pc) =	sbr.rel $0x88, $3  }
0x1: {  	(tag) =	ssettag $0x0;
	lr =	simm.s32 $0x1  }
0x2: {  	[smem:$0x3F9E] =	sst lr;
	_ =	strace $0xD0000000  }
0x3: {  	_ = 	snop  }
0x4: {  	_ = 	snop  }
0x5: {  	_ = 	snop  }
0x6: {  	_ = 	snop  }
0x7: {  	_ = 	snop  }
__scs_overlays_trampoline_lowered:
0x8: {  	[smem:$0x3FAD] =	sst s0  }
0x9: {  	[smem:$0x3FAE] =	sst s1  }
0xa: {  	[smem:$0x3FAF] =	sst s2  }
0xb: {  	[smem:$0x3FB0] =	sst s3  }
0xc: {  	[smem:$0x3FB1] =	sst s4  }
0xd: {  	[smem:$0x3FB2] =	sst s5  }
0xe: {  	[smem:$0x3FB3] =	sst s6  }
0xf: {  	[smem:$0x3FB4] =	sst s7  }
0x10: {  	[smem:$0x3FB5] =	sst s8  }
0x11: {  	[smem:$0x3FB6] =	sst s9;
	s0 =	simm.s32 @!p0 $0x0  }
0x12: {  	s1 =	sld [smem:$0x3F9C];
	s0 =	simm.s32 @p0 $0x1  }
0x13: {  	[smem:$0x3FB7] =	sst s0;
	s0 =	simm.s32 @!p1 $0x0  }
0x14: {  	s2 =	sld [smem:$0x3F9B];
	s0 =	simm.s32 @p1 $0x1  }
0x15: {  	[smem:$0x3FB8] =	sst s0;
	s0 =	simm.s32 @!p2 $0x0  }
0x16: {  	s3 =	sld [smem:$0x3FDB];
	s0 =	simm.s32 @p2 $0x1  }
0x17: {  	s4 =	simm.s32 $0x1BF5;
	[smem:$0x3FBA] =	sst s0  }
0x18: {  	s0 =	sld [smem:$0x3F9D];
	_ =	swait.ge [sflag:s4], $0x0  }
0x19: {  	s7 =	sld [smem:$0x3F9E]  }
0x1a: {  	s8 =	sadd.s32 $0xFFFFE003, lr  }
0x1b: {  	s9 =	sadd.s32 $0xFFFFFEF7, lr;
	s5 =	simm.s32 $0xFFFFFFFF;
	p2 =	slt.u32 s8, $0xFFFFF086  }
0x1c: {  	p1 =	slt.u32 s9, $0xF7A;
	s5 =	simm.s32 @!p2 $0x0  }
0x1d: {  	s5 =	simm.s32 @p1 $0x1;
	p0 =	seq.s32 s7, s2  }
0x1e: {  	s7 =	smul.u32 @!p0 $0xF7A, s2;
	p2 =	seq.s32 @!p0 s5, $0x0  }
0x1f: {  	s9 =	smul.u32 $0xF7A, s1;
	s8 =	simm.s32 @!p0 $0x1BF5;
	p2 =	por !p2, p0  }
0x20: {  	[sflag:s8] =	ssyncset.s32 @!p0 $0xFFFFF086;
	s6 =	sadd.s32 @!p0 s3, s7;
	s7 =	simm.s32 @!p0 $0x108  }
0x21: {  	s3 =	sadd.s32 s3, s9;
	s6 =	sadd.s32 @!p0 $0x88, s6;
	s7 =	simm.s32 @p2 $0x1082  }
0x22: {  	[simem:s7], [sflag:s8] =	dma.local @!p0 [hbm:s6], $0xF7A  }
0x23: {  	s9 =	sor.u32 $0xD0000000, s2;
	s6 =	simm.s32 $0x108;
	_ =	swait.ge @!p0 [sflag:s8], $0x0  }
0x24: {  	s3 =	sadd.s32 $0x88, s3;
	s6 =	simm.s32 @!p1 $0x1082;
	[sflag:s4] =	ssyncset.s32 $0xFFFFF086  }
0x25: {  	[simem:s6], [sflag:s4] =	dma.local [hbm:s3], $0xF7A  }
0x26: {  	[smem:$0x3F9E] =	sst s1;
	(tag) =	ssettag s2;
	_ =	strace s9  }
0x27: {  	s1 =	sld [smem:$0x3FAE]  }
0x28: {  	s2 =	sld [smem:$0x3FAF]  }
0x29: {  	s4 =	sld [smem:$0x3FB1]  }
0x2a: {  	p0 =	seq.s32 s5, $0x0;
	s5 =	sld [smem:$0x3FB2]  }
0x2b: {  	s6 =	sld [smem:$0x3FB3]  }
0x2c: {  	s7 =	sld [smem:$0x3FB4]  }
0x2d: {  	s3 =	simm.s32 $0x108;
	s8 =	sld [smem:$0x3FB5]  }
0x2e: {  	s3 =	simm.s32 @!p0 $0x1082;
	s9 =	sld [smem:$0x3FB6]  }
0x2f: {  	lr =	sadd.s32 s0, s3;
	s0 =	sld [smem:$0x3FAD]  }
0x30: {  	s3 =	sld [smem:$0x3FB0]  }
0x31: {  	[smem:$0x3FB9] =	sst s10  }
0x32: {  	s10 =	sld [smem:$0x3FB7];
	_ =	sdelay $0x3  }
0x33: {  	p0 =	seq.s32 s10, $0x1;
	s10 =	sld [smem:$0x3FB9];
	_ =	sdelay $0x3  }
0x34: {  	[smem:$0x3FB9] =	sst s10  }
0x35: {  	s10 =	sld [smem:$0x3FB8];
	_ =	sdelay $0x3  }
0x36: {  	p1 =	seq.s32 s10, $0x1;
	s10 =	sld [smem:$0x3FB9];
	_ =	sdelay $0x3  }
0x37: {  	[smem:$0x3FB9] =	sst s10  }
0x38: {  	s10 =	sld [smem:$0x3FBA]  }
0x39: {  	_ = 	snop;
	(pc) =	sbr.ind lr, $3  }
0x3a: {  	_ = 	snop  }
0x3b: {  	_ = 	snop  }
0x3c: {  	p2 =	seq.s32 s10, $0x1;
	s10 =	sld [smem:$0x3FB9]  }
0x3d: {  	_ =	shalt  }
0x3e: {  	_ =	shalt  }
0x3f: {  	_ =	shalt  }
0x40: {  	_ =	shalt  }
0x41: {  	_ =	shalt  }
0x42: {  	_ =	shalt  }
0x43: {  	_ =	shalt  }
0x44: {  	_ =	shalt  }
0x45: {  	_ =	shalt  }
0x46: {  	_ =	shalt  }
0x47: {  	_ =	shalt  }
0x48: {  	_ =	shalt  }
0x49: {  	_ =	shalt  }
0x4a: {  	_ =	shalt  }
0x4b: {  	_ =	shalt  }
0x4c: {  	_ =	shalt  }
0x4d: {  	_ =	shalt  }
0x4e: {  	_ =	shalt  }
0x4f: {  	_ =	shalt  }
0x50: {  	_ =	shalt  }
0x51: {  	_ =	shalt  }
0x52: {  	_ =	shalt  }
0x53: {  	_ =	shalt  }
0x54: {  	_ =	shalt  }
0x55: {  	_ =	shalt  }
0x56: {  	_ =	shalt  }
0x57: {  	_ =	shalt  }
0x58: {  	_ =	shalt  }
0x59: {  	_ =	shalt  }
0x5a: {  	_ =	shalt  }
0x5b: {  	_ =	shalt  }
0x5c: {  	_ =	shalt  }
0x5d: {  	_ =	shalt  }
0x5e: {  	_ =	shalt  }
0x5f: {  	_ =	shalt  }
0x60: {  	_ =	shalt  }
0x61: {  	_ =	shalt  }
0x62: {  	_ =	shalt  }
0x63: {  	_ =	shalt  }
0x64: {  	_ =	shalt  }
0x65: {  	_ =	shalt  }
0x66: {  	_ =	shalt  }
0x67: {  	_ =	shalt  }
0x68: {  	_ =	shalt  }
0x69: {  	_ =	shalt  }
0x6a: {  	_ =	shalt  }
0x6b: {  	_ =	shalt  }
0x6c: {  	_ =	shalt  }
0x6d: {  	_ =	shalt  }
0x6e: {  	_ =	shalt  }
0x6f: {  	_ =	shalt  }
0x70: {  	_ =	shalt  }
0x71: {  	_ =	shalt  }
0x72: {  	_ =	shalt  }
0x73: {  	_ =	shalt  }
0x74: {  	_ =	shalt  }
0x75: {  	_ =	shalt  }
0x76: {  	_ =	shalt  }
0x77: {  	_ =	shalt  }
0x78: {  	_ =	shalt  }
0x79: {  	_ =	shalt  }
0x7a: {  	_ =	shalt  }
0x7b: {  	_ =	shalt  }
0x7c: {  	_ =	shalt  }
0x7d: {  	_ =	shalt  }
0x7e: {  	_ =	shalt  }
0x7f: {  	_ =	shalt  }
0x80: {  	_ =	shalt  }
0x81: {  	_ =	shalt  }
0x82: {  	_ =	shalt  }
0x83: {  	_ =	shalt  }
0x84: {  	_ =	shalt  }
0x85: {  	_ =	shalt  }
0x86: {  	_ =	shalt  }
0x87: {  	_ =	shalt  }
.Lfunc_end0:
.L_simem_size_0:
called_computation.1_lowered:
.L_overlay_start_0:
0x88: {  	s2 =	sld [smem:$0x3FD9]  }
0x89: {  	s3 =	sld [smem:$0x3FFE];
	_ =	sdelay $0x1  }
0x8a: {  	s1 =	srdreg.scid  }
0x8b: {  	s0 =	sand.u32 $0x1, s1  }
0x8c: {  	s17 =	sshll.u32 s0, $0xA;
	s2 =	sadd.s32 s3, s2  }
0x8d: {  	s2 =	sadd.s32 s2, s17  }
0x8e: {  	[smem:$0x3FC5] =	sst s2  }
0x8f: {  	_ = 	snop  }
0x90: {  	s2 =	sld [smem:$0x3FC7]  }
0x91: {  	s18 =	sld [smem:$0x3FD0];
	(tm) =	ssettm $0x1  }
0x92: {  	s4 =	sld [smem:$0x3FFB];
	_ =	sdelay $0x3  }
0x93: {  	_ =	strace s4  }
0x94: {  	s4 =	sld [smem:$0x3FFC];
	_ =	sdelay $0x3  }
0x95: {  	_ =	strace s4  }
0x96: {  	s4 =	sld [smem:$0x3FFD];
	_ =	sdelay $0x3  }
0x97: {  	_ =	strace s4  }
0x98: {  	_ =	strace $0x8FFFFFFF  }
0x99: {  	s19 =	sld [smem:$0x3FDB];
	_ =	sdelay $0x1  }
0x9a: {  	s5 =	simm.s32 $_scs_section_size  }
0x9b: {  	s6 =	simm.s32 $_size__tile_overlayer_lowered;
	s7 =	simm.s32 $_tile_overlayer_lowered  }
0x9c: {  	s22 =	simm.s32 $0x1BFF;
	s21 =	sshll.u32 s7, $0x1;
	s4 =	sadd.s32 s5, s19  }
0x9d: {  	s8 =	simm.s32 $0x0;
	s20 =	sshll.u32 s6, $0x1;
	s6 =	sadd.s32 s21, s4  }
0x9e: {  	[timem:s8], [sflag:s22] =	dma.local [hbm:s6], s20  }
0x9f: {  	_ =	swait.ge [sflag:s22], s20  }
0xa0: {  	s5 =	ssub.s32 $0x0, s20;
	[sflag:s22] =	ssyncset.done $0x0  }
0xa1: {  	[sflag:s22] =	ssyncadd.s32 s5;
	_ =	sdelay $0x1  }
0xa2: {  	s23 =	simm.s32 $0x1B8B  }
0xa3: {  	_ =	swait.ge [sflag:s23], $0x1  }
0xa4: {  	[sflag:s23] =	ssyncset.done $0x0  }
0xa5: {  	s25 =	simm.s32 $0x1B8E;
	s24 =	sld [smem:$0x3FFE];
	[sflag:s23] =	ssyncadd.s32 $0xFFFFFFFF  }
0xa6: {  	s26 =	simm.s32 $execute0_lowered;
	[smem:$0x3FD2] =	sst s25  }
0xa7: {  	s6 =	sshll.u32 s26, $0x1;
	_ =	strace $0x80000046;
	[dreg:$0x1] =	wrdreg $0xFFFFFFFF  }
0xa8: {  	s28 =	simm.s32 $_size_execute0_lowered;
	s4 =	sadd.s32 s4, s6;
	[dreg:$0x0] =	wrdreg $0x0  }
0xa9: {  	s6 =	sshll.u32 s28, $0x1;
	[dreg:$0x2] =	wrdreg s4  }
0xaa: {  	[dreg:$0x3] =	wrdreg s6  }
0xab: {  	[dreg:$0x4] =	wrdreg $0xC0  }
0xac: {  	_ =	task [dreg:s8], $0x5FFFF  }
0xad: {  	[dreg:$0x1] =	wrdreg $0xFFFFFFFF  }
0xae: {  	[dreg:$0x0] =	wrdreg $0x60  }
0xaf: {  	[dreg:$0x2] =	wrdreg s24  }
0xb0: {  	[dreg:$0x3] =	wrdreg s18  }
0xb1: {  	[dreg:$0x4] =	wrdreg s2  }
0xb2: {  	[dreg:$0x5] =	wrdreg $0x9  }
0xb3: {  	_ =	task.clear_ibuf [dreg:s8], $0x6FFFF;
	_ =	strace $0x90000046  }
0xb4: {  	s29 =	simm.s32 $0x9;
	_ =	strace $0x80000048  }
0xb5: {  	_ =	swait.ge [sflag:s29], $0x1  }
0xb6: {  	[sflag:s29] =	ssyncadd.s32 $0xFFFFFFFF  }
0xb7: {  	_ =	strace $0x90000048  }
0xb8: {  	_ =	sfence  }
0xb9: {  	s30 =	sld [smem:$0x0];
	_ =	sdelay $0x2  }
0xba: {  	s31 =	sshll.u32 s1, $0xD;
	s1 =	sshrl.u32 s1, $0x2  }
0xbb: {  	s3 =	sand.u32 $0x4000, s31;
	s1 =	sadd.s32 s1, s30  }
0xbc: {  	s0 =	sor.u32 s3, s0;
	s1 =	sshll.u32 s1, $0x11  }
0xbd: {  	s0 =	sor.u32 s1, s0  }
0xbe: {  	s0 =	sadd.s32 $0x8F2B, s0  }
0xbf: {  	[sflag:s0] =	ssyncadd.remote.s32 $0x1  }
0xc0: {  	_ =	sfence.sel $0xFFFF  }
0xc1: {  	[dreg:$0x0] =	wrdreg $0xFFFFFFFF;
	(pc) =	sbr.abs _section_cstart, $3  }
0xc2: {  	[dreg:$0x1] =	wrdreg $0xFFFFFFFF  }
0xc3: {  	_ =	task.clear_ibuf [dreg:s8], $0x2FFFF;
	_ =	strace $0x9FFFFFFF  }
0xc4: {  	(tm) =	ssettm $0x7FFFFFFF  }
0xc5: {  	_ =	shalt  }
tec
execute0_lowered:
.L_overlay_start_1:
0x0: {  	(tag) =	ssettag $0x1  }
0x1: {  	s0 =	rddreg [dreg:$0x0]  }
0x2: {  	s1 =	srdreg.scid;
	s3 =	stileid.u32  }
0x3: {  	s2 =	rddreg [dreg:$0x1];
	s4 =	simm.s32 $0x0;
	s10 =	simm.s32 $0x4  }
0x4: {  	s12 =	simm.s32 $0x80;
	s13 =	simm.s32 $0xC810;
	s14 =	simm.s32 $0xD810  }
0x5: {  	s15 =	simm.s32 $0xE810;
	s16 =	simm.s32 $0xF810;
	s17 =	simm.s32 $0x10810  }
0x6: {  	s18 =	simm.s32 $0x11810;
	s19 =	simm.s32 $0x12810;
	s20 =	simm.s32 $0x13810  }
0x7: {  	s21 =	simm.s32 $0x1;
	s22 =	simm.s32 $0x20;
	s23 =	simm.s32 $0x14810  }
0x8: {  	s24 =	simm.s32 $0x15810;
	s28 =	simm.s32 $0x18810;
	s29 =	simm.s32 $0x19810  }
0x9: {  	s30 =	simm.s32 $0x1A810;
	s1 =	sand.u32 $0x1, s1;
	s3 =	sshll.u32 s3, $0x1  }
0xa: {  	s31 =	simm.s32 $0x1B810;
	s9 =	simm.s32 $0x0;
	s3 =	sor.u32 s1, s3  }
0xb: {  	[smem:$0x7FF] =	sst s4;
	s1 =	ssub.s32 $0x2, s1;
	s5 =	smul.u32 $0x1900, s3  }
.Ltmp0:
0xc: {  	_ =	strace $0x80000047;
	s7 =	sshrl.u32 s1, $0x1;
	(pc) =	sbr.rel .LBB2_1-.Ltmp0, $4  }
0xd: {  	s25 =	ssub.s32 s1, s7;
	s7 =	smul.u32 $0x640000, s3;
	s1 =	simm.s32 $0x2  }
0xe: {  	s6 =	sadd.s32 s5, s0;
	s5 =	sadd.s32 $0x32800, s0;
	s0 =	smax.u32 s25, $0x1  }
0xf: {  	s25 =	simm.s32 $0x16810;
	s26 =	sadd.s32 $0x800, s6;
	[dreg:$0x5] =	wrdreg s0  }
0x10: {  	s0 =	simm.s32 $0x3;
	[dreg:$0x4] =	wrdreg s26;
	s26 =	simm.s32 $0x17810  }
.LBB2_7:
0x11: {  	_ =	swait.ge [sflag:s1], $0x8000  }
0x12: {  	[sflag:s1] =	ssyncset.done $0x0  }
0x13: {  	[sflag:s1] =	ssyncadd.s32 $0xFFFF8000  }
0x14: {  	_ =	swait.ge [sflag:s0], $0x8000  }
0x15: {  	s9 =	sadd.s32 $0x1, s9;
	s3 =	rddreg [dreg:$0x5]  }
0x16: {  	p0 =	sne.s32 s9, s3  }
.Ltmp1:
0x17: {  	_ = 	snop;
	(pc) =	sbr.rel @!p0 .LBB2_8-.Ltmp1, $3  }
0x18: {  	_ =	sdelay $0x1  }
0x19: {  	[sflag:s0] =	ssyncset.done $0x0  }
0x1a: {  	[sflag:s0] =	ssyncadd.s32 $0xFFFF8000  }
.LBB2_1:
0x1b: {  	s3 =	rddreg [dreg:$0x2];
	s4 =	simm.s32 $0x0;
	s6 =	simm.s32 $0xC800  }
0x1c: {  	[tilespmem:s6], [sflag:$0x4] =	stream.linear.gather [hbm4b:s3+s4], $0x8, $0x38;
	[tilespmem:$0x1C810] =	vst v63  }
0x1d: {  	_ =	swait.ge [sflag:s10], $0x8  }
0x1e: {  	[sflag:s10] =	ssyncset.done $0x0  }
0x1f: {  	s8 =	simm.s32 $0xC808;
	[sflag:s10] =	ssyncadd.s32 $0xFFFFFFF8  }
0x20: {  	[tilespmem:s8], [sflag:$0x4] =	stream.linear.gather [hbm4b:s3+s4], $0x8, $0x38;
	[tilespmem:$0x1C810] =	vst v63  }
0x21: {  	_ =	swait.ge [sflag:s10], $0x8  }
0x22: {  	[sflag:s10] =	ssyncset.done $0x0  }
0x23: {  	s11 =	rddreg [dreg:$0x4];
	[sflag:s10] =	ssyncadd.s32 $0xFFFFFFF8  }
0x24: {  	[tilespmem:s4], [sflag:$0x4] =	stream.linear.gather [hbm4b:s11+s4], $0xC800, $0x38;
	[tilespmem:$0x1C810] =	vst v63  }
0x25: {  	_ =	swait.ge [sflag:s10], $0xC800  }
0x26: {  	[sflag:s10] =	ssyncset.done $0x0  }
0x27: {  	[sflag:s10] =	ssyncadd.s32 $0xFFFF3800  }
0x28: {  	v0 =	vld [tilespmem:$0xC800]  }
0x29: {  	v1 =	vld [tilespmem:$0x0]  }
0x2a: {  	v2 =	vld [tilespmem:$0x10]  }
0x2b: {  	v3 =	vld [tilespmem:$0x20]  }
0x2c: {  	v4 =	vld [tilespmem:$0x30]  }
0x2d: {  	v5 =	vld [tilespmem:$0x40]  }
0x2e: {  	v6 =	vld [tilespmem:$0x50];
	v1 =	vadd.s32 v0, v1  }
0x2f: {  	[tilespmem:$0x0] =	vst v1;
	v1 =	vadd.s32 v0, v2;
	v2 =	vld [tilespmem:$0x60]  }
0x30: {  	[tilespmem:$0x10] =	vst v1;
	v1 =	vadd.s32 v0, v3;
	v3 =	vld [tilespmem:$0x70]  }
0x31: {  	v47 =	vld [tilespmem:$0x80];
	[tilespmem:$0x20] =	vst v1;
	v1 =	vadd.s32 v0, v4  }
0x32: {  	v48 =	vld [tilespmem:$0x90];
	[tilespmem:$0x30] =	vst v1;
	v1 =	vadd.s32 v0, v5  }
0x33: {  	v49 =	vld [tilespmem:$0xA0];
	[tilespmem:$0x40] =	vst v1;
	v1 =	vadd.s32 v0, v6  }
0x34: {  	[tilespmem:$0x50] =	vst v1;
	v1 =	vadd.s32 v0, v2;
	v2 =	vld [tilespmem:$0xB0]  }
0x35: {  	[tilespmem:$0x60] =	vst v1;
	v1 =	vadd.s32 v0, v3;
	v3 =	vld [tilespmem:$0xC0]  }
0x36: {  	v50 =	vld [tilespmem:$0xD0];
	[tilespmem:$0x70] =	vst v1;
	v1 =	vadd.s32 v0, v47  }
0x37: {  	v51 =	vld [tilespmem:$0xE0];
	[tilespmem:$0x80] =	vst v1;
	v1 =	vadd.s32 v0, v48  }
0x38: {  	v52 =	vld [tilespmem:$0xF0];
	[tilespmem:$0x90] =	vst v1;
	v1 =	vadd.s32 v0, v49  }
0x39: {  	[tilespmem:$0xA0] =	vst v1;
	v1 =	vadd.s32 v0, v2;
	v2 =	vld [tilespmem:$0x100]  }
0x3a: {  	[tilespmem:$0xB0] =	vst v1;
	v1 =	vadd.s32 v0, v3;
	v3 =	vld [tilespmem:$0x110]  }
0x3b: {  	v53 =	vld [tilespmem:$0x120];
	[tilespmem:$0xC0] =	vst v1;
	v1 =	vadd.s32 v0, v50  }
0x3c: {  	v54 =	vld [tilespmem:$0x130];
	[tilespmem:$0xD0] =	vst v1;
	v1 =	vadd.s32 v0, v51  }
0x3d: {  	v55 =	vld [tilespmem:$0x140];
	[tilespmem:$0xE0] =	vst v1;
	v1 =	vadd.s32 v0, v52  }
0x3e: {  	[tilespmem:$0xF0] =	vst v1;
	v1 =	vadd.s32 v0, v2;
	v2 =	vld [tilespmem:$0x150]  }
0x3f: {  	[tilespmem:$0x100] =	vst v1;
	v1 =	vadd.s32 v0, v3;
	v3 =	vld [tilespmem:$0x160]  }
0x40: {  	v56 =	vld [tilespmem:$0x170];
	[tilespmem:$0x110] =	vst v1;
	v1 =	vadd.s32 v0, v53  }
0x41: {  	v57 =	vld [tilespmem:$0x180];
	[tilespmem:$0x120] =	vst v1;
	v1 =	vadd.s32 v0, v54  }
0x42: {  	v58 =	vld [tilespmem:$0x190];
	[tilespmem:$0x130] =	vst v1;
	v1 =	vadd.s32 v0, v55  }
0x43: {  	[tilespmem:$0x140] =	vst v1;
	v1 =	vadd.s32 v0, v2;
	v2 =	vld [tilespmem:$0x1A0]  }
0x44: {  	[tilespmem:$0x150] =	vst v1;
	v1 =	vadd.s32 v0, v3;
	v3 =	vld [tilespmem:$0x1B0]  }
0x45: {  	v59 =	vld [tilespmem:$0x1C0];
	[tilespmem:$0x160] =	vst v1;
	v1 =	vadd.s32 v0, v56  }
0x46: {  	v60 =	vld [tilespmem:$0x1D0];
	[tilespmem:$0x170] =	vst v1;
	v1 =	vadd.s32 v0, v57  }
0x47: {  	v61 =	vld [tilespmem:$0x1E0];
	[tilespmem:$0x180] =	vst v1;
	v1 =	vadd.s32 v0, v58  }
0x48: {  	[tilespmem:$0x190] =	vst v1;
	v1 =	vadd.s32 v0, v2;
	v2 =	vld [tilespmem:$0x1F0]  }
0x49: {  	[tilespmem:$0x1A0] =	vst v1;
	v1 =	vadd.s32 v0, v3;
	v3 =	vld [tilespmem:$0x200]  }
0x4a: {  	v62 =	vld [tilespmem:$0x210];
	[tilespmem:$0x1B0] =	vst v1;
	v1 =	vadd.s32 v0, v59  }
0x4b: {  	v63 =	vld [tilespmem:$0x220];
	[tilespmem:$0x1C0] =	vst v1;
	v1 =	vadd.s32 v0, v60  }
0x4c: {  	v9 =	vld [tilespmem:$0x230];
	[tilespmem:$0x1D0] =	vst v1;
	v1 =	vadd.s32 v0, v61  }
0x4d: {  	[tilespmem:$0x1E0] =	vst v1;
	v1 =	vadd.s32 v0, v2;
	v2 =	vld [tilespmem:$0x240]  }
0x4e: {  	[tilespmem:$0x1F0] =	vst v1;
	v1 =	vadd.s32 v0, v3;
	v3 =	vld [tilespmem:$0x250]  }
0x4f: {  	v10 =	vld [tilespmem:$0x260];
	[tilespmem:$0x200] =	vst v1;
	v1 =	vadd.s32 v0, v62  }
0x50: {  	v11 =	vld [tilespmem:$0x270];
	[tilespmem:$0x210] =	vst v1;
	v1 =	vadd.s32 v0, v63  }
0x51: {  	v12 =	vld [tilespmem:$0x280];
	[tilespmem:$0x220] =	vst v1;
	v1 =	vadd.s32 v0, v9  }
0x52: {  	[tilespmem:$0x230] =	vst v1;
	v1 =	vadd.s32 v0, v2;
	v2 =	vld [tilespmem:$0x290]  }
0x53: {  	[tilespmem:$0x240] =	vst v1;
	v1 =	vadd.s32 v0, v3;
	v3 =	vld [tilespmem:$0x2A0]  }
0x54: {  	v13 =	vld [tilespmem:$0x2B0];
	[tilespmem:$0x250] =	vst v1;
	v1 =	vadd.s32 v0, v10  }
0x55: {  	v14 =	vld [tilespmem:$0x2C0];
	[tilespmem:$0x260] =	vst v1;
	v1 =	vadd.s32 v0, v11  }
0x56: {  	v15 =	vld [tilespmem:$0x2D0];
	[tilespmem:$0x270] =	vst v1;
	v1 =	vadd.s32 v0, v12  }
0x57: {  	[tilespmem:$0x280] =	vst v1;
	v1 =	vadd.s32 v0, v2;
	v2 =	vld [tilespmem:$0x2E0]  }
0x58: {  	[tilespmem:$0x290] =	vst v1;
	v1 =	vadd.s32 v0, v3;
	v3 =	vld [tilespmem:$0x2F0]  }
0x59: {  	v16 =	vld [tilespmem:$0x300];
	[tilespmem:$0x2A0] =	vst v1;
	v1 =	vadd.s32 v0, v13  }
0x5a: {  	v17 =	vld [tilespmem:$0x310];
	[tilespmem:$0x2B0] =	vst v1;
	v1 =	vadd.s32 v0, v14  }
0x5b: {  	v18 =	vld [tilespmem:$0x320];
	[tilespmem:$0x2C0] =	vst v1;
	v1 =	vadd.s32 v0, v15  }
0x5c: {  	[tilespmem:$0x2D0] =	vst v1;
	v1 =	vadd.s32 v0, v2;
	v2 =	vld [tilespmem:$0x330]  }
0x5d: {  	[tilespmem:$0x2E0] =	vst v1;
	v1 =	vadd.s32 v0, v3;
	v3 =	vld [tilespmem:$0x340]  }
0x5e: {  	v19 =	vld [tilespmem:$0x350];
	[tilespmem:$0x2F0] =	vst v1;
	v1 =	vadd.s32 v0, v16  }
0x5f: {  	v20 =	vld [tilespmem:$0x360];
	[tilespmem:$0x300] =	vst v1;
	v1 =	vadd.s32 v0, v17  }
0x60: {  	v21 =	vld [tilespmem:$0x370];
	[tilespmem:$0x310] =	vst v1;
	v1 =	vadd.s32 v0, v18  }
0x61: {  	[tilespmem:$0x320] =	vst v1;
	v1 =	vadd.s32 v0, v2;
	v2 =	vld [tilespmem:$0x380]  }
0x62: {  	[tilespmem:$0x330] =	vst v1;
	v1 =	vadd.s32 v0, v3;
	v3 =	vld [tilespmem:$0x390]  }
0x63: {  	v22 =	vld [tilespmem:$0x3A0];
	[tilespmem:$0x340] =	vst v1;
	v1 =	vadd.s32 v0, v19  }
0x64: {  	v23 =	vld [tilespmem:$0x3B0];
	[tilespmem:$0x350] =	vst v1;
	v1 =	vadd.s32 v0, v20  }
0x65: {  	v24 =	vld [tilespmem:$0x3C0];
	[tilespmem:$0x360] =	vst v1;
	v1 =	vadd.s32 v0, v21  }
0x66: {  	[tilespmem:$0x370] =	vst v1;
	v1 =	vadd.s32 v0, v2;
	v2 =	vld [tilespmem:$0x3D0]  }
0x67: {  	[tilespmem:$0x380] =	vst v1;
	v1 =	vadd.s32 v0, v3;
	v3 =	vld [tilespmem:$0x3E0]  }
0x68: {  	v25 =	vld [tilespmem:$0x3F0];
	[tilespmem:$0x390] =	vst v1;
	v1 =	vadd.s32 v0, v22  }
0x69: {  	v26 =	vld [tilespmem:$0x400];
	[tilespmem:$0x3A0] =	vst v1;
	v1 =	vadd.s32 v0, v23  }
0x6a: {  	v27 =	vld [tilespmem:$0x410];
	[tilespmem:$0x3B0] =	vst v1;
	v1 =	vadd.s32 v0, v24  }
0x6b: {  	[tilespmem:$0x3C0] =	vst v1;
	v1 =	vadd.s32 v0, v2;
	v2 =	vld [tilespmem:$0x420]  }
0x6c: {  	[tilespmem:$0x3D0] =	vst v1;
	v1 =	vadd.s32 v0, v3;
	v3 =	vld [tilespmem:$0x430]  }
0x6d: {  	v28 =	vld [tilespmem:$0x440];
	[tilespmem:$0x3E0] =	vst v1;
	v1 =	vadd.s32 v0, v25  }
0x6e: {  	v29 =	vld [tilespmem:$0x450];
	[tilespmem:$0x3F0] =	vst v1;
	v1 =	vadd.s32 v0, v26  }
0x6f: {  	v30 =	vld [tilespmem:$0x460];
	[tilespmem:$0x400] =	vst v1;
	v1 =	vadd.s32 v0, v27  }
0x70: {  	[tilespmem:$0x410] =	vst v1;
	v1 =	vadd.s32 v0, v2;
	v2 =	vld [tilespmem:$0x470]  }
0x71: {  	[tilespmem:$0x420] =	vst v1;
	v1 =	vadd.s32 v0, v3;
	v3 =	vld [tilespmem:$0x480]  }
0x72: {  	v31 =	vld [tilespmem:$0x490];
	[tilespmem:$0x430] =	vst v1;
	v1 =	vadd.s32 v0, v28  }
0x73: {  	v32 =	vld [tilespmem:$0x4A0];
	[tilespmem:$0x440] =	vst v1;
	v1 =	vadd.s32 v0, v29  }
0x74: {  	v33 =	vld [tilespmem:$0x4B0];
	[tilespmem:$0x450] =	vst v1;
	v1 =	vadd.s32 v0, v30  }
0x75: {  	[tilespmem:$0x460] =	vst v1;
	v1 =	vadd.s32 v0, v2;
	v2 =	vld [tilespmem:$0x4C0]  }
0x76: {  	[tilespmem:$0x470] =	vst v1;
	v1 =	vadd.s32 v0, v3;
	v3 =	vld [tilespmem:$0x4D0]  }
0x77: {  	v34 =	vld [tilespmem:$0x4E0];
	[tilespmem:$0x480] =	vst v1;
	v1 =	vadd.s32 v0, v31  }
0x78: {  	v35 =	vld [tilespmem:$0x4F0];
	[tilespmem:$0x490] =	vst v1;
	v1 =	vadd.s32 v0, v32  }
0x79: {  	v36 =	vld [tilespmem:$0x500];
	[tilespmem:$0x4A0] =	vst v1;
	v1 =	vadd.s32 v0, v33  }
0x7a: {  	[tilespmem:$0x4B0] =	vst v1;
	v1 =	vadd.s32 v0, v2;
	v2 =	vld [tilespmem:$0x510]  }
0x7b: {  	[tilespmem:$0x4C0] =	vst v1;
	v1 =	vadd.s32 v0, v3;
	v3 =	vld [tilespmem:$0x520]  }
0x7c: {  	v37 =	vld [tilespmem:$0x530];
	[tilespmem:$0x4D0] =	vst v1;
	v1 =	vadd.s32 v0, v34  }
0x7d: {  	v38 =	vld [tilespmem:$0x540];
	[tilespmem:$0x4E0] =	vst v1;
	v1 =	vadd.s32 v0, v35  }
0x7e: {  	v39 =	vld [tilespmem:$0x550];
	[tilespmem:$0x4F0] =	vst v1;
	v1 =	vadd.s32 v0, v36  }
0x7f: {  	[tilespmem:$0x500] =	vst v1;
	v1 =	vadd.s32 v0, v2;
	v2 =	vld [tilespmem:$0x560]  }
0x80: {  	[tilespmem:$0x510] =	vst v1;
	v1 =	vadd.s32 v0, v3;
	v3 =	vld [tilespmem:$0x570]  }
0x81: {  	v40 =	vld [tilespmem:$0x580];
	[tilespmem:$0x520] =	vst v1;
	v1 =	vadd.s32 v0, v37  }
0x82: {  	v41 =	vld [tilespmem:$0x590];
	[tilespmem:$0x530] =	vst v1;
	v1 =	vadd.s32 v0, v38  }
0x83: {  	v42 =	vld [tilespmem:$0x5A0];
	[tilespmem:$0x540] =	vst v1;
	v1 =	vadd.s32 v0, v39  }
0x84: {  	[tilespmem:$0x550] =	vst v1;
	v1 =	vadd.s32 v0, v2;
	v2 =	vld [tilespmem:$0x5B0]  }
0x85: {  	[tilespmem:$0x560] =	vst v1;
	v1 =	vadd.s32 v0, v3;
	v3 =	vld [tilespmem:$0x5C0]  }
0x86: {  	v43 =	vld [tilespmem:$0x5D0];
	[tilespmem:$0x570] =	vst v1;
	v1 =	vadd.s32 v0, v40  }
0x87: {  	v44 =	vld [tilespmem:$0x5E0];
	[tilespmem:$0x580] =	vst v1;
	v1 =	vadd.s32 v0, v41  }
0x88: {  	v45 =	vld [tilespmem:$0x5F0];
	[tilespmem:$0x590] =	vst v1;
	v1 =	vadd.s32 v0, v42  }
0x89: {  	[tilespmem:$0x5A0] =	vst v1;
	v1 =	vadd.s32 v0, v2;
	v2 =	vld [tilespmem:$0x600]  }
0x8a: {  	[tilespmem:$0x5B0] =	vst v1;
	v1 =	vadd.s32 v0, v3;
	v3 =	vld [tilespmem:$0x610]  }
0x8b: {  	v46 =	vld [tilespmem:$0x620];
	[tilespmem:$0x5C0] =	vst v1;
	v1 =	vadd.s32 v0, v43  }
0x8c: {  	v47 =	vld [tilespmem:$0x630];
	[tilespmem:$0x5D0] =	vst v1;
	v1 =	vadd.s32 v0, v44  }
0x8d: {  	v48 =	vld [tilespmem:$0x640];
	[tilespmem:$0x5E0] =	vst v1;
	v1 =	vadd.s32 v0, v45  }
0x8e: {  	[tilespmem:$0x5F0] =	vst v1;
	v1 =	vadd.s32 v0, v2;
	v2 =	vld [tilespmem:$0x650]  }
0x8f: {  	[tilespmem:$0x600] =	vst v1;
	v1 =	vadd.s32 v0, v3;
	v3 =	vld [tilespmem:$0x660]  }
0x90: {  	v49 =	vld [tilespmem:$0x670];
	[tilespmem:$0x610] =	vst v1;
	v1 =	vadd.s32 v0, v46  }
0x91: {  	v50 =	vld [tilespmem:$0x680];
	[tilespmem:$0x620] =	vst v1;
	v1 =	vadd.s32 v0, v47  }
0x92: {  	v51 =	vld [tilespmem:$0x690];
	[tilespmem:$0x630] =	vst v1;
	v1 =	vadd.s32 v0, v48  }
0x93: {  	[tilespmem:$0x640] =	vst v1;
	v1 =	vadd.s32 v0, v2;
	v2 =	vld [tilespmem:$0x6A0]  }
0x94: {  	[tilespmem:$0x650] =	vst v1;
	v1 =	vadd.s32 v0, v3;
	v3 =	vld [tilespmem:$0x6B0]  }
0x95: {  	v52 =	vld [tilespmem:$0x6C0];
	[tilespmem:$0x660] =	vst v1;
	v1 =	vadd.s32 v0, v49  }
0x96: {  	v53 =	vld [tilespmem:$0x6D0];
	[tilespmem:$0x670] =	vst v1;
	v1 =	vadd.s32 v0, v50  }
0x97: {  	v54 =	vld [tilespmem:$0x6E0];
	[tilespmem:$0x680] =	vst v1;
	v1 =	vadd.s32 v0, v51  }
0x98: {  	[tilespmem:$0x690] =	vst v1;
	v1 =	vadd.s32 v0, v2;
	v2 =	vld [tilespmem:$0x6F0]  }
0x99: {  	[tilespmem:$0x6A0] =	vst v1;
	v1 =	vadd.s32 v0, v3;
	v3 =	vld [tilespmem:$0x700]  }
0x9a: {  	v55 =	vld [tilespmem:$0x710];
	[tilespmem:$0x6B0] =	vst v1;
	v1 =	vadd.s32 v0, v52  }
0x9b: {  	v56 =	vld [tilespmem:$0x720];
	[tilespmem:$0x6C0] =	vst v1;
	v1 =	vadd.s32 v0, v53  }
0x9c: {  	v57 =	vld [tilespmem:$0x730];
	[tilespmem:$0x6D0] =	vst v1;
	v1 =	vadd.s32 v0, v54  }
0x9d: {  	[tilespmem:$0x6E0] =	vst v1;
	v1 =	vadd.s32 v0, v2;
	v2 =	vld [tilespmem:$0x740]  }
0x9e: {  	[tilespmem:$0x6F0] =	vst v1;
	v1 =	vadd.s32 v0, v3;
	v3 =	vld [tilespmem:$0x750]  }
0x9f: {  	v58 =	vld [tilespmem:$0x760];
	[tilespmem:$0x700] =	vst v1;
	v1 =	vadd.s32 v0, v55  }
0xa0: {  	v59 =	vld [tilespmem:$0x770];
	[tilespmem:$0x710] =	vst v1;
	v1 =	vadd.s32 v0, v56  }
0xa1: {  	v60 =	vld [tilespmem:$0x780];
	[tilespmem:$0x720] =	vst v1;
	v1 =	vadd.s32 v0, v57  }
0xa2: {  	[tilespmem:$0x730] =	vst v1;
	v1 =	vadd.s32 v0, v2;
	v2 =	vld [tilespmem:$0x790]  }
0xa3: {  	[tilespmem:$0x740] =	vst v1;
	v1 =	vadd.s32 v0, v3;
	v3 =	vld [tilespmem:$0x7A0]  }
0xa4: {  	v61 =	vld [tilespmem:$0x7B0];
	[tilespmem:$0x750] =	vst v1;
	v1 =	vadd.s32 v0, v58  }
0xa5: {  	v62 =	vld [tilespmem:$0x7C0];
	[tilespmem:$0x760] =	vst v1;
	v1 =	vadd.s32 v0, v59  }
0xa6: {  	v63 =	vld [tilespmem:$0x7D0];
	[tilespmem:$0x770] =	vst v1;
	v1 =	vadd.s32 v0, v60  }
0xa7: {  	[tilespmem:$0x780] =	vst v1;
	v1 =	vadd.s32 v0, v2;
	v2 =	vld [tilespmem:$0x7E0]  }
0xa8: {  	[tilespmem:$0x790] =	vst v1;
	v1 =	vadd.s32 v0, v3;
	v3 =	vld [tilespmem:$0x7F0]  }
0xa9: {  	[tilespmem:$0x7A0] =	vst v1;
	v1 =	vadd.s32 v0, v61  }
.Ltmp2:
0xaa: {  	[tilespmem:$0x7B0] =	vst v1;
	v1 =	vadd.s32 v0, v62;
	(pc) =	sbr.rel .LBB2_2-.Ltmp2, $4  }
0xab: {  	[tilespmem:$0x7C0] =	vst v1;
	v1 =	vadd.s32 v0, v63  }
0xac: {  	[tilespmem:$0x7D0] =	vst v1;
	v1 =	vadd.s32 v0, v2  }
0xad: {  	[tilespmem:$0x7E0] =	vst v1;
	v1 =	vadd.s32 v0, v3  }
0xae: {  	s11 =	simm.s32 $0x0;
	[tilespmem:$0x7F0] =	vst v1  }
.LBB2_6:
0xaf: {  	_ =	swait.ge [sflag:s21], $0x1000  }
0xb0: {  	[sflag:s21] =	ssyncset.done $0x0  }
0xb1: {  	[sflag:s21] =	ssyncadd.s32 $0xFFFFF000  }
0xb2: {  	_ =	swait.ge [sflag:s21], $0x1000  }
0xb3: {  	[sflag:s21] =	ssyncset.done $0x0  }
0xb4: {  	[sflag:s21] =	ssyncadd.s32 $0xFFFFF000  }
0xb5: {  	_ =	swait.ge [sflag:s21], $0x1000  }
0xb6: {  	[sflag:s21] =	ssyncset.done $0x0  }
0xb7: {  	[sflag:s21] =	ssyncadd.s32 $0xFFFFF000  }
0xb8: {  	_ =	swait.ge [sflag:s21], $0x1000  }
0xb9: {  	[sflag:s21] =	ssyncset.done $0x0  }
0xba: {  	[sflag:s21] =	ssyncadd.s32 $0xFFFFF000  }
0xbb: {  	_ =	swait.ge [sflag:s21], $0x1000  }
0xbc: {  	[sflag:s21] =	ssyncset.done $0x0  }
0xbd: {  	[sflag:s21] =	ssyncadd.s32 $0xFFFFF000  }
0xbe: {  	_ =	swait.ge [sflag:s21], $0x1000  }
0xbf: {  	[sflag:s21] =	ssyncset.done $0x0  }
0xc0: {  	[sflag:s21] =	ssyncadd.s32 $0xFFFFF000  }
0xc1: {  	s11 =	sadd.s32 $0x1, s11;
	_ =	swait.ge [sflag:s21], $0x1000  }
0xc2: {  	p0 =	sne.s32 s11, $0x19;
	[sflag:s21] =	ssyncset.done $0x0  }
.Ltmp3:
0xc3: {  	s3 =	sshll.u32 s6, $0x11;
	[sflag:s21] =	ssyncadd.s32 $0xFFFFF000;
	(pc) =	sbr.rel @!p0 .LBB2_7-.Ltmp3, $4  }
0xc4: {  	s3 =	sadd.s32 s7, s3;
	_ =	swait.ge [sflag:s21], $0x1000  }
0xc5: {  	s3 =	sshrl.u32 s3, $0x3;
	[sflag:s21] =	ssyncset.done $0x0  }
0xc6: {  	s3 =	sadd.s32 s5, s3;
	[sflag:s21] =	ssyncadd.s32 $0xFFFFF000  }
0xc7: {  	[hbm4b:s3+s22] =	stream.strided.scatter [tilespmem:s23], [sflag:$0x3], $0x8000, s12, s22, $0x38;
	[tilespmem:$0x1C810] =	vst v63  }
.LBB2_2:
0xc8: {  	p0 =	seq.s32 s11, $0x0  }
0xc9: {  	s3 =	simm.s32 @!p0 $0x2  }
0xca: {  	_ =	swait.ge @!p0 [sflag:s3], $0x8000  }
0xcb: {  	s6 =	sshll.u32 s11, $0xD;
	[sflag:s3] =	ssyncset.done @!p0 $0x0  }
0xcc: {  	[sflag:s3] =	ssyncadd.s32 @!p0 $0xFFFF8000;
	s3 =	sshra.s32 s6, $0x2  }
0xcd: {  	[tilespmem:s13], [sflag:$0x1] =	stream.indirect.gather [hbm4b:s2+s12], $0x20, s3, s12, $0xb8;
	[tilespmem:$0x1C810] =	vst v63  }
0xce: {  	s6 =	sor.u32 $0x80, s3  }
0xcf: {  	[tilespmem:s14], [sflag:$0x1] =	stream.indirect.gather [hbm4b:s2+s12], $0x20, s6, s12, $0xb8;
	[tilespmem:$0x1C810] =	vst v63  }
0xd0: {  	s4 =	sor.u32 $0x100, s3  }
0xd1: {  	[tilespmem:s15], [sflag:$0x1] =	stream.indirect.gather [hbm4b:s2+s12], $0x20, s4, s12, $0xb8;
	[tilespmem:$0x1C810] =	vst v63  }
0xd2: {  	s8 =	sor.u32 $0x180, s3  }
0xd3: {  	[tilespmem:s16], [sflag:$0x1] =	stream.indirect.gather [hbm4b:s2+s12], $0x20, s8, s12, $0xb8;
	[tilespmem:$0x1C810] =	vst v63  }
0xd4: {  	s4 =	sor.u32 $0x200, s3  }
0xd5: {  	[tilespmem:s17], [sflag:$0x1] =	stream.indirect.gather [hbm4b:s2+s12], $0x20, s4, s12, $0xb8;
	[tilespmem:$0x1C810] =	vst v63  }
0xd6: {  	p1 =	seq.s32 s11, $0x18;
	s8 =	sor.u32 $0x280, s3  }
0xd7: {  	[tilespmem:s18], [sflag:$0x1] =	stream.indirect.gather [hbm4b:s2+s12], $0x20, s8, s12, $0xb8;
	[tilespmem:$0x1C810] =	vst v63  }
.Ltmp4:
0xd8: {  	_ = 	snop;
	(pc) =	sbr.rel @p1 .LBB2_4-.Ltmp4, $4  }
0xd9: {  	s4 =	sor.u32 $0x300, s3  }
0xda: {  	[tilespmem:s19], [sflag:$0x1] =	stream.indirect.gather [hbm4b:s2+s12], $0x20, s4, s12, $0xb8;
	[tilespmem:$0x1C810] =	vst v63  }
0xdb: {  	s8 =	sor.u32 $0x380, s3  }
0xdc: {  	[tilespmem:s20], [sflag:$0x1] =	stream.indirect.gather [hbm4b:s2+s12], $0x20, s8, s12, $0xb8;
	[tilespmem:$0x1C810] =	vst v63  }
0xdd: {  	v1 =	vld [tilespmem:s3+$0x800]  }
0xde: {  	v2 =	vld [tilespmem:s3+$0x810]  }
0xdf: {  	v3 =	vld [tilespmem:s3+$0x820]  }
0xe0: {  	v4 =	vld [tilespmem:s3+$0x830]  }
0xe1: {  	v5 =	vld [tilespmem:s3+$0x840]  }
0xe2: {  	v6 =	vld [tilespmem:s3+$0x850];
	v1 =	vadd.s32 v0, v1  }
0xe3: {  	[tilespmem:s3+$0x800] =	vst v1;
	v1 =	vadd.s32 v0, v2;
	v2 =	vld [tilespmem:s3+$0x860]  }
0xe4: {  	[tilespmem:s3+$0x810] =	vst v1;
	v1 =	vadd.s32 v0, v3;
	v3 =	vld [tilespmem:s3+$0x870]  }
0xe5: {  	v30 =	vld [tilespmem:s3+$0x880];
	[tilespmem:s3+$0x820] =	vst v1;
	v1 =	vadd.s32 v0, v4  }
0xe6: {  	v31 =	vld [tilespmem:s3+$0x890];
	[tilespmem:s3+$0x830] =	vst v1;
	v1 =	vadd.s32 v0, v5  }
0xe7: {  	v32 =	vld [tilespmem:s3+$0x8A0];
	[tilespmem:s3+$0x840] =	vst v1;
	v1 =	vadd.s32 v0, v6  }
0xe8: {  	[tilespmem:s3+$0x850] =	vst v1;
	v1 =	vadd.s32 v0, v2;
	v2 =	vld [tilespmem:s3+$0x8B0]  }
0xe9: {  	[tilespmem:s3+$0x860] =	vst v1;
	v1 =	vadd.s32 v0, v3;
	v3 =	vld [tilespmem:s3+$0x8C0]  }
0xea: {  	v33 =	vld [tilespmem:s3+$0x8D0];
	[tilespmem:s3+$0x870] =	vst v1;
	v1 =	vadd.s32 v0, v30  }
0xeb: {  	v34 =	vld [tilespmem:s3+$0x8E0];
	[tilespmem:s3+$0x880] =	vst v1;
	v1 =	vadd.s32 v0, v31  }
0xec: {  	v35 =	vld [tilespmem:s3+$0x8F0];
	[tilespmem:s3+$0x890] =	vst v1;
	v1 =	vadd.s32 v0, v32  }
0xed: {  	[tilespmem:s3+$0x8A0] =	vst v1;
	v1 =	vadd.s32 v0, v2;
	v2 =	vld [tilespmem:s3+$0x900]  }
0xee: {  	[tilespmem:s3+$0x8B0] =	vst v1;
	v1 =	vadd.s32 v0, v3;
	v3 =	vld [tilespmem:s3+$0x910]  }
0xef: {  	v36 =	vld [tilespmem:s3+$0x920];
	[tilespmem:s3+$0x8C0] =	vst v1;
	v1 =	vadd.s32 v0, v33  }
0xf0: {  	v37 =	vld [tilespmem:s3+$0x930];
	[tilespmem:s3+$0x8D0] =	vst v1;
	v1 =	vadd.s32 v0, v34  }
0xf1: {  	v38 =	vld [tilespmem:s3+$0x940];
	[tilespmem:s3+$0x8E0] =	vst v1;
	v1 =	vadd.s32 v0, v35  }
0xf2: {  	[tilespmem:s3+$0x8F0] =	vst v1;
	v1 =	vadd.s32 v0, v2;
	v2 =	vld [tilespmem:s3+$0x950]  }
0xf3: {  	[tilespmem:s3+$0x900] =	vst v1;
	v1 =	vadd.s32 v0, v3;
	v3 =	vld [tilespmem:s3+$0x960]  }
0xf4: {  	v39 =	vld [tilespmem:s3+$0x970];
	[tilespmem:s3+$0x910] =	vst v1;
	v1 =	vadd.s32 v0, v36  }
0xf5: {  	v40 =	vld [tilespmem:s3+$0x980];
	[tilespmem:s3+$0x920] =	vst v1;
	v1 =	vadd.s32 v0, v37  }
0xf6: {  	v41 =	vld [tilespmem:s3+$0x990];
	[tilespmem:s3+$0x930] =	vst v1;
	v1 =	vadd.s32 v0, v38  }
0xf7: {  	[tilespmem:s3+$0x940] =	vst v1;
	v1 =	vadd.s32 v0, v2;
	v2 =	vld [tilespmem:s3+$0x9A0]  }
0xf8: {  	[tilespmem:s3+$0x950] =	vst v1;
	v1 =	vadd.s32 v0, v3;
	v3 =	vld [tilespmem:s3+$0x9B0]  }
0xf9: {  	v42 =	vld [tilespmem:s3+$0x9C0];
	[tilespmem:s3+$0x960] =	vst v1;
	v1 =	vadd.s32 v0, v39  }
0xfa: {  	v43 =	vld [tilespmem:s3+$0x9D0];
	[tilespmem:s3+$0x970] =	vst v1;
	v1 =	vadd.s32 v0, v40  }
0xfb: {  	v44 =	vld [tilespmem:s3+$0x9E0];
	[tilespmem:s3+$0x980] =	vst v1;
	v1 =	vadd.s32 v0, v41  }
0xfc: {  	[tilespmem:s3+$0x990] =	vst v1;
	v1 =	vadd.s32 v0, v2;
	v2 =	vld [tilespmem:s3+$0x9F0]  }
0xfd: {  	[tilespmem:s3+$0x9A0] =	vst v1;
	v1 =	vadd.s32 v0, v3;
	v3 =	vld [tilespmem:s3+$0xA00]  }
0xfe: {  	v45 =	vld [tilespmem:s3+$0xA10];
	[tilespmem:s3+$0x9B0] =	vst v1;
	v1 =	vadd.s32 v0, v42  }
0xff: {  	v46 =	vld [tilespmem:s3+$0xA20];
	[tilespmem:s3+$0x9C0] =	vst v1;
	v1 =	vadd.s32 v0, v43  }
0x100: {  	v47 =	vld [tilespmem:s3+$0xA30];
	[tilespmem:s3+$0x9D0] =	vst v1;
	v1 =	vadd.s32 v0, v44  }
0x101: {  	[tilespmem:s3+$0x9E0] =	vst v1;
	v1 =	vadd.s32 v0, v2;
	v2 =	vld [tilespmem:s3+$0xA40]  }
0x102: {  	[tilespmem:s3+$0x9F0] =	vst v1;
	v1 =	vadd.s32 v0, v3;
	v3 =	vld [tilespmem:s3+$0xA50]  }
0x103: {  	v48 =	vld [tilespmem:s3+$0xA60];
	[tilespmem:s3+$0xA00] =	vst v1;
	v1 =	vadd.s32 v0, v45  }
0x104: {  	v49 =	vld [tilespmem:s3+$0xA70];
	[tilespmem:s3+$0xA10] =	vst v1;
	v1 =	vadd.s32 v0, v46  }
0x105: {  	v50 =	vld [tilespmem:s3+$0xA80];
	[tilespmem:s3+$0xA20] =	vst v1;
	v1 =	vadd.s32 v0, v47  }
0x106: {  	[tilespmem:s3+$0xA30] =	vst v1;
	v1 =	vadd.s32 v0, v2;
	v2 =	vld [tilespmem:s3+$0xA90]  }
0x107: {  	[tilespmem:s3+$0xA40] =	vst v1;
	v1 =	vadd.s32 v0, v3;
	v3 =	vld [tilespmem:s3+$0xAA0]  }
0x108: {  	v51 =	vld [tilespmem:s3+$0xAB0];
	[tilespmem:s3+$0xA50] =	vst v1;
	v1 =	vadd.s32 v0, v48  }
0x109: {  	v52 =	vld [tilespmem:s3+$0xAC0];
	[tilespmem:s3+$0xA60] =	vst v1;
	v1 =	vadd.s32 v0, v49  }
0x10a: {  	v53 =	vld [tilespmem:s3+$0xAD0];
	[tilespmem:s3+$0xA70] =	vst v1;
	v1 =	vadd.s32 v0, v50  }
0x10b: {  	[tilespmem:s3+$0xA80] =	vst v1;
	v1 =	vadd.s32 v0, v2;
	v2 =	vld [tilespmem:s3+$0xAE0]  }
0x10c: {  	[tilespmem:s3+$0xA90] =	vst v1;
	v1 =	vadd.s32 v0, v3;
	v3 =	vld [tilespmem:s3+$0xAF0]  }
0x10d: {  	v54 =	vld [tilespmem:s3+$0xB00];
	[tilespmem:s3+$0xAA0] =	vst v1;
	v1 =	vadd.s32 v0, v51  }
0x10e: {  	v55 =	vld [tilespmem:s3+$0xB10];
	[tilespmem:s3+$0xAB0] =	vst v1;
	v1 =	vadd.s32 v0, v52  }
0x10f: {  	v56 =	vld [tilespmem:s3+$0xB20];
	[tilespmem:s3+$0xAC0] =	vst v1;
	v1 =	vadd.s32 v0, v53  }
0x110: {  	[tilespmem:s3+$0xAD0] =	vst v1;
	v1 =	vadd.s32 v0, v2;
	v2 =	vld [tilespmem:s3+$0xB30]  }
0x111: {  	[tilespmem:s3+$0xAE0] =	vst v1;
	v1 =	vadd.s32 v0, v3;
	v3 =	vld [tilespmem:s3+$0xB40]  }
0x112: {  	v57 =	vld [tilespmem:s3+$0xB50];
	[tilespmem:s3+$0xAF0] =	vst v1;
	v1 =	vadd.s32 v0, v54  }
0x113: {  	v58 =	vld [tilespmem:s3+$0xB60];
	[tilespmem:s3+$0xB00] =	vst v1;
	v1 =	vadd.s32 v0, v55  }
0x114: {  	v59 =	vld [tilespmem:s3+$0xB70];
	[tilespmem:s3+$0xB10] =	vst v1;
	v1 =	vadd.s32 v0, v56  }
0x115: {  	[tilespmem:s3+$0xB20] =	vst v1;
	v1 =	vadd.s32 v0, v2;
	v2 =	vld [tilespmem:s3+$0xB80]  }
0x116: {  	[tilespmem:s3+$0xB30] =	vst v1;
	v1 =	vadd.s32 v0, v3;
	v3 =	vld [tilespmem:s3+$0xB90]  }
0x117: {  	v60 =	vld [tilespmem:s3+$0xBA0];
	[tilespmem:s3+$0xB40] =	vst v1;
	v1 =	vadd.s32 v0, v57  }
0x118: {  	v61 =	vld [tilespmem:s3+$0xBB0];
	[tilespmem:s3+$0xB50] =	vst v1;
	v1 =	vadd.s32 v0, v58  }
0x119: {  	v62 =	vld [tilespmem:s3+$0xBC0];
	[tilespmem:s3+$0xB60] =	vst v1;
	v1 =	vadd.s32 v0, v59  }
0x11a: {  	[tilespmem:s3+$0xB70] =	vst v1;
	v1 =	vadd.s32 v0, v2;
	v2 =	vld [tilespmem:s3+$0xBD0]  }
0x11b: {  	[tilespmem:s3+$0xB80] =	vst v1;
	v1 =	vadd.s32 v0, v3;
	v3 =	vld [tilespmem:s3+$0xBE0]  }
0x11c: {  	v63 =	vld [tilespmem:s3+$0xBF0];
	[tilespmem:s3+$0xB90] =	vst v1;
	v1 =	vadd.s32 v0, v60  }
0x11d: {  	[tilespmem:s3+$0xBA0] =	vst v1;
	v1 =	vadd.s32 v0, v61  }
0x11e: {  	[tilespmem:s3+$0xBB0] =	vst v1;
	v1 =	vadd.s32 v0, v62  }
0x11f: {  	[tilespmem:s3+$0xBC0] =	vst v1;
	v1 =	vadd.s32 v0, v2  }
0x120: {  	[tilespmem:s3+$0xBD0] =	vst v1;
	v1 =	vadd.s32 v0, v3  }
0x121: {  	[tilespmem:s3+$0xBE0] =	vst v1;
	v1 =	vadd.s32 v0, v63  }
0x122: {  	[tilespmem:s3+$0xBF0] =	vst v1  }
.LBB2_4:
0x123: {  	_ =	swait.ge [sflag:s21], $0x1000  }
0x124: {  	[sflag:s21] =	ssyncset.done $0x0  }
0x125: {  	[sflag:s21] =	ssyncadd.s32 $0xFFFFF000  }
0x126: {  	_ =	swait.ge [sflag:s21], $0x1000  }
0x127: {  	[sflag:s21] =	ssyncset.done $0x0  }
0x128: {  	[sflag:s21] =	ssyncadd.s32 $0xFFFFF000  }
0x129: {  	_ =	swait.ge [sflag:s21], $0x1000  }
0x12a: {  	[sflag:s21] =	ssyncset.done $0x0  }
0x12b: {  	[sflag:s21] =	ssyncadd.s32 $0xFFFFF000  }
0x12c: {  	_ =	swait.ge [sflag:s21], $0x1000  }
0x12d: {  	[sflag:s21] =	ssyncset.done $0x0  }
0x12e: {  	[sflag:s21] =	ssyncadd.s32 $0xFFFFF000  }
0x12f: {  	_ =	swait.ge [sflag:s21], $0x1000  }
0x130: {  	[sflag:s21] =	ssyncset.done $0x0  }
0x131: {  	[sflag:s21] =	ssyncadd.s32 $0xFFFFF000  }
0x132: {  	_ =	swait.ge [sflag:s21], $0x1000  }
0x133: {  	[sflag:s21] =	ssyncset.done $0x0  }
0x134: {  	[sflag:s21] =	ssyncadd.s32 $0xFFFFF000  }
0x135: {  	_ =	swait.ge [sflag:s21], $0x1000  }
0x136: {  	[sflag:s21] =	ssyncset.done $0x0  }
0x137: {  	s6 =	sshll.u32 s11, $0x12;
	[sflag:s21] =	ssyncadd.s32 $0xFFFFF000  }
0x138: {  	s6 =	sadd.s32 s7, s6;
	_ =	swait.ge [sflag:s21], $0x1000  }
0x139: {  	s4 =	sshll.u32 s11, $0x1;
	s6 =	sshrl.u32 s6, $0x3;
	[sflag:s21] =	ssyncset.done $0x0  }
0x13a: {  	s8 =	simm.s32 @!p0 $0x3;
	s6 =	sadd.s32 s5, s6;
	[sflag:s21] =	ssyncadd.s32 $0xFFFFF000  }
0x13b: {  	[hbm4b:s6+s22] =	stream.strided.scatter [tilespmem:s13], [sflag:$0x2], $0x8000, s12, s22, $0x38;
	[tilespmem:$0x1C810] =	vst v63  }
0x13c: {  	s6 =	sor.u32 $0x1, s4;
	_ =	swait.ge @!p0 [sflag:s8], $0x8000  }
0x13d: {  	s4 =	sshll.u32 s6, $0xA;
	[sflag:s8] =	ssyncset.done @!p0 $0x0  }
0x13e: {  	s4 =	sand.u32 $0x3FFFFC00, s4;
	[sflag:s8] =	ssyncadd.s32 @!p0 $0xFFFF8000  }
0x13f: {  	[tilespmem:s23], [sflag:$0x1] =	stream.indirect.gather [hbm4b:s2+s12], $0x20, s4, s12, $0xb8;
	[tilespmem:$0x1C810] =	vst v63  }
0x140: {  	s8 =	sor.u32 $0x80, s4  }
0x141: {  	[tilespmem:s24], [sflag:$0x1] =	stream.indirect.gather [hbm4b:s2+s12], $0x20, s8, s12, $0xb8;
	[tilespmem:$0x1C810] =	vst v63  }
0x142: {  	s8 =	sor.u32 $0x100, s4  }
0x143: {  	[tilespmem:s25], [sflag:$0x1] =	stream.indirect.gather [hbm4b:s2+s12], $0x20, s8, s12, $0xb8;
	[tilespmem:$0x1C810] =	vst v63  }
0x144: {  	s8 =	sor.u32 $0x180, s4  }
0x145: {  	[tilespmem:s26], [sflag:$0x1] =	stream.indirect.gather [hbm4b:s2+s12], $0x20, s8, s12, $0xb8;
	[tilespmem:$0x1C810] =	vst v63  }
0x146: {  	s8 =	sor.u32 $0x200, s4  }
0x147: {  	[tilespmem:s28], [sflag:$0x1] =	stream.indirect.gather [hbm4b:s2+s12], $0x20, s8, s12, $0xb8;
	[tilespmem:$0x1C810] =	vst v63  }
0x148: {  	s8 =	sor.u32 $0x280, s4  }
0x149: {  	[tilespmem:s29], [sflag:$0x1] =	stream.indirect.gather [hbm4b:s2+s12], $0x20, s8, s12, $0xb8;
	[tilespmem:$0x1C810] =	vst v63  }
.Ltmp5:
0x14a: {  	_ = 	snop;
	(pc) =	sbr.rel @p1 .LBB2_6-.Ltmp5, $4  }
0x14b: {  	s8 =	sor.u32 $0x300, s4  }
0x14c: {  	[tilespmem:s30], [sflag:$0x1] =	stream.indirect.gather [hbm4b:s2+s12], $0x20, s8, s12, $0xb8;
	[tilespmem:$0x1C810] =	vst v63  }
0x14d: {  	s4 =	sor.u32 $0x380, s4  }
0x14e: {  	[tilespmem:s31], [sflag:$0x1] =	stream.indirect.gather [hbm4b:s2+s12], $0x20, s4, s12, $0xb8;
	[tilespmem:$0x1C810] =	vst v63  }
0x14f: {  	v1 =	vld [tilespmem:s3+$0xC00]  }
0x150: {  	v2 =	vld [tilespmem:s3+$0xC10]  }
0x151: {  	v3 =	vld [tilespmem:s3+$0xC20]  }
0x152: {  	v4 =	vld [tilespmem:s3+$0xC30]  }
0x153: {  	v5 =	vld [tilespmem:s3+$0xC40]  }
0x154: {  	v6 =	vld [tilespmem:s3+$0xC50];
	v1 =	vadd.s32 v0, v1  }
0x155: {  	[tilespmem:s3+$0xC00] =	vst v1;
	v1 =	vadd.s32 v0, v2;
	v2 =	vld [tilespmem:s3+$0xC60]  }
0x156: {  	[tilespmem:s3+$0xC10] =	vst v1;
	v1 =	vadd.s32 v0, v3;
	v3 =	vld [tilespmem:s3+$0xC70]  }
0x157: {  	v30 =	vld [tilespmem:s3+$0xC80];
	[tilespmem:s3+$0xC20] =	vst v1;
	v1 =	vadd.s32 v0, v4  }
0x158: {  	v31 =	vld [tilespmem:s3+$0xC90];
	[tilespmem:s3+$0xC30] =	vst v1;
	v1 =	vadd.s32 v0, v5  }
0x159: {  	v32 =	vld [tilespmem:s3+$0xCA0];
	[tilespmem:s3+$0xC40] =	vst v1;
	v1 =	vadd.s32 v0, v6  }
0x15a: {  	[tilespmem:s3+$0xC50] =	vst v1;
	v1 =	vadd.s32 v0, v2;
	v2 =	vld [tilespmem:s3+$0xCB0]  }
0x15b: {  	[tilespmem:s3+$0xC60] =	vst v1;
	v1 =	vadd.s32 v0, v3;
	v3 =	vld [tilespmem:s3+$0xCC0]  }
0x15c: {  	v33 =	vld [tilespmem:s3+$0xCD0];
	[tilespmem:s3+$0xC70] =	vst v1;
	v1 =	vadd.s32 v0, v30  }
0x15d: {  	v34 =	vld [tilespmem:s3+$0xCE0];
	[tilespmem:s3+$0xC80] =	vst v1;
	v1 =	vadd.s32 v0, v31  }
0x15e: {  	v35 =	vld [tilespmem:s3+$0xCF0];
	[tilespmem:s3+$0xC90] =	vst v1;
	v1 =	vadd.s32 v0, v32  }
0x15f: {  	[tilespmem:s3+$0xCA0] =	vst v1;
	v1 =	vadd.s32 v0, v2;
	v2 =	vld [tilespmem:s3+$0xD00]  }
0x160: {  	[tilespmem:s3+$0xCB0] =	vst v1;
	v1 =	vadd.s32 v0, v3;
	v3 =	vld [tilespmem:s3+$0xD10]  }
0x161: {  	v36 =	vld [tilespmem:s3+$0xD20];
	[tilespmem:s3+$0xCC0] =	vst v1;
	v1 =	vadd.s32 v0, v33  }
0x162: {  	v37 =	vld [tilespmem:s3+$0xD30];
	[tilespmem:s3+$0xCD0] =	vst v1;
	v1 =	vadd.s32 v0, v34  }
0x163: {  	v38 =	vld [tilespmem:s3+$0xD40];
	[tilespmem:s3+$0xCE0] =	vst v1;
	v1 =	vadd.s32 v0, v35  }
0x164: {  	[tilespmem:s3+$0xCF0] =	vst v1;
	v1 =	vadd.s32 v0, v2;
	v2 =	vld [tilespmem:s3+$0xD50]  }
0x165: {  	[tilespmem:s3+$0xD00] =	vst v1;
	v1 =	vadd.s32 v0, v3;
	v3 =	vld [tilespmem:s3+$0xD60]  }
0x166: {  	v39 =	vld [tilespmem:s3+$0xD70];
	[tilespmem:s3+$0xD10] =	vst v1;
	v1 =	vadd.s32 v0, v36  }
0x167: {  	v40 =	vld [tilespmem:s3+$0xD80];
	[tilespmem:s3+$0xD20] =	vst v1;
	v1 =	vadd.s32 v0, v37  }
0x168: {  	v41 =	vld [tilespmem:s3+$0xD90];
	[tilespmem:s3+$0xD30] =	vst v1;
	v1 =	vadd.s32 v0, v38  }
0x169: {  	[tilespmem:s3+$0xD40] =	vst v1;
	v1 =	vadd.s32 v0, v2;
	v2 =	vld [tilespmem:s3+$0xDA0]  }
0x16a: {  	[tilespmem:s3+$0xD50] =	vst v1;
	v1 =	vadd.s32 v0, v3;
	v3 =	vld [tilespmem:s3+$0xDB0]  }
0x16b: {  	v42 =	vld [tilespmem:s3+$0xDC0];
	[tilespmem:s3+$0xD60] =	vst v1;
	v1 =	vadd.s32 v0, v39  }
0x16c: {  	v43 =	vld [tilespmem:s3+$0xDD0];
	[tilespmem:s3+$0xD70] =	vst v1;
	v1 =	vadd.s32 v0, v40  }
0x16d: {  	v44 =	vld [tilespmem:s3+$0xDE0];
	[tilespmem:s3+$0xD80] =	vst v1;
	v1 =	vadd.s32 v0, v41  }
0x16e: {  	[tilespmem:s3+$0xD90] =	vst v1;
	v1 =	vadd.s32 v0, v2;
	v2 =	vld [tilespmem:s3+$0xDF0]  }
0x16f: {  	[tilespmem:s3+$0xDA0] =	vst v1;
	v1 =	vadd.s32 v0, v3;
	v3 =	vld [tilespmem:s3+$0xE00]  }
0x170: {  	v45 =	vld [tilespmem:s3+$0xE10];
	[tilespmem:s3+$0xDB0] =	vst v1;
	v1 =	vadd.s32 v0, v42  }
0x171: {  	v46 =	vld [tilespmem:s3+$0xE20];
	[tilespmem:s3+$0xDC0] =	vst v1;
	v1 =	vadd.s32 v0, v43  }
0x172: {  	v47 =	vld [tilespmem:s3+$0xE30];
	[tilespmem:s3+$0xDD0] =	vst v1;
	v1 =	vadd.s32 v0, v44  }
0x173: {  	[tilespmem:s3+$0xDE0] =	vst v1;
	v1 =	vadd.s32 v0, v2;
	v2 =	vld [tilespmem:s3+$0xE40]  }
0x174: {  	[tilespmem:s3+$0xDF0] =	vst v1;
	v1 =	vadd.s32 v0, v3;
	v3 =	vld [tilespmem:s3+$0xE50]  }
0x175: {  	v48 =	vld [tilespmem:s3+$0xE60];
	[tilespmem:s3+$0xE00] =	vst v1;
	v1 =	vadd.s32 v0, v45  }
0x176: {  	v49 =	vld [tilespmem:s3+$0xE70];
	[tilespmem:s3+$0xE10] =	vst v1;
	v1 =	vadd.s32 v0, v46  }
0x177: {  	v50 =	vld [tilespmem:s3+$0xE80];
	[tilespmem:s3+$0xE20] =	vst v1;
	v1 =	vadd.s32 v0, v47  }
0x178: {  	[tilespmem:s3+$0xE30] =	vst v1;
	v1 =	vadd.s32 v0, v2;
	v2 =	vld [tilespmem:s3+$0xE90]  }
0x179: {  	[tilespmem:s3+$0xE40] =	vst v1;
	v1 =	vadd.s32 v0, v3;
	v3 =	vld [tilespmem:s3+$0xEA0]  }
0x17a: {  	v51 =	vld [tilespmem:s3+$0xEB0];
	[tilespmem:s3+$0xE50] =	vst v1;
	v1 =	vadd.s32 v0, v48  }
0x17b: {  	v52 =	vld [tilespmem:s3+$0xEC0];
	[tilespmem:s3+$0xE60] =	vst v1;
	v1 =	vadd.s32 v0, v49  }
0x17c: {  	v53 =	vld [tilespmem:s3+$0xED0];
	[tilespmem:s3+$0xE70] =	vst v1;
	v1 =	vadd.s32 v0, v50  }
0x17d: {  	[tilespmem:s3+$0xE80] =	vst v1;
	v1 =	vadd.s32 v0, v2;
	v2 =	vld [tilespmem:s3+$0xEE0]  }
0x17e: {  	[tilespmem:s3+$0xE90] =	vst v1;
	v1 =	vadd.s32 v0, v3;
	v3 =	vld [tilespmem:s3+$0xEF0]  }
0x17f: {  	v54 =	vld [tilespmem:s3+$0xF00];
	[tilespmem:s3+$0xEA0] =	vst v1;
	v1 =	vadd.s32 v0, v51  }
0x180: {  	v55 =	vld [tilespmem:s3+$0xF10];
	[tilespmem:s3+$0xEB0] =	vst v1;
	v1 =	vadd.s32 v0, v52  }
0x181: {  	v56 =	vld [tilespmem:s3+$0xF20];
	[tilespmem:s3+$0xEC0] =	vst v1;
	v1 =	vadd.s32 v0, v53  }
0x182: {  	[tilespmem:s3+$0xED0] =	vst v1;
	v1 =	vadd.s32 v0, v2;
	v2 =	vld [tilespmem:s3+$0xF30]  }
0x183: {  	[tilespmem:s3+$0xEE0] =	vst v1;
	v1 =	vadd.s32 v0, v3;
	v3 =	vld [tilespmem:s3+$0xF40]  }
0x184: {  	v57 =	vld [tilespmem:s3+$0xF50];
	[tilespmem:s3+$0xEF0] =	vst v1;
	v1 =	vadd.s32 v0, v54  }
0x185: {  	v58 =	vld [tilespmem:s3+$0xF60];
	[tilespmem:s3+$0xF00] =	vst v1;
	v1 =	vadd.s32 v0, v55  }
0x186: {  	v59 =	vld [tilespmem:s3+$0xF70];
	[tilespmem:s3+$0xF10] =	vst v1;
	v1 =	vadd.s32 v0, v56  }
0x187: {  	[tilespmem:s3+$0xF20] =	vst v1;
	v1 =	vadd.s32 v0, v2;
	v2 =	vld [tilespmem:s3+$0xF80]  }
0x188: {  	[tilespmem:s3+$0xF30] =	vst v1;
	v1 =	vadd.s32 v0, v3;
	v3 =	vld [tilespmem:s3+$0xF90]  }
0x189: {  	v60 =	vld [tilespmem:s3+$0xFA0];
	[tilespmem:s3+$0xF40] =	vst v1;
	v1 =	vadd.s32 v0, v57  }
0x18a: {  	v61 =	vld [tilespmem:s3+$0xFB0];
	[tilespmem:s3+$0xF50] =	vst v1;
	v1 =	vadd.s32 v0, v58  }
0x18b: {  	v62 =	vld [tilespmem:s3+$0xFC0];
	[tilespmem:s3+$0xF60] =	vst v1;
	v1 =	vadd.s32 v0, v59  }
0x18c: {  	[tilespmem:s3+$0xF70] =	vst v1;
	v1 =	vadd.s32 v0, v2;
	v2 =	vld [tilespmem:s3+$0xFD0]  }
0x18d: {  	[tilespmem:s3+$0xF80] =	vst v1;
	v1 =	vadd.s32 v0, v3;
	v3 =	vld [tilespmem:s3+$0xFE0]  }
0x18e: {  	v63 =	vld [tilespmem:s3+$0xFF0];
	[tilespmem:s3+$0xF90] =	vst v1;
	v1 =	vadd.s32 v0, v60  }
0x18f: {  	[tilespmem:s3+$0xFA0] =	vst v1;
	v1 =	vadd.s32 v0, v61  }
.Ltmp6:
0x190: {  	[tilespmem:s3+$0xFB0] =	vst v1;
	v1 =	vadd.s32 v0, v62;
	(pc) =	sbr.rel .LBB2_6-.Ltmp6, $4  }
0x191: {  	[tilespmem:s3+$0xFC0] =	vst v1;
	v1 =	vadd.s32 v0, v2  }
0x192: {  	[tilespmem:s3+$0xFD0] =	vst v1;
	v1 =	vadd.s32 v0, v3  }
0x193: {  	[tilespmem:s3+$0xFE0] =	vst v1;
	v1 =	vadd.s32 v0, v63  }
0x194: {  	[tilespmem:s3+$0xFF0] =	vst v1  }
.LBB2_8:
0x195: {  	_ =	sfence.sel $0x180000  }
0x196: {  	[bflag:$0x0] =	sbarrier.arrive $0xFFFF  }
0x197: {  	_ =	strace $0x90000047  }
0x198: {  	s0 =	stileid.u32;
	[bflag:$0x2] =	sbarrier.arrive $0xFFFF  }
0x199: {  	p0 =	sne.s32 s0, $0x0;
	s0 =	rddreg [dreg:$0x3]  }
0x19a: {  	s0 =	sadd.s32 @!p0 $0x100000, s0  }
0x19b: {  	[sflag:s0] =	ssyncadd.tile.s32 @!p0 $0x1;
	_ =	shalt  }
.Lfunc_end2:
_tile_overlayer_lowered:
.L_overlay_start_2:
0x19c: {  	(tag) =	ssettag $0x2  }
0x19d: {  	s0 =	rddreg [dreg:$0x0];
	s2 =	stileid.u32  }
0x19e: {  	s1 =	rddreg [dreg:$0x1];
	p0 =	sne.s32 s2, $0x0  }
0x19f: {  	s3 =	rddreg [dreg:$0x2];
	[bflag:$0x3] =	sbarrier.arrive $0xFFFF;
	s2 =	simm.s32 @!p0 $0x1C04  }
0x1a0: {  	[timem:s3], [sflag:s2] =	dma.local @!p0 [hbm:s0], s1  }
0x1a1: {  	s0 =	simm.s32 @!p0 $0x4  }
0x1a2: {  	_ =	swait.ge @!p0 [sflag:s0], s1  }
0x1a3: {  	s1 =	ssub.s32 @!p0 $0x0, s1;
	[sflag:s0] =	ssyncset.done @!p0 $0x0  }
0x1a4: {  	[sflag:s0] =	ssyncadd.s32 @!p0 s1  }
0x1a5: {  	[bflag:$0x3] =	sbarrier.arrive $0xFFFF  }
0x1a6: {  	_ =	shalt  }

// kernel: sparse-core-data-format-call.cloned.1.call-start
scs
called_computation_lowered:
.L_overlay_start_0:
0x0: {  	s2 =	sld [smem:$0x3FD9]  }
0x1: {  	s3 =	sld [smem:$0x3FFE];
	_ =	sdelay $0x1  }
0x2: {  	s1 =	srdreg.scid  }
0x3: {  	s0 =	sand.u32 $0x1, s1  }
0x4: {  	s18 =	sshll.u32 s0, $0xA;
	s2 =	sadd.s32 s3, s2  }
0x5: {  	s2 =	sadd.s32 s2, s18  }
0x6: {  	[smem:$0x3FC5] =	sst s2  }
0x7: {  	_ = 	snop  }
0x8: {  	s2 =	sld [smem:$0x3FD0];
	(tm) =	ssettm $0x1  }
0x9: {  	s19 =	sld [smem:$0x3FFB];
	_ =	sdelay $0x3  }
0xa: {  	_ =	strace s19  }
0xb: {  	s3 =	sld [smem:$0x3FFC];
	_ =	sdelay $0x3  }
0xc: {  	_ =	strace s3  }
0xd: {  	s3 =	sld [smem:$0x3FFD];
	_ =	sdelay $0x3  }
0xe: {  	_ =	strace s3  }
0xf: {  	_ =	strace $0x8FFFFFFF  }
0x10: {  	s20 =	sld [smem:$0x3FDB];
	_ =	sdelay $0x1  }
0x11: {  	s4 =	simm.s32 $_scs_section_size  }
0x12: {  	s5 =	simm.s32 $_size__tile_overlayer_lowered;
	s6 =	simm.s32 $_tile_overlayer_lowered  }
0x13: {  	s23 =	simm.s32 $0x1BFF;
	s22 =	sshll.u32 s6, $0x1;
	s3 =	sadd.s32 s4, s20  }
0x14: {  	s7 =	simm.s32 $0x0;
	s21 =	sshll.u32 s5, $0x1;
	s5 =	sadd.s32 s22, s3  }
0x15: {  	[timem:s7], [sflag:s23] =	dma.local [hbm:s5], s21  }
0x16: {  	_ =	swait.ge [sflag:s23], s21  }
0x17: {  	s4 =	ssub.s32 $0x0, s21;
	[sflag:s23] =	ssyncset.done $0x0  }
0x18: {  	[sflag:s23] =	ssyncadd.s32 s4;
	_ =	sdelay $0x1  }
0x19: {  	s24 =	simm.s32 $0x1B8B  }
0x1a: {  	_ =	swait.ge [sflag:s24], $0x1  }
0x1b: {  	[sflag:s24] =	ssyncset.done $0x0  }
0x1c: {  	s26 =	simm.s32 $0x1B8E;
	s25 =	sld [smem:$0x3FFE];
	[sflag:s24] =	ssyncadd.s32 $0xFFFFFFFF  }
0x1d: {  	s27 =	simm.s32 $execute0_lowered;
	[smem:$0x3FD2] =	sst s26  }
0x1e: {  	s5 =	sshll.u32 s27, $0x1;
	_ =	strace $0x80000049;
	[dreg:$0x1] =	wrdreg $0xFFFFFFFF  }
0x1f: {  	s28 =	simm.s32 $_size_execute0_lowered;
	s3 =	sadd.s32 s3, s5;
	[dreg:$0x0] =	wrdreg $0x0  }
0x20: {  	s5 =	sshll.u32 s28, $0x1;
	[dreg:$0x2] =	wrdreg s3  }
0x21: {  	[dreg:$0x3] =	wrdreg s5  }
0x22: {  	[dreg:$0x4] =	wrdreg $0xC0  }
0x23: {  	_ =	task [dreg:s7], $0x5FFFF  }
0x24: {  	[dreg:$0x1] =	wrdreg $0xFFFFFFFF  }
0x25: {  	[dreg:$0x0] =	wrdreg $0x60  }
0x26: {  	[dreg:$0x2] =	wrdreg s25  }
0x27: {  	[dreg:$0x3] =	wrdreg s2  }
0x28: {  	[dreg:$0x4] =	wrdreg $0x9  }
0x29: {  	_ =	task.clear_ibuf [dreg:s7], $0x5FFFF;
	_ =	strace $0x90000049  }
0x2a: {  	s29 =	simm.s32 $0x9;
	_ =	strace $0x8000004B  }
0x2b: {  	_ =	swait.ge [sflag:s29], $0x1  }
0x2c: {  	[sflag:s29] =	ssyncadd.s32 $0xFFFFFFFF  }
0x2d: {  	_ =	strace $0x9000004B  }
0x2e: {  	_ =	sfence  }
0x2f: {  	s30 =	sld [smem:$0x0];
	_ =	sdelay $0x2  }
0x30: {  	s31 =	sshll.u32 s1, $0xD;
	s1 =	sshrl.u32 s1, $0x2  }
0x31: {  	s3 =	sand.u32 $0x4000, s31;
	s1 =	sadd.s32 s1, s30  }
0x32: {  	s0 =	sor.u32 s3, s0;
	s1 =	sshll.u32 s1, $0x11  }
0x33: {  	s0 =	sor.u32 s1, s0  }
0x34: {  	s0 =	sadd.s32 $0x8F2B, s0  }
0x35: {  	[sflag:s0] =	ssyncadd.remote.s32 $0x1  }
0x36: {  	_ =	sfence.sel $0xFFFF  }
0x37: {  	[dreg:$0x0] =	wrdreg $0xFFFFFFFF;
	(pc) =	sbr.abs _section_cstart, $3  }
0x38: {  	[dreg:$0x1] =	wrdreg $0xFFFFFFFF  }
0x39: {  	_ =	task.clear_ibuf [dreg:s7], $0x2FFFF;
	_ =	strace $0x9FFFFFFF  }
0x3a: {  	(tm) =	ssettm $0x7FFFFFFF  }
0x3b: {  	_ =	shalt  }
tec
execute0_lowered:
.L_overlay_start_1:
0x0: {  	(tag) =	ssettag $0x1  }
0x1: {  	s4 =	rddreg [dreg:$0x0]  }
0x2: {  	s0 =	stileid.u32;
	s2 =	rddreg [dreg:$0x1]  }
0x3: {  	s7 =	srdreg.scid;
	s8 =	simm.s32 $0x2;
	s14 =	simm.s32 $0x0  }
0x4: {  	s9 =	simm.s32 $0x2000;
	s16 =	simm.s32 $0x0;
	s1 =	sshll.u32 s0, $0x7  }
0x5: {  	s15 =	simm.s32 $0x0;
	s11 =	simm.s32 $0x0;
	s3 =	sand.u32 $0x380, s1  }
0x6: {  	s13 =	simm.s32 $0x0;
	s7 =	sshll.u32 s7, $0x4;
	s5 =	ssub.s32 $0x400, s3  }
0x7: {  	s4 =	sadd.s32 $0x32800, s4;
	s1 =	rddreg [dreg:$0x2];
	s6 =	sand.u32 $0x380, s5  }
0x8: {  	s7 =	sand.u32 $0x10, s7;
	p0 =	sne.s32 s6, $0x0;
	s6 =	simm.s32 $0x1  }
.Ltmp0:
0x9: {  	s5 =	sshrl.u32 s5, $0xA;
	s6 =	simm.s32 @!p0 $0x0;
	(pc) =	sbr.rel .LBB1_1-.Ltmp0, $4  }
0xa: {  	_ =	strace $0x8000004A;
	s7 =	sor.u32 s0, s7;
	s6 =	sadd.s32 s6, s5  }
0xb: {  	s7 =	sshrl.u32 s7, $0x3;
	s5 =	simm.s32 $0x1;
	s6 =	smul.u32 $0x190, s6  }
0xc: {  	s12 =	smov.u32 s3;
	s10 =	smov.u32 s7;
	[sflag:s5] =	ssyncpa.u1 $0x0  }
0xd: {  	p0 =	por $0x0, $0x0;
	[sflag:s8] =	ssyncpa.u1 $0x0;
	s8 =	sor.u32 $0x1, s6  }
.LBB1_4:
0xe: {  	s19 =	sand.u32 $0xF80, s15  }
0xf: {  	s16 =	sshll.u32 s16, $0xF;
	s20 =	sshrl.u32 s15, $0x3;
	s19 =	sadd.s32 s2, s19  }
0x10: {  	s31 =	sand.u32 $0x7, s15;
	s20 =	sand.u32 $0xF, s20;
	s16 =	sadd.s32 s16, s19  }
0x11: {  	s14 =	sshll.u32 s14, $0xC;
	s15 =	sshll.u32 s31, $0x12;
	s16 =	sadd.s32 s20, s16  }
0x12: {  	[tilespmem:s18+$0x0 ss:$0x81] =	vst.msk $0xffff, v0;
	s15 =	sor.u32 $0x400, s15;
	s14 =	sadd.s32 s14, s16  }
0x13: {  	[hbm4b:s14+s15] =	stream.strided.scatter [tilespmem:s17], [sflag:$0x2], $0x1000, s9, s15, $0x20;
	[tilespmem:$0x4040] =	vst v63  }
.LBB1_5:
0x14: {  	s17 =	sadd.s32 $0x4, s10  }
0x15: {  	s14 =	simm.s32 $0x1;
	p2 =	sgt.s32 s17, $0x7  }
0x16: {  	s14 =	simm.s32 @!p2 $0x0  }
0x17: {  	s18 =	sadd.s32 s14, s11  }
0x18: {  	s20 =	smov.u32 s12;
	s14 =	sadd.s32 $0x400, s12;
	p3 =	sgt.s32 s18, $0xC7  }
0x19: {  	s20 =	smov.u32 @p3 s14  }
0x1a: {  	p1 =	slt.u32 s13, $0x2;
	s17 =	smov.u32 @p2 s7;
	p2 =	sgt.s32 s20, $0x3FF  }
0x1b: {  	s19 =	simm.s32 @!p1 $0x2;
	s20 =	smov.u32 @p2 s3;
	p2 =	sne.s32 s13, s8  }
.Ltmp1:
0x1c: {  	_ =	swait.ge @!p1 [sflag:s19], $0x1000;
	(pc) =	sbr.rel @!p2 .LBB1_6-.Ltmp1, $4  }
0x1d: {  	s16 =	smov.u32 s11;
	[sflag:s19] =	ssyncset.done @!p1 $0x0  }
0x1e: {  	s15 =	smov.u32 s12;
	p0 =	por !p0, !p0;
	[sflag:s19] =	ssyncadd.s32 @!p1 $0xFFFFF000  }
0x1f: {  	s18 =	simm.s32 @p3 $0x0;
	s14 =	smov.u32 s10;
	s10 =	smov.u32 s17  }
0x20: {  	s11 =	smov.u32 s18;
	s13 =	sadd.s32 $0x1, s13;
	s12 =	smov.u32 s20  }
.LBB1_1:
0x21: {  	p1 =	sge.u32 s13, s6  }
0x22: {  	s18 =	smul.u32 @!p1 $0x6400, s12  }
0x23: {  	s31 =	sadd.s32 $0xFFFFFFFF, s13;
	s17 =	sxor.u32 @!p1 $0xFFFFFFFF, s13;
	s19 =	sshll.u32 @!p1 s11, $0x7  }
0x24: {  	s20 =	sshll.u32 @!p1 s10, $0x4;
	s17 =	sshll.u32 @!p1 s17, $0xC;
	s18 =	sadd.s32 @!p1 s4, s18  }
0x25: {  	s20 =	sand.u32 @!p1 $0x70, s20;
	s17 =	sand.u32 @!p1 $0x1000, s17;
	s18 =	sadd.s32 @!p1 s19, s18  }
0x26: {  	s19 =	simm.s32 @!p1 $0x20;
	s18 =	sadd.s32 @!p1 s20, s18;
	s20 =	simm.s32 @!p1 $0x32000  }
0x27: {  	[tilespmem:s17], [sflag:$0x1] =	stream.strided.gather @!p1 [hbm4b:s18+s19], $0x1000, s20, s19, $0x38;
	[tilespmem:$0x4040] =	vst v63  }
0x28: {  	p1 =	sge.u32 s31, s6  }
.Ltmp2:
0x29: {  	_ = 	snop;
	(pc) =	sbr.rel @p1 .LBB1_5-.Ltmp2, $1  }
0x2a: {  	_ =	sdelay $0x3  }
0x2b: {  	s17 =	simm.s32 $0x1  }
0x2c: {  	_ =	swait.ge [sflag:s5], $0x1000;
	s17 =	simm.s32 @!p0 $0x0  }
0x2d: {  	[sflag:s5] =	ssyncset.done $0x0;
	s18 =	sshll.u32 s17, $0xC  }
0x2e: {  	[sflag:s5] =	ssyncadd.s32 $0xFFFFF000;
	s21 =	sor.u32 $0x10, s18  }
0x2f: {  	s17 =	smul.u32 $0x4080, s17;
	v1 =	vld [tilespmem:s21+$0x0]  }
0x30: {  	s30 =	sand.u32 $0x1, s13;
	v0 =	vld [tilespmem:s21+$0xFFFFFFF0]  }
0x31: {  	s18 =	smul.u32 $0x4080, s30;
	s17 =	sshrl.u32 s17, $0x2  }
0x32: {  	s19 =	sor.u32 $0x2000, s17  }
0x33: {  	s31 =	sshrl.u32 s18, $0x2;
	s18 =	sadd.s32 $0x0, s19  }
0x34: {  	s20 =	simm.s32 $0x4;
	s21 =	sadd.s32 $0x20, s21;
	s17 =	sor.u32 $0x2000, s31;
	[tilespmem:s18+$0x810 ss:$0x81] =	vst.msk $0xffff, v1  }
.LBB1_3:
0x35: {  	v1 =	vld [tilespmem:s21+$0x0];
	p1 =	sne.s32 s20, $0x1FC;
	[tilespmem:s18+$0x0 ss:$0x81] =	vst.msk $0xffff, v0;
	s18 =	smov.u32 s20;
	s20 =	sadd.s32 $0x4, s20  }
.Ltmp3:
0x36: {  	v0 =	vld [tilespmem:s21+$0xFFFFFFF0];
	(pc) =	sbr.rel @p1 .LBB1_3-.Ltmp3, $4  }
0x37: {  	_ = 	snop  }
0x38: {  	s18 =	sshra.s32 s18, $0x2  }
0x39: {  	s18 =	sadd.s32 s18, s19  }
0x3a: {  	s21 =	sadd.s32 $0x20, s21;
	[tilespmem:s18+$0x810 ss:$0x81] =	vst.msk $0xffff, v1  }
.Ltmp4:
0x3b: {  	_ = 	snop;
	(pc) =	sbr.rel .LBB1_4-.Ltmp4, $1  }
0x3c: {  	_ =	sdelay $0x3  }
.LBB1_6:
0x3d: {  	_ =	sfence.sel $0x180000  }
0x3e: {  	s2 =	simm.s32 $0x1;
	[bflag:$0x0] =	sbarrier.arrive $0xFFFF  }
0x3f: {  	s31 =	simm.s32 $0x2;
	[sflag:s2] =	ssyncpa.u1 $0x1  }
0x40: {  	[sflag:s31] =	ssyncpa.u1 $0x1  }
0x41: {  	p0 =	sne.s32 s0, $0x0;
	_ =	strace $0x9000004A  }
0x42: {  	s0 =	sadd.s32 @!p0 $0x100000, s1;
	[bflag:$0x2] =	sbarrier.arrive $0xFFFF  }
0x43: {  	[sflag:s0] =	ssyncadd.tile.s32 @!p0 $0x1;
	_ =	shalt  }
.Lfunc_end1:
_tile_overlayer_lowered:
.L_overlay_start_2:
0x44: {  	(tag) =	ssettag $0x2  }
0x45: {  	s0 =	rddreg [dreg:$0x0];
	s2 =	stileid.u32  }
0x46: {  	s1 =	rddreg [dreg:$0x1];
	p0 =	sne.s32 s2, $0x0  }
0x47: {  	s3 =	rddreg [dreg:$0x2];
	[bflag:$0x3] =	sbarrier.arrive $0xFFFF;
	s2 =	simm.s32 @!p0 $0x1C01  }
0x48: {  	[timem:s3], [sflag:s2] =	dma.local @!p0 [hbm:s0], s1  }
0x49: {  	s0 =	simm.s32 @!p0 $0x1  }
0x4a: {  	_ =	swait.ge @!p0 [sflag:s0], s1  }
0x4b: {  	s1 =	ssub.s32 @!p0 $0x0, s1;
	[sflag:s0] =	ssyncset.done @!p0 $0x0  }
0x4c: {  	[sflag:s0] =	ssyncadd.s32 @!p0 s1  }
0x4d: {  	[bflag:$0x3] =	sbarrier.arrive $0xFFFF  }
0x4e: {  	_ =	shalt  }

</sc_bundles>
